<compile_context>
chip_gen: v7x
topology: tpu7x:2x2x1
jax: 0.10.2.dev20260603
libtpu: 0.0.44.dev20260713+nightly
codegen_flags: <defaults>
</compile_context>

<pallas_src>
import functools

import jax
import jax.numpy as jnp
from jax import lax
from jax.experimental import pallas as pl
from jax.experimental.pallas import tpu as pltpu
from jax.experimental.pallas import tpu_sc as plsc

_B, _T, _Q = 32, 1024, 8
_K = 8192
_D = 128
_MOTION_DIM = 66
_J = 22

_N = _B * _T
_NC, _NS, _L = 2, 16, 16
_NW = _NC * _NS
_TOK_W = _N // _NW
_CH_T = 16
_ROWS = _CH_T * _Q
_NCHUNK = _TOK_W // _CH_T
_NBUF = 4
_WBUF = 2

_sc_mesh = plsc.VectorSubcoreMesh(core_axis_name="c", subcore_axis_name="s")


@functools.partial(
    pl.kernel,
    out_type=jax.ShapeDtypeStruct((_N, _D), jnp.float32),
    mesh=_sc_mesh,
    scratch_types=[
        pltpu.VMEM((_TOK_W * _Q,), jnp.int32),
        pltpu.VMEM((_NBUF, _ROWS, _D), jnp.float32),
        pltpu.VMEM((_WBUF, _CH_T, _D), jnp.float32),
    ] + [pltpu.SemaphoreType.DMA] * (_NBUF + _WBUF),
)
def _gather_sum(idx_hbm, codebook_hbm, feat_hbm, idx_v, rows_v, feat_v,
                *sems):
    gsem = sems[:_NBUF]
    wsem = sems[_NBUF:]
    wid = lax.axis_index("s") * _NC + lax.axis_index("c")
    tok0 = wid * _TOK_W

    pltpu.sync_copy(idx_hbm.at[wid], idx_v)

    for b in range(_NBUF):
        pltpu.async_copy(codebook_hbm.at[idx_v.at[pl.ds(b * _ROWS, _ROWS)]],
                         rows_v.at[b], gsem[b])

    def _chunk(j, b, fb):
        pltpu.make_async_copy(
            codebook_hbm.at[pl.ds(0, _ROWS)], rows_v.at[b], gsem[b]).wait()

        @pl.when(j >= _WBUF)
        def _():
            pltpu.make_async_copy(
                feat_v.at[fb], feat_hbm.at[pl.ds(0, _CH_T)], wsem[fb]).wait()

        def _tok(t2, carry):
            for u in range(2):
                t = t2 * 2 + u
                r0 = t * _Q
                acc = [rows_v[b, r0, pl.ds(s * _L, _L)]
                       for s in range(_D // _L)]
                for q in range(1, _Q):
                    for s in range(_D // _L):
                        acc[s] = acc[s] + rows_v[b, r0 + q, pl.ds(s * _L, _L)]
                for s in range(_D // _L):
                    feat_v[fb, t, pl.ds(s * _L, _L)] = acc[s]
            return carry

        lax.fori_loop(0, _CH_T // 2, _tok, 0)

        @pl.when(j + _NBUF < _NCHUNK)
        def _():
            pltpu.async_copy(
                codebook_hbm.at[idx_v.at[pl.ds((j + _NBUF) * _ROWS, _ROWS)]],
                rows_v.at[b], gsem[b])

        pltpu.async_copy(
            feat_v.at[fb], feat_hbm.at[pl.ds(tok0 + j * _CH_T, _CH_T)],
            wsem[fb])

    def _outer(i, carry):
        for b in range(_NBUF):
            _chunk(i * _NBUF + b, b, b % _WBUF)
        return carry

    lax.fori_loop(0, _NCHUNK // _NBUF, _outer, 0)

    for fb in range(_WBUF):
        pltpu.make_async_copy(
            feat_v.at[fb], feat_hbm.at[pl.ds(0, _CH_T)], wsem[fb]).wait()


def _mlp_body(feat_ref, w1_ref, b1_ref, w2_ref, b2_ref, out_ref):
    h = lax.dot_general(feat_ref[...], w1_ref[...], (((1,), (0,)), ((), ())),
                        preferred_element_type=jnp.float32)
    h = jnp.maximum(h + b1_ref[...], 0.0)
    out_ref[...] = lax.dot_general(w2_ref[...], h, (((0,), (1,)), ((), ())),
                                   preferred_element_type=jnp.float32) + b2_ref[...]


_BT = 16384

_mlp = pl.pallas_call(
    _mlp_body,
    grid=(_N // _BT,),
    in_specs=[
        pl.BlockSpec((_BT, _D), lambda i: (i, 0)),
        pl.BlockSpec((_D, _D), lambda i: (0, 0)),
        pl.BlockSpec((1, _D), lambda i: (0, 0)),
        pl.BlockSpec((_D, _MOTION_DIM), lambda i: (0, 0)),
        pl.BlockSpec((_MOTION_DIM, 1), lambda i: (0, 0)),
    ],
    out_specs=pl.BlockSpec((_MOTION_DIM, _BT), lambda i: (0, i)),
    out_shape=jax.ShapeDtypeStruct((_MOTION_DIM, _N), jnp.float32),
)


def kernel(tokens, codebook, W1, b1, W2, b2):
    tok2d = tokens.astype(jnp.int32).reshape(_B, _T * _Q)
    offs = lax.rem(lax.broadcasted_iota(jnp.int32, (_B, _T * _Q), 1), _Q) * _K
    feat = _gather_sum(tok2d + offs, codebook)
    motion_t = _mlp(feat, W1, b1.reshape(1, _D), W2,
                    b2.reshape(_MOTION_DIM, 1))
    return motion_t.T.reshape(_B, _T, _J, 3)

# --- scband reference (transcript-rebuilt; emitter-appended) ---
"""Pipeline reference for scband-simple-rvqmotion-decoder3-d-78537771975000 (READ-ONLY COPY).

The authoritative reference and input builder live on the scoring server;
editing this copy changes nothing except your own understanding.
"""

import jax, jax.numpy as jnp
import numpy as np

B, T, Q = 32, 1024, 8
K = 8192
D = 128
MOTION_DIM = 66
J = 22

def setup_inputs(seed: int = 0) -> dict:
    key = jax.random.key(seed)
    k1, k2, k3, k4, k5, k6 = jax.random.split(key, 6)
    tokens = jax.random.randint(k1, (B, T, Q), 0, K, dtype=jnp.int64) if jax.config.jax_enable_x64 else jax.random.randint(k1, (B, T, Q), 0, K, dtype=jnp.int32)
    codebook = jax.random.normal(k2, (Q * K, D), dtype=jnp.float32)
    W1 = jax.random.normal(k3, (D, D), dtype=jnp.float32) * (1.0 / np.sqrt(D))
    b1 = jax.random.normal(k4, (D,), dtype=jnp.float32) * 0.01
    W2 = jax.random.normal(k5, (D, MOTION_DIM), dtype=jnp.float32) * (1.0 / np.sqrt(D))
    b2 = jax.random.normal(k6, (MOTION_DIM,), dtype=jnp.float32) * 0.01
    return {"tokens": tokens, "codebook": codebook, "W1": W1, "b1": b1, "W2": W2, "b2": b2}

def reference(tokens, codebook, W1, b1, W2, b2):
    Bq, Tq, Qq = tokens.shape
    Kq = codebook.shape[0] // Qq
    offsets = (jnp.arange(Qq, dtype=tokens.dtype) * Kq).reshape(1, 1, Qq)
    indices = tokens + offsets                      # [B,T,Q]
    emb = jnp.take(codebook, indices, axis=0)       # [B,T,Q,D] gather
    feat = emb.sum(axis=2)                          # [B,T,D]
    h = jax.nn.relu(feat @ W1 + b1)                 # [B,T,D]
    motion_flat = h @ W2 + b2                       # [B,T,MOTION_DIM]
    motion_3d = motion_flat.reshape(Bq, Tq, J, 3)
    return motion_3d

if __name__ == "__main__":
    import jax
    _d = setup_inputs()
    print(jax.jit(kernel)(*tuple(_d.values())))

</pallas_src>

<mosaic_0001>
#map = affine_map<(d0, d1) -> (0, 0)>
module attributes {stable_mosaic.version = 14 : i64} {
  func.func @_gather_sum(%arg0: i32, %arg1: i32, %arg2: memref<32x8192xi32, #tpu.memory_space<hbm>>, %arg3: memref<65536x128xf32, #tpu.memory_space<hbm>>, %arg4: memref<32768x128xf32, #tpu.memory_space<hbm>>, %arg5: memref<8192xi32, #tpu.memory_space<vmem>>, %arg6: memref<4x128x128xf32, #tpu.memory_space<vmem>>, %arg7: memref<2x16x128xf32, #tpu.memory_space<vmem>>, %arg8: memref<!tpu.dma_semaphore, #tpu.memory_space<semaphore_mem>>, %arg9: memref<!tpu.dma_semaphore, #tpu.memory_space<semaphore_mem>>, %arg10: memref<!tpu.dma_semaphore, #tpu.memory_space<semaphore_mem>>, %arg11: memref<!tpu.dma_semaphore, #tpu.memory_space<semaphore_mem>>, %arg12: memref<!tpu.dma_semaphore, #tpu.memory_space<semaphore_mem>>, %arg13: memref<!tpu.dma_semaphore, #tpu.memory_space<semaphore_mem>>) attributes {dimension_semantics = [#tpu.dimension_semantics<core_parallel>, #tpu.dimension_semantics<subcore_parallel>], iteration_bounds = array<i64: 2, 16>, scalar_prefetch = 0 : i64, scratch_operands = 9 : i64, tpu.core_type = #tpu.core_type<sc_vector_subcore>, window_params = [{transform_indices = #map}, {transform_indices = #map}, {transform_indices = #map}]} {
    %mul3A = arith.constant 2 : i32
    %mul3A_0 = arith.muli %arg1, %mul3A : i32
    %add3A = arith.addi %mul3A_0, %arg0 : i32
    %mul3A_1 = arith.constant 1024 : i32
    %mul3A_2 = arith.muli %add3A, %mul3A_1 : i32
    "tpu.region"() ({
      %run_scoped3A = tpu.sem_alloc : memref<!tpu.dma_semaphore, #tpu.memory_space<semaphore_mem>>
      %dma_start3A_76 = arith.constant 0 : i32
      %dma_start3A_77 = tpu.memref_slice %arg2[%add3A, %dma_start3A_76] : memref<32x8192xi32, #tpu.memory_space<hbm>> -> memref<1x8192xi32, #tpu.memory_space<hbm>>
      %dma_start3A_78 = tpu.memref_squeeze %dma_start3A_77 : memref<1x8192xi32, #tpu.memory_space<hbm>> -> memref<8192xi32, #tpu.memory_space<hbm>>
      %dma_start3A_79 = arith.constant 0 : i32
      %dma_start3A_80 = tpu.memref_slice %arg2[%add3A, %dma_start3A_79] : memref<32x8192xi32, #tpu.memory_space<hbm>> -> memref<1x8192xi32, #tpu.memory_space<hbm>>
      %dma_start3A_81 = tpu.memref_squeeze %dma_start3A_80 : memref<1x8192xi32, #tpu.memory_space<hbm>> -> memref<8192xi32, #tpu.memory_space<hbm>>
      tpu.enqueue_dma source(%dma_start3A_81 : memref<8192xi32, #tpu.memory_space<hbm>>) target(%arg5 : memref<8192xi32, #tpu.memory_space<vmem>>) target_semaphore(%run_scoped3A : memref<!tpu.dma_semaphore, #tpu.memory_space<semaphore_mem>>)
      %dma_wait3A_82 = arith.constant 0 : i32
      %dma_wait3A_83 = tpu.memref_slice %arg2[%add3A, %dma_wait3A_82] : memref<32x8192xi32, #tpu.memory_space<hbm>> -> memref<1x8192xi32, #tpu.memory_space<hbm>>
      %dma_wait3A_84 = tpu.memref_squeeze %dma_wait3A_83 : memref<1x8192xi32, #tpu.memory_space<hbm>> -> memref<8192xi32, #tpu.memory_space<hbm>>
      %dma_wait3A_85 = arith.constant 0 : i32
      %dma_wait3A_86 = tpu.memref_slice %arg2[%add3A, %dma_wait3A_85] : memref<32x8192xi32, #tpu.memory_space<hbm>> -> memref<1x8192xi32, #tpu.memory_space<hbm>>
      %dma_wait3A_87 = tpu.memref_squeeze %dma_wait3A_86 : memref<1x8192xi32, #tpu.memory_space<hbm>> -> memref<8192xi32, #tpu.memory_space<hbm>>
      tpu.wait_dma2 semaphore(%run_scoped3A : memref<!tpu.dma_semaphore, #tpu.memory_space<semaphore_mem>>) src(%dma_wait3A_87 : memref<8192xi32, #tpu.memory_space<hbm>>) dst(%arg5 : memref<8192xi32, #tpu.memory_space<vmem>>)
      tpu.yield
    }) : () -> ()
    %dma_start3A = arith.constant 0 : i32
    %dma_start3A_3 = arith.constant 0 : i32
    %dma_start3A_4 = arith.constant 0 : i32
    %dma_start3A_5 = tpu.memref_slice %arg6[%dma_start3A, %dma_start3A_3, %dma_start3A_4] : memref<4x128x128xf32, #tpu.memory_space<vmem>> -> memref<1x128x128xf32, #tpu.memory_space<vmem>>
    %dma_start3A_6 = tpu.memref_squeeze %dma_start3A_5 : memref<1x128x128xf32, #tpu.memory_space<vmem>> -> memref<128x128xf32, #tpu.memory_space<vmem>>
    %dma_start3A_7 = arith.constant 0 : i32
    %dma_start3A_8 = tpu.memref_slice %arg5[%dma_start3A_7] : memref<8192xi32, #tpu.memory_space<vmem>> -> memref<128xi32, #tpu.memory_space<vmem>>
    %dma_start3A_9 = arith.constant 0 : i32
    %dma_start3A_10 = arith.constant 0 : i32
    %dma_start3A_11 = tpu.memref_slice %arg3[%dma_start3A_9, %dma_start3A_10] : memref<65536x128xf32, #tpu.memory_space<hbm>> -> memref<65536x128xf32, #tpu.memory_space<hbm>>
    tpu.enqueue_indirect_dma source(%dma_start3A_11 : memref<65536x128xf32, #tpu.memory_space<hbm>>) target(%dma_start3A_6 : memref<128x128xf32, #tpu.memory_space<vmem>>) offsets(%dma_start3A_8 : memref<128xi32, #tpu.memory_space<vmem>>) semaphore(%arg8 : memref<!tpu.dma_semaphore, #tpu.memory_space<semaphore_mem>>)
    %dma_start3A_12 = arith.constant 1 : i32
    %dma_start3A_13 = arith.constant 0 : i32
    %dma_start3A_14 = arith.constant 0 : i32
    %dma_start3A_15 = tpu.memref_slice %arg6[%dma_start3A_12, %dma_start3A_13, %dma_start3A_14] : memref<4x128x128xf32, #tpu.memory_space<vmem>> -> memref<1x128x128xf32, #tpu.memory_space<vmem>>
    %dma_start3A_16 = tpu.memref_squeeze %dma_start3A_15 : memref<1x128x128xf32, #tpu.memory_space<vmem>> -> memref<128x128xf32, #tpu.memory_space<vmem>>
    %dma_start3A_17 = arith.constant 128 : i32
    %dma_start3A_18 = tpu.memref_slice %arg5[%dma_start3A_17] : memref<8192xi32, #tpu.memory_space<vmem>> -> memref<128xi32, #tpu.memory_space<vmem>>
    %dma_start3A_19 = arith.constant 0 : i32
    %dma_start3A_20 = arith.constant 0 : i32
    %dma_start3A_21 = tpu.memref_slice %arg3[%dma_start3A_19, %dma_start3A_20] : memref<65536x128xf32, #tpu.memory_space<hbm>> -> memref<65536x128xf32, #tpu.memory_space<hbm>>
    tpu.enqueue_indirect_dma source(%dma_start3A_21 : memref<65536x128xf32, #tpu.memory_space<hbm>>) target(%dma_start3A_16 : memref<128x128xf32, #tpu.memory_space<vmem>>) offsets(%dma_start3A_18 : memref<128xi32, #tpu.memory_space<vmem>>) semaphore(%arg9 : memref<!tpu.dma_semaphore, #tpu.memory_space<semaphore_mem>>)
    %dma_start3A_22 = arith.constant 2 : i32
    %dma_start3A_23 = arith.constant 0 : i32
    %dma_start3A_24 = arith.constant 0 : i32
    %dma_start3A_25 = tpu.memref_slice %arg6[%dma_start3A_22, %dma_start3A_23, %dma_start3A_24] : memref<4x128x128xf32, #tpu.memory_space<vmem>> -> memref<1x128x128xf32, #tpu.memory_space<vmem>>
    %dma_start3A_26 = tpu.memref_squeeze %dma_start3A_25 : memref<1x128x128xf32, #tpu.memory_space<vmem>> -> memref<128x128xf32, #tpu.memory_space<vmem>>
    %dma_start3A_27 = arith.constant 256 : i32
    %dma_start3A_28 = tpu.memref_slice %arg5[%dma_start3A_27] : memref<8192xi32, #tpu.memory_space<vmem>> -> memref<128xi32, #tpu.memory_space<vmem>>
    %dma_start3A_29 = arith.constant 0 : i32
    %dma_start3A_30 = arith.constant 0 : i32
    %dma_start3A_31 = tpu.memref_slice %arg3[%dma_start3A_29, %dma_start3A_30] : memref<65536x128xf32, #tpu.memory_space<hbm>> -> memref<65536x128xf32, #tpu.memory_space<hbm>>
    tpu.enqueue_indirect_dma source(%dma_start3A_31 : memref<65536x128xf32, #tpu.memory_space<hbm>>) target(%dma_start3A_26 : memref<128x128xf32, #tpu.memory_space<vmem>>) offsets(%dma_start3A_28 : memref<128xi32, #tpu.memory_space<vmem>>) semaphore(%arg10 : memref<!tpu.dma_semaphore, #tpu.memory_space<semaphore_mem>>)
    %dma_start3A_32 = arith.constant 3 : i32
    %dma_start3A_33 = arith.constant 0 : i32
    %dma_start3A_34 = arith.constant 0 : i32
    %dma_start3A_35 = tpu.memref_slice %arg6[%dma_start3A_32, %dma_start3A_33, %dma_start3A_34] : memref<4x128x128xf32, #tpu.memory_space<vmem>> -> memref<1x128x128xf32, #tpu.memory_space<vmem>>
    %dma_start3A_36 = tpu.memref_squeeze %dma_start3A_35 : memref<1x128x128xf32, #tpu.memory_space<vmem>> -> memref<128x128xf32, #tpu.memory_space<vmem>>
    %dma_start3A_37 = arith.constant 384 : i32
    %dma_start3A_38 = tpu.memref_slice %arg5[%dma_start3A_37] : memref<8192xi32, #tpu.memory_space<vmem>> -> memref<128xi32, #tpu.memory_space<vmem>>
    %dma_start3A_39 = arith.constant 0 : i32
    %dma_start3A_40 = arith.constant 0 : i32
    %dma_start3A_41 = tpu.memref_slice %arg3[%dma_start3A_39, %dma_start3A_40] : memref<65536x128xf32, #tpu.memory_space<hbm>> -> memref<65536x128xf32, #tpu.memory_space<hbm>>
    tpu.enqueue_indirect_dma source(%dma_start3A_41 : memref<65536x128xf32, #tpu.memory_space<hbm>>) target(%dma_start3A_36 : memref<128x128xf32, #tpu.memory_space<vmem>>) offsets(%dma_start3A_38 : memref<128xi32, #tpu.memory_space<vmem>>) semaphore(%arg11 : memref<!tpu.dma_semaphore, #tpu.memory_space<semaphore_mem>>)
    %scan3A = arith.constant 0 : i32
    %scan3A_42 = arith.constant 0 : i32
    %scan3A_43 = arith.constant 16 : i32
    %scan3A_44 = arith.addi %scan3A_42, %scan3A_43 : i32
    %scan3A_45 = arith.constant 1 : i32
    scf.for %scan3A_76 = %scan3A_42 to %scan3A_44 step %scan3A_45  : i32 {
      %mul3A_77 = arith.constant 4 : i32
      %mul3A_78 = arith.muli %scan3A_76, %mul3A_77 : i32
      %add3A_79 = arith.constant 0 : i32
      %add3A_80 = arith.addi %mul3A_78, %add3A_79 : i32
      %dma_wait3A_81 = arith.constant 0 : i32
      %dma_wait3A_82 = arith.constant 0 : i32
      %dma_wait3A_83 = arith.constant 0 : i32
      %dma_wait3A_84 = tpu.memref_slice %arg6[%dma_wait3A_81, %dma_wait3A_82, %dma_wait3A_83] : memref<4x128x128xf32, #tpu.memory_space<vmem>> -> memref<1x128x128xf32, #tpu.memory_space<vmem>>
      %dma_wait3A_85 = tpu.memref_squeeze %dma_wait3A_84 : memref<1x128x128xf32, #tpu.memory_space<vmem>> -> memref<128x128xf32, #tpu.memory_space<vmem>>
      %dma_wait3A_86 = arith.constant 0 : i32
      %dma_wait3A_87 = arith.constant 0 : i32
      %dma_wait3A_88 = tpu.memref_slice %arg3[%dma_wait3A_86, %dma_wait3A_87] : memref<65536x128xf32, #tpu.memory_space<hbm>> -> memref<128x128xf32, #tpu.memory_space<hbm>>
      %dma_wait3A_89 = arith.constant 0 : i32
      %dma_wait3A_90 = arith.constant 0 : i32
      %dma_wait3A_91 = tpu.memref_slice %arg6[%dma_wait3A_81, %dma_wait3A_89, %dma_wait3A_90] : memref<4x128x128xf32, #tpu.memory_space<vmem>> -> memref<1x128x128xf32, #tpu.memory_space<vmem>>
      %dma_wait3A_92 = tpu.memref_squeeze %dma_wait3A_91 : memref<1x128x128xf32, #tpu.memory_space<vmem>> -> memref<128x128xf32, #tpu.memory_space<vmem>>
      %dma_wait3A_93 = arith.constant 0 : i32
      %dma_wait3A_94 = arith.constant 0 : i32
      %dma_wait3A_95 = tpu.memref_slice %arg3[%dma_wait3A_93, %dma_wait3A_94] : memref<65536x128xf32, #tpu.memory_space<hbm>> -> memref<128x128xf32, #tpu.memory_space<hbm>>
      tpu.wait_dma2 semaphore(%arg8 : memref<!tpu.dma_semaphore, #tpu.memory_space<semaphore_mem>>) src(%dma_wait3A_95 : memref<128x128xf32, #tpu.memory_space<hbm>>) dst(%dma_wait3A_92 : memref<128x128xf32, #tpu.memory_space<vmem>>)
      %ge3A = arith.constant 2 : i32
      %ge3A_96 = arith.cmpi sge, %add3A_80, %ge3A : i32
      %convert_element_type3A = arith.extui %ge3A_96 : i1 to i32
      %cond3A = arith.constant 0 : i32
      %cond3A_97 = arith.cmpi ne, %convert_element_type3A, %cond3A : i32
      scf.if %cond3A_97 {
        %dma_wait3A_285 = arith.constant 0 : i32
        %dma_wait3A_286 = arith.constant 0 : i32
        %dma_wait3A_287 = arith.constant 0 : i32
        %dma_wait3A_288 = tpu.memref_slice %arg7[%dma_wait3A_285, %dma_wait3A_286, %dma_wait3A_287] : memref<2x16x128xf32, #tpu.memory_space<vmem>> -> memref<1x16x128xf32, #tpu.memory_space<vmem>>
        %dma_wait3A_289 = tpu.memref_squeeze %dma_wait3A_288 : memref<1x16x128xf32, #tpu.memory_space<vmem>> -> memref<16x128xf32, #tpu.memory_space<vmem>>
        %dma_wait3A_290 = arith.constant 0 : i32
        %dma_wait3A_291 = arith.constant 0 : i32
        %dma_wait3A_292 = tpu.memref_slice %arg4[%dma_wait3A_290, %dma_wait3A_291] : memref<32768x128xf32, #tpu.memory_space<hbm>> -> memref<16x128xf32, #tpu.memory_space<hbm>>
        %dma_wait3A_293 = arith.constant 0 : i32
        %dma_wait3A_294 = arith.constant 0 : i32
        %dma_wait3A_295 = tpu.memref_slice %arg4[%dma_wait3A_293, %dma_wait3A_294] : memref<32768x128xf32, #tpu.memory_space<hbm>> -> memref<16x128xf32, #tpu.memory_space<hbm>>
        %dma_wait3A_296 = arith.constant 0 : i32
        %dma_wait3A_297 = arith.constant 0 : i32
        %dma_wait3A_298 = tpu.memref_slice %arg7[%dma_wait3A_285, %dma_wait3A_296, %dma_wait3A_297] : memref<2x16x128xf32, #tpu.memory_space<vmem>> -> memref<1x16x128xf32, #tpu.memory_space<vmem>>
        %dma_wait3A_299 = tpu.memref_squeeze %dma_wait3A_298 : memref<1x16x128xf32, #tpu.memory_space<vmem>> -> memref<16x128xf32, #tpu.memory_space<vmem>>
        tpu.wait_dma2 semaphore(%arg12 : memref<!tpu.dma_semaphore, #tpu.memory_space<semaphore_mem>>) src(%dma_wait3A_299 : memref<16x128xf32, #tpu.memory_space<vmem>>) dst(%dma_wait3A_295 : memref<16x128xf32, #tpu.memory_space<hbm>>)
      } else {
      }
      %scan3A_98 = arith.constant 0 : i32
      %scan3A_99 = arith.constant 0 : i32
      %scan3A_100 = arith.constant 8 : i32
      %scan3A_101 = arith.addi %scan3A_99, %scan3A_100 : i32
      %scan3A_102 = arith.constant 1 : i32
      scf.for %scan3A_285 = %scan3A_99 to %scan3A_101 step %scan3A_102  : i32 {
        %mul3A_286 = arith.constant 2 : i32
        %mul3A_287 = arith.muli %scan3A_285, %mul3A_286 : i32
        %add3A_288 = arith.constant 0 : i32
        %add3A_289 = arith.addi %mul3A_287, %add3A_288 : i32
        %mul3A_290 = arith.constant 8 : i32
        %mul3A_291 = arith.muli %add3A_289, %mul3A_290 : i32
        %get3A = arith.constant 0 : i32
        %get3A_292 = arith.index_cast %get3A : i32 to index
        %get3A_293 = arith.index_cast %mul3A_291 : i32 to index
        %get3A_294 = arith.constant 0 : index
        %get3A_295 = tpu.vector_load %arg6[%get3A_292, %get3A_293, %get3A_294] {strides = array<i32>} : memref<4x128x128xf32, #tpu.memory_space<vmem>>, vector<1x1x16xf32>,
        %get3A_296 = vector.shape_cast %get3A_295 : vector<1x1x16xf32> to vector<16xf32>
        %get3A_297 = arith.constant 0 : i32
        %get3A_298 = arith.index_cast %get3A_297 : i32 to index
        %get3A_299 = arith.index_cast %mul3A_291 : i32 to index
        %get3A_300 = arith.constant 16 : index
        %get3A_301 = tpu.vector_load %arg6[%get3A_298, %get3A_299, %get3A_300] {strides = array<i32>} : memref<4x128x128xf32, #tpu.memory_space<vmem>>, vector<1x1x16xf32>,
        %get3A_302 = vector.shape_cast %get3A_301 : vector<1x1x16xf32> to vector<16xf32>
        %get3A_303 = arith.constant 0 : i32
        %get3A_304 = arith.index_cast %get3A_303 : i32 to index
        %get3A_305 = arith.index_cast %mul3A_291 : i32 to index
        %get3A_306 = arith.constant 32 : index
        %get3A_307 = tpu.vector_load %arg6[%get3A_304, %get3A_305, %get3A_306] {strides = array<i32>} : memref<4x128x128xf32, #tpu.memory_space<vmem>>, vector<1x1x16xf32>,
        %get3A_308 = vector.shape_cast %get3A_307 : vector<1x1x16xf32> to vector<16xf32>
        %get3A_309 = arith.constant 0 : i32
        %get3A_310 = arith.index_cast %get3A_309 : i32 to index
        %get3A_311 = arith.index_cast %mul3A_291 : i32 to index
        %get3A_312 = arith.constant 48 : index
        %get3A_313 = tpu.vector_load %arg6[%get3A_310, %get3A_311, %get3A_312] {strides = array<i32>} : memref<4x128x128xf32, #tpu.memory_space<vmem>>, vector<1x1x16xf32>,
        %get3A_314 = vector.shape_cast %get3A_313 : vector<1x1x16xf32> to vector<16xf32>
        %get3A_315 = arith.constant 0 : i32
        %get3A_316 = arith.index_cast %get3A_315 : i32 to index
        %get3A_317 = arith.index_cast %mul3A_291 : i32 to index
        %get3A_318 = arith.constant 64 : index
        %get3A_319 = tpu.vector_load %arg6[%get3A_316, %get3A_317, %get3A_318] {strides = array<i32>} : memref<4x128x128xf32, #tpu.memory_space<vmem>>, vector<1x1x16xf32>,
        %get3A_320 = vector.shape_cast %get3A_319 : vector<1x1x16xf32> to vector<16xf32>
        %get3A_321 = arith.constant 0 : i32
        %get3A_322 = arith.index_cast %get3A_321 : i32 to index
        %get3A_323 = arith.index_cast %mul3A_291 : i32 to index
        %get3A_324 = arith.constant 80 : index
        %get3A_325 = tpu.vector_load %arg6[%get3A_322, %get3A_323, %get3A_324] {strides = array<i32>} : memref<4x128x128xf32, #tpu.memory_space<vmem>>, vector<1x1x16xf32>,
        %get3A_326 = vector.shape_cast %get3A_325 : vector<1x1x16xf32> to vector<16xf32>
        %get3A_327 = arith.constant 0 : i32
        %get3A_328 = arith.index_cast %get3A_327 : i32 to index
        %get3A_329 = arith.index_cast %mul3A_291 : i32 to index
        %get3A_330 = arith.constant 96 : index
        %get3A_331 = tpu.vector_load %arg6[%get3A_328, %get3A_329, %get3A_330] {strides = array<i32>} : memref<4x128x128xf32, #tpu.memory_space<vmem>>, vector<1x1x16xf32>,
        %get3A_332 = vector.shape_cast %get3A_331 : vector<1x1x16xf32> to vector<16xf32>
        %get3A_333 = arith.constant 0 : i32
        %get3A_334 = arith.index_cast %get3A_333 : i32 to index
        %get3A_335 = arith.index_cast %mul3A_291 : i32 to index
        %get3A_336 = arith.constant 112 : index
        %get3A_337 = tpu.vector_load %arg6[%get3A_334, %get3A_335, %get3A_336] {strides = array<i32>} : memref<4x128x128xf32, #tpu.memory_space<vmem>>, vector<1x1x16xf32>,
        %get3A_338 = vector.shape_cast %get3A_337 : vector<1x1x16xf32> to vector<16xf32>
        %add3A_339 = arith.constant 1 : i32
        %add3A_340 = arith.addi %mul3A_291, %add3A_339 : i32
        %get3A_341 = arith.constant 0 : i32
        %get3A_342 = arith.index_cast %get3A_341 : i32 to index
        %get3A_343 = arith.index_cast %add3A_340 : i32 to index
        %get3A_344 = arith.constant 0 : index
        %get3A_345 = tpu.vector_load %arg6[%get3A_342, %get3A_343, %get3A_344] {strides = array<i32>} : memref<4x128x128xf32, #tpu.memory_space<vmem>>, vector<1x1x16xf32>,
        %get3A_346 = vector.shape_cast %get3A_345 : vector<1x1x16xf32> to vector<16xf32>
        %add3A_347 = arith.addf %get3A_296, %get3A_346 : vector<16xf32>
        %add3A_348 = arith.constant 1 : i32
        %add3A_349 = arith.addi %mul3A_291, %add3A_348 : i32
        %get3A_350 = arith.constant 0 : i32
        %get3A_351 = arith.index_cast %get3A_350 : i32 to index
        %get3A_352 = arith.index_cast %add3A_349 : i32 to index
        %get3A_353 = arith.constant 16 : index
        %get3A_354 = tpu.vector_load %arg6[%get3A_351, %get3A_352, %get3A_353] {strides = array<i32>} : memref<4x128x128xf32, #tpu.memory_space<vmem>>, vector<1x1x16xf32>,
        %get3A_355 = vector.shape_cast %get3A_354 : vector<1x1x16xf32> to vector<16xf32>
        %add3A_356 = arith.addf %get3A_302, %get3A_355 : vector<16xf32>
        %add3A_357 = arith.constant 1 : i32
        %add3A_358 = arith.addi %mul3A_291, %add3A_357 : i32
        %get3A_359 = arith.constant 0 : i32
        %get3A_360 = arith.index_cast %get3A_359 : i32 to index
        %get3A_361 = arith.index_cast %add3A_358 : i32 to index
        %get3A_362 = arith.constant 32 : index
        %get3A_363 = tpu.vector_load %arg6[%get3A_360, %get3A_361, %get3A_362] {strides = array<i32>} : memref<4x128x128xf32, #tpu.memory_space<vmem>>, vector<1x1x16xf32>,
        %get3A_364 = vector.shape_cast %get3A_363 : vector<1x1x16xf32> to vector<16xf32>
        %add3A_365 = arith.addf %get3A_308, %get3A_364 : vector<16xf32>
        %add3A_366 = arith.constant 1 : i32
        %add3A_367 = arith.addi %mul3A_291, %add3A_366 : i32
        %get3A_368 = arith.constant 0 : i32
        %get3A_369 = arith.index_cast %get3A_368 : i32 to index
        %get3A_370 = arith.index_cast %add3A_367 : i32 to index
        %get3A_371 = arith.constant 48 : index
        %get3A_372 = tpu.vector_load %arg6[%get3A_369, %get3A_370, %get3A_371] {strides = array<i32>} : memref<4x128x128xf32, #tpu.memory_space<vmem>>, vector<1x1x16xf32>,
        %get3A_373 = vector.shape_cast %get3A_372 : vector<1x1x16xf32> to vector<16xf32>
        %add3A_374 = arith.addf %get3A_314, %get3A_373 : vector<16xf32>
        %add3A_375 = arith.constant 1 : i32
        %add3A_376 = arith.addi %mul3A_291, %add3A_375 : i32
        %get3A_377 = arith.constant 0 : i32
        %get3A_378 = arith.index_cast %get3A_377 : i32 to index
        %get3A_379 = arith.index_cast %add3A_376 : i32 to index
        %get3A_380 = arith.constant 64 : index
        %get3A_381 = tpu.vector_load %arg6[%get3A_378, %get3A_379, %get3A_380] {strides = array<i32>} : memref<4x128x128xf32, #tpu.memory_space<vmem>>, vector<1x1x16xf32>,
        %get3A_382 = vector.shape_cast %get3A_381 : vector<1x1x16xf32> to vector<16xf32>
        %add3A_383 = arith.addf %get3A_320, %get3A_382 : vector<16xf32>
        %add3A_384 = arith.constant 1 : i32
        %add3A_385 = arith.addi %mul3A_291, %add3A_384 : i32
        %get3A_386 = arith.constant 0 : i32
        %get3A_387 = arith.index_cast %get3A_386 : i32 to index
        %get3A_388 = arith.index_cast %add3A_385 : i32 to index
        %get3A_389 = arith.constant 80 : index
        %get3A_390 = tpu.vector_load %arg6[%get3A_387, %get3A_388, %get3A_389] {strides = array<i32>} : memref<4x128x128xf32, #tpu.memory_space<vmem>>, vector<1x1x16xf32>,
        %get3A_391 = vector.shape_cast %get3A_390 : vector<1x1x16xf32> to vector<16xf32>
        %add3A_392 = arith.addf %get3A_326, %get3A_391 : vector<16xf32>
        %add3A_393 = arith.constant 1 : i32
        %add3A_394 = arith.addi %mul3A_291, %add3A_393 : i32
        %get3A_395 = arith.constant 0 : i32
        %get3A_396 = arith.index_cast %get3A_395 : i32 to index
        %get3A_397 = arith.index_cast %add3A_394 : i32 to index
        %get3A_398 = arith.constant 96 : index
        %get3A_399 = tpu.vector_load %arg6[%get3A_396, %get3A_397, %get3A_398] {strides = array<i32>} : memref<4x128x128xf32, #tpu.memory_space<vmem>>, vector<1x1x16xf32>,
        %get3A_400 = vector.shape_cast %get3A_399 : vector<1x1x16xf32> to vector<16xf32>
        %add3A_401 = arith.addf %get3A_332, %get3A_400 : vector<16xf32>
        %add3A_402 = arith.constant 1 : i32
        %add3A_403 = arith.addi %mul3A_291, %add3A_402 : i32
        %get3A_404 = arith.constant 0 : i32
        %get3A_405 = arith.index_cast %get3A_404 : i32 to index
        %get3A_406 = arith.index_cast %add3A_403 : i32 to index
        %get3A_407 = arith.constant 112 : index
        %get3A_408 = tpu.vector_load %arg6[%get3A_405, %get3A_406, %get3A_407] {strides = array<i32>} : memref<4x128x128xf32, #tpu.memory_space<vmem>>, vector<1x1x16xf32>,
        %get3A_409 = vector.shape_cast %get3A_408 : vector<1x1x16xf32> to vector<16xf32>
        %add3A_410 = arith.addf %get3A_338, %get3A_409 : vector<16xf32>
        %add3A_411 = arith.constant 2 : i32
        %add3A_412 = arith.addi %mul3A_291, %add3A_411 : i32
        %get3A_413 = arith.constant 0 : i32
        %get3A_414 = arith.index_cast %get3A_413 : i32 to index
        %get3A_415 = arith.index_cast %add3A_412 : i32 to index
        %get3A_416 = arith.constant 0 : index
        %get3A_417 = tpu.vector_load %arg6[%get3A_414, %get3A_415, %get3A_416] {strides = array<i32>} : memref<4x128x128xf32, #tpu.memory_space<vmem>>, vector<1x1x16xf32>,
        %get3A_418 = vector.shape_cast %get3A_417 : vector<1x1x16xf32> to vector<16xf32>
        %add3A_419 = arith.addf %add3A_347, %get3A_418 : vector<16xf32>
        %add3A_420 = arith.constant 2 : i32
        %add3A_421 = arith.addi %mul3A_291, %add3A_420 : i32
        %get3A_422 = arith.constant 0 : i32
        %get3A_423 = arith.index_cast %get3A_422 : i32 to index
        %get3A_424 = arith.index_cast %add3A_421 : i32 to index
        %get3A_425 = arith.constant 16 : index
        %get3A_426 = tpu.vector_load %arg6[%get3A_423, %get3A_424, %get3A_425] {strides = array<i32>} : memref<4x128x128xf32, #tpu.memory_space<vmem>>, vector<1x1x16xf32>,
        %get3A_427 = vector.shape_cast %get3A_426 : vector<1x1x16xf32> to vector<16xf32>
        %add3A_428 = arith.addf %add3A_356, %get3A_427 : vector<16xf32>
        %add3A_429 = arith.constant 2 : i32
        %add3A_430 = arith.addi %mul3A_291, %add3A_429 : i32
        %get3A_431 = arith.constant 0 : i32
        %get3A_432 = arith.index_cast %get3A_431 : i32 to index
        %get3A_433 = arith.index_cast %add3A_430 : i32 to index
        %get3A_434 = arith.constant 32 : index
        %get3A_435 = tpu.vector_load %arg6[%get3A_432, %get3A_433, %get3A_434] {strides = array<i32>} : memref<4x128x128xf32, #tpu.memory_space<vmem>>, vector<1x1x16xf32>,
        %get3A_436 = vector.shape_cast %get3A_435 : vector<1x1x16xf32> to vector<16xf32>
        %add3A_437 = arith.addf %add3A_365, %get3A_436 : vector<16xf32>
        %add3A_438 = arith.constant 2 : i32
        %add3A_439 = arith.addi %mul3A_291, %add3A_438 : i32
        %get3A_440 = arith.constant 0 : i32
        %get3A_441 = arith.index_cast %get3A_440 : i32 to index
        %get3A_442 = arith.index_cast %add3A_439 : i32 to index
        %get3A_443 = arith.constant 48 : index
        %get3A_444 = tpu.vector_load %arg6[%get3A_441, %get3A_442, %get3A_443] {strides = array<i32>} : memref<4x128x128xf32, #tpu.memory_space<vmem>>, vector<1x1x16xf32>,
        %get3A_445 = vector.shape_cast %get3A_444 : vector<1x1x16xf32> to vector<16xf32>
        %add3A_446 = arith.addf %add3A_374, %get3A_445 : vector<16xf32>
        %add3A_447 = arith.constant 2 : i32
        %add3A_448 = arith.addi %mul3A_291, %add3A_447 : i32
        %get3A_449 = arith.constant 0 : i32
        %get3A_450 = arith.index_cast %get3A_449 : i32 to index
        %get3A_451 = arith.index_cast %add3A_448 : i32 to index
        %get3A_452 = arith.constant 64 : index
        %get3A_453 = tpu.vector_load %arg6[%get3A_450, %get3A_451, %get3A_452] {strides = array<i32>} : memref<4x128x128xf32, #tpu.memory_space<vmem>>, vector<1x1x16xf32>,
        %get3A_454 = vector.shape_cast %get3A_453 : vector<1x1x16xf32> to vector<16xf32>
        %add3A_455 = arith.addf %add3A_383, %get3A_454 : vector<16xf32>
        %add3A_456 = arith.constant 2 : i32
        %add3A_457 = arith.addi %mul3A_291, %add3A_456 : i32
        %get3A_458 = arith.constant 0 : i32
        %get3A_459 = arith.index_cast %get3A_458 : i32 to index
        %get3A_460 = arith.index_cast %add3A_457 : i32 to index
        %get3A_461 = arith.constant 80 : index
        %get3A_462 = tpu.vector_load %arg6[%get3A_459, %get3A_460, %get3A_461] {strides = array<i32>} : memref<4x128x128xf32, #tpu.memory_space<vmem>>, vector<1x1x16xf32>,
        %get3A_463 = vector.shape_cast %get3A_462 : vector<1x1x16xf32> to vector<16xf32>
        %add3A_464 = arith.addf %add3A_392, %get3A_463 : vector<16xf32>
        %add3A_465 = arith.constant 2 : i32
        %add3A_466 = arith.addi %mul3A_291, %add3A_465 : i32
        %get3A_467 = arith.constant 0 : i32
        %get3A_468 = arith.index_cast %get3A_467 : i32 to index
        %get3A_469 = arith.index_cast %add3A_466 : i32 to index
        %get3A_470 = arith.constant 96 : index
        %get3A_471 = tpu.vector_load %arg6[%get3A_468, %get3A_469, %get3A_470] {strides = array<i32>} : memref<4x128x128xf32, #tpu.memory_space<vmem>>, vector<1x1x16xf32>,
        %get3A_472 = vector.shape_cast %get3A_471 : vector<1x1x16xf32> to vector<16xf32>
        %add3A_473 = arith.addf %add3A_401, %get3A_472 : vector<16xf32>
        %add3A_474 = arith.constant 2 : i32
        %add3A_475 = arith.addi %mul3A_291, %add3A_474 : i32
        %get3A_476 = arith.constant 0 : i32
        %get3A_477 = arith.index_cast %get3A_476 : i32 to index
        %get3A_478 = arith.index_cast %add3A_475 : i32 to index
        %get3A_479 = arith.constant 112 : index
        %get3A_480 = tpu.vector_load %arg6[%get3A_477, %get3A_478, %get3A_479] {strides = array<i32>} : memref<4x128x128xf32, #tpu.memory_space<vmem>>, vector<1x1x16xf32>,
        %get3A_481 = vector.shape_cast %get3A_480 : vector<1x1x16xf32> to vector<16xf32>
        %add3A_482 = arith.addf %add3A_410, %get3A_481 : vector<16xf32>
        %add3A_483 = arith.constant 3 : i32
        %add3A_484 = arith.addi %mul3A_291, %add3A_483 : i32
        %get3A_485 = arith.constant 0 : i32
        %get3A_486 = arith.index_cast %get3A_485 : i32 to index
        %get3A_487 = arith.index_cast %add3A_484 : i32 to index
        %get3A_488 = arith.constant 0 : index
        %get3A_489 = tpu.vector_load %arg6[%get3A_486, %get3A_487, %get3A_488] {strides = array<i32>} : memref<4x128x128xf32, #tpu.memory_space<vmem>>, vector<1x1x16xf32>,
        %get3A_490 = vector.shape_cast %get3A_489 : vector<1x1x16xf32> to vector<16xf32>
        %add3A_491 = arith.addf %add3A_419, %get3A_490 : vector<16xf32>
        %add3A_492 = arith.constant 3 : i32
        %add3A_493 = arith.addi %mul3A_291, %add3A_492 : i32
        %get3A_494 = arith.constant 0 : i32
        %get3A_495 = arith.index_cast %get3A_494 : i32 to index
        %get3A_496 = arith.index_cast %add3A_493 : i32 to index
        %get3A_497 = arith.constant 16 : index
        %get3A_498 = tpu.vector_load %arg6[%get3A_495, %get3A_496, %get3A_497] {strides = array<i32>} : memref<4x128x128xf32, #tpu.memory_space<vmem>>, vector<1x1x16xf32>,
        %get3A_499 = vector.shape_cast %get3A_498 : vector<1x1x16xf32> to vector<16xf32>
        %add3A_500 = arith.addf %add3A_428, %get3A_499 : vector<16xf32>
        %add3A_501 = arith.constant 3 : i32
        %add3A_502 = arith.addi %mul3A_291, %add3A_501 : i32
        %get3A_503 = arith.constant 0 : i32
        %get3A_504 = arith.index_cast %get3A_503 : i32 to index
        %get3A_505 = arith.index_cast %add3A_502 : i32 to index
        %get3A_506 = arith.constant 32 : index
        %get3A_507 = tpu.vector_load %arg6[%get3A_504, %get3A_505, %get3A_506] {strides = array<i32>} : memref<4x128x128xf32, #tpu.memory_space<vmem>>, vector<1x1x16xf32>,
        %get3A_508 = vector.shape_cast %get3A_507 : vector<1x1x16xf32> to vector<16xf32>
        %add3A_509 = arith.addf %add3A_437, %get3A_508 : vector<16xf32>
        %add3A_510 = arith.constant 3 : i32
        %add3A_511 = arith.addi %mul3A_291, %add3A_510 : i32
        %get3A_512 = arith.constant 0 : i32
        %get3A_513 = arith.index_cast %get3A_512 : i32 to index
        %get3A_514 = arith.index_cast %add3A_511 : i32 to index
        %get3A_515 = arith.constant 48 : index
        %get3A_516 = tpu.vector_load %arg6[%get3A_513, %get3A_514, %get3A_515] {strides = array<i32>} : memref<4x128x128xf32, #tpu.memory_space<vmem>>, vector<1x1x16xf32>,
        %get3A_517 = vector.shape_cast %get3A_516 : vector<1x1x16xf32> to vector<16xf32>
        %add3A_518 = arith.addf %add3A_446, %get3A_517 : vector<16xf32>
        %add3A_519 = arith.constant 3 : i32
        %add3A_520 = arith.addi %mul3A_291, %add3A_519 : i32
        %get3A_521 = arith.constant 0 : i32
        %get3A_522 = arith.index_cast %get3A_521 : i32 to index
        %get3A_523 = arith.index_cast %add3A_520 : i32 to index
        %get3A_524 = arith.constant 64 : index
        %get3A_525 = tpu.vector_load %arg6[%get3A_522, %get3A_523, %get3A_524] {strides = array<i32>} : memref<4x128x128xf32, #tpu.memory_space<vmem>>, vector<1x1x16xf32>,
        %get3A_526 = vector.shape_cast %get3A_525 : vector<1x1x16xf32> to vector<16xf32>
        %add3A_527 = arith.addf %add3A_455, %get3A_526 : vector<16xf32>
        %add3A_528 = arith.constant 3 : i32
        %add3A_529 = arith.addi %mul3A_291, %add3A_528 : i32
        %get3A_530 = arith.constant 0 : i32
        %get3A_531 = arith.index_cast %get3A_530 : i32 to index
        %get3A_532 = arith.index_cast %add3A_529 : i32 to index
        %get3A_533 = arith.constant 80 : index
        %get3A_534 = tpu.vector_load %arg6[%get3A_531, %get3A_532, %get3A_533] {strides = array<i32>} : memref<4x128x128xf32, #tpu.memory_space<vmem>>, vector<1x1x16xf32>,
        %get3A_535 = vector.shape_cast %get3A_534 : vector<1x1x16xf32> to vector<16xf32>
        %add3A_536 = arith.addf %add3A_464, %get3A_535 : vector<16xf32>
        %add3A_537 = arith.constant 3 : i32
        %add3A_538 = arith.addi %mul3A_291, %add3A_537 : i32
        %get3A_539 = arith.constant 0 : i32
        %get3A_540 = arith.index_cast %get3A_539 : i32 to index
        %get3A_541 = arith.index_cast %add3A_538 : i32 to index
        %get3A_542 = arith.constant 96 : index
        %get3A_543 = tpu.vector_load %arg6[%get3A_540, %get3A_541, %get3A_542] {strides = array<i32>} : memref<4x128x128xf32, #tpu.memory_space<vmem>>, vector<1x1x16xf32>,
        %get3A_544 = vector.shape_cast %get3A_543 : vector<1x1x16xf32> to vector<16xf32>
        %add3A_545 = arith.addf %add3A_473, %get3A_544 : vector<16xf32>
        %add3A_546 = arith.constant 3 : i32
        %add3A_547 = arith.addi %mul3A_291, %add3A_546 : i32
        %get3A_548 = arith.constant 0 : i32
        %get3A_549 = arith.index_cast %get3A_548 : i32 to index
        %get3A_550 = arith.index_cast %add3A_547 : i32 to index
        %get3A_551 = arith.constant 112 : index
        %get3A_552 = tpu.vector_load %arg6[%get3A_549, %get3A_550, %get3A_551] {strides = array<i32>} : memref<4x128x128xf32, #tpu.memory_space<vmem>>, vector<1x1x16xf32>,
        %get3A_553 = vector.shape_cast %get3A_552 : vector<1x1x16xf32> to vector<16xf32>
        %add3A_554 = arith.addf %add3A_482, %get3A_553 : vector<16xf32>
        %add3A_555 = arith.constant 4 : i32
        %add3A_556 = arith.addi %mul3A_291, %add3A_555 : i32
        %get3A_557 = arith.constant 0 : i32
        %get3A_558 = arith.index_cast %get3A_557 : i32 to index
        %get3A_559 = arith.index_cast %add3A_556 : i32 to index
        %get3A_560 = arith.constant 0 : index
        %get3A_561 = tpu.vector_load %arg6[%get3A_558, %get3A_559, %get3A_560] {strides = array<i32>} : memref<4x128x128xf32, #tpu.memory_space<vmem>>, vector<1x1x16xf32>,
        %get3A_562 = vector.shape_cast %get3A_561 : vector<1x1x16xf32> to vector<16xf32>
        %add3A_563 = arith.addf %add3A_491, %get3A_562 : vector<16xf32>
        %add3A_564 = arith.constant 4 : i32
        %add3A_565 = arith.addi %mul3A_291, %add3A_564 : i32
        %get3A_566 = arith.constant 0 : i32
        %get3A_567 = arith.index_cast %get3A_566 : i32 to index
        %get3A_568 = arith.index_cast %add3A_565 : i32 to index
        %get3A_569 = arith.constant 16 : index
        %get3A_570 = tpu.vector_load %arg6[%get3A_567, %get3A_568, %get3A_569] {strides = array<i32>} : memref<4x128x128xf32, #tpu.memory_space<vmem>>, vector<1x1x16xf32>,
        %get3A_571 = vector.shape_cast %get3A_570 : vector<1x1x16xf32> to vector<16xf32>
        %add3A_572 = arith.addf %add3A_500, %get3A_571 : vector<16xf32>
        %add3A_573 = arith.constant 4 : i32
        %add3A_574 = arith.addi %mul3A_291, %add3A_573 : i32
        %get3A_575 = arith.constant 0 : i32
        %get3A_576 = arith.index_cast %get3A_575 : i32 to index
        %get3A_577 = arith.index_cast %add3A_574 : i32 to index
        %get3A_578 = arith.constant 32 : index
        %get3A_579 = tpu.vector_load %arg6[%get3A_576, %get3A_577, %get3A_578] {strides = array<i32>} : memref<4x128x128xf32, #tpu.memory_space<vmem>>, vector<1x1x16xf32>,
        %get3A_580 = vector.shape_cast %get3A_579 : vector<1x1x16xf32> to vector<16xf32>
        %add3A_581 = arith.addf %add3A_509, %get3A_580 : vector<16xf32>
        %add3A_582 = arith.constant 4 : i32
        %add3A_583 = arith.addi %mul3A_291, %add3A_582 : i32
        %get3A_584 = arith.constant 0 : i32
        %get3A_585 = arith.index_cast %get3A_584 : i32 to index
        %get3A_586 = arith.index_cast %add3A_583 : i32 to index
        %get3A_587 = arith.constant 48 : index
        %get3A_588 = tpu.vector_load %arg6[%get3A_585, %get3A_586, %get3A_587] {strides = array<i32>} : memref<4x128x128xf32, #tpu.memory_space<vmem>>, vector<1x1x16xf32>,
        %get3A_589 = vector.shape_cast %get3A_588 : vector<1x1x16xf32> to vector<16xf32>
        %add3A_590 = arith.addf %add3A_518, %get3A_589 : vector<16xf32>
        %add3A_591 = arith.constant 4 : i32
        %add3A_592 = arith.addi %mul3A_291, %add3A_591 : i32
        %get3A_593 = arith.constant 0 : i32
        %get3A_594 = arith.index_cast %get3A_593 : i32 to index
        %get3A_595 = arith.index_cast %add3A_592 : i32 to index
        %get3A_596 = arith.constant 64 : index
        %get3A_597 = tpu.vector_load %arg6[%get3A_594, %get3A_595, %get3A_596] {strides = array<i32>} : memref<4x128x128xf32, #tpu.memory_space<vmem>>, vector<1x1x16xf32>,
        %get3A_598 = vector.shape_cast %get3A_597 : vector<1x1x16xf32> to vector<16xf32>
        %add3A_599 = arith.addf %add3A_527, %get3A_598 : vector<16xf32>
        %add3A_600 = arith.constant 4 : i32
        %add3A_601 = arith.addi %mul3A_291, %add3A_600 : i32
        %get3A_602 = arith.constant 0 : i32
        %get3A_603 = arith.index_cast %get3A_602 : i32 to index
        %get3A_604 = arith.index_cast %add3A_601 : i32 to index
        %get3A_605 = arith.constant 80 : index
        %get3A_606 = tpu.vector_load %arg6[%get3A_603, %get3A_604, %get3A_605] {strides = array<i32>} : memref<4x128x128xf32, #tpu.memory_space<vmem>>, vector<1x1x16xf32>,
        %get3A_607 = vector.shape_cast %get3A_606 : vector<1x1x16xf32> to vector<16xf32>
        %add3A_608 = arith.addf %add3A_536, %get3A_607 : vector<16xf32>
        %add3A_609 = arith.constant 4 : i32
        %add3A_610 = arith.addi %mul3A_291, %add3A_609 : i32
        %get3A_611 = arith.constant 0 : i32
        %get3A_612 = arith.index_cast %get3A_611 : i32 to index
        %get3A_613 = arith.index_cast %add3A_610 : i32 to index
        %get3A_614 = arith.constant 96 : index
        %get3A_615 = tpu.vector_load %arg6[%get3A_612, %get3A_613, %get3A_614] {strides = array<i32>} : memref<4x128x128xf32, #tpu.memory_space<vmem>>, vector<1x1x16xf32>,
        %get3A_616 = vector.shape_cast %get3A_615 : vector<1x1x16xf32> to vector<16xf32>
        %add3A_617 = arith.addf %add3A_545, %get3A_616 : vector<16xf32>
        %add3A_618 = arith.constant 4 : i32
        %add3A_619 = arith.addi %mul3A_291, %add3A_618 : i32
        %get3A_620 = arith.constant 0 : i32
        %get3A_621 = arith.index_cast %get3A_620 : i32 to index
        %get3A_622 = arith.index_cast %add3A_619 : i32 to index
        %get3A_623 = arith.constant 112 : index
        %get3A_624 = tpu.vector_load %arg6[%get3A_621, %get3A_622, %get3A_623] {strides = array<i32>} : memref<4x128x128xf32, #tpu.memory_space<vmem>>, vector<1x1x16xf32>,
        %get3A_625 = vector.shape_cast %get3A_624 : vector<1x1x16xf32> to vector<16xf32>
        %add3A_626 = arith.addf %add3A_554, %get3A_625 : vector<16xf32>
        %add3A_627 = arith.constant 5 : i32
        %add3A_628 = arith.addi %mul3A_291, %add3A_627 : i32
        %get3A_629 = arith.constant 0 : i32
        %get3A_630 = arith.index_cast %get3A_629 : i32 to index
        %get3A_631 = arith.index_cast %add3A_628 : i32 to index
        %get3A_632 = arith.constant 0 : index
        %get3A_633 = tpu.vector_load %arg6[%get3A_630, %get3A_631, %get3A_632] {strides = array<i32>} : memref<4x128x128xf32, #tpu.memory_space<vmem>>, vector<1x1x16xf32>,
        %get3A_634 = vector.shape_cast %get3A_633 : vector<1x1x16xf32> to vector<16xf32>
        %add3A_635 = arith.addf %add3A_563, %get3A_634 : vector<16xf32>
        %add3A_636 = arith.constant 5 : i32
        %add3A_637 = arith.addi %mul3A_291, %add3A_636 : i32
        %get3A_638 = arith.constant 0 : i32
        %get3A_639 = arith.index_cast %get3A_638 : i32 to index
        %get3A_640 = arith.index_cast %add3A_637 : i32 to index
        %get3A_641 = arith.constant 16 : index
        %get3A_642 = tpu.vector_load %arg6[%get3A_639, %get3A_640, %get3A_641] {strides = array<i32>} : memref<4x128x128xf32, #tpu.memory_space<vmem>>, vector<1x1x16xf32>,
        %get3A_643 = vector.shape_cast %get3A_642 : vector<1x1x16xf32> to vector<16xf32>
        %add3A_644 = arith.addf %add3A_572, %get3A_643 : vector<16xf32>
        %add3A_645 = arith.constant 5 : i32
        %add3A_646 = arith.addi %mul3A_291, %add3A_645 : i32
        %get3A_647 = arith.constant 0 : i32
        %get3A_648 = arith.index_cast %get3A_647 : i32 to index
        %get3A_649 = arith.index_cast %add3A_646 : i32 to index
        %get3A_650 = arith.constant 32 : index
        %get3A_651 = tpu.vector_load %arg6[%get3A_648, %get3A_649, %get3A_650] {strides = array<i32>} : memref<4x128x128xf32, #tpu.memory_space<vmem>>, vector<1x1x16xf32>,
        %get3A_652 = vector.shape_cast %get3A_651 : vector<1x1x16xf32> to vector<16xf32>
        %add3A_653 = arith.addf %add3A_581, %get3A_652 : vector<16xf32>
        %add3A_654 = arith.constant 5 : i32
        %add3A_655 = arith.addi %mul3A_291, %add3A_654 : i32
        %get3A_656 = arith.constant 0 : i32
        %get3A_657 = arith.index_cast %get3A_656 : i32 to index
        %get3A_658 = arith.index_cast %add3A_655 : i32 to index
        %get3A_659 = arith.constant 48 : index
        %get3A_660 = tpu.vector_load %arg6[%get3A_657, %get3A_658, %get3A_659] {strides = array<i32>} : memref<4x128x128xf32, #tpu.memory_space<vmem>>, vector<1x1x16xf32>,
        %get3A_661 = vector.shape_cast %get3A_660 : vector<1x1x16xf32> to vector<16xf32>
        %add3A_662 = arith.addf %add3A_590, %get3A_661 : vector<16xf32>
        %add3A_663 = arith.constant 5 : i32
        %add3A_664 = arith.addi %mul3A_291, %add3A_663 : i32
        %get3A_665 = arith.constant 0 : i32
        %get3A_666 = arith.index_cast %get3A_665 : i32 to index
        %get3A_667 = arith.index_cast %add3A_664 : i32 to index
        %get3A_668 = arith.constant 64 : index
        %get3A_669 = tpu.vector_load %arg6[%get3A_666, %get3A_667, %get3A_668] {strides = array<i32>} : memref<4x128x128xf32, #tpu.memory_space<vmem>>, vector<1x1x16xf32>,
        %get3A_670 = vector.shape_cast %get3A_669 : vector<1x1x16xf32> to vector<16xf32>
        %add3A_671 = arith.addf %add3A_599, %get3A_670 : vector<16xf32>
        %add3A_672 = arith.constant 5 : i32
        %add3A_673 = arith.addi %mul3A_291, %add3A_672 : i32
        %get3A_674 = arith.constant 0 : i32
        %get3A_675 = arith.index_cast %get3A_674 : i32 to index
        %get3A_676 = arith.index_cast %add3A_673 : i32 to index
        %get3A_677 = arith.constant 80 : index
        %get3A_678 = tpu.vector_load %arg6[%get3A_675, %get3A_676, %get3A_677] {strides = array<i32>} : memref<4x128x128xf32, #tpu.memory_space<vmem>>, vector<1x1x16xf32>,
        %get3A_679 = vector.shape_cast %get3A_678 : vector<1x1x16xf32> to vector<16xf32>
        %add3A_680 = arith.addf %add3A_608, %get3A_679 : vector<16xf32>
        %add3A_681 = arith.constant 5 : i32
        %add3A_682 = arith.addi %mul3A_291, %add3A_681 : i32
        %get3A_683 = arith.constant 0 : i32
        %get3A_684 = arith.index_cast %get3A_683 : i32 to index
        %get3A_685 = arith.index_cast %add3A_682 : i32 to index
        %get3A_686 = arith.constant 96 : index
        %get3A_687 = tpu.vector_load %arg6[%get3A_684, %get3A_685, %get3A_686] {strides = array<i32>} : memref<4x128x128xf32, #tpu.memory_space<vmem>>, vector<1x1x16xf32>,
        %get3A_688 = vector.shape_cast %get3A_687 : vector<1x1x16xf32> to vector<16xf32>
        %add3A_689 = arith.addf %add3A_617, %get3A_688 : vector<16xf32>
        %add3A_690 = arith.constant 5 : i32
        %add3A_691 = arith.addi %mul3A_291, %add3A_690 : i32
        %get3A_692 = arith.constant 0 : i32
        %get3A_693 = arith.index_cast %get3A_692 : i32 to index
        %get3A_694 = arith.index_cast %add3A_691 : i32 to index
        %get3A_695 = arith.constant 112 : index
        %get3A_696 = tpu.vector_load %arg6[%get3A_693, %get3A_694, %get3A_695] {strides = array<i32>} : memref<4x128x128xf32, #tpu.memory_space<vmem>>, vector<1x1x16xf32>,
        %get3A_697 = vector.shape_cast %get3A_696 : vector<1x1x16xf32> to vector<16xf32>
        %add3A_698 = arith.addf %add3A_626, %get3A_697 : vector<16xf32>
        %add3A_699 = arith.constant 6 : i32
        %add3A_700 = arith.addi %mul3A_291, %add3A_699 : i32
        %get3A_701 = arith.constant 0 : i32
        %get3A_702 = arith.index_cast %get3A_701 : i32 to index
        %get3A_703 = arith.index_cast %add3A_700 : i32 to index
        %get3A_704 = arith.constant 0 : index
        %get3A_705 = tpu.vector_load %arg6[%get3A_702, %get3A_703, %get3A_704] {strides = array<i32>} : memref<4x128x128xf32, #tpu.memory_space<vmem>>, vector<1x1x16xf32>,
        %get3A_706 = vector.shape_cast %get3A_705 : vector<1x1x16xf32> to vector<16xf32>
        %add3A_707 = arith.addf %add3A_635, %get3A_706 : vector<16xf32>
        %add3A_708 = arith.constant 6 : i32
        %add3A_709 = arith.addi %mul3A_291, %add3A_708 : i32
        %get3A_710 = arith.constant 0 : i32
        %get3A_711 = arith.index_cast %get3A_710 : i32 to index
        %get3A_712 = arith.index_cast %add3A_709 : i32 to index
        %get3A_713 = arith.constant 16 : index
        %get3A_714 = tpu.vector_load %arg6[%get3A_711, %get3A_712, %get3A_713] {strides = array<i32>} : memref<4x128x128xf32, #tpu.memory_space<vmem>>, vector<1x1x16xf32>,
        %get3A_715 = vector.shape_cast %get3A_714 : vector<1x1x16xf32> to vector<16xf32>
        %add3A_716 = arith.addf %add3A_644, %get3A_715 : vector<16xf32>
        %add3A_717 = arith.constant 6 : i32
        %add3A_718 = arith.addi %mul3A_291, %add3A_717 : i32
        %get3A_719 = arith.constant 0 : i32
        %get3A_720 = arith.index_cast %get3A_719 : i32 to index
        %get3A_721 = arith.index_cast %add3A_718 : i32 to index
        %get3A_722 = arith.constant 32 : index
        %get3A_723 = tpu.vector_load %arg6[%get3A_720, %get3A_721, %get3A_722] {strides = array<i32>} : memref<4x128x128xf32, #tpu.memory_space<vmem>>, vector<1x1x16xf32>,
        %get3A_724 = vector.shape_cast %get3A_723 : vector<1x1x16xf32> to vector<16xf32>
        %add3A_725 = arith.addf %add3A_653, %get3A_724 : vector<16xf32>
        %add3A_726 = arith.constant 6 : i32
        %add3A_727 = arith.addi %mul3A_291, %add3A_726 : i32
        %get3A_728 = arith.constant 0 : i32
        %get3A_729 = arith.index_cast %get3A_728 : i32 to index
        %get3A_730 = arith.index_cast %add3A_727 : i32 to index
        %get3A_731 = arith.constant 48 : index
        %get3A_732 = tpu.vector_load %arg6[%get3A_729, %get3A_730, %get3A_731] {strides = array<i32>} : memref<4x128x128xf32, #tpu.memory_space<vmem>>, vector<1x1x16xf32>,
        %get3A_733 = vector.shape_cast %get3A_732 : vector<1x1x16xf32> to vector<16xf32>
        %add3A_734 = arith.addf %add3A_662, %get3A_733 : vector<16xf32>
        %add3A_735 = arith.constant 6 : i32
        %add3A_736 = arith.addi %mul3A_291, %add3A_735 : i32
        %get3A_737 = arith.constant 0 : i32
        %get3A_738 = arith.index_cast %get3A_737 : i32 to index
        %get3A_739 = arith.index_cast %add3A_736 : i32 to index
        %get3A_740 = arith.constant 64 : index
        %get3A_741 = tpu.vector_load %arg6[%get3A_738, %get3A_739, %get3A_740] {strides = array<i32>} : memref<4x128x128xf32, #tpu.memory_space<vmem>>, vector<1x1x16xf32>,
        %get3A_742 = vector.shape_cast %get3A_741 : vector<1x1x16xf32> to vector<16xf32>
        %add3A_743 = arith.addf %add3A_671, %get3A_742 : vector<16xf32>
        %add3A_744 = arith.constant 6 : i32
        %add3A_745 = arith.addi %mul3A_291, %add3A_744 : i32
        %get3A_746 = arith.constant 0 : i32
        %get3A_747 = arith.index_cast %get3A_746 : i32 to index
        %get3A_748 = arith.index_cast %add3A_745 : i32 to index
        %get3A_749 = arith.constant 80 : index
        %get3A_750 = tpu.vector_load %arg6[%get3A_747, %get3A_748, %get3A_749] {strides = array<i32>} : memref<4x128x128xf32, #tpu.memory_space<vmem>>, vector<1x1x16xf32>,
        %get3A_751 = vector.shape_cast %get3A_750 : vector<1x1x16xf32> to vector<16xf32>
        %add3A_752 = arith.addf %add3A_680, %get3A_751 : vector<16xf32>
        %add3A_753 = arith.constant 6 : i32
        %add3A_754 = arith.addi %mul3A_291, %add3A_753 : i32
        %get3A_755 = arith.constant 0 : i32
        %get3A_756 = arith.index_cast %get3A_755 : i32 to index
        %get3A_757 = arith.index_cast %add3A_754 : i32 to index
        %get3A_758 = arith.constant 96 : index
        %get3A_759 = tpu.vector_load %arg6[%get3A_756, %get3A_757, %get3A_758] {strides = array<i32>} : memref<4x128x128xf32, #tpu.memory_space<vmem>>, vector<1x1x16xf32>,
        %get3A_760 = vector.shape_cast %get3A_759 : vector<1x1x16xf32> to vector<16xf32>
        %add3A_761 = arith.addf %add3A_689, %get3A_760 : vector<16xf32>
        %add3A_762 = arith.constant 6 : i32
        %add3A_763 = arith.addi %mul3A_291, %add3A_762 : i32
        %get3A_764 = arith.constant 0 : i32
        %get3A_765 = arith.index_cast %get3A_764 : i32 to index
        %get3A_766 = arith.index_cast %add3A_763 : i32 to index
        %get3A_767 = arith.constant 112 : index
        %get3A_768 = tpu.vector_load %arg6[%get3A_765, %get3A_766, %get3A_767] {strides = array<i32>} : memref<4x128x128xf32, #tpu.memory_space<vmem>>, vector<1x1x16xf32>,
        %get3A_769 = vector.shape_cast %get3A_768 : vector<1x1x16xf32> to vector<16xf32>
        %add3A_770 = arith.addf %add3A_698, %get3A_769 : vector<16xf32>
        %add3A_771 = arith.constant 7 : i32
        %add3A_772 = arith.addi %mul3A_291, %add3A_771 : i32
        %get3A_773 = arith.constant 0 : i32
        %get3A_774 = arith.index_cast %get3A_773 : i32 to index
        %get3A_775 = arith.index_cast %add3A_772 : i32 to index
        %get3A_776 = arith.constant 0 : index
        %get3A_777 = tpu.vector_load %arg6[%get3A_774, %get3A_775, %get3A_776] {strides = array<i32>} : memref<4x128x128xf32, #tpu.memory_space<vmem>>, vector<1x1x16xf32>,
        %get3A_778 = vector.shape_cast %get3A_777 : vector<1x1x16xf32> to vector<16xf32>
        %add3A_779 = arith.addf %add3A_707, %get3A_778 : vector<16xf32>
        %add3A_780 = arith.constant 7 : i32
        %add3A_781 = arith.addi %mul3A_291, %add3A_780 : i32
        %get3A_782 = arith.constant 0 : i32
        %get3A_783 = arith.index_cast %get3A_782 : i32 to index
        %get3A_784 = arith.index_cast %add3A_781 : i32 to index
        %get3A_785 = arith.constant 16 : index
        %get3A_786 = tpu.vector_load %arg6[%get3A_783, %get3A_784, %get3A_785] {strides = array<i32>} : memref<4x128x128xf32, #tpu.memory_space<vmem>>, vector<1x1x16xf32>,
        %get3A_787 = vector.shape_cast %get3A_786 : vector<1x1x16xf32> to vector<16xf32>
        %add3A_788 = arith.addf %add3A_716, %get3A_787 : vector<16xf32>
        %add3A_789 = arith.constant 7 : i32
        %add3A_790 = arith.addi %mul3A_291, %add3A_789 : i32
        %get3A_791 = arith.constant 0 : i32
        %get3A_792 = arith.index_cast %get3A_791 : i32 to index
        %get3A_793 = arith.index_cast %add3A_790 : i32 to index
        %get3A_794 = arith.constant 32 : index
        %get3A_795 = tpu.vector_load %arg6[%get3A_792, %get3A_793, %get3A_794] {strides = array<i32>} : memref<4x128x128xf32, #tpu.memory_space<vmem>>, vector<1x1x16xf32>,
        %get3A_796 = vector.shape_cast %get3A_795 : vector<1x1x16xf32> to vector<16xf32>
        %add3A_797 = arith.addf %add3A_725, %get3A_796 : vector<16xf32>
        %add3A_798 = arith.constant 7 : i32
        %add3A_799 = arith.addi %mul3A_291, %add3A_798 : i32
        %get3A_800 = arith.constant 0 : i32
        %get3A_801 = arith.index_cast %get3A_800 : i32 to index
        %get3A_802 = arith.index_cast %add3A_799 : i32 to index
        %get3A_803 = arith.constant 48 : index
        %get3A_804 = tpu.vector_load %arg6[%get3A_801, %get3A_802, %get3A_803] {strides = array<i32>} : memref<4x128x128xf32, #tpu.memory_space<vmem>>, vector<1x1x16xf32>,
        %get3A_805 = vector.shape_cast %get3A_804 : vector<1x1x16xf32> to vector<16xf32>
        %add3A_806 = arith.addf %add3A_734, %get3A_805 : vector<16xf32>
        %add3A_807 = arith.constant 7 : i32
        %add3A_808 = arith.addi %mul3A_291, %add3A_807 : i32
        %get3A_809 = arith.constant 0 : i32
        %get3A_810 = arith.index_cast %get3A_809 : i32 to index
        %get3A_811 = arith.index_cast %add3A_808 : i32 to index
        %get3A_812 = arith.constant 64 : index
        %get3A_813 = tpu.vector_load %arg6[%get3A_810, %get3A_811, %get3A_812] {strides = array<i32>} : memref<4x128x128xf32, #tpu.memory_space<vmem>>, vector<1x1x16xf32>,
        %get3A_814 = vector.shape_cast %get3A_813 : vector<1x1x16xf32> to vector<16xf32>
        %add3A_815 = arith.addf %add3A_743, %get3A_814 : vector<16xf32>
        %add3A_816 = arith.constant 7 : i32
        %add3A_817 = arith.addi %mul3A_291, %add3A_816 : i32
        %get3A_818 = arith.constant 0 : i32
        %get3A_819 = arith.index_cast %get3A_818 : i32 to index
        %get3A_820 = arith.index_cast %add3A_817 : i32 to index
        %get3A_821 = arith.constant 80 : index
        %get3A_822 = tpu.vector_load %arg6[%get3A_819, %get3A_820, %get3A_821] {strides = array<i32>} : memref<4x128x128xf32, #tpu.memory_space<vmem>>, vector<1x1x16xf32>,
        %get3A_823 = vector.shape_cast %get3A_822 : vector<1x1x16xf32> to vector<16xf32>
        %add3A_824 = arith.addf %add3A_752, %get3A_823 : vector<16xf32>
        %add3A_825 = arith.constant 7 : i32
        %add3A_826 = arith.addi %mul3A_291, %add3A_825 : i32
        %get3A_827 = arith.constant 0 : i32
        %get3A_828 = arith.index_cast %get3A_827 : i32 to index
        %get3A_829 = arith.index_cast %add3A_826 : i32 to index
        %get3A_830 = arith.constant 96 : index
        %get3A_831 = tpu.vector_load %arg6[%get3A_828, %get3A_829, %get3A_830] {strides = array<i32>} : memref<4x128x128xf32, #tpu.memory_space<vmem>>, vector<1x1x16xf32>,
        %get3A_832 = vector.shape_cast %get3A_831 : vector<1x1x16xf32> to vector<16xf32>
        %add3A_833 = arith.addf %add3A_761, %get3A_832 : vector<16xf32>
        %add3A_834 = arith.constant 7 : i32
        %add3A_835 = arith.addi %mul3A_291, %add3A_834 : i32
        %get3A_836 = arith.constant 0 : i32
        %get3A_837 = arith.index_cast %get3A_836 : i32 to index
        %get3A_838 = arith.index_cast %add3A_835 : i32 to index
        %get3A_839 = arith.constant 112 : index
        %get3A_840 = tpu.vector_load %arg6[%get3A_837, %get3A_838, %get3A_839] {strides = array<i32>} : memref<4x128x128xf32, #tpu.memory_space<vmem>>, vector<1x1x16xf32>,
        %get3A_841 = vector.shape_cast %get3A_840 : vector<1x1x16xf32> to vector<16xf32>
        %add3A_842 = arith.addf %add3A_770, %get3A_841 : vector<16xf32>
        %swap3A = arith.constant 0 : i32
        %swap3A_843 = arith.index_cast %swap3A : i32 to index
        %swap3A_844 = arith.index_cast %add3A_289 : i32 to index
        %swap3A_845 = arith.constant 0 : index
        %swap3A_846 = tpu.vector_load %arg7[%swap3A_843, %swap3A_844, %swap3A_845] {strides = array<i32>} : memref<2x16x128xf32, #tpu.memory_space<vmem>>, vector<1x1x16xf32>,
        %swap3A_847 = vector.shape_cast %swap3A_846 : vector<1x1x16xf32> to vector<16xf32>
        %swap3A_848 = vector.shape_cast %add3A_779 : vector<16xf32> to vector<1x1x16xf32>
        tpu.vector_store %arg7[%swap3A_843, %swap3A_844, %swap3A_845], %swap3A_848 {strides = array<i32>} : memref<2x16x128xf32, #tpu.memory_space<vmem>>, vector<1x1x16xf32>,
        %swap3A_849 = arith.constant 0 : i32
        %swap3A_850 = arith.index_cast %swap3A_849 : i32 to index
        %swap3A_851 = arith.index_cast %add3A_289 : i32 to index
        %swap3A_852 = arith.constant 16 : index
        %swap3A_853 = tpu.vector_load %arg7[%swap3A_850, %swap3A_851, %swap3A_852] {strides = array<i32>} : memref<2x16x128xf32, #tpu.memory_space<vmem>>, vector<1x1x16xf32>,
        %swap3A_854 = vector.shape_cast %swap3A_853 : vector<1x1x16xf32> to vector<16xf32>
        %swap3A_855 = vector.shape_cast %add3A_788 : vector<16xf32> to vector<1x1x16xf32>
        tpu.vector_store %arg7[%swap3A_850, %swap3A_851, %swap3A_852], %swap3A_855 {strides = array<i32>} : memref<2x16x128xf32, #tpu.memory_space<vmem>>, vector<1x1x16xf32>,
        %swap3A_856 = arith.constant 0 : i32
        %swap3A_857 = arith.index_cast %swap3A_856 : i32 to index
        %swap3A_858 = arith.index_cast %add3A_289 : i32 to index
        %swap3A_859 = arith.constant 32 : index
        %swap3A_860 = tpu.vector_load %arg7[%swap3A_857, %swap3A_858, %swap3A_859] {strides = array<i32>} : memref<2x16x128xf32, #tpu.memory_space<vmem>>, vector<1x1x16xf32>,
        %swap3A_861 = vector.shape_cast %swap3A_860 : vector<1x1x16xf32> to vector<16xf32>
        %swap3A_862 = vector.shape_cast %add3A_797 : vector<16xf32> to vector<1x1x16xf32>
        tpu.vector_store %arg7[%swap3A_857, %swap3A_858, %swap3A_859], %swap3A_862 {strides = array<i32>} : memref<2x16x128xf32, #tpu.memory_space<vmem>>, vector<1x1x16xf32>,
        %swap3A_863 = arith.constant 0 : i32
        %swap3A_864 = arith.index_cast %swap3A_863 : i32 to index
        %swap3A_865 = arith.index_cast %add3A_289 : i32 to index
        %swap3A_866 = arith.constant 48 : index
        %swap3A_867 = tpu.vector_load %arg7[%swap3A_864, %swap3A_865, %swap3A_866] {strides = array<i32>} : memref<2x16x128xf32, #tpu.memory_space<vmem>>, vector<1x1x16xf32>,
        %swap3A_868 = vector.shape_cast %swap3A_867 : vector<1x1x16xf32> to vector<16xf32>
        %swap3A_869 = vector.shape_cast %add3A_806 : vector<16xf32> to vector<1x1x16xf32>
        tpu.vector_store %arg7[%swap3A_864, %swap3A_865, %swap3A_866], %swap3A_869 {strides = array<i32>} : memref<2x16x128xf32, #tpu.memory_space<vmem>>, vector<1x1x16xf32>,
        %swap3A_870 = arith.constant 0 : i32
        %swap3A_871 = arith.index_cast %swap3A_870 : i32 to index
        %swap3A_872 = arith.index_cast %add3A_289 : i32 to index
        %swap3A_873 = arith.constant 64 : index
        %swap3A_874 = tpu.vector_load %arg7[%swap3A_871, %swap3A_872, %swap3A_873] {strides = array<i32>} : memref<2x16x128xf32, #tpu.memory_space<vmem>>, vector<1x1x16xf32>,
        %swap3A_875 = vector.shape_cast %swap3A_874 : vector<1x1x16xf32> to vector<16xf32>
        %swap3A_876 = vector.shape_cast %add3A_815 : vector<16xf32> to vector<1x1x16xf32>
        tpu.vector_store %arg7[%swap3A_871, %swap3A_872, %swap3A_873], %swap3A_876 {strides = array<i32>} : memref<2x16x128xf32, #tpu.memory_space<vmem>>, vector<1x1x16xf32>,
        %swap3A_877 = arith.constant 0 : i32
        %swap3A_878 = arith.index_cast %swap3A_877 : i32 to index
        %swap3A_879 = arith.index_cast %add3A_289 : i32 to index
        %swap3A_880 = arith.constant 80 : index
        %swap3A_881 = tpu.vector_load %arg7[%swap3A_878, %swap3A_879, %swap3A_880] {strides = array<i32>} : memref<2x16x128xf32, #tpu.memory_space<vmem>>, vector<1x1x16xf32>,
        %swap3A_882 = vector.shape_cast %swap3A_881 : vector<1x1x16xf32> to vector<16xf32>
        %swap3A_883 = vector.shape_cast %add3A_824 : vector<16xf32> to vector<1x1x16xf32>
        tpu.vector_store %arg7[%swap3A_878, %swap3A_879, %swap3A_880], %swap3A_883 {strides = array<i32>} : memref<2x16x128xf32, #tpu.memory_space<vmem>>, vector<1x1x16xf32>,
        %swap3A_884 = arith.constant 0 : i32
        %swap3A_885 = arith.index_cast %swap3A_884 : i32 to index
        %swap3A_886 = arith.index_cast %add3A_289 : i32 to index
        %swap3A_887 = arith.constant 96 : index
        %swap3A_888 = tpu.vector_load %arg7[%swap3A_885, %swap3A_886, %swap3A_887] {strides = array<i32>} : memref<2x16x128xf32, #tpu.memory_space<vmem>>, vector<1x1x16xf32>,
        %swap3A_889 = vector.shape_cast %swap3A_888 : vector<1x1x16xf32> to vector<16xf32>
        %swap3A_890 = vector.shape_cast %add3A_833 : vector<16xf32> to vector<1x1x16xf32>
        tpu.vector_store %arg7[%swap3A_885, %swap3A_886, %swap3A_887], %swap3A_890 {strides = array<i32>} : memref<2x16x128xf32, #tpu.memory_space<vmem>>, vector<1x1x16xf32>,
        %swap3A_891 = arith.constant 0 : i32
        %swap3A_892 = arith.index_cast %swap3A_891 : i32 to index
        %swap3A_893 = arith.index_cast %add3A_289 : i32 to index
        %swap3A_894 = arith.constant 112 : index
        %swap3A_895 = tpu.vector_load %arg7[%swap3A_892, %swap3A_893, %swap3A_894] {strides = array<i32>} : memref<2x16x128xf32, #tpu.memory_space<vmem>>, vector<1x1x16xf32>,
        %swap3A_896 = vector.shape_cast %swap3A_895 : vector<1x1x16xf32> to vector<16xf32>
        %swap3A_897 = vector.shape_cast %add3A_842 : vector<16xf32> to vector<1x1x16xf32>
        tpu.vector_store %arg7[%swap3A_892, %swap3A_893, %swap3A_894], %swap3A_897 {strides = array<i32>} : memref<2x16x128xf32, #tpu.memory_space<vmem>>, vector<1x1x16xf32>,
        %mul3A_898 = arith.constant 2 : i32
        %mul3A_899 = arith.muli %scan3A_285, %mul3A_898 : i32
        %add3A_900 = arith.constant 1 : i32
        %add3A_901 = arith.addi %mul3A_899, %add3A_900 : i32
        %mul3A_902 = arith.constant 8 : i32
        %mul3A_903 = arith.muli %add3A_901, %mul3A_902 : i32
        %get3A_904 = arith.constant 0 : i32
        %get3A_905 = arith.index_cast %get3A_904 : i32 to index
        %get3A_906 = arith.index_cast %mul3A_903 : i32 to index
        %get3A_907 = arith.constant 0 : index
        %get3A_908 = tpu.vector_load %arg6[%get3A_905, %get3A_906, %get3A_907] {strides = array<i32>} : memref<4x128x128xf32, #tpu.memory_space<vmem>>, vector<1x1x16xf32>,
        %get3A_909 = vector.shape_cast %get3A_908 : vector<1x1x16xf32> to vector<16xf32>
        %get3A_910 = arith.constant 0 : i32
        %get3A_911 = arith.index_cast %get3A_910 : i32 to index
        %get3A_912 = arith.index_cast %mul3A_903 : i32 to index
        %get3A_913 = arith.constant 16 : index
        %get3A_914 = tpu.vector_load %arg6[%get3A_911, %get3A_912, %get3A_913] {strides = array<i32>} : memref<4x128x128xf32, #tpu.memory_space<vmem>>, vector<1x1x16xf32>,
        %get3A_915 = vector.shape_cast %get3A_914 : vector<1x1x16xf32> to vector<16xf32>
        %get3A_916 = arith.constant 0 : i32
        %get3A_917 = arith.index_cast %get3A_916 : i32 to index
        %get3A_918 = arith.index_cast %mul3A_903 : i32 to index
        %get3A_919 = arith.constant 32 : index
        %get3A_920 = tpu.vector_load %arg6[%get3A_917, %get3A_918, %get3A_919] {strides = array<i32>} : memref<4x128x128xf32, #tpu.memory_space<vmem>>, vector<1x1x16xf32>,
        %get3A_921 = vector.shape_cast %get3A_920 : vector<1x1x16xf32> to vector<16xf32>
        %get3A_922 = arith.constant 0 : i32
        %get3A_923 = arith.index_cast %get3A_922 : i32 to index
        %get3A_924 = arith.index_cast %mul3A_903 : i32 to index
        %get3A_925 = arith.constant 48 : index
        %get3A_926 = tpu.vector_load %arg6[%get3A_923, %get3A_924, %get3A_925] {strides = array<i32>} : memref<4x128x128xf32, #tpu.memory_space<vmem>>, vector<1x1x16xf32>,
        %get3A_927 = vector.shape_cast %get3A_926 : vector<1x1x16xf32> to vector<16xf32>
        %get3A_928 = arith.constant 0 : i32
        %get3A_929 = arith.index_cast %get3A_928 : i32 to index
        %get3A_930 = arith.index_cast %mul3A_903 : i32 to index
        %get3A_931 = arith.constant 64 : index
        %get3A_932 = tpu.vector_load %arg6[%get3A_929, %get3A_930, %get3A_931] {strides = array<i32>} : memref<4x128x128xf32, #tpu.memory_space<vmem>>, vector<1x1x16xf32>,
        %get3A_933 = vector.shape_cast %get3A_932 : vector<1x1x16xf32> to vector<16xf32>
        %get3A_934 = arith.constant 0 : i32
        %get3A_935 = arith.index_cast %get3A_934 : i32 to index
        %get3A_936 = arith.index_cast %mul3A_903 : i32 to index
        %get3A_937 = arith.constant 80 : index
        %get3A_938 = tpu.vector_load %arg6[%get3A_935, %get3A_936, %get3A_937] {strides = array<i32>} : memref<4x128x128xf32, #tpu.memory_space<vmem>>, vector<1x1x16xf32>,
        %get3A_939 = vector.shape_cast %get3A_938 : vector<1x1x16xf32> to vector<16xf32>
        %get3A_940 = arith.constant 0 : i32
        %get3A_941 = arith.index_cast %get3A_940 : i32 to index
        %get3A_942 = arith.index_cast %mul3A_903 : i32 to index
        %get3A_943 = arith.constant 96 : index
        %get3A_944 = tpu.vector_load %arg6[%get3A_941, %get3A_942, %get3A_943] {strides = array<i32>} : memref<4x128x128xf32, #tpu.memory_space<vmem>>, vector<1x1x16xf32>,
        %get3A_945 = vector.shape_cast %get3A_944 : vector<1x1x16xf32> to vector<16xf32>
        %get3A_946 = arith.constant 0 : i32
        %get3A_947 = arith.index_cast %get3A_946 : i32 to index
        %get3A_948 = arith.index_cast %mul3A_903 : i32 to index
        %get3A_949 = arith.constant 112 : index
        %get3A_950 = tpu.vector_load %arg6[%get3A_947, %get3A_948, %get3A_949] {strides = array<i32>} : memref<4x128x128xf32, #tpu.memory_space<vmem>>, vector<1x1x16xf32>,
        %get3A_951 = vector.shape_cast %get3A_950 : vector<1x1x16xf32> to vector<16xf32>
        %add3A_952 = arith.constant 1 : i32
        %add3A_953 = arith.addi %mul3A_903, %add3A_952 : i32
        %get3A_954 = arith.constant 0 : i32
        %get3A_955 = arith.index_cast %get3A_954 : i32 to index
        %get3A_956 = arith.index_cast %add3A_953 : i32 to index
        %get3A_957 = arith.constant 0 : index
        %get3A_958 = tpu.vector_load %arg6[%get3A_955, %get3A_956, %get3A_957] {strides = array<i32>} : memref<4x128x128xf32, #tpu.memory_space<vmem>>, vector<1x1x16xf32>,
        %get3A_959 = vector.shape_cast %get3A_958 : vector<1x1x16xf32> to vector<16xf32>
        %add3A_960 = arith.addf %get3A_909, %get3A_959 : vector<16xf32>
        %add3A_961 = arith.constant 1 : i32
        %add3A_962 = arith.addi %mul3A_903, %add3A_961 : i32
        %get3A_963 = arith.constant 0 : i32
        %get3A_964 = arith.index_cast %get3A_963 : i32 to index
        %get3A_965 = arith.index_cast %add3A_962 : i32 to index
        %get3A_966 = arith.constant 16 : index
        %get3A_967 = tpu.vector_load %arg6[%get3A_964, %get3A_965, %get3A_966] {strides = array<i32>} : memref<4x128x128xf32, #tpu.memory_space<vmem>>, vector<1x1x16xf32>,
        %get3A_968 = vector.shape_cast %get3A_967 : vector<1x1x16xf32> to vector<16xf32>
        %add3A_969 = arith.addf %get3A_915, %get3A_968 : vector<16xf32>
        %add3A_970 = arith.constant 1 : i32
        %add3A_971 = arith.addi %mul3A_903, %add3A_970 : i32
        %get3A_972 = arith.constant 0 : i32
        %get3A_973 = arith.index_cast %get3A_972 : i32 to index
        %get3A_974 = arith.index_cast %add3A_971 : i32 to index
        %get3A_975 = arith.constant 32 : index
        %get3A_976 = tpu.vector_load %arg6[%get3A_973, %get3A_974, %get3A_975] {strides = array<i32>} : memref<4x128x128xf32, #tpu.memory_space<vmem>>, vector<1x1x16xf32>,
        %get3A_977 = vector.shape_cast %get3A_976 : vector<1x1x16xf32> to vector<16xf32>
        %add3A_978 = arith.addf %get3A_921, %get3A_977 : vector<16xf32>
        %add3A_979 = arith.constant 1 : i32
        %add3A_980 = arith.addi %mul3A_903, %add3A_979 : i32
        %get3A_981 = arith.constant 0 : i32
        %get3A_982 = arith.index_cast %get3A_981 : i32 to index
        %get3A_983 = arith.index_cast %add3A_980 : i32 to index
        %get3A_984 = arith.constant 48 : index
        %get3A_985 = tpu.vector_load %arg6[%get3A_982, %get3A_983, %get3A_984] {strides = array<i32>} : memref<4x128x128xf32, #tpu.memory_space<vmem>>, vector<1x1x16xf32>,
        %get3A_986 = vector.shape_cast %get3A_985 : vector<1x1x16xf32> to vector<16xf32>
        %add3A_987 = arith.addf %get3A_927, %get3A_986 : vector<16xf32>
        %add3A_988 = arith.constant 1 : i32
        %add3A_989 = arith.addi %mul3A_903, %add3A_988 : i32
        %get3A_990 = arith.constant 0 : i32
        %get3A_991 = arith.index_cast %get3A_990 : i32 to index
        %get3A_992 = arith.index_cast %add3A_989 : i32 to index
        %get3A_993 = arith.constant 64 : index
        %get3A_994 = tpu.vector_load %arg6[%get3A_991, %get3A_992, %get3A_993] {strides = array<i32>} : memref<4x128x128xf32, #tpu.memory_space<vmem>>, vector<1x1x16xf32>,
        %get3A_995 = vector.shape_cast %get3A_994 : vector<1x1x16xf32> to vector<16xf32>
        %add3A_996 = arith.addf %get3A_933, %get3A_995 : vector<16xf32>
        %add3A_997 = arith.constant 1 : i32
        %add3A_998 = arith.addi %mul3A_903, %add3A_997 : i32
        %get3A_999 = arith.constant 0 : i32
        %get3A_1000 = arith.index_cast %get3A_999 : i32 to index
        %get3A_1001 = arith.index_cast %add3A_998 : i32 to index
        %get3A_1002 = arith.constant 80 : index
        %get3A_1003 = tpu.vector_load %arg6[%get3A_1000, %get3A_1001, %get3A_1002] {strides = array<i32>} : memref<4x128x128xf32, #tpu.memory_space<vmem>>, vector<1x1x16xf32>,
        %get3A_1004 = vector.shape_cast %get3A_1003 : vector<1x1x16xf32> to vector<16xf32>
        %add3A_1005 = arith.addf %get3A_939, %get3A_1004 : vector<16xf32>
        %add3A_1006 = arith.constant 1 : i32
        %add3A_1007 = arith.addi %mul3A_903, %add3A_1006 : i32
        %get3A_1008 = arith.constant 0 : i32
        %get3A_1009 = arith.index_cast %get3A_1008 : i32 to index
        %get3A_1010 = arith.index_cast %add3A_1007 : i32 to index
        %get3A_1011 = arith.constant 96 : index
        %get3A_1012 = tpu.vector_load %arg6[%get3A_1009, %get3A_1010, %get3A_1011] {strides = array<i32>} : memref<4x128x128xf32, #tpu.memory_space<vmem>>, vector<1x1x16xf32>,
        %get3A_1013 = vector.shape_cast %get3A_1012 : vector<1x1x16xf32> to vector<16xf32>
        %add3A_1014 = arith.addf %get3A_945, %get3A_1013 : vector<16xf32>
        %add3A_1015 = arith.constant 1 : i32
        %add3A_1016 = arith.addi %mul3A_903, %add3A_1015 : i32
        %get3A_1017 = arith.constant 0 : i32
        %get3A_1018 = arith.index_cast %get3A_1017 : i32 to index
        %get3A_1019 = arith.index_cast %add3A_1016 : i32 to index
        %get3A_1020 = arith.constant 112 : index
        %get3A_1021 = tpu.vector_load %arg6[%get3A_1018, %get3A_1019, %get3A_1020] {strides = array<i32>} : memref<4x128x128xf32, #tpu.memory_space<vmem>>, vector<1x1x16xf32>,
        %get3A_1022 = vector.shape_cast %get3A_1021 : vector<1x1x16xf32> to vector<16xf32>
        %add3A_1023 = arith.addf %get3A_951, %get3A_1022 : vector<16xf32>
        %add3A_1024 = arith.constant 2 : i32
        %add3A_1025 = arith.addi %mul3A_903, %add3A_1024 : i32
        %get3A_1026 = arith.constant 0 : i32
        %get3A_1027 = arith.index_cast %get3A_1026 : i32 to index
        %get3A_1028 = arith.index_cast %add3A_1025 : i32 to index
        %get3A_1029 = arith.constant 0 : index
        %get3A_1030 = tpu.vector_load %arg6[%get3A_1027, %get3A_1028, %get3A_1029] {strides = array<i32>} : memref<4x128x128xf32, #tpu.memory_space<vmem>>, vector<1x1x16xf32>,
        %get3A_1031 = vector.shape_cast %get3A_1030 : vector<1x1x16xf32> to vector<16xf32>
        %add3A_1032 = arith.addf %add3A_960, %get3A_1031 : vector<16xf32>
        %add3A_1033 = arith.constant 2 : i32
        %add3A_1034 = arith.addi %mul3A_903, %add3A_1033 : i32
        %get3A_1035 = arith.constant 0 : i32
        %get3A_1036 = arith.index_cast %get3A_1035 : i32 to index
        %get3A_1037 = arith.index_cast %add3A_1034 : i32 to index
        %get3A_1038 = arith.constant 16 : index
        %get3A_1039 = tpu.vector_load %arg6[%get3A_1036, %get3A_1037, %get3A_1038] {strides = array<i32>} : memref<4x128x128xf32, #tpu.memory_space<vmem>>, vector<1x1x16xf32>,
        %get3A_1040 = vector.shape_cast %get3A_1039 : vector<1x1x16xf32> to vector<16xf32>
        %add3A_1041 = arith.addf %add3A_969, %get3A_1040 : vector<16xf32>
        %add3A_1042 = arith.constant 2 : i32
        %add3A_1043 = arith.addi %mul3A_903, %add3A_1042 : i32
        %get3A_1044 = arith.constant 0 : i32
        %get3A_1045 = arith.index_cast %get3A_1044 : i32 to index
        %get3A_1046 = arith.index_cast %add3A_1043 : i32 to index
        %get3A_1047 = arith.constant 32 : index
        %get3A_1048 = tpu.vector_load %arg6[%get3A_1045, %get3A_1046, %get3A_1047] {strides = array<i32>} : memref<4x128x128xf32, #tpu.memory_space<vmem>>, vector<1x1x16xf32>,
        %get3A_1049 = vector.shape_cast %get3A_1048 : vector<1x1x16xf32> to vector<16xf32>
        %add3A_1050 = arith.addf %add3A_978, %get3A_1049 : vector<16xf32>
        %add3A_1051 = arith.constant 2 : i32
        %add3A_1052 = arith.addi %mul3A_903, %add3A_1051 : i32
        %get3A_1053 = arith.constant 0 : i32
        %get3A_1054 = arith.index_cast %get3A_1053 : i32 to index
        %get3A_1055 = arith.index_cast %add3A_1052 : i32 to index
        %get3A_1056 = arith.constant 48 : index
        %get3A_1057 = tpu.vector_load %arg6[%get3A_1054, %get3A_1055, %get3A_1056] {strides = array<i32>} : memref<4x128x128xf32, #tpu.memory_space<vmem>>, vector<1x1x16xf32>,
        %get3A_1058 = vector.shape_cast %get3A_1057 : vector<1x1x16xf32> to vector<16xf32>
        %add3A_1059 = arith.addf %add3A_987, %get3A_1058 : vector<16xf32>
        %add3A_1060 = arith.constant 2 : i32
        %add3A_1061 = arith.addi %mul3A_903, %add3A_1060 : i32
        %get3A_1062 = arith.constant 0 : i32
        %get3A_1063 = arith.index_cast %get3A_1062 : i32 to index
        %get3A_1064 = arith.index_cast %add3A_1061 : i32 to index
        %get3A_1065 = arith.constant 64 : index
        %get3A_1066 = tpu.vector_load %arg6[%get3A_1063, %get3A_1064, %get3A_1065] {strides = array<i32>} : memref<4x128x128xf32, #tpu.memory_space<vmem>>, vector<1x1x16xf32>,
        %get3A_1067 = vector.shape_cast %get3A_1066 : vector<1x1x16xf32> to vector<16xf32>
        %add3A_1068 = arith.addf %add3A_996, %get3A_1067 : vector<16xf32>
        %add3A_1069 = arith.constant 2 : i32
        %add3A_1070 = arith.addi %mul3A_903, %add3A_1069 : i32
        %get3A_1071 = arith.constant 0 : i32
        %get3A_1072 = arith.index_cast %get3A_1071 : i32 to index
        %get3A_1073 = arith.index_cast %add3A_1070 : i32 to index
        %get3A_1074 = arith.constant 80 : index
        %get3A_1075 = tpu.vector_load %arg6[%get3A_1072, %get3A_1073, %get3A_1074] {strides = array<i32>} : memref<4x128x128xf32, #tpu.memory_space<vmem>>, vector<1x1x16xf32>,
        %get3A_1076 = vector.shape_cast %get3A_1075 : vector<1x1x16xf32> to vector<16xf32>
        %add3A_1077 = arith.addf %add3A_1005, %get3A_1076 : vector<16xf32>
        %add3A_1078 = arith.constant 2 : i32
        %add3A_1079 = arith.addi %mul3A_903, %add3A_1078 : i32
        %get3A_1080 = arith.constant 0 : i32
        %get3A_1081 = arith.index_cast %get3A_1080 : i32 to index
        %get3A_1082 = arith.index_cast %add3A_1079 : i32 to index
        %get3A_1083 = arith.constant 96 : index
        %get3A_1084 = tpu.vector_load %arg6[%get3A_1081, %get3A_1082, %get3A_1083] {strides = array<i32>} : memref<4x128x128xf32, #tpu.memory_space<vmem>>, vector<1x1x16xf32>,
        %get3A_1085 = vector.shape_cast %get3A_1084 : vector<1x1x16xf32> to vector<16xf32>
        %add3A_1086 = arith.addf %add3A_1014, %get3A_1085 : vector<16xf32>
        %add3A_1087 = arith.constant 2 : i32
        %add3A_1088 = arith.addi %mul3A_903, %add3A_1087 : i32
        %get3A_1089 = arith.constant 0 : i32
        %get3A_1090 = arith.index_cast %get3A_1089 : i32 to index
        %get3A_1091 = arith.index_cast %add3A_1088 : i32 to index
        %get3A_1092 = arith.constant 112 : index
        %get3A_1093 = tpu.vector_load %arg6[%get3A_1090, %get3A_1091, %get3A_1092] {strides = array<i32>} : memref<4x128x128xf32, #tpu.memory_space<vmem>>, vector<1x1x16xf32>,
        %get3A_1094 = vector.shape_cast %get3A_1093 : vector<1x1x16xf32> to vector<16xf32>
        %add3A_1095 = arith.addf %add3A_1023, %get3A_1094 : vector<16xf32>
        %add3A_1096 = arith.constant 3 : i32
        %add3A_1097 = arith.addi %mul3A_903, %add3A_1096 : i32
        %get3A_1098 = arith.constant 0 : i32
        %get3A_1099 = arith.index_cast %get3A_1098 : i32 to index
        %get3A_1100 = arith.index_cast %add3A_1097 : i32 to index
        %get3A_1101 = arith.constant 0 : index
        %get3A_1102 = tpu.vector_load %arg6[%get3A_1099, %get3A_1100, %get3A_1101] {strides = array<i32>} : memref<4x128x128xf32, #tpu.memory_space<vmem>>, vector<1x1x16xf32>,
        %get3A_1103 = vector.shape_cast %get3A_1102 : vector<1x1x16xf32> to vector<16xf32>
        %add3A_1104 = arith.addf %add3A_1032, %get3A_1103 : vector<16xf32>
        %add3A_1105 = arith.constant 3 : i32
        %add3A_1106 = arith.addi %mul3A_903, %add3A_1105 : i32
        %get3A_1107 = arith.constant 0 : i32
        %get3A_1108 = arith.index_cast %get3A_1107 : i32 to index
        %get3A_1109 = arith.index_cast %add3A_1106 : i32 to index
        %get3A_1110 = arith.constant 16 : index
        %get3A_1111 = tpu.vector_load %arg6[%get3A_1108, %get3A_1109, %get3A_1110] {strides = array<i32>} : memref<4x128x128xf32, #tpu.memory_space<vmem>>, vector<1x1x16xf32>,
        %get3A_1112 = vector.shape_cast %get3A_1111 : vector<1x1x16xf32> to vector<16xf32>
        %add3A_1113 = arith.addf %add3A_1041, %get3A_1112 : vector<16xf32>
        %add3A_1114 = arith.constant 3 : i32
        %add3A_1115 = arith.addi %mul3A_903, %add3A_1114 : i32
        %get3A_1116 = arith.constant 0 : i32
        %get3A_1117 = arith.index_cast %get3A_1116 : i32 to index
        %get3A_1118 = arith.index_cast %add3A_1115 : i32 to index
        %get3A_1119 = arith.constant 32 : index
        %get3A_1120 = tpu.vector_load %arg6[%get3A_1117, %get3A_1118, %get3A_1119] {strides = array<i32>} : memref<4x128x128xf32, #tpu.memory_space<vmem>>, vector<1x1x16xf32>,
        %get3A_1121 = vector.shape_cast %get3A_1120 : vector<1x1x16xf32> to vector<16xf32>
        %add3A_1122 = arith.addf %add3A_1050, %get3A_1121 : vector<16xf32>
        %add3A_1123 = arith.constant 3 : i32
        %add3A_1124 = arith.addi %mul3A_903, %add3A_1123 : i32
        %get3A_1125 = arith.constant 0 : i32
        %get3A_1126 = arith.index_cast %get3A_1125 : i32 to index
        %get3A_1127 = arith.index_cast %add3A_1124 : i32 to index
        %get3A_1128 = arith.constant 48 : index
        %get3A_1129 = tpu.vector_load %arg6[%get3A_1126, %get3A_1127, %get3A_1128] {strides = array<i32>} : memref<4x128x128xf32, #tpu.memory_space<vmem>>, vector<1x1x16xf32>,
        %get3A_1130 = vector.shape_cast %get3A_1129 : vector<1x1x16xf32> to vector<16xf32>
        %add3A_1131 = arith.addf %add3A_1059, %get3A_1130 : vector<16xf32>
        %add3A_1132 = arith.constant 3 : i32
        %add3A_1133 = arith.addi %mul3A_903, %add3A_1132 : i32
        %get3A_1134 = arith.constant 0 : i32
        %get3A_1135 = arith.index_cast %get3A_1134 : i32 to index
        %get3A_1136 = arith.index_cast %add3A_1133 : i32 to index
        %get3A_1137 = arith.constant 64 : index
        %get3A_1138 = tpu.vector_load %arg6[%get3A_1135, %get3A_1136, %get3A_1137] {strides = array<i32>} : memref<4x128x128xf32, #tpu.memory_space<vmem>>, vector<1x1x16xf32>,
        %get3A_1139 = vector.shape_cast %get3A_1138 : vector<1x1x16xf32> to vector<16xf32>
        %add3A_1140 = arith.addf %add3A_1068, %get3A_1139 : vector<16xf32>
        %add3A_1141 = arith.constant 3 : i32
        %add3A_1142 = arith.addi %mul3A_903, %add3A_1141 : i32
        %get3A_1143 = arith.constant 0 : i32
        %get3A_1144 = arith.index_cast %get3A_1143 : i32 to index
        %get3A_1145 = arith.index_cast %add3A_1142 : i32 to index
        %get3A_1146 = arith.constant 80 : index
        %get3A_1147 = tpu.vector_load %arg6[%get3A_1144, %get3A_1145, %get3A_1146] {strides = array<i32>} : memref<4x128x128xf32, #tpu.memory_space<vmem>>, vector<1x1x16xf32>,
        %get3A_1148 = vector.shape_cast %get3A_1147 : vector<1x1x16xf32> to vector<16xf32>
        %add3A_1149 = arith.addf %add3A_1077, %get3A_1148 : vector<16xf32>
        %add3A_1150 = arith.constant 3 : i32
        %add3A_1151 = arith.addi %mul3A_903, %add3A_1150 : i32
        %get3A_1152 = arith.constant 0 : i32
        %get3A_1153 = arith.index_cast %get3A_1152 : i32 to index
        %get3A_1154 = arith.index_cast %add3A_1151 : i32 to index
        %get3A_1155 = arith.constant 96 : index
        %get3A_1156 = tpu.vector_load %arg6[%get3A_1153, %get3A_1154, %get3A_1155] {strides = array<i32>} : memref<4x128x128xf32, #tpu.memory_space<vmem>>, vector<1x1x16xf32>,
        %get3A_1157 = vector.shape_cast %get3A_1156 : vector<1x1x16xf32> to vector<16xf32>
        %add3A_1158 = arith.addf %add3A_1086, %get3A_1157 : vector<16xf32>
        %add3A_1159 = arith.constant 3 : i32
        %add3A_1160 = arith.addi %mul3A_903, %add3A_1159 : i32
        %get3A_1161 = arith.constant 0 : i32
        %get3A_1162 = arith.index_cast %get3A_1161 : i32 to index
        %get3A_1163 = arith.index_cast %add3A_1160 : i32 to index
        %get3A_1164 = arith.constant 112 : index
        %get3A_1165 = tpu.vector_load %arg6[%get3A_1162, %get3A_1163, %get3A_1164] {strides = array<i32>} : memref<4x128x128xf32, #tpu.memory_space<vmem>>, vector<1x1x16xf32>,
        %get3A_1166 = vector.shape_cast %get3A_1165 : vector<1x1x16xf32> to vector<16xf32>
        %add3A_1167 = arith.addf %add3A_1095, %get3A_1166 : vector<16xf32>
        %add3A_1168 = arith.constant 4 : i32
        %add3A_1169 = arith.addi %mul3A_903, %add3A_1168 : i32
        %get3A_1170 = arith.constant 0 : i32
        %get3A_1171 = arith.index_cast %get3A_1170 : i32 to index
        %get3A_1172 = arith.index_cast %add3A_1169 : i32 to index
        %get3A_1173 = arith.constant 0 : index
        %get3A_1174 = tpu.vector_load %arg6[%get3A_1171, %get3A_1172, %get3A_1173] {strides = array<i32>} : memref<4x128x128xf32, #tpu.memory_space<vmem>>, vector<1x1x16xf32>,
        %get3A_1175 = vector.shape_cast %get3A_1174 : vector<1x1x16xf32> to vector<16xf32>
        %add3A_1176 = arith.addf %add3A_1104, %get3A_1175 : vector<16xf32>
        %add3A_1177 = arith.constant 4 : i32
        %add3A_1178 = arith.addi %mul3A_903, %add3A_1177 : i32
        %get3A_1179 = arith.constant 0 : i32
        %get3A_1180 = arith.index_cast %get3A_1179 : i32 to index
        %get3A_1181 = arith.index_cast %add3A_1178 : i32 to index
        %get3A_1182 = arith.constant 16 : index
        %get3A_1183 = tpu.vector_load %arg6[%get3A_1180, %get3A_1181, %get3A_1182] {strides = array<i32>} : memref<4x128x128xf32, #tpu.memory_space<vmem>>, vector<1x1x16xf32>,
        %get3A_1184 = vector.shape_cast %get3A_1183 : vector<1x1x16xf32> to vector<16xf32>
        %add3A_1185 = arith.addf %add3A_1113, %get3A_1184 : vector<16xf32>
        %add3A_1186 = arith.constant 4 : i32
        %add3A_1187 = arith.addi %mul3A_903, %add3A_1186 : i32
        %get3A_1188 = arith.constant 0 : i32
        %get3A_1189 = arith.index_cast %get3A_1188 : i32 to index
        %get3A_1190 = arith.index_cast %add3A_1187 : i32 to index
        %get3A_1191 = arith.constant 32 : index
        %get3A_1192 = tpu.vector_load %arg6[%get3A_1189, %get3A_1190, %get3A_1191] {strides = array<i32>} : memref<4x128x128xf32, #tpu.memory_space<vmem>>, vector<1x1x16xf32>,
        %get3A_1193 = vector.shape_cast %get3A_1192 : vector<1x1x16xf32> to vector<16xf32>
        %add3A_1194 = arith.addf %add3A_1122, %get3A_1193 : vector<16xf32>
        %add3A_1195 = arith.constant 4 : i32
        %add3A_1196 = arith.addi %mul3A_903, %add3A_1195 : i32
        %get3A_1197 = arith.constant 0 : i32
        %get3A_1198 = arith.index_cast %get3A_1197 : i32 to index
        %get3A_1199 = arith.index_cast %add3A_1196 : i32 to index
        %get3A_1200 = arith.constant 48 : index
        %get3A_1201 = tpu.vector_load %arg6[%get3A_1198, %get3A_1199, %get3A_1200] {strides = array<i32>} : memref<4x128x128xf32, #tpu.memory_space<vmem>>, vector<1x1x16xf32>,
        %get3A_1202 = vector.shape_cast %get3A_1201 : vector<1x1x16xf32> to vector<16xf32>
        %add3A_1203 = arith.addf %add3A_1131, %get3A_1202 : vector<16xf32>
        %add3A_1204 = arith.constant 4 : i32
        %add3A_1205 = arith.addi %mul3A_903, %add3A_1204 : i32
        %get3A_1206 = arith.constant 0 : i32
        %get3A_1207 = arith.index_cast %get3A_1206 : i32 to index
        %get3A_1208 = arith.index_cast %add3A_1205 : i32 to index
        %get3A_1209 = arith.constant 64 : index
        %get3A_1210 = tpu.vector_load %arg6[%get3A_1207, %get3A_1208, %get3A_1209] {strides = array<i32>} : memref<4x128x128xf32, #tpu.memory_space<vmem>>, vector<1x1x16xf32>,
        %get3A_1211 = vector.shape_cast %get3A_1210 : vector<1x1x16xf32> to vector<16xf32>
        %add3A_1212 = arith.addf %add3A_1140, %get3A_1211 : vector<16xf32>
        %add3A_1213 = arith.constant 4 : i32
        %add3A_1214 = arith.addi %mul3A_903, %add3A_1213 : i32
        %get3A_1215 = arith.constant 0 : i32
        %get3A_1216 = arith.index_cast %get3A_1215 : i32 to index
        %get3A_1217 = arith.index_cast %add3A_1214 : i32 to index
        %get3A_1218 = arith.constant 80 : index
        %get3A_1219 = tpu.vector_load %arg6[%get3A_1216, %get3A_1217, %get3A_1218] {strides = array<i32>} : memref<4x128x128xf32, #tpu.memory_space<vmem>>, vector<1x1x16xf32>,
        %get3A_1220 = vector.shape_cast %get3A_1219 : vector<1x1x16xf32> to vector<16xf32>
        %add3A_1221 = arith.addf %add3A_1149, %get3A_1220 : vector<16xf32>
        %add3A_1222 = arith.constant 4 : i32
        %add3A_1223 = arith.addi %mul3A_903, %add3A_1222 : i32
        %get3A_1224 = arith.constant 0 : i32
        %get3A_1225 = arith.index_cast %get3A_1224 : i32 to index
        %get3A_1226 = arith.index_cast %add3A_1223 : i32 to index
        %get3A_1227 = arith.constant 96 : index
        %get3A_1228 = tpu.vector_load %arg6[%get3A_1225, %get3A_1226, %get3A_1227] {strides = array<i32>} : memref<4x128x128xf32, #tpu.memory_space<vmem>>, vector<1x1x16xf32>,
        %get3A_1229 = vector.shape_cast %get3A_1228 : vector<1x1x16xf32> to vector<16xf32>
        %add3A_1230 = arith.addf %add3A_1158, %get3A_1229 : vector<16xf32>
        %add3A_1231 = arith.constant 4 : i32
        %add3A_1232 = arith.addi %mul3A_903, %add3A_1231 : i32
        %get3A_1233 = arith.constant 0 : i32
        %get3A_1234 = arith.index_cast %get3A_1233 : i32 to index
        %get3A_1235 = arith.index_cast %add3A_1232 : i32 to index
        %get3A_1236 = arith.constant 112 : index
        %get3A_1237 = tpu.vector_load %arg6[%get3A_1234, %get3A_1235, %get3A_1236] {strides = array<i32>} : memref<4x128x128xf32, #tpu.memory_space<vmem>>, vector<1x1x16xf32>,
        %get3A_1238 = vector.shape_cast %get3A_1237 : vector<1x1x16xf32> to vector<16xf32>
        %add3A_1239 = arith.addf %add3A_1167, %get3A_1238 : vector<16xf32>
        %add3A_1240 = arith.constant 5 : i32
        %add3A_1241 = arith.addi %mul3A_903, %add3A_1240 : i32
        %get3A_1242 = arith.constant 0 : i32
        %get3A_1243 = arith.index_cast %get3A_1242 : i32 to index
        %get3A_1244 = arith.index_cast %add3A_1241 : i32 to index
        %get3A_1245 = arith.constant 0 : index
        %get3A_1246 = tpu.vector_load %arg6[%get3A_1243, %get3A_1244, %get3A_1245] {strides = array<i32>} : memref<4x128x128xf32, #tpu.memory_space<vmem>>, vector<1x1x16xf32>,
        %get3A_1247 = vector.shape_cast %get3A_1246 : vector<1x1x16xf32> to vector<16xf32>
        %add3A_1248 = arith.addf %add3A_1176, %get3A_1247 : vector<16xf32>
        %add3A_1249 = arith.constant 5 : i32
        %add3A_1250 = arith.addi %mul3A_903, %add3A_1249 : i32
        %get3A_1251 = arith.constant 0 : i32
        %get3A_1252 = arith.index_cast %get3A_1251 : i32 to index
        %get3A_1253 = arith.index_cast %add3A_1250 : i32 to index
        %get3A_1254 = arith.constant 16 : index
        %get3A_1255 = tpu.vector_load %arg6[%get3A_1252, %get3A_1253, %get3A_1254] {strides = array<i32>} : memref<4x128x128xf32, #tpu.memory_space<vmem>>, vector<1x1x16xf32>,
        %get3A_1256 = vector.shape_cast %get3A_1255 : vector<1x1x16xf32> to vector<16xf32>
        %add3A_1257 = arith.addf %add3A_1185, %get3A_1256 : vector<16xf32>
        %add3A_1258 = arith.constant 5 : i32
        %add3A_1259 = arith.addi %mul3A_903, %add3A_1258 : i32
        %get3A_1260 = arith.constant 0 : i32
        %get3A_1261 = arith.index_cast %get3A_1260 : i32 to index
        %get3A_1262 = arith.index_cast %add3A_1259 : i32 to index
        %get3A_1263 = arith.constant 32 : index
        %get3A_1264 = tpu.vector_load %arg6[%get3A_1261, %get3A_1262, %get3A_1263] {strides = array<i32>} : memref<4x128x128xf32, #tpu.memory_space<vmem>>, vector<1x1x16xf32>,
        %get3A_1265 = vector.shape_cast %get3A_1264 : vector<1x1x16xf32> to vector<16xf32>
        %add3A_1266 = arith.addf %add3A_1194, %get3A_1265 : vector<16xf32>
        %add3A_1267 = arith.constant 5 : i32
        %add3A_1268 = arith.addi %mul3A_903, %add3A_1267 : i32
        %get3A_1269 = arith.constant 0 : i32
        %get3A_1270 = arith.index_cast %get3A_1269 : i32 to index
        %get3A_1271 = arith.index_cast %add3A_1268 : i32 to index
        %get3A_1272 = arith.constant 48 : index
        %get3A_1273 = tpu.vector_load %arg6[%get3A_1270, %get3A_1271, %get3A_1272] {strides = array<i32>} : memref<4x128x128xf32, #tpu.memory_space<vmem>>, vector<1x1x16xf32>,
        %get3A_1274 = vector.shape_cast %get3A_1273 : vector<1x1x16xf32> to vector<16xf32>
        %add3A_1275 = arith.addf %add3A_1203, %get3A_1274 : vector<16xf32>
        %add3A_1276 = arith.constant 5 : i32
        %add3A_1277 = arith.addi %mul3A_903, %add3A_1276 : i32
        %get3A_1278 = arith.constant 0 : i32
        %get3A_1279 = arith.index_cast %get3A_1278 : i32 to index
        %get3A_1280 = arith.index_cast %add3A_1277 : i32 to index
        %get3A_1281 = arith.constant 64 : index
        %get3A_1282 = tpu.vector_load %arg6[%get3A_1279, %get3A_1280, %get3A_1281] {strides = array<i32>} : memref<4x128x128xf32, #tpu.memory_space<vmem>>, vector<1x1x16xf32>,
        %get3A_1283 = vector.shape_cast %get3A_1282 : vector<1x1x16xf32> to vector<16xf32>
        %add3A_1284 = arith.addf %add3A_1212, %get3A_1283 : vector<16xf32>
        %add3A_1285 = arith.constant 5 : i32
        %add3A_1286 = arith.addi %mul3A_903, %add3A_1285 : i32
        %get3A_1287 = arith.constant 0 : i32
        %get3A_1288 = arith.index_cast %get3A_1287 : i32 to index
        %get3A_1289 = arith.index_cast %add3A_1286 : i32 to index
        %get3A_1290 = arith.constant 80 : index
        %get3A_1291 = tpu.vector_load %arg6[%get3A_1288, %get3A_1289, %get3A_1290] {strides = array<i32>} : memref<4x128x128xf32, #tpu.memory_space<vmem>>, vector<1x1x16xf32>,
        %get3A_1292 = vector.shape_cast %get3A_1291 : vector<1x1x16xf32> to vector<16xf32>
        %add3A_1293 = arith.addf %add3A_1221, %get3A_1292 : vector<16xf32>
        %add3A_1294 = arith.constant 5 : i32
        %add3A_1295 = arith.addi %mul3A_903, %add3A_1294 : i32
        %get3A_1296 = arith.constant 0 : i32
        %get3A_1297 = arith.index_cast %get3A_1296 : i32 to index
        %get3A_1298 = arith.index_cast %add3A_1295 : i32 to index
        %get3A_1299 = arith.constant 96 : index
        %get3A_1300 = tpu.vector_load %arg6[%get3A_1297, %get3A_1298, %get3A_1299] {strides = array<i32>} : memref<4x128x128xf32, #tpu.memory_space<vmem>>, vector<1x1x16xf32>,
        %get3A_1301 = vector.shape_cast %get3A_1300 : vector<1x1x16xf32> to vector<16xf32>
        %add3A_1302 = arith.addf %add3A_1230, %get3A_1301 : vector<16xf32>
        %add3A_1303 = arith.constant 5 : i32
        %add3A_1304 = arith.addi %mul3A_903, %add3A_1303 : i32
        %get3A_1305 = arith.constant 0 : i32
        %get3A_1306 = arith.index_cast %get3A_1305 : i32 to index
        %get3A_1307 = arith.index_cast %add3A_1304 : i32 to index
        %get3A_1308 = arith.constant 112 : index
        %get3A_1309 = tpu.vector_load %arg6[%get3A_1306, %get3A_1307, %get3A_1308] {strides = array<i32>} : memref<4x128x128xf32, #tpu.memory_space<vmem>>, vector<1x1x16xf32>,
        %get3A_1310 = vector.shape_cast %get3A_1309 : vector<1x1x16xf32> to vector<16xf32>
        %add3A_1311 = arith.addf %add3A_1239, %get3A_1310 : vector<16xf32>
        %add3A_1312 = arith.constant 6 : i32
        %add3A_1313 = arith.addi %mul3A_903, %add3A_1312 : i32
        %get3A_1314 = arith.constant 0 : i32
        %get3A_1315 = arith.index_cast %get3A_1314 : i32 to index
        %get3A_1316 = arith.index_cast %add3A_1313 : i32 to index
        %get3A_1317 = arith.constant 0 : index
        %get3A_1318 = tpu.vector_load %arg6[%get3A_1315, %get3A_1316, %get3A_1317] {strides = array<i32>} : memref<4x128x128xf32, #tpu.memory_space<vmem>>, vector<1x1x16xf32>,
        %get3A_1319 = vector.shape_cast %get3A_1318 : vector<1x1x16xf32> to vector<16xf32>
        %add3A_1320 = arith.addf %add3A_1248, %get3A_1319 : vector<16xf32>
        %add3A_1321 = arith.constant 6 : i32
        %add3A_1322 = arith.addi %mul3A_903, %add3A_1321 : i32
        %get3A_1323 = arith.constant 0 : i32
        %get3A_1324 = arith.index_cast %get3A_1323 : i32 to index
        %get3A_1325 = arith.index_cast %add3A_1322 : i32 to index
        %get3A_1326 = arith.constant 16 : index
        %get3A_1327 = tpu.vector_load %arg6[%get3A_1324, %get3A_1325, %get3A_1326] {strides = array<i32>} : memref<4x128x128xf32, #tpu.memory_space<vmem>>, vector<1x1x16xf32>,
        %get3A_1328 = vector.shape_cast %get3A_1327 : vector<1x1x16xf32> to vector<16xf32>
        %add3A_1329 = arith.addf %add3A_1257, %get3A_1328 : vector<16xf32>
        %add3A_1330 = arith.constant 6 : i32
        %add3A_1331 = arith.addi %mul3A_903, %add3A_1330 : i32
        %get3A_1332 = arith.constant 0 : i32
        %get3A_1333 = arith.index_cast %get3A_1332 : i32 to index
        %get3A_1334 = arith.index_cast %add3A_1331 : i32 to index
        %get3A_1335 = arith.constant 32 : index
        %get3A_1336 = tpu.vector_load %arg6[%get3A_1333, %get3A_1334, %get3A_1335] {strides = array<i32>} : memref<4x128x128xf32, #tpu.memory_space<vmem>>, vector<1x1x16xf32>,
        %get3A_1337 = vector.shape_cast %get3A_1336 : vector<1x1x16xf32> to vector<16xf32>
        %add3A_1338 = arith.addf %add3A_1266, %get3A_1337 : vector<16xf32>
        %add3A_1339 = arith.constant 6 : i32
        %add3A_1340 = arith.addi %mul3A_903, %add3A_1339 : i32
        %get3A_1341 = arith.constant 0 : i32
        %get3A_1342 = arith.index_cast %get3A_1341 : i32 to index
        %get3A_1343 = arith.index_cast %add3A_1340 : i32 to index
        %get3A_1344 = arith.constant 48 : index
        %get3A_1345 = tpu.vector_load %arg6[%get3A_1342, %get3A_1343, %get3A_1344] {strides = array<i32>} : memref<4x128x128xf32, #tpu.memory_space<vmem>>, vector<1x1x16xf32>,
        %get3A_1346 = vector.shape_cast %get3A_1345 : vector<1x1x16xf32> to vector<16xf32>
        %add3A_1347 = arith.addf %add3A_1275, %get3A_1346 : vector<16xf32>
        %add3A_1348 = arith.constant 6 : i32
        %add3A_1349 = arith.addi %mul3A_903, %add3A_1348 : i32
        %get3A_1350 = arith.constant 0 : i32
        %get3A_1351 = arith.index_cast %get3A_1350 : i32 to index
        %get3A_1352 = arith.index_cast %add3A_1349 : i32 to index
        %get3A_1353 = arith.constant 64 : index
        %get3A_1354 = tpu.vector_load %arg6[%get3A_1351, %get3A_1352, %get3A_1353] {strides = array<i32>} : memref<4x128x128xf32, #tpu.memory_space<vmem>>, vector<1x1x16xf32>,
        %get3A_1355 = vector.shape_cast %get3A_1354 : vector<1x1x16xf32> to vector<16xf32>
        %add3A_1356 = arith.addf %add3A_1284, %get3A_1355 : vector<16xf32>
        %add3A_1357 = arith.constant 6 : i32
        %add3A_1358 = arith.addi %mul3A_903, %add3A_1357 : i32
        %get3A_1359 = arith.constant 0 : i32
        %get3A_1360 = arith.index_cast %get3A_1359 : i32 to index
        %get3A_1361 = arith.index_cast %add3A_1358 : i32 to index
        %get3A_1362 = arith.constant 80 : index
        %get3A_1363 = tpu.vector_load %arg6[%get3A_1360, %get3A_1361, %get3A_1362] {strides = array<i32>} : memref<4x128x128xf32, #tpu.memory_space<vmem>>, vector<1x1x16xf32>,
        %get3A_1364 = vector.shape_cast %get3A_1363 : vector<1x1x16xf32> to vector<16xf32>
        %add3A_1365 = arith.addf %add3A_1293, %get3A_1364 : vector<16xf32>
        %add3A_1366 = arith.constant 6 : i32
        %add3A_1367 = arith.addi %mul3A_903, %add3A_1366 : i32
        %get3A_1368 = arith.constant 0 : i32
        %get3A_1369 = arith.index_cast %get3A_1368 : i32 to index
        %get3A_1370 = arith.index_cast %add3A_1367 : i32 to index
        %get3A_1371 = arith.constant 96 : index
        %get3A_1372 = tpu.vector_load %arg6[%get3A_1369, %get3A_1370, %get3A_1371] {strides = array<i32>} : memref<4x128x128xf32, #tpu.memory_space<vmem>>, vector<1x1x16xf32>,
        %get3A_1373 = vector.shape_cast %get3A_1372 : vector<1x1x16xf32> to vector<16xf32>
        %add3A_1374 = arith.addf %add3A_1302, %get3A_1373 : vector<16xf32>
        %add3A_1375 = arith.constant 6 : i32
        %add3A_1376 = arith.addi %mul3A_903, %add3A_1375 : i32
        %get3A_1377 = arith.constant 0 : i32
        %get3A_1378 = arith.index_cast %get3A_1377 : i32 to index
        %get3A_1379 = arith.index_cast %add3A_1376 : i32 to index
        %get3A_1380 = arith.constant 112 : index
        %get3A_1381 = tpu.vector_load %arg6[%get3A_1378, %get3A_1379, %get3A_1380] {strides = array<i32>} : memref<4x128x128xf32, #tpu.memory_space<vmem>>, vector<1x1x16xf32>,
        %get3A_1382 = vector.shape_cast %get3A_1381 : vector<1x1x16xf32> to vector<16xf32>
        %add3A_1383 = arith.addf %add3A_1311, %get3A_1382 : vector<16xf32>
        %add3A_1384 = arith.constant 7 : i32
        %add3A_1385 = arith.addi %mul3A_903, %add3A_1384 : i32
        %get3A_1386 = arith.constant 0 : i32
        %get3A_1387 = arith.index_cast %get3A_1386 : i32 to index
        %get3A_1388 = arith.index_cast %add3A_1385 : i32 to index
        %get3A_1389 = arith.constant 0 : index
        %get3A_1390 = tpu.vector_load %arg6[%get3A_1387, %get3A_1388, %get3A_1389] {strides = array<i32>} : memref<4x128x128xf32, #tpu.memory_space<vmem>>, vector<1x1x16xf32>,
        %get3A_1391 = vector.shape_cast %get3A_1390 : vector<1x1x16xf32> to vector<16xf32>
        %add3A_1392 = arith.addf %add3A_1320, %get3A_1391 : vector<16xf32>
        %add3A_1393 = arith.constant 7 : i32
        %add3A_1394 = arith.addi %mul3A_903, %add3A_1393 : i32
        %get3A_1395 = arith.constant 0 : i32
        %get3A_1396 = arith.index_cast %get3A_1395 : i32 to index
        %get3A_1397 = arith.index_cast %add3A_1394 : i32 to index
        %get3A_1398 = arith.constant 16 : index
        %get3A_1399 = tpu.vector_load %arg6[%get3A_1396, %get3A_1397, %get3A_1398] {strides = array<i32>} : memref<4x128x128xf32, #tpu.memory_space<vmem>>, vector<1x1x16xf32>,
        %get3A_1400 = vector.shape_cast %get3A_1399 : vector<1x1x16xf32> to vector<16xf32>
        %add3A_1401 = arith.addf %add3A_1329, %get3A_1400 : vector<16xf32>
        %add3A_1402 = arith.constant 7 : i32
        %add3A_1403 = arith.addi %mul3A_903, %add3A_1402 : i32
        %get3A_1404 = arith.constant 0 : i32
        %get3A_1405 = arith.index_cast %get3A_1404 : i32 to index
        %get3A_1406 = arith.index_cast %add3A_1403 : i32 to index
        %get3A_1407 = arith.constant 32 : index
        %get3A_1408 = tpu.vector_load %arg6[%get3A_1405, %get3A_1406, %get3A_1407] {strides = array<i32>} : memref<4x128x128xf32, #tpu.memory_space<vmem>>, vector<1x1x16xf32>,
        %get3A_1409 = vector.shape_cast %get3A_1408 : vector<1x1x16xf32> to vector<16xf32>
        %add3A_1410 = arith.addf %add3A_1338, %get3A_1409 : vector<16xf32>
        %add3A_1411 = arith.constant 7 : i32
        %add3A_1412 = arith.addi %mul3A_903, %add3A_1411 : i32
        %get3A_1413 = arith.constant 0 : i32
        %get3A_1414 = arith.index_cast %get3A_1413 : i32 to index
        %get3A_1415 = arith.index_cast %add3A_1412 : i32 to index
        %get3A_1416 = arith.constant 48 : index
        %get3A_1417 = tpu.vector_load %arg6[%get3A_1414, %get3A_1415, %get3A_1416] {strides = array<i32>} : memref<4x128x128xf32, #tpu.memory_space<vmem>>, vector<1x1x16xf32>,
        %get3A_1418 = vector.shape_cast %get3A_1417 : vector<1x1x16xf32> to vector<16xf32>
        %add3A_1419 = arith.addf %add3A_1347, %get3A_1418 : vector<16xf32>
        %add3A_1420 = arith.constant 7 : i32
        %add3A_1421 = arith.addi %mul3A_903, %add3A_1420 : i32
        %get3A_1422 = arith.constant 0 : i32
        %get3A_1423 = arith.index_cast %get3A_1422 : i32 to index
        %get3A_1424 = arith.index_cast %add3A_1421 : i32 to index
        %get3A_1425 = arith.constant 64 : index
        %get3A_1426 = tpu.vector_load %arg6[%get3A_1423, %get3A_1424, %get3A_1425] {strides = array<i32>} : memref<4x128x128xf32, #tpu.memory_space<vmem>>, vector<1x1x16xf32>,
        %get3A_1427 = vector.shape_cast %get3A_1426 : vector<1x1x16xf32> to vector<16xf32>
        %add3A_1428 = arith.addf %add3A_1356, %get3A_1427 : vector<16xf32>
        %add3A_1429 = arith.constant 7 : i32
        %add3A_1430 = arith.addi %mul3A_903, %add3A_1429 : i32
        %get3A_1431 = arith.constant 0 : i32
        %get3A_1432 = arith.index_cast %get3A_1431 : i32 to index
        %get3A_1433 = arith.index_cast %add3A_1430 : i32 to index
        %get3A_1434 = arith.constant 80 : index
        %get3A_1435 = tpu.vector_load %arg6[%get3A_1432, %get3A_1433, %get3A_1434] {strides = array<i32>} : memref<4x128x128xf32, #tpu.memory_space<vmem>>, vector<1x1x16xf32>,
        %get3A_1436 = vector.shape_cast %get3A_1435 : vector<1x1x16xf32> to vector<16xf32>
        %add3A_1437 = arith.addf %add3A_1365, %get3A_1436 : vector<16xf32>
        %add3A_1438 = arith.constant 7 : i32
        %add3A_1439 = arith.addi %mul3A_903, %add3A_1438 : i32
        %get3A_1440 = arith.constant 0 : i32
        %get3A_1441 = arith.index_cast %get3A_1440 : i32 to index
        %get3A_1442 = arith.index_cast %add3A_1439 : i32 to index
        %get3A_1443 = arith.constant 96 : index
        %get3A_1444 = tpu.vector_load %arg6[%get3A_1441, %get3A_1442, %get3A_1443] {strides = array<i32>} : memref<4x128x128xf32, #tpu.memory_space<vmem>>, vector<1x1x16xf32>,
        %get3A_1445 = vector.shape_cast %get3A_1444 : vector<1x1x16xf32> to vector<16xf32>
        %add3A_1446 = arith.addf %add3A_1374, %get3A_1445 : vector<16xf32>
        %add3A_1447 = arith.constant 7 : i32
        %add3A_1448 = arith.addi %mul3A_903, %add3A_1447 : i32
        %get3A_1449 = arith.constant 0 : i32
        %get3A_1450 = arith.index_cast %get3A_1449 : i32 to index
        %get3A_1451 = arith.index_cast %add3A_1448 : i32 to index
        %get3A_1452 = arith.constant 112 : index
        %get3A_1453 = tpu.vector_load %arg6[%get3A_1450, %get3A_1451, %get3A_1452] {strides = array<i32>} : memref<4x128x128xf32, #tpu.memory_space<vmem>>, vector<1x1x16xf32>,
        %get3A_1454 = vector.shape_cast %get3A_1453 : vector<1x1x16xf32> to vector<16xf32>
        %add3A_1455 = arith.addf %add3A_1383, %get3A_1454 : vector<16xf32>
        %swap3A_1456 = arith.constant 0 : i32
        %swap3A_1457 = arith.index_cast %swap3A_1456 : i32 to index
        %swap3A_1458 = arith.index_cast %add3A_901 : i32 to index
        %swap3A_1459 = arith.constant 0 : index
        %swap3A_1460 = tpu.vector_load %arg7[%swap3A_1457, %swap3A_1458, %swap3A_1459] {strides = array<i32>} : memref<2x16x128xf32, #tpu.memory_space<vmem>>, vector<1x1x16xf32>,
        %swap3A_1461 = vector.shape_cast %swap3A_1460 : vector<1x1x16xf32> to vector<16xf32>
        %swap3A_1462 = vector.shape_cast %add3A_1392 : vector<16xf32> to vector<1x1x16xf32>
        tpu.vector_store %arg7[%swap3A_1457, %swap3A_1458, %swap3A_1459], %swap3A_1462 {strides = array<i32>} : memref<2x16x128xf32, #tpu.memory_space<vmem>>, vector<1x1x16xf32>,
        %swap3A_1463 = arith.constant 0 : i32
        %swap3A_1464 = arith.index_cast %swap3A_1463 : i32 to index
        %swap3A_1465 = arith.index_cast %add3A_901 : i32 to index
        %swap3A_1466 = arith.constant 16 : index
        %swap3A_1467 = tpu.vector_load %arg7[%swap3A_1464, %swap3A_1465, %swap3A_1466] {strides = array<i32>} : memref<2x16x128xf32, #tpu.memory_space<vmem>>, vector<1x1x16xf32>,
        %swap3A_1468 = vector.shape_cast %swap3A_1467 : vector<1x1x16xf32> to vector<16xf32>
        %swap3A_1469 = vector.shape_cast %add3A_1401 : vector<16xf32> to vector<1x1x16xf32>
        tpu.vector_store %arg7[%swap3A_1464, %swap3A_1465, %swap3A_1466], %swap3A_1469 {strides = array<i32>} : memref<2x16x128xf32, #tpu.memory_space<vmem>>, vector<1x1x16xf32>,
        %swap3A_1470 = arith.constant 0 : i32
        %swap3A_1471 = arith.index_cast %swap3A_1470 : i32 to index
        %swap3A_1472 = arith.index_cast %add3A_901 : i32 to index
        %swap3A_1473 = arith.constant 32 : index
        %swap3A_1474 = tpu.vector_load %arg7[%swap3A_1471, %swap3A_1472, %swap3A_1473] {strides = array<i32>} : memref<2x16x128xf32, #tpu.memory_space<vmem>>, vector<1x1x16xf32>,
        %swap3A_1475 = vector.shape_cast %swap3A_1474 : vector<1x1x16xf32> to vector<16xf32>
        %swap3A_1476 = vector.shape_cast %add3A_1410 : vector<16xf32> to vector<1x1x16xf32>
        tpu.vector_store %arg7[%swap3A_1471, %swap3A_1472, %swap3A_1473], %swap3A_1476 {strides = array<i32>} : memref<2x16x128xf32, #tpu.memory_space<vmem>>, vector<1x1x16xf32>,
        %swap3A_1477 = arith.constant 0 : i32
        %swap3A_1478 = arith.index_cast %swap3A_1477 : i32 to index
        %swap3A_1479 = arith.index_cast %add3A_901 : i32 to index
        %swap3A_1480 = arith.constant 48 : index
        %swap3A_1481 = tpu.vector_load %arg7[%swap3A_1478, %swap3A_1479, %swap3A_1480] {strides = array<i32>} : memref<2x16x128xf32, #tpu.memory_space<vmem>>, vector<1x1x16xf32>,
        %swap3A_1482 = vector.shape_cast %swap3A_1481 : vector<1x1x16xf32> to vector<16xf32>
        %swap3A_1483 = vector.shape_cast %add3A_1419 : vector<16xf32> to vector<1x1x16xf32>
        tpu.vector_store %arg7[%swap3A_1478, %swap3A_1479, %swap3A_1480], %swap3A_1483 {strides = array<i32>} : memref<2x16x128xf32, #tpu.memory_space<vmem>>, vector<1x1x16xf32>,
        %swap3A_1484 = arith.constant 0 : i32
        %swap3A_1485 = arith.index_cast %swap3A_1484 : i32 to index
        %swap3A_1486 = arith.index_cast %add3A_901 : i32 to index
        %swap3A_1487 = arith.constant 64 : index
        %swap3A_1488 = tpu.vector_load %arg7[%swap3A_1485, %swap3A_1486, %swap3A_1487] {strides = array<i32>} : memref<2x16x128xf32, #tpu.memory_space<vmem>>, vector<1x1x16xf32>,
        %swap3A_1489 = vector.shape_cast %swap3A_1488 : vector<1x1x16xf32> to vector<16xf32>
        %swap3A_1490 = vector.shape_cast %add3A_1428 : vector<16xf32> to vector<1x1x16xf32>
        tpu.vector_store %arg7[%swap3A_1485, %swap3A_1486, %swap3A_1487], %swap3A_1490 {strides = array<i32>} : memref<2x16x128xf32, #tpu.memory_space<vmem>>, vector<1x1x16xf32>,
        %swap3A_1491 = arith.constant 0 : i32
        %swap3A_1492 = arith.index_cast %swap3A_1491 : i32 to index
        %swap3A_1493 = arith.index_cast %add3A_901 : i32 to index
        %swap3A_1494 = arith.constant 80 : index
        %swap3A_1495 = tpu.vector_load %arg7[%swap3A_1492, %swap3A_1493, %swap3A_1494] {strides = array<i32>} : memref<2x16x128xf32, #tpu.memory_space<vmem>>, vector<1x1x16xf32>,
        %swap3A_1496 = vector.shape_cast %swap3A_1495 : vector<1x1x16xf32> to vector<16xf32>
        %swap3A_1497 = vector.shape_cast %add3A_1437 : vector<16xf32> to vector<1x1x16xf32>
        tpu.vector_store %arg7[%swap3A_1492, %swap3A_1493, %swap3A_1494], %swap3A_1497 {strides = array<i32>} : memref<2x16x128xf32, #tpu.memory_space<vmem>>, vector<1x1x16xf32>,
        %swap3A_1498 = arith.constant 0 : i32
        %swap3A_1499 = arith.index_cast %swap3A_1498 : i32 to index
        %swap3A_1500 = arith.index_cast %add3A_901 : i32 to index
        %swap3A_1501 = arith.constant 96 : index
        %swap3A_1502 = tpu.vector_load %arg7[%swap3A_1499, %swap3A_1500, %swap3A_1501] {strides = array<i32>} : memref<2x16x128xf32, #tpu.memory_space<vmem>>, vector<1x1x16xf32>,
        %swap3A_1503 = vector.shape_cast %swap3A_1502 : vector<1x1x16xf32> to vector<16xf32>
        %swap3A_1504 = vector.shape_cast %add3A_1446 : vector<16xf32> to vector<1x1x16xf32>
        tpu.vector_store %arg7[%swap3A_1499, %swap3A_1500, %swap3A_1501], %swap3A_1504 {strides = array<i32>} : memref<2x16x128xf32, #tpu.memory_space<vmem>>, vector<1x1x16xf32>,
        %swap3A_1505 = arith.constant 0 : i32
        %swap3A_1506 = arith.index_cast %swap3A_1505 : i32 to index
        %swap3A_1507 = arith.index_cast %add3A_901 : i32 to index
        %swap3A_1508 = arith.constant 112 : index
        %swap3A_1509 = tpu.vector_load %arg7[%swap3A_1506, %swap3A_1507, %swap3A_1508] {strides = array<i32>} : memref<2x16x128xf32, #tpu.memory_space<vmem>>, vector<1x1x16xf32>,
        %swap3A_1510 = vector.shape_cast %swap3A_1509 : vector<1x1x16xf32> to vector<16xf32>
        %swap3A_1511 = vector.shape_cast %add3A_1455 : vector<16xf32> to vector<1x1x16xf32>
        tpu.vector_store %arg7[%swap3A_1506, %swap3A_1507, %swap3A_1508], %swap3A_1511 {strides = array<i32>} : memref<2x16x128xf32, #tpu.memory_space<vmem>>, vector<1x1x16xf32>,
      }
      %scan3A_103 = arith.constant 8 : i32
      %add3A_104 = arith.constant 4 : i32
      %add3A_105 = arith.addi %add3A_80, %add3A_104 : i32
      %lt3A = arith.constant 64 : i32
      %lt3A_106 = arith.cmpi slt, %add3A_105, %lt3A : i32
      %convert_element_type3A_107 = arith.extui %lt3A_106 : i1 to i32
      %cond3A_108 = arith.constant 0 : i32
      %cond3A_109 = arith.cmpi ne, %convert_element_type3A_107, %cond3A_108 : i32
      scf.if %cond3A_109 {
        %add3A_285 = arith.constant 4 : i32
        %add3A_286 = arith.addi %add3A_80, %add3A_285 : i32
        %mul3A_287 = arith.constant 128 : i32
        %mul3A_288 = arith.muli %add3A_286, %mul3A_287 : i32
        %dma_start3A_289 = arith.constant 0 : i32
        %dma_start3A_290 = arith.constant 0 : i32
        %dma_start3A_291 = arith.constant 0 : i32
        %dma_start3A_292 = tpu.memref_slice %arg6[%dma_start3A_289, %dma_start3A_290, %dma_start3A_291] : memref<4x128x128xf32, #tpu.memory_space<vmem>> -> memref<1x128x128xf32, #tpu.memory_space<vmem>>
        %dma_start3A_293 = tpu.memref_squeeze %dma_start3A_292 : memref<1x128x128xf32, #tpu.memory_space<vmem>> -> memref<128x128xf32, #tpu.memory_space<vmem>>
        %dma_start3A_294 = tpu.memref_slice %arg5[%mul3A_288] : memref<8192xi32, #tpu.memory_space<vmem>> -> memref<128xi32, #tpu.memory_space<vmem>>
        %dma_start3A_295 = arith.constant 0 : i32
        %dma_start3A_296 = arith.constant 0 : i32
        %dma_start3A_297 = tpu.memref_slice %arg3[%dma_start3A_295, %dma_start3A_296] : memref<65536x128xf32, #tpu.memory_space<hbm>> -> memref<65536x128xf32, #tpu.memory_space<hbm>>
        tpu.enqueue_indirect_dma source(%dma_start3A_297 : memref<65536x128xf32, #tpu.memory_space<hbm>>) target(%dma_start3A_293 : memref<128x128xf32, #tpu.memory_space<vmem>>) offsets(%dma_start3A_294 : memref<128xi32, #tpu.memory_space<vmem>>) semaphore(%arg8 : memref<!tpu.dma_semaphore, #tpu.memory_space<semaphore_mem>>)
      } else {
      }
      %mul3A_110 = arith.constant 16 : i32
      %mul3A_111 = arith.muli %add3A_80, %mul3A_110 : i32
      %add3A_112 = arith.addi %mul3A_2, %mul3A_111 : i32
      %dma_start3A_113 = arith.constant 0 : i32
      %dma_start3A_114 = arith.constant 0 : i32
      %dma_start3A_115 = arith.constant 0 : i32
      %dma_start3A_116 = tpu.memref_slice %arg7[%dma_start3A_113, %dma_start3A_114, %dma_start3A_115] : memref<2x16x128xf32, #tpu.memory_space<vmem>> -> memref<1x16x128xf32, #tpu.memory_space<vmem>>
      %dma_start3A_117 = tpu.memref_squeeze %dma_start3A_116 : memref<1x16x128xf32, #tpu.memory_space<vmem>> -> memref<16x128xf32, #tpu.memory_space<vmem>>
      %dma_start3A_118 = arith.constant 0 : i32
      %dma_start3A_119 = tpu.memref_slice %arg4[%add3A_112, %dma_start3A_118] : memref<32768x128xf32, #tpu.memory_space<hbm>> -> memref<16x128xf32, #tpu.memory_space<hbm>>
      %dma_start3A_120 = arith.constant 0 : i32
      %dma_start3A_121 = tpu.memref_slice %arg4[%add3A_112, %dma_start3A_120] : memref<32768x128xf32, #tpu.memory_space<hbm>> -> memref<16x128xf32, #tpu.memory_space<hbm>>
      %dma_start3A_122 = arith.constant 0 : i32
      %dma_start3A_123 = arith.constant 0 : i32
      %dma_start3A_124 = tpu.memref_slice %arg7[%dma_start3A_113, %dma_start3A_122, %dma_start3A_123] : memref<2x16x128xf32, #tpu.memory_space<vmem>> -> memref<1x16x128xf32, #tpu.memory_space<vmem>>
      %dma_start3A_125 = tpu.memref_squeeze %dma_start3A_124 : memref<1x16x128xf32, #tpu.memory_space<vmem>> -> memref<16x128xf32, #tpu.memory_space<vmem>>
      tpu.enqueue_dma source(%dma_start3A_125 : memref<16x128xf32, #tpu.memory_space<vmem>>) target(%dma_start3A_121 : memref<16x128xf32, #tpu.memory_space<hbm>>) target_semaphore(%arg12 : memref<!tpu.dma_semaphore, #tpu.memory_space<semaphore_mem>>)
      %mul3A_126 = arith.constant 4 : i32
      %mul3A_127 = arith.muli %scan3A_76, %mul3A_126 : i32
      %add3A_128 = arith.constant 1 : i32
      %add3A_129 = arith.addi %mul3A_127, %add3A_128 : i32
      %dma_wait3A_130 = arith.constant 1 : i32
      %dma_wait3A_131 = arith.constant 0 : i32
      %dma_wait3A_132 = arith.constant 0 : i32
      %dma_wait3A_133 = tpu.memref_slice %arg6[%dma_wait3A_130, %dma_wait3A_131, %dma_wait3A_132] : memref<4x128x128xf32, #tpu.memory_space<vmem>> -> memref<1x128x128xf32, #tpu.memory_space<vmem>>
      %dma_wait3A_134 = tpu.memref_squeeze %dma_wait3A_133 : memref<1x128x128xf32, #tpu.memory_space<vmem>> -> memref<128x128xf32, #tpu.memory_space<vmem>>
      %dma_wait3A_135 = arith.constant 0 : i32
      %dma_wait3A_136 = arith.constant 0 : i32
      %dma_wait3A_137 = tpu.memref_slice %arg3[%dma_wait3A_135, %dma_wait3A_136] : memref<65536x128xf32, #tpu.memory_space<hbm>> -> memref<128x128xf32, #tpu.memory_space<hbm>>
      %dma_wait3A_138 = arith.constant 0 : i32
      %dma_wait3A_139 = arith.constant 0 : i32
      %dma_wait3A_140 = tpu.memref_slice %arg6[%dma_wait3A_130, %dma_wait3A_138, %dma_wait3A_139] : memref<4x128x128xf32, #tpu.memory_space<vmem>> -> memref<1x128x128xf32, #tpu.memory_space<vmem>>
      %dma_wait3A_141 = tpu.memref_squeeze %dma_wait3A_140 : memref<1x128x128xf32, #tpu.memory_space<vmem>> -> memref<128x128xf32, #tpu.memory_space<vmem>>
      %dma_wait3A_142 = arith.constant 0 : i32
      %dma_wait3A_143 = arith.constant 0 : i32
      %dma_wait3A_144 = tpu.memref_slice %arg3[%dma_wait3A_142, %dma_wait3A_143] : memref<65536x128xf32, #tpu.memory_space<hbm>> -> memref<128x128xf32, #tpu.memory_space<hbm>>
      tpu.wait_dma2 semaphore(%arg9 : memref<!tpu.dma_semaphore, #tpu.memory_space<semaphore_mem>>) src(%dma_wait3A_144 : memref<128x128xf32, #tpu.memory_space<hbm>>) dst(%dma_wait3A_141 : memref<128x128xf32, #tpu.memory_space<vmem>>)
      %ge3A_145 = arith.constant 2 : i32
      %ge3A_146 = arith.cmpi sge, %add3A_129, %ge3A_145 : i32
      %convert_element_type3A_147 = arith.extui %ge3A_146 : i1 to i32
      %cond3A_148 = arith.constant 0 : i32
      %cond3A_149 = arith.cmpi ne, %convert_element_type3A_147, %cond3A_148 : i32
      scf.if %cond3A_149 {
        %dma_wait3A_285 = arith.constant 1 : i32
        %dma_wait3A_286 = arith.constant 0 : i32
        %dma_wait3A_287 = arith.constant 0 : i32
        %dma_wait3A_288 = tpu.memref_slice %arg7[%dma_wait3A_285, %dma_wait3A_286, %dma_wait3A_287] : memref<2x16x128xf32, #tpu.memory_space<vmem>> -> memref<1x16x128xf32, #tpu.memory_space<vmem>>
        %dma_wait3A_289 = tpu.memref_squeeze %dma_wait3A_288 : memref<1x16x128xf32, #tpu.memory_space<vmem>> -> memref<16x128xf32, #tpu.memory_space<vmem>>
        %dma_wait3A_290 = arith.constant 0 : i32
        %dma_wait3A_291 = arith.constant 0 : i32
        %dma_wait3A_292 = tpu.memref_slice %arg4[%dma_wait3A_290, %dma_wait3A_291] : memref<32768x128xf32, #tpu.memory_space<hbm>> -> memref<16x128xf32, #tpu.memory_space<hbm>>
        %dma_wait3A_293 = arith.constant 0 : i32
        %dma_wait3A_294 = arith.constant 0 : i32
        %dma_wait3A_295 = tpu.memref_slice %arg4[%dma_wait3A_293, %dma_wait3A_294] : memref<32768x128xf32, #tpu.memory_space<hbm>> -> memref<16x128xf32, #tpu.memory_space<hbm>>
        %dma_wait3A_296 = arith.constant 0 : i32
        %dma_wait3A_297 = arith.constant 0 : i32
        %dma_wait3A_298 = tpu.memref_slice %arg7[%dma_wait3A_285, %dma_wait3A_296, %dma_wait3A_297] : memref<2x16x128xf32, #tpu.memory_space<vmem>> -> memref<1x16x128xf32, #tpu.memory_space<vmem>>
        %dma_wait3A_299 = tpu.memref_squeeze %dma_wait3A_298 : memref<1x16x128xf32, #tpu.memory_space<vmem>> -> memref<16x128xf32, #tpu.memory_space<vmem>>
        tpu.wait_dma2 semaphore(%arg13 : memref<!tpu.dma_semaphore, #tpu.memory_space<semaphore_mem>>) src(%dma_wait3A_299 : memref<16x128xf32, #tpu.memory_space<vmem>>) dst(%dma_wait3A_295 : memref<16x128xf32, #tpu.memory_space<hbm>>)
      } else {
      }
      %scan3A_150 = arith.constant 0 : i32
      %scan3A_151 = arith.constant 0 : i32
      %scan3A_152 = arith.constant 8 : i32
      %scan3A_153 = arith.addi %scan3A_151, %scan3A_152 : i32
      %scan3A_154 = arith.constant 1 : i32
      scf.for %scan3A_285 = %scan3A_151 to %scan3A_153 step %scan3A_154  : i32 {
        %mul3A_286 = arith.constant 2 : i32
        %mul3A_287 = arith.muli %scan3A_285, %mul3A_286 : i32
        %add3A_288 = arith.constant 0 : i32
        %add3A_289 = arith.addi %mul3A_287, %add3A_288 : i32
        %mul3A_290 = arith.constant 8 : i32
        %mul3A_291 = arith.muli %add3A_289, %mul3A_290 : i32
        %get3A = arith.constant 1 : i32
        %get3A_292 = arith.index_cast %get3A : i32 to index
        %get3A_293 = arith.index_cast %mul3A_291 : i32 to index
        %get3A_294 = arith.constant 0 : index
        %get3A_295 = tpu.vector_load %arg6[%get3A_292, %get3A_293, %get3A_294] {strides = array<i32>} : memref<4x128x128xf32, #tpu.memory_space<vmem>>, vector<1x1x16xf32>,
        %get3A_296 = vector.shape_cast %get3A_295 : vector<1x1x16xf32> to vector<16xf32>
        %get3A_297 = arith.constant 1 : i32
        %get3A_298 = arith.index_cast %get3A_297 : i32 to index
        %get3A_299 = arith.index_cast %mul3A_291 : i32 to index
        %get3A_300 = arith.constant 16 : index
        %get3A_301 = tpu.vector_load %arg6[%get3A_298, %get3A_299, %get3A_300] {strides = array<i32>} : memref<4x128x128xf32, #tpu.memory_space<vmem>>, vector<1x1x16xf32>,
        %get3A_302 = vector.shape_cast %get3A_301 : vector<1x1x16xf32> to vector<16xf32>
        %get3A_303 = arith.constant 1 : i32
        %get3A_304 = arith.index_cast %get3A_303 : i32 to index
        %get3A_305 = arith.index_cast %mul3A_291 : i32 to index
        %get3A_306 = arith.constant 32 : index
        %get3A_307 = tpu.vector_load %arg6[%get3A_304, %get3A_305, %get3A_306] {strides = array<i32>} : memref<4x128x128xf32, #tpu.memory_space<vmem>>, vector<1x1x16xf32>,
        %get3A_308 = vector.shape_cast %get3A_307 : vector<1x1x16xf32> to vector<16xf32>
        %get3A_309 = arith.constant 1 : i32
        %get3A_310 = arith.index_cast %get3A_309 : i32 to index
        %get3A_311 = arith.index_cast %mul3A_291 : i32 to index
        %get3A_312 = arith.constant 48 : index
        %get3A_313 = tpu.vector_load %arg6[%get3A_310, %get3A_311, %get3A_312] {strides = array<i32>} : memref<4x128x128xf32, #tpu.memory_space<vmem>>, vector<1x1x16xf32>,
        %get3A_314 = vector.shape_cast %get3A_313 : vector<1x1x16xf32> to vector<16xf32>
        %get3A_315 = arith.constant 1 : i32
        %get3A_316 = arith.index_cast %get3A_315 : i32 to index
        %get3A_317 = arith.index_cast %mul3A_291 : i32 to index
        %get3A_318 = arith.constant 64 : index
        %get3A_319 = tpu.vector_load %arg6[%get3A_316, %get3A_317, %get3A_318] {strides = array<i32>} : memref<4x128x128xf32, #tpu.memory_space<vmem>>, vector<1x1x16xf32>,
        %get3A_320 = vector.shape_cast %get3A_319 : vector<1x1x16xf32> to vector<16xf32>
        %get3A_321 = arith.constant 1 : i32
        %get3A_322 = arith.index_cast %get3A_321 : i32 to index
        %get3A_323 = arith.index_cast %mul3A_291 : i32 to index
        %get3A_324 = arith.constant 80 : index
        %get3A_325 = tpu.vector_load %arg6[%get3A_322, %get3A_323, %get3A_324] {strides = array<i32>} : memref<4x128x128xf32, #tpu.memory_space<vmem>>, vector<1x1x16xf32>,
        %get3A_326 = vector.shape_cast %get3A_325 : vector<1x1x16xf32> to vector<16xf32>
        %get3A_327 = arith.constant 1 : i32
        %get3A_328 = arith.index_cast %get3A_327 : i32 to index
        %get3A_329 = arith.index_cast %mul3A_291 : i32 to index
        %get3A_330 = arith.constant 96 : index
        %get3A_331 = tpu.vector_load %arg6[%get3A_328, %get3A_329, %get3A_330] {strides = array<i32>} : memref<4x128x128xf32, #tpu.memory_space<vmem>>, vector<1x1x16xf32>,
        %get3A_332 = vector.shape_cast %get3A_331 : vector<1x1x16xf32> to vector<16xf32>
        %get3A_333 = arith.constant 1 : i32
        %get3A_334 = arith.index_cast %get3A_333 : i32 to index
        %get3A_335 = arith.index_cast %mul3A_291 : i32 to index
        %get3A_336 = arith.constant 112 : index
        %get3A_337 = tpu.vector_load %arg6[%get3A_334, %get3A_335, %get3A_336] {strides = array<i32>} : memref<4x128x128xf32, #tpu.memory_space<vmem>>, vector<1x1x16xf32>,
        %get3A_338 = vector.shape_cast %get3A_337 : vector<1x1x16xf32> to vector<16xf32>
        %add3A_339 = arith.constant 1 : i32
        %add3A_340 = arith.addi %mul3A_291, %add3A_339 : i32
        %get3A_341 = arith.constant 1 : i32
        %get3A_342 = arith.index_cast %get3A_341 : i32 to index
        %get3A_343 = arith.index_cast %add3A_340 : i32 to index
        %get3A_344 = arith.constant 0 : index
        %get3A_345 = tpu.vector_load %arg6[%get3A_342, %get3A_343, %get3A_344] {strides = array<i32>} : memref<4x128x128xf32, #tpu.memory_space<vmem>>, vector<1x1x16xf32>,
        %get3A_346 = vector.shape_cast %get3A_345 : vector<1x1x16xf32> to vector<16xf32>
        %add3A_347 = arith.addf %get3A_296, %get3A_346 : vector<16xf32>
        %add3A_348 = arith.constant 1 : i32
        %add3A_349 = arith.addi %mul3A_291, %add3A_348 : i32
        %get3A_350 = arith.constant 1 : i32
        %get3A_351 = arith.index_cast %get3A_350 : i32 to index
        %get3A_352 = arith.index_cast %add3A_349 : i32 to index
        %get3A_353 = arith.constant 16 : index
        %get3A_354 = tpu.vector_load %arg6[%get3A_351, %get3A_352, %get3A_353] {strides = array<i32>} : memref<4x128x128xf32, #tpu.memory_space<vmem>>, vector<1x1x16xf32>,
        %get3A_355 = vector.shape_cast %get3A_354 : vector<1x1x16xf32> to vector<16xf32>
        %add3A_356 = arith.addf %get3A_302, %get3A_355 : vector<16xf32>
        %add3A_357 = arith.constant 1 : i32
        %add3A_358 = arith.addi %mul3A_291, %add3A_357 : i32
        %get3A_359 = arith.constant 1 : i32
        %get3A_360 = arith.index_cast %get3A_359 : i32 to index
        %get3A_361 = arith.index_cast %add3A_358 : i32 to index
        %get3A_362 = arith.constant 32 : index
        %get3A_363 = tpu.vector_load %arg6[%get3A_360, %get3A_361, %get3A_362] {strides = array<i32>} : memref<4x128x128xf32, #tpu.memory_space<vmem>>, vector<1x1x16xf32>,
        %get3A_364 = vector.shape_cast %get3A_363 : vector<1x1x16xf32> to vector<16xf32>
        %add3A_365 = arith.addf %get3A_308, %get3A_364 : vector<16xf32>
        %add3A_366 = arith.constant 1 : i32
        %add3A_367 = arith.addi %mul3A_291, %add3A_366 : i32
        %get3A_368 = arith.constant 1 : i32
        %get3A_369 = arith.index_cast %get3A_368 : i32 to index
        %get3A_370 = arith.index_cast %add3A_367 : i32 to index
        %get3A_371 = arith.constant 48 : index
        %get3A_372 = tpu.vector_load %arg6[%get3A_369, %get3A_370, %get3A_371] {strides = array<i32>} : memref<4x128x128xf32, #tpu.memory_space<vmem>>, vector<1x1x16xf32>,
        %get3A_373 = vector.shape_cast %get3A_372 : vector<1x1x16xf32> to vector<16xf32>
        %add3A_374 = arith.addf %get3A_314, %get3A_373 : vector<16xf32>
        %add3A_375 = arith.constant 1 : i32
        %add3A_376 = arith.addi %mul3A_291, %add3A_375 : i32
        %get3A_377 = arith.constant 1 : i32
        %get3A_378 = arith.index_cast %get3A_377 : i32 to index
        %get3A_379 = arith.index_cast %add3A_376 : i32 to index
        %get3A_380 = arith.constant 64 : index
        %get3A_381 = tpu.vector_load %arg6[%get3A_378, %get3A_379, %get3A_380] {strides = array<i32>} : memref<4x128x128xf32, #tpu.memory_space<vmem>>, vector<1x1x16xf32>,
        %get3A_382 = vector.shape_cast %get3A_381 : vector<1x1x16xf32> to vector<16xf32>
        %add3A_383 = arith.addf %get3A_320, %get3A_382 : vector<16xf32>
        %add3A_384 = arith.constant 1 : i32
        %add3A_385 = arith.addi %mul3A_291, %add3A_384 : i32
        %get3A_386 = arith.constant 1 : i32
        %get3A_387 = arith.index_cast %get3A_386 : i32 to index
        %get3A_388 = arith.index_cast %add3A_385 : i32 to index
        %get3A_389 = arith.constant 80 : index
        %get3A_390 = tpu.vector_load %arg6[%get3A_387, %get3A_388, %get3A_389] {strides = array<i32>} : memref<4x128x128xf32, #tpu.memory_space<vmem>>, vector<1x1x16xf32>,
        %get3A_391 = vector.shape_cast %get3A_390 : vector<1x1x16xf32> to vector<16xf32>
        %add3A_392 = arith.addf %get3A_326, %get3A_391 : vector<16xf32>
        %add3A_393 = arith.constant 1 : i32
        %add3A_394 = arith.addi %mul3A_291, %add3A_393 : i32
        %get3A_395 = arith.constant 1 : i32
        %get3A_396 = arith.index_cast %get3A_395 : i32 to index
        %get3A_397 = arith.index_cast %add3A_394 : i32 to index
        %get3A_398 = arith.constant 96 : index
        %get3A_399 = tpu.vector_load %arg6[%get3A_396, %get3A_397, %get3A_398] {strides = array<i32>} : memref<4x128x128xf32, #tpu.memory_space<vmem>>, vector<1x1x16xf32>,
        %get3A_400 = vector.shape_cast %get3A_399 : vector<1x1x16xf32> to vector<16xf32>
        %add3A_401 = arith.addf %get3A_332, %get3A_400 : vector<16xf32>
        %add3A_402 = arith.constant 1 : i32
        %add3A_403 = arith.addi %mul3A_291, %add3A_402 : i32
        %get3A_404 = arith.constant 1 : i32
        %get3A_405 = arith.index_cast %get3A_404 : i32 to index
        %get3A_406 = arith.index_cast %add3A_403 : i32 to index
        %get3A_407 = arith.constant 112 : index
        %get3A_408 = tpu.vector_load %arg6[%get3A_405, %get3A_406, %get3A_407] {strides = array<i32>} : memref<4x128x128xf32, #tpu.memory_space<vmem>>, vector<1x1x16xf32>,
        %get3A_409 = vector.shape_cast %get3A_408 : vector<1x1x16xf32> to vector<16xf32>
        %add3A_410 = arith.addf %get3A_338, %get3A_409 : vector<16xf32>
        %add3A_411 = arith.constant 2 : i32
        %add3A_412 = arith.addi %mul3A_291, %add3A_411 : i32
        %get3A_413 = arith.constant 1 : i32
        %get3A_414 = arith.index_cast %get3A_413 : i32 to index
        %get3A_415 = arith.index_cast %add3A_412 : i32 to index
        %get3A_416 = arith.constant 0 : index
        %get3A_417 = tpu.vector_load %arg6[%get3A_414, %get3A_415, %get3A_416] {strides = array<i32>} : memref<4x128x128xf32, #tpu.memory_space<vmem>>, vector<1x1x16xf32>,
        %get3A_418 = vector.shape_cast %get3A_417 : vector<1x1x16xf32> to vector<16xf32>
        %add3A_419 = arith.addf %add3A_347, %get3A_418 : vector<16xf32>
        %add3A_420 = arith.constant 2 : i32
        %add3A_421 = arith.addi %mul3A_291, %add3A_420 : i32
        %get3A_422 = arith.constant 1 : i32
        %get3A_423 = arith.index_cast %get3A_422 : i32 to index
        %get3A_424 = arith.index_cast %add3A_421 : i32 to index
        %get3A_425 = arith.constant 16 : index
        %get3A_426 = tpu.vector_load %arg6[%get3A_423, %get3A_424, %get3A_425] {strides = array<i32>} : memref<4x128x128xf32, #tpu.memory_space<vmem>>, vector<1x1x16xf32>,
        %get3A_427 = vector.shape_cast %get3A_426 : vector<1x1x16xf32> to vector<16xf32>
        %add3A_428 = arith.addf %add3A_356, %get3A_427 : vector<16xf32>
        %add3A_429 = arith.constant 2 : i32
        %add3A_430 = arith.addi %mul3A_291, %add3A_429 : i32
        %get3A_431 = arith.constant 1 : i32
        %get3A_432 = arith.index_cast %get3A_431 : i32 to index
        %get3A_433 = arith.index_cast %add3A_430 : i32 to index
        %get3A_434 = arith.constant 32 : index
        %get3A_435 = tpu.vector_load %arg6[%get3A_432, %get3A_433, %get3A_434] {strides = array<i32>} : memref<4x128x128xf32, #tpu.memory_space<vmem>>, vector<1x1x16xf32>,
        %get3A_436 = vector.shape_cast %get3A_435 : vector<1x1x16xf32> to vector<16xf32>
        %add3A_437 = arith.addf %add3A_365, %get3A_436 : vector<16xf32>
        %add3A_438 = arith.constant 2 : i32
        %add3A_439 = arith.addi %mul3A_291, %add3A_438 : i32
        %get3A_440 = arith.constant 1 : i32
        %get3A_441 = arith.index_cast %get3A_440 : i32 to index
        %get3A_442 = arith.index_cast %add3A_439 : i32 to index
        %get3A_443 = arith.constant 48 : index
        %get3A_444 = tpu.vector_load %arg6[%get3A_441, %get3A_442, %get3A_443] {strides = array<i32>} : memref<4x128x128xf32, #tpu.memory_space<vmem>>, vector<1x1x16xf32>,
        %get3A_445 = vector.shape_cast %get3A_444 : vector<1x1x16xf32> to vector<16xf32>
        %add3A_446 = arith.addf %add3A_374, %get3A_445 : vector<16xf32>
        %add3A_447 = arith.constant 2 : i32
        %add3A_448 = arith.addi %mul3A_291, %add3A_447 : i32
        %get3A_449 = arith.constant 1 : i32
        %get3A_450 = arith.index_cast %get3A_449 : i32 to index
        %get3A_451 = arith.index_cast %add3A_448 : i32 to index
        %get3A_452 = arith.constant 64 : index
        %get3A_453 = tpu.vector_load %arg6[%get3A_450, %get3A_451, %get3A_452] {strides = array<i32>} : memref<4x128x128xf32, #tpu.memory_space<vmem>>, vector<1x1x16xf32>,
        %get3A_454 = vector.shape_cast %get3A_453 : vector<1x1x16xf32> to vector<16xf32>
        %add3A_455 = arith.addf %add3A_383, %get3A_454 : vector<16xf32>
        %add3A_456 = arith.constant 2 : i32
        %add3A_457 = arith.addi %mul3A_291, %add3A_456 : i32
        %get3A_458 = arith.constant 1 : i32
        %get3A_459 = arith.index_cast %get3A_458 : i32 to index
        %get3A_460 = arith.index_cast %add3A_457 : i32 to index
        %get3A_461 = arith.constant 80 : index
        %get3A_462 = tpu.vector_load %arg6[%get3A_459, %get3A_460, %get3A_461] {strides = array<i32>} : memref<4x128x128xf32, #tpu.memory_space<vmem>>, vector<1x1x16xf32>,
        %get3A_463 = vector.shape_cast %get3A_462 : vector<1x1x16xf32> to vector<16xf32>
        %add3A_464 = arith.addf %add3A_392, %get3A_463 : vector<16xf32>
        %add3A_465 = arith.constant 2 : i32
        %add3A_466 = arith.addi %mul3A_291, %add3A_465 : i32
        %get3A_467 = arith.constant 1 : i32
        %get3A_468 = arith.index_cast %get3A_467 : i32 to index
        %get3A_469 = arith.index_cast %add3A_466 : i32 to index
        %get3A_470 = arith.constant 96 : index
        %get3A_471 = tpu.vector_load %arg6[%get3A_468, %get3A_469, %get3A_470] {strides = array<i32>} : memref<4x128x128xf32, #tpu.memory_space<vmem>>, vector<1x1x16xf32>,
        %get3A_472 = vector.shape_cast %get3A_471 : vector<1x1x16xf32> to vector<16xf32>
        %add3A_473 = arith.addf %add3A_401, %get3A_472 : vector<16xf32>
        %add3A_474 = arith.constant 2 : i32
        %add3A_475 = arith.addi %mul3A_291, %add3A_474 : i32
        %get3A_476 = arith.constant 1 : i32
        %get3A_477 = arith.index_cast %get3A_476 : i32 to index
        %get3A_478 = arith.index_cast %add3A_475 : i32 to index
        %get3A_479 = arith.constant 112 : index
        %get3A_480 = tpu.vector_load %arg6[%get3A_477, %get3A_478, %get3A_479] {strides = array<i32>} : memref<4x128x128xf32, #tpu.memory_space<vmem>>, vector<1x1x16xf32>,
        %get3A_481 = vector.shape_cast %get3A_480 : vector<1x1x16xf32> to vector<16xf32>
        %add3A_482 = arith.addf %add3A_410, %get3A_481 : vector<16xf32>
        %add3A_483 = arith.constant 3 : i32
        %add3A_484 = arith.addi %mul3A_291, %add3A_483 : i32
        %get3A_485 = arith.constant 1 : i32
        %get3A_486 = arith.index_cast %get3A_485 : i32 to index
        %get3A_487 = arith.index_cast %add3A_484 : i32 to index
        %get3A_488 = arith.constant 0 : index
        %get3A_489 = tpu.vector_load %arg6[%get3A_486, %get3A_487, %get3A_488] {strides = array<i32>} : memref<4x128x128xf32, #tpu.memory_space<vmem>>, vector<1x1x16xf32>,
        %get3A_490 = vector.shape_cast %get3A_489 : vector<1x1x16xf32> to vector<16xf32>
        %add3A_491 = arith.addf %add3A_419, %get3A_490 : vector<16xf32>
        %add3A_492 = arith.constant 3 : i32
        %add3A_493 = arith.addi %mul3A_291, %add3A_492 : i32
        %get3A_494 = arith.constant 1 : i32
        %get3A_495 = arith.index_cast %get3A_494 : i32 to index
        %get3A_496 = arith.index_cast %add3A_493 : i32 to index
        %get3A_497 = arith.constant 16 : index
        %get3A_498 = tpu.vector_load %arg6[%get3A_495, %get3A_496, %get3A_497] {strides = array<i32>} : memref<4x128x128xf32, #tpu.memory_space<vmem>>, vector<1x1x16xf32>,
        %get3A_499 = vector.shape_cast %get3A_498 : vector<1x1x16xf32> to vector<16xf32>
        %add3A_500 = arith.addf %add3A_428, %get3A_499 : vector<16xf32>
        %add3A_501 = arith.constant 3 : i32
        %add3A_502 = arith.addi %mul3A_291, %add3A_501 : i32
        %get3A_503 = arith.constant 1 : i32
        %get3A_504 = arith.index_cast %get3A_503 : i32 to index
        %get3A_505 = arith.index_cast %add3A_502 : i32 to index
        %get3A_506 = arith.constant 32 : index
        %get3A_507 = tpu.vector_load %arg6[%get3A_504, %get3A_505, %get3A_506] {strides = array<i32>} : memref<4x128x128xf32, #tpu.memory_space<vmem>>, vector<1x1x16xf32>,
        %get3A_508 = vector.shape_cast %get3A_507 : vector<1x1x16xf32> to vector<16xf32>
        %add3A_509 = arith.addf %add3A_437, %get3A_508 : vector<16xf32>
        %add3A_510 = arith.constant 3 : i32
        %add3A_511 = arith.addi %mul3A_291, %add3A_510 : i32
        %get3A_512 = arith.constant 1 : i32
        %get3A_513 = arith.index_cast %get3A_512 : i32 to index
        %get3A_514 = arith.index_cast %add3A_511 : i32 to index
        %get3A_515 = arith.constant 48 : index
        %get3A_516 = tpu.vector_load %arg6[%get3A_513, %get3A_514, %get3A_515] {strides = array<i32>} : memref<4x128x128xf32, #tpu.memory_space<vmem>>, vector<1x1x16xf32>,
        %get3A_517 = vector.shape_cast %get3A_516 : vector<1x1x16xf32> to vector<16xf32>
        %add3A_518 = arith.addf %add3A_446, %get3A_517 : vector<16xf32>
        %add3A_519 = arith.constant 3 : i32
        %add3A_520 = arith.addi %mul3A_291, %add3A_519 : i32
        %get3A_521 = arith.constant 1 : i32
        %get3A_522 = arith.index_cast %get3A_521 : i32 to index
        %get3A_523 = arith.index_cast %add3A_520 : i32 to index
        %get3A_524 = arith.constant 64 : index
        %get3A_525 = tpu.vector_load %arg6[%get3A_522, %get3A_523, %get3A_524] {strides = array<i32>} : memref<4x128x128xf32, #tpu.memory_space<vmem>>, vector<1x1x16xf32>,
        %get3A_526 = vector.shape_cast %get3A_525 : vector<1x1x16xf32> to vector<16xf32>
        %add3A_527 = arith.addf %add3A_455, %get3A_526 : vector<16xf32>
        %add3A_528 = arith.constant 3 : i32
        %add3A_529 = arith.addi %mul3A_291, %add3A_528 : i32
        %get3A_530 = arith.constant 1 : i32
        %get3A_531 = arith.index_cast %get3A_530 : i32 to index
        %get3A_532 = arith.index_cast %add3A_529 : i32 to index
        %get3A_533 = arith.constant 80 : index
        %get3A_534 = tpu.vector_load %arg6[%get3A_531, %get3A_532, %get3A_533] {strides = array<i32>} : memref<4x128x128xf32, #tpu.memory_space<vmem>>, vector<1x1x16xf32>,
        %get3A_535 = vector.shape_cast %get3A_534 : vector<1x1x16xf32> to vector<16xf32>
        %add3A_536 = arith.addf %add3A_464, %get3A_535 : vector<16xf32>
        %add3A_537 = arith.constant 3 : i32
        %add3A_538 = arith.addi %mul3A_291, %add3A_537 : i32
        %get3A_539 = arith.constant 1 : i32
        %get3A_540 = arith.index_cast %get3A_539 : i32 to index
        %get3A_541 = arith.index_cast %add3A_538 : i32 to index
        %get3A_542 = arith.constant 96 : index
        %get3A_543 = tpu.vector_load %arg6[%get3A_540, %get3A_541, %get3A_542] {strides = array<i32>} : memref<4x128x128xf32, #tpu.memory_space<vmem>>, vector<1x1x16xf32>,
        %get3A_544 = vector.shape_cast %get3A_543 : vector<1x1x16xf32> to vector<16xf32>
        %add3A_545 = arith.addf %add3A_473, %get3A_544 : vector<16xf32>
        %add3A_546 = arith.constant 3 : i32
        %add3A_547 = arith.addi %mul3A_291, %add3A_546 : i32
        %get3A_548 = arith.constant 1 : i32
        %get3A_549 = arith.index_cast %get3A_548 : i32 to index
        %get3A_550 = arith.index_cast %add3A_547 : i32 to index
        %get3A_551 = arith.constant 112 : index
        %get3A_552 = tpu.vector_load %arg6[%get3A_549, %get3A_550, %get3A_551] {strides = array<i32>} : memref<4x128x128xf32, #tpu.memory_space<vmem>>, vector<1x1x16xf32>,
        %get3A_553 = vector.shape_cast %get3A_552 : vector<1x1x16xf32> to vector<16xf32>
        %add3A_554 = arith.addf %add3A_482, %get3A_553 : vector<16xf32>
        %add3A_555 = arith.constant 4 : i32
        %add3A_556 = arith.addi %mul3A_291, %add3A_555 : i32
        %get3A_557 = arith.constant 1 : i32
        %get3A_558 = arith.index_cast %get3A_557 : i32 to index
        %get3A_559 = arith.index_cast %add3A_556 : i32 to index
        %get3A_560 = arith.constant 0 : index
        %get3A_561 = tpu.vector_load %arg6[%get3A_558, %get3A_559, %get3A_560] {strides = array<i32>} : memref<4x128x128xf32, #tpu.memory_space<vmem>>, vector<1x1x16xf32>,
        %get3A_562 = vector.shape_cast %get3A_561 : vector<1x1x16xf32> to vector<16xf32>
        %add3A_563 = arith.addf %add3A_491, %get3A_562 : vector<16xf32>
        %add3A_564 = arith.constant 4 : i32
        %add3A_565 = arith.addi %mul3A_291, %add3A_564 : i32
        %get3A_566 = arith.constant 1 : i32
        %get3A_567 = arith.index_cast %get3A_566 : i32 to index
        %get3A_568 = arith.index_cast %add3A_565 : i32 to index
        %get3A_569 = arith.constant 16 : index
        %get3A_570 = tpu.vector_load %arg6[%get3A_567, %get3A_568, %get3A_569] {strides = array<i32>} : memref<4x128x128xf32, #tpu.memory_space<vmem>>, vector<1x1x16xf32>,
        %get3A_571 = vector.shape_cast %get3A_570 : vector<1x1x16xf32> to vector<16xf32>
        %add3A_572 = arith.addf %add3A_500, %get3A_571 : vector<16xf32>
        %add3A_573 = arith.constant 4 : i32
        %add3A_574 = arith.addi %mul3A_291, %add3A_573 : i32
        %get3A_575 = arith.constant 1 : i32
        %get3A_576 = arith.index_cast %get3A_575 : i32 to index
        %get3A_577 = arith.index_cast %add3A_574 : i32 to index
        %get3A_578 = arith.constant 32 : index
        %get3A_579 = tpu.vector_load %arg6[%get3A_576, %get3A_577, %get3A_578] {strides = array<i32>} : memref<4x128x128xf32, #tpu.memory_space<vmem>>, vector<1x1x16xf32>,
        %get3A_580 = vector.shape_cast %get3A_579 : vector<1x1x16xf32> to vector<16xf32>
        %add3A_581 = arith.addf %add3A_509, %get3A_580 : vector<16xf32>
        %add3A_582 = arith.constant 4 : i32
        %add3A_583 = arith.addi %mul3A_291, %add3A_582 : i32
        %get3A_584 = arith.constant 1 : i32
        %get3A_585 = arith.index_cast %get3A_584 : i32 to index
        %get3A_586 = arith.index_cast %add3A_583 : i32 to index
        %get3A_587 = arith.constant 48 : index
        %get3A_588 = tpu.vector_load %arg6[%get3A_585, %get3A_586, %get3A_587] {strides = array<i32>} : memref<4x128x128xf32, #tpu.memory_space<vmem>>, vector<1x1x16xf32>,
        %get3A_589 = vector.shape_cast %get3A_588 : vector<1x1x16xf32> to vector<16xf32>
        %add3A_590 = arith.addf %add3A_518, %get3A_589 : vector<16xf32>
        %add3A_591 = arith.constant 4 : i32
        %add3A_592 = arith.addi %mul3A_291, %add3A_591 : i32
        %get3A_593 = arith.constant 1 : i32
        %get3A_594 = arith.index_cast %get3A_593 : i32 to index
        %get3A_595 = arith.index_cast %add3A_592 : i32 to index
        %get3A_596 = arith.constant 64 : index
        %get3A_597 = tpu.vector_load %arg6[%get3A_594, %get3A_595, %get3A_596] {strides = array<i32>} : memref<4x128x128xf32, #tpu.memory_space<vmem>>, vector<1x1x16xf32>,
        %get3A_598 = vector.shape_cast %get3A_597 : vector<1x1x16xf32> to vector<16xf32>
        %add3A_599 = arith.addf %add3A_527, %get3A_598 : vector<16xf32>
        %add3A_600 = arith.constant 4 : i32
        %add3A_601 = arith.addi %mul3A_291, %add3A_600 : i32
        %get3A_602 = arith.constant 1 : i32
        %get3A_603 = arith.index_cast %get3A_602 : i32 to index
        %get3A_604 = arith.index_cast %add3A_601 : i32 to index
        %get3A_605 = arith.constant 80 : index
        %get3A_606 = tpu.vector_load %arg6[%get3A_603, %get3A_604, %get3A_605] {strides = array<i32>} : memref<4x128x128xf32, #tpu.memory_space<vmem>>, vector<1x1x16xf32>,
        %get3A_607 = vector.shape_cast %get3A_606 : vector<1x1x16xf32> to vector<16xf32>
        %add3A_608 = arith.addf %add3A_536, %get3A_607 : vector<16xf32>
        %add3A_609 = arith.constant 4 : i32
        %add3A_610 = arith.addi %mul3A_291, %add3A_609 : i32
        %get3A_611 = arith.constant 1 : i32
        %get3A_612 = arith.index_cast %get3A_611 : i32 to index
        %get3A_613 = arith.index_cast %add3A_610 : i32 to index
        %get3A_614 = arith.constant 96 : index
        %get3A_615 = tpu.vector_load %arg6[%get3A_612, %get3A_613, %get3A_614] {strides = array<i32>} : memref<4x128x128xf32, #tpu.memory_space<vmem>>, vector<1x1x16xf32>,
        %get3A_616 = vector.shape_cast %get3A_615 : vector<1x1x16xf32> to vector<16xf32>
        %add3A_617 = arith.addf %add3A_545, %get3A_616 : vector<16xf32>
        %add3A_618 = arith.constant 4 : i32
        %add3A_619 = arith.addi %mul3A_291, %add3A_618 : i32
        %get3A_620 = arith.constant 1 : i32
        %get3A_621 = arith.index_cast %get3A_620 : i32 to index
        %get3A_622 = arith.index_cast %add3A_619 : i32 to index
        %get3A_623 = arith.constant 112 : index
        %get3A_624 = tpu.vector_load %arg6[%get3A_621, %get3A_622, %get3A_623] {strides = array<i32>} : memref<4x128x128xf32, #tpu.memory_space<vmem>>, vector<1x1x16xf32>,
        %get3A_625 = vector.shape_cast %get3A_624 : vector<1x1x16xf32> to vector<16xf32>
        %add3A_626 = arith.addf %add3A_554, %get3A_625 : vector<16xf32>
        %add3A_627 = arith.constant 5 : i32
        %add3A_628 = arith.addi %mul3A_291, %add3A_627 : i32
        %get3A_629 = arith.constant 1 : i32
        %get3A_630 = arith.index_cast %get3A_629 : i32 to index
        %get3A_631 = arith.index_cast %add3A_628 : i32 to index
        %get3A_632 = arith.constant 0 : index
        %get3A_633 = tpu.vector_load %arg6[%get3A_630, %get3A_631, %get3A_632] {strides = array<i32>} : memref<4x128x128xf32, #tpu.memory_space<vmem>>, vector<1x1x16xf32>,
        %get3A_634 = vector.shape_cast %get3A_633 : vector<1x1x16xf32> to vector<16xf32>
        %add3A_635 = arith.addf %add3A_563, %get3A_634 : vector<16xf32>
        %add3A_636 = arith.constant 5 : i32
        %add3A_637 = arith.addi %mul3A_291, %add3A_636 : i32
        %get3A_638 = arith.constant 1 : i32
        %get3A_639 = arith.index_cast %get3A_638 : i32 to index
        %get3A_640 = arith.index_cast %add3A_637 : i32 to index
        %get3A_641 = arith.constant 16 : index
        %get3A_642 = tpu.vector_load %arg6[%get3A_639, %get3A_640, %get3A_641] {strides = array<i32>} : memref<4x128x128xf32, #tpu.memory_space<vmem>>, vector<1x1x16xf32>,
        %get3A_643 = vector.shape_cast %get3A_642 : vector<1x1x16xf32> to vector<16xf32>
        %add3A_644 = arith.addf %add3A_572, %get3A_643 : vector<16xf32>
        %add3A_645 = arith.constant 5 : i32
        %add3A_646 = arith.addi %mul3A_291, %add3A_645 : i32
        %get3A_647 = arith.constant 1 : i32
        %get3A_648 = arith.index_cast %get3A_647 : i32 to index
        %get3A_649 = arith.index_cast %add3A_646 : i32 to index
        %get3A_650 = arith.constant 32 : index
        %get3A_651 = tpu.vector_load %arg6[%get3A_648, %get3A_649, %get3A_650] {strides = array<i32>} : memref<4x128x128xf32, #tpu.memory_space<vmem>>, vector<1x1x16xf32>,
        %get3A_652 = vector.shape_cast %get3A_651 : vector<1x1x16xf32> to vector<16xf32>
        %add3A_653 = arith.addf %add3A_581, %get3A_652 : vector<16xf32>
        %add3A_654 = arith.constant 5 : i32
        %add3A_655 = arith.addi %mul3A_291, %add3A_654 : i32
        %get3A_656 = arith.constant 1 : i32
        %get3A_657 = arith.index_cast %get3A_656 : i32 to index
        %get3A_658 = arith.index_cast %add3A_655 : i32 to index
        %get3A_659 = arith.constant 48 : index
        %get3A_660 = tpu.vector_load %arg6[%get3A_657, %get3A_658, %get3A_659] {strides = array<i32>} : memref<4x128x128xf32, #tpu.memory_space<vmem>>, vector<1x1x16xf32>,
        %get3A_661 = vector.shape_cast %get3A_660 : vector<1x1x16xf32> to vector<16xf32>
        %add3A_662 = arith.addf %add3A_590, %get3A_661 : vector<16xf32>
        %add3A_663 = arith.constant 5 : i32
        %add3A_664 = arith.addi %mul3A_291, %add3A_663 : i32
        %get3A_665 = arith.constant 1 : i32
        %get3A_666 = arith.index_cast %get3A_665 : i32 to index
        %get3A_667 = arith.index_cast %add3A_664 : i32 to index
        %get3A_668 = arith.constant 64 : index
        %get3A_669 = tpu.vector_load %arg6[%get3A_666, %get3A_667, %get3A_668] {strides = array<i32>} : memref<4x128x128xf32, #tpu.memory_space<vmem>>, vector<1x1x16xf32>,
        %get3A_670 = vector.shape_cast %get3A_669 : vector<1x1x16xf32> to vector<16xf32>
        %add3A_671 = arith.addf %add3A_599, %get3A_670 : vector<16xf32>
        %add3A_672 = arith.constant 5 : i32
        %add3A_673 = arith.addi %mul3A_291, %add3A_672 : i32
        %get3A_674 = arith.constant 1 : i32
        %get3A_675 = arith.index_cast %get3A_674 : i32 to index
        %get3A_676 = arith.index_cast %add3A_673 : i32 to index
        %get3A_677 = arith.constant 80 : index
        %get3A_678 = tpu.vector_load %arg6[%get3A_675, %get3A_676, %get3A_677] {strides = array<i32>} : memref<4x128x128xf32, #tpu.memory_space<vmem>>, vector<1x1x16xf32>,
        %get3A_679 = vector.shape_cast %get3A_678 : vector<1x1x16xf32> to vector<16xf32>
        %add3A_680 = arith.addf %add3A_608, %get3A_679 : vector<16xf32>
        %add3A_681 = arith.constant 5 : i32
        %add3A_682 = arith.addi %mul3A_291, %add3A_681 : i32
        %get3A_683 = arith.constant 1 : i32
        %get3A_684 = arith.index_cast %get3A_683 : i32 to index
        %get3A_685 = arith.index_cast %add3A_682 : i32 to index
        %get3A_686 = arith.constant 96 : index
        %get3A_687 = tpu.vector_load %arg6[%get3A_684, %get3A_685, %get3A_686] {strides = array<i32>} : memref<4x128x128xf32, #tpu.memory_space<vmem>>, vector<1x1x16xf32>,
        %get3A_688 = vector.shape_cast %get3A_687 : vector<1x1x16xf32> to vector<16xf32>
        %add3A_689 = arith.addf %add3A_617, %get3A_688 : vector<16xf32>
        %add3A_690 = arith.constant 5 : i32
        %add3A_691 = arith.addi %mul3A_291, %add3A_690 : i32
        %get3A_692 = arith.constant 1 : i32
        %get3A_693 = arith.index_cast %get3A_692 : i32 to index
        %get3A_694 = arith.index_cast %add3A_691 : i32 to index
        %get3A_695 = arith.constant 112 : index
        %get3A_696 = tpu.vector_load %arg6[%get3A_693, %get3A_694, %get3A_695] {strides = array<i32>} : memref<4x128x128xf32, #tpu.memory_space<vmem>>, vector<1x1x16xf32>,
        %get3A_697 = vector.shape_cast %get3A_696 : vector<1x1x16xf32> to vector<16xf32>
        %add3A_698 = arith.addf %add3A_626, %get3A_697 : vector<16xf32>
        %add3A_699 = arith.constant 6 : i32
        %add3A_700 = arith.addi %mul3A_291, %add3A_699 : i32
        %get3A_701 = arith.constant 1 : i32
        %get3A_702 = arith.index_cast %get3A_701 : i32 to index
        %get3A_703 = arith.index_cast %add3A_700 : i32 to index
        %get3A_704 = arith.constant 0 : index
        %get3A_705 = tpu.vector_load %arg6[%get3A_702, %get3A_703, %get3A_704] {strides = array<i32>} : memref<4x128x128xf32, #tpu.memory_space<vmem>>, vector<1x1x16xf32>,
        %get3A_706 = vector.shape_cast %get3A_705 : vector<1x1x16xf32> to vector<16xf32>
        %add3A_707 = arith.addf %add3A_635, %get3A_706 : vector<16xf32>
        %add3A_708 = arith.constant 6 : i32
        %add3A_709 = arith.addi %mul3A_291, %add3A_708 : i32
        %get3A_710 = arith.constant 1 : i32
        %get3A_711 = arith.index_cast %get3A_710 : i32 to index
        %get3A_712 = arith.index_cast %add3A_709 : i32 to index
        %get3A_713 = arith.constant 16 : index
        %get3A_714 = tpu.vector_load %arg6[%get3A_711, %get3A_712, %get3A_713] {strides = array<i32>} : memref<4x128x128xf32, #tpu.memory_space<vmem>>, vector<1x1x16xf32>,
        %get3A_715 = vector.shape_cast %get3A_714 : vector<1x1x16xf32> to vector<16xf32>
        %add3A_716 = arith.addf %add3A_644, %get3A_715 : vector<16xf32>
        %add3A_717 = arith.constant 6 : i32
        %add3A_718 = arith.addi %mul3A_291, %add3A_717 : i32
        %get3A_719 = arith.constant 1 : i32
        %get3A_720 = arith.index_cast %get3A_719 : i32 to index
        %get3A_721 = arith.index_cast %add3A_718 : i32 to index
        %get3A_722 = arith.constant 32 : index
        %get3A_723 = tpu.vector_load %arg6[%get3A_720, %get3A_721, %get3A_722] {strides = array<i32>} : memref<4x128x128xf32, #tpu.memory_space<vmem>>, vector<1x1x16xf32>,
        %get3A_724 = vector.shape_cast %get3A_723 : vector<1x1x16xf32> to vector<16xf32>
        %add3A_725 = arith.addf %add3A_653, %get3A_724 : vector<16xf32>
        %add3A_726 = arith.constant 6 : i32
        %add3A_727 = arith.addi %mul3A_291, %add3A_726 : i32
        %get3A_728 = arith.constant 1 : i32
        %get3A_729 = arith.index_cast %get3A_728 : i32 to index
        %get3A_730 = arith.index_cast %add3A_727 : i32 to index
        %get3A_731 = arith.constant 48 : index
        %get3A_732 = tpu.vector_load %arg6[%get3A_729, %get3A_730, %get3A_731] {strides = array<i32>} : memref<4x128x128xf32, #tpu.memory_space<vmem>>, vector<1x1x16xf32>,
        %get3A_733 = vector.shape_cast %get3A_732 : vector<1x1x16xf32> to vector<16xf32>
        %add3A_734 = arith.addf %add3A_662, %get3A_733 : vector<16xf32>
        %add3A_735 = arith.constant 6 : i32
        %add3A_736 = arith.addi %mul3A_291, %add3A_735 : i32
        %get3A_737 = arith.constant 1 : i32
        %get3A_738 = arith.index_cast %get3A_737 : i32 to index
        %get3A_739 = arith.index_cast %add3A_736 : i32 to index
        %get3A_740 = arith.constant 64 : index
        %get3A_741 = tpu.vector_load %arg6[%get3A_738, %get3A_739, %get3A_740] {strides = array<i32>} : memref<4x128x128xf32, #tpu.memory_space<vmem>>, vector<1x1x16xf32>,
        %get3A_742 = vector.shape_cast %get3A_741 : vector<1x1x16xf32> to vector<16xf32>
        %add3A_743 = arith.addf %add3A_671, %get3A_742 : vector<16xf32>
        %add3A_744 = arith.constant 6 : i32
        %add3A_745 = arith.addi %mul3A_291, %add3A_744 : i32
        %get3A_746 = arith.constant 1 : i32
        %get3A_747 = arith.index_cast %get3A_746 : i32 to index
        %get3A_748 = arith.index_cast %add3A_745 : i32 to index
        %get3A_749 = arith.constant 80 : index
        %get3A_750 = tpu.vector_load %arg6[%get3A_747, %get3A_748, %get3A_749] {strides = array<i32>} : memref<4x128x128xf32, #tpu.memory_space<vmem>>, vector<1x1x16xf32>,
        %get3A_751 = vector.shape_cast %get3A_750 : vector<1x1x16xf32> to vector<16xf32>
        %add3A_752 = arith.addf %add3A_680, %get3A_751 : vector<16xf32>
        %add3A_753 = arith.constant 6 : i32
        %add3A_754 = arith.addi %mul3A_291, %add3A_753 : i32
        %get3A_755 = arith.constant 1 : i32
        %get3A_756 = arith.index_cast %get3A_755 : i32 to index
        %get3A_757 = arith.index_cast %add3A_754 : i32 to index
        %get3A_758 = arith.constant 96 : index
        %get3A_759 = tpu.vector_load %arg6[%get3A_756, %get3A_757, %get3A_758] {strides = array<i32>} : memref<4x128x128xf32, #tpu.memory_space<vmem>>, vector<1x1x16xf32>,
        %get3A_760 = vector.shape_cast %get3A_759 : vector<1x1x16xf32> to vector<16xf32>
        %add3A_761 = arith.addf %add3A_689, %get3A_760 : vector<16xf32>
        %add3A_762 = arith.constant 6 : i32
        %add3A_763 = arith.addi %mul3A_291, %add3A_762 : i32
        %get3A_764 = arith.constant 1 : i32
        %get3A_765 = arith.index_cast %get3A_764 : i32 to index
        %get3A_766 = arith.index_cast %add3A_763 : i32 to index
        %get3A_767 = arith.constant 112 : index
        %get3A_768 = tpu.vector_load %arg6[%get3A_765, %get3A_766, %get3A_767] {strides = array<i32>} : memref<4x128x128xf32, #tpu.memory_space<vmem>>, vector<1x1x16xf32>,
        %get3A_769 = vector.shape_cast %get3A_768 : vector<1x1x16xf32> to vector<16xf32>
        %add3A_770 = arith.addf %add3A_698, %get3A_769 : vector<16xf32>
        %add3A_771 = arith.constant 7 : i32
        %add3A_772 = arith.addi %mul3A_291, %add3A_771 : i32
        %get3A_773 = arith.constant 1 : i32
        %get3A_774 = arith.index_cast %get3A_773 : i32 to index
        %get3A_775 = arith.index_cast %add3A_772 : i32 to index
        %get3A_776 = arith.constant 0 : index
        %get3A_777 = tpu.vector_load %arg6[%get3A_774, %get3A_775, %get3A_776] {strides = array<i32>} : memref<4x128x128xf32, #tpu.memory_space<vmem>>, vector<1x1x16xf32>,
        %get3A_778 = vector.shape_cast %get3A_777 : vector<1x1x16xf32> to vector<16xf32>
        %add3A_779 = arith.addf %add3A_707, %get3A_778 : vector<16xf32>
        %add3A_780 = arith.constant 7 : i32
        %add3A_781 = arith.addi %mul3A_291, %add3A_780 : i32
        %get3A_782 = arith.constant 1 : i32
        %get3A_783 = arith.index_cast %get3A_782 : i32 to index
        %get3A_784 = arith.index_cast %add3A_781 : i32 to index
        %get3A_785 = arith.constant 16 : index
        %get3A_786 = tpu.vector_load %arg6[%get3A_783, %get3A_784, %get3A_785] {strides = array<i32>} : memref<4x128x128xf32, #tpu.memory_space<vmem>>, vector<1x1x16xf32>,
        %get3A_787 = vector.shape_cast %get3A_786 : vector<1x1x16xf32> to vector<16xf32>
        %add3A_788 = arith.addf %add3A_716, %get3A_787 : vector<16xf32>
        %add3A_789 = arith.constant 7 : i32
        %add3A_790 = arith.addi %mul3A_291, %add3A_789 : i32
        %get3A_791 = arith.constant 1 : i32
        %get3A_792 = arith.index_cast %get3A_791 : i32 to index
        %get3A_793 = arith.index_cast %add3A_790 : i32 to index
        %get3A_794 = arith.constant 32 : index
        %get3A_795 = tpu.vector_load %arg6[%get3A_792, %get3A_793, %get3A_794] {strides = array<i32>} : memref<4x128x128xf32, #tpu.memory_space<vmem>>, vector<1x1x16xf32>,
        %get3A_796 = vector.shape_cast %get3A_795 : vector<1x1x16xf32> to vector<16xf32>
        %add3A_797 = arith.addf %add3A_725, %get3A_796 : vector<16xf32>
        %add3A_798 = arith.constant 7 : i32
        %add3A_799 = arith.addi %mul3A_291, %add3A_798 : i32
        %get3A_800 = arith.constant 1 : i32
        %get3A_801 = arith.index_cast %get3A_800 : i32 to index
        %get3A_802 = arith.index_cast %add3A_799 : i32 to index
        %get3A_803 = arith.constant 48 : index
        %get3A_804 = tpu.vector_load %arg6[%get3A_801, %get3A_802, %get3A_803] {strides = array<i32>} : memref<4x128x128xf32, #tpu.memory_space<vmem>>, vector<1x1x16xf32>,
        %get3A_805 = vector.shape_cast %get3A_804 : vector<1x1x16xf32> to vector<16xf32>
        %add3A_806 = arith.addf %add3A_734, %get3A_805 : vector<16xf32>
        %add3A_807 = arith.constant 7 : i32
        %add3A_808 = arith.addi %mul3A_291, %add3A_807 : i32
        %get3A_809 = arith.constant 1 : i32
        %get3A_810 = arith.index_cast %get3A_809 : i32 to index
        %get3A_811 = arith.index_cast %add3A_808 : i32 to index
        %get3A_812 = arith.constant 64 : index
        %get3A_813 = tpu.vector_load %arg6[%get3A_810, %get3A_811, %get3A_812] {strides = array<i32>} : memref<4x128x128xf32, #tpu.memory_space<vmem>>, vector<1x1x16xf32>,
        %get3A_814 = vector.shape_cast %get3A_813 : vector<1x1x16xf32> to vector<16xf32>
        %add3A_815 = arith.addf %add3A_743, %get3A_814 : vector<16xf32>
        %add3A_816 = arith.constant 7 : i32
        %add3A_817 = arith.addi %mul3A_291, %add3A_816 : i32
        %get3A_818 = arith.constant 1 : i32
        %get3A_819 = arith.index_cast %get3A_818 : i32 to index
        %get3A_820 = arith.index_cast %add3A_817 : i32 to index
        %get3A_821 = arith.constant 80 : index
        %get3A_822 = tpu.vector_load %arg6[%get3A_819, %get3A_820, %get3A_821] {strides = array<i32>} : memref<4x128x128xf32, #tpu.memory_space<vmem>>, vector<1x1x16xf32>,
        %get3A_823 = vector.shape_cast %get3A_822 : vector<1x1x16xf32> to vector<16xf32>
        %add3A_824 = arith.addf %add3A_752, %get3A_823 : vector<16xf32>
        %add3A_825 = arith.constant 7 : i32
        %add3A_826 = arith.addi %mul3A_291, %add3A_825 : i32
        %get3A_827 = arith.constant 1 : i32
        %get3A_828 = arith.index_cast %get3A_827 : i32 to index
        %get3A_829 = arith.index_cast %add3A_826 : i32 to index
        %get3A_830 = arith.constant 96 : index
        %get3A_831 = tpu.vector_load %arg6[%get3A_828, %get3A_829, %get3A_830] {strides = array<i32>} : memref<4x128x128xf32, #tpu.memory_space<vmem>>, vector<1x1x16xf32>,
        %get3A_832 = vector.shape_cast %get3A_831 : vector<1x1x16xf32> to vector<16xf32>
        %add3A_833 = arith.addf %add3A_761, %get3A_832 : vector<16xf32>
        %add3A_834 = arith.constant 7 : i32
        %add3A_835 = arith.addi %mul3A_291, %add3A_834 : i32
        %get3A_836 = arith.constant 1 : i32
        %get3A_837 = arith.index_cast %get3A_836 : i32 to index
        %get3A_838 = arith.index_cast %add3A_835 : i32 to index
        %get3A_839 = arith.constant 112 : index
        %get3A_840 = tpu.vector_load %arg6[%get3A_837, %get3A_838, %get3A_839] {strides = array<i32>} : memref<4x128x128xf32, #tpu.memory_space<vmem>>, vector<1x1x16xf32>,
        %get3A_841 = vector.shape_cast %get3A_840 : vector<1x1x16xf32> to vector<16xf32>
        %add3A_842 = arith.addf %add3A_770, %get3A_841 : vector<16xf32>
        %swap3A = arith.constant 1 : i32
        %swap3A_843 = arith.index_cast %swap3A : i32 to index
        %swap3A_844 = arith.index_cast %add3A_289 : i32 to index
        %swap3A_845 = arith.constant 0 : index
        %swap3A_846 = tpu.vector_load %arg7[%swap3A_843, %swap3A_844, %swap3A_845] {strides = array<i32>} : memref<2x16x128xf32, #tpu.memory_space<vmem>>, vector<1x1x16xf32>,
        %swap3A_847 = vector.shape_cast %swap3A_846 : vector<1x1x16xf32> to vector<16xf32>
        %swap3A_848 = vector.shape_cast %add3A_779 : vector<16xf32> to vector<1x1x16xf32>
        tpu.vector_store %arg7[%swap3A_843, %swap3A_844, %swap3A_845], %swap3A_848 {strides = array<i32>} : memref<2x16x128xf32, #tpu.memory_space<vmem>>, vector<1x1x16xf32>,
        %swap3A_849 = arith.constant 1 : i32
        %swap3A_850 = arith.index_cast %swap3A_849 : i32 to index
        %swap3A_851 = arith.index_cast %add3A_289 : i32 to index
        %swap3A_852 = arith.constant 16 : index
        %swap3A_853 = tpu.vector_load %arg7[%swap3A_850, %swap3A_851, %swap3A_852] {strides = array<i32>} : memref<2x16x128xf32, #tpu.memory_space<vmem>>, vector<1x1x16xf32>,
        %swap3A_854 = vector.shape_cast %swap3A_853 : vector<1x1x16xf32> to vector<16xf32>
        %swap3A_855 = vector.shape_cast %add3A_788 : vector<16xf32> to vector<1x1x16xf32>
        tpu.vector_store %arg7[%swap3A_850, %swap3A_851, %swap3A_852], %swap3A_855 {strides = array<i32>} : memref<2x16x128xf32, #tpu.memory_space<vmem>>, vector<1x1x16xf32>,
        %swap3A_856 = arith.constant 1 : i32
        %swap3A_857 = arith.index_cast %swap3A_856 : i32 to index
        %swap3A_858 = arith.index_cast %add3A_289 : i32 to index
        %swap3A_859 = arith.constant 32 : index
        %swap3A_860 = tpu.vector_load %arg7[%swap3A_857, %swap3A_858, %swap3A_859] {strides = array<i32>} : memref<2x16x128xf32, #tpu.memory_space<vmem>>, vector<1x1x16xf32>,
        %swap3A_861 = vector.shape_cast %swap3A_860 : vector<1x1x16xf32> to vector<16xf32>
        %swap3A_862 = vector.shape_cast %add3A_797 : vector<16xf32> to vector<1x1x16xf32>
        tpu.vector_store %arg7[%swap3A_857, %swap3A_858, %swap3A_859], %swap3A_862 {strides = array<i32>} : memref<2x16x128xf32, #tpu.memory_space<vmem>>, vector<1x1x16xf32>,
        %swap3A_863 = arith.constant 1 : i32
        %swap3A_864 = arith.index_cast %swap3A_863 : i32 to index
        %swap3A_865 = arith.index_cast %add3A_289 : i32 to index
        %swap3A_866 = arith.constant 48 : index
        %swap3A_867 = tpu.vector_load %arg7[%swap3A_864, %swap3A_865, %swap3A_866] {strides = array<i32>} : memref<2x16x128xf32, #tpu.memory_space<vmem>>, vector<1x1x16xf32>,
        %swap3A_868 = vector.shape_cast %swap3A_867 : vector<1x1x16xf32> to vector<16xf32>
        %swap3A_869 = vector.shape_cast %add3A_806 : vector<16xf32> to vector<1x1x16xf32>
        tpu.vector_store %arg7[%swap3A_864, %swap3A_865, %swap3A_866], %swap3A_869 {strides = array<i32>} : memref<2x16x128xf32, #tpu.memory_space<vmem>>, vector<1x1x16xf32>,
        %swap3A_870 = arith.constant 1 : i32
        %swap3A_871 = arith.index_cast %swap3A_870 : i32 to index
        %swap3A_872 = arith.index_cast %add3A_289 : i32 to index
        %swap3A_873 = arith.constant 64 : index
        %swap3A_874 = tpu.vector_load %arg7[%swap3A_871, %swap3A_872, %swap3A_873] {strides = array<i32>} : memref<2x16x128xf32, #tpu.memory_space<vmem>>, vector<1x1x16xf32>,
        %swap3A_875 = vector.shape_cast %swap3A_874 : vector<1x1x16xf32> to vector<16xf32>
        %swap3A_876 = vector.shape_cast %add3A_815 : vector<16xf32> to vector<1x1x16xf32>
        tpu.vector_store %arg7[%swap3A_871, %swap3A_872, %swap3A_873], %swap3A_876 {strides = array<i32>} : memref<2x16x128xf32, #tpu.memory_space<vmem>>, vector<1x1x16xf32>,
        %swap3A_877 = arith.constant 1 : i32
        %swap3A_878 = arith.index_cast %swap3A_877 : i32 to index
        %swap3A_879 = arith.index_cast %add3A_289 : i32 to index
        %swap3A_880 = arith.constant 80 : index
        %swap3A_881 = tpu.vector_load %arg7[%swap3A_878, %swap3A_879, %swap3A_880] {strides = array<i32>} : memref<2x16x128xf32, #tpu.memory_space<vmem>>, vector<1x1x16xf32>,
        %swap3A_882 = vector.shape_cast %swap3A_881 : vector<1x1x16xf32> to vector<16xf32>
        %swap3A_883 = vector.shape_cast %add3A_824 : vector<16xf32> to vector<1x1x16xf32>
        tpu.vector_store %arg7[%swap3A_878, %swap3A_879, %swap3A_880], %swap3A_883 {strides = array<i32>} : memref<2x16x128xf32, #tpu.memory_space<vmem>>, vector<1x1x16xf32>,
        %swap3A_884 = arith.constant 1 : i32
        %swap3A_885 = arith.index_cast %swap3A_884 : i32 to index
        %swap3A_886 = arith.index_cast %add3A_289 : i32 to index
        %swap3A_887 = arith.constant 96 : index
        %swap3A_888 = tpu.vector_load %arg7[%swap3A_885, %swap3A_886, %swap3A_887] {strides = array<i32>} : memref<2x16x128xf32, #tpu.memory_space<vmem>>, vector<1x1x16xf32>,
        %swap3A_889 = vector.shape_cast %swap3A_888 : vector<1x1x16xf32> to vector<16xf32>
        %swap3A_890 = vector.shape_cast %add3A_833 : vector<16xf32> to vector<1x1x16xf32>
        tpu.vector_store %arg7[%swap3A_885, %swap3A_886, %swap3A_887], %swap3A_890 {strides = array<i32>} : memref<2x16x128xf32, #tpu.memory_space<vmem>>, vector<1x1x16xf32>,
        %swap3A_891 = arith.constant 1 : i32
        %swap3A_892 = arith.index_cast %swap3A_891 : i32 to index
        %swap3A_893 = arith.index_cast %add3A_289 : i32 to index
        %swap3A_894 = arith.constant 112 : index
        %swap3A_895 = tpu.vector_load %arg7[%swap3A_892, %swap3A_893, %swap3A_894] {strides = array<i32>} : memref<2x16x128xf32, #tpu.memory_space<vmem>>, vector<1x1x16xf32>,
        %swap3A_896 = vector.shape_cast %swap3A_895 : vector<1x1x16xf32> to vector<16xf32>
        %swap3A_897 = vector.shape_cast %add3A_842 : vector<16xf32> to vector<1x1x16xf32>
        tpu.vector_store %arg7[%swap3A_892, %swap3A_893, %swap3A_894], %swap3A_897 {strides = array<i32>} : memref<2x16x128xf32, #tpu.memory_space<vmem>>, vector<1x1x16xf32>,
        %mul3A_898 = arith.constant 2 : i32
        %mul3A_899 = arith.muli %scan3A_285, %mul3A_898 : i32
        %add3A_900 = arith.constant 1 : i32
        %add3A_901 = arith.addi %mul3A_899, %add3A_900 : i32
        %mul3A_902 = arith.constant 8 : i32
        %mul3A_903 = arith.muli %add3A_901, %mul3A_902 : i32
        %get3A_904 = arith.constant 1 : i32
        %get3A_905 = arith.index_cast %get3A_904 : i32 to index
        %get3A_906 = arith.index_cast %mul3A_903 : i32 to index
        %get3A_907 = arith.constant 0 : index
        %get3A_908 = tpu.vector_load %arg6[%get3A_905, %get3A_906, %get3A_907] {strides = array<i32>} : memref<4x128x128xf32, #tpu.memory_space<vmem>>, vector<1x1x16xf32>,
        %get3A_909 = vector.shape_cast %get3A_908 : vector<1x1x16xf32> to vector<16xf32>
        %get3A_910 = arith.constant 1 : i32
        %get3A_911 = arith.index_cast %get3A_910 : i32 to index
        %get3A_912 = arith.index_cast %mul3A_903 : i32 to index
        %get3A_913 = arith.constant 16 : index
        %get3A_914 = tpu.vector_load %arg6[%get3A_911, %get3A_912, %get3A_913] {strides = array<i32>} : memref<4x128x128xf32, #tpu.memory_space<vmem>>, vector<1x1x16xf32>,
        %get3A_915 = vector.shape_cast %get3A_914 : vector<1x1x16xf32> to vector<16xf32>
        %get3A_916 = arith.constant 1 : i32
        %get3A_917 = arith.index_cast %get3A_916 : i32 to index
        %get3A_918 = arith.index_cast %mul3A_903 : i32 to index
        %get3A_919 = arith.constant 32 : index
        %get3A_920 = tpu.vector_load %arg6[%get3A_917, %get3A_918, %get3A_919] {strides = array<i32>} : memref<4x128x128xf32, #tpu.memory_space<vmem>>, vector<1x1x16xf32>,
        %get3A_921 = vector.shape_cast %get3A_920 : vector<1x1x16xf32> to vector<16xf32>
        %get3A_922 = arith.constant 1 : i32
        %get3A_923 = arith.index_cast %get3A_922 : i32 to index
        %get3A_924 = arith.index_cast %mul3A_903 : i32 to index
        %get3A_925 = arith.constant 48 : index
        %get3A_926 = tpu.vector_load %arg6[%get3A_923, %get3A_924, %get3A_925] {strides = array<i32>} : memref<4x128x128xf32, #tpu.memory_space<vmem>>, vector<1x1x16xf32>,
        %get3A_927 = vector.shape_cast %get3A_926 : vector<1x1x16xf32> to vector<16xf32>
        %get3A_928 = arith.constant 1 : i32
        %get3A_929 = arith.index_cast %get3A_928 : i32 to index
        %get3A_930 = arith.index_cast %mul3A_903 : i32 to index
        %get3A_931 = arith.constant 64 : index
        %get3A_932 = tpu.vector_load %arg6[%get3A_929, %get3A_930, %get3A_931] {strides = array<i32>} : memref<4x128x128xf32, #tpu.memory_space<vmem>>, vector<1x1x16xf32>,
        %get3A_933 = vector.shape_cast %get3A_932 : vector<1x1x16xf32> to vector<16xf32>
        %get3A_934 = arith.constant 1 : i32
        %get3A_935 = arith.index_cast %get3A_934 : i32 to index
        %get3A_936 = arith.index_cast %mul3A_903 : i32 to index
        %get3A_937 = arith.constant 80 : index
        %get3A_938 = tpu.vector_load %arg6[%get3A_935, %get3A_936, %get3A_937] {strides = array<i32>} : memref<4x128x128xf32, #tpu.memory_space<vmem>>, vector<1x1x16xf32>,
        %get3A_939 = vector.shape_cast %get3A_938 : vector<1x1x16xf32> to vector<16xf32>
        %get3A_940 = arith.constant 1 : i32
        %get3A_941 = arith.index_cast %get3A_940 : i32 to index
        %get3A_942 = arith.index_cast %mul3A_903 : i32 to index
        %get3A_943 = arith.constant 96 : index
        %get3A_944 = tpu.vector_load %arg6[%get3A_941, %get3A_942, %get3A_943] {strides = array<i32>} : memref<4x128x128xf32, #tpu.memory_space<vmem>>, vector<1x1x16xf32>,
        %get3A_945 = vector.shape_cast %get3A_944 : vector<1x1x16xf32> to vector<16xf32>
        %get3A_946 = arith.constant 1 : i32
        %get3A_947 = arith.index_cast %get3A_946 : i32 to index
        %get3A_948 = arith.index_cast %mul3A_903 : i32 to index
        %get3A_949 = arith.constant 112 : index
        %get3A_950 = tpu.vector_load %arg6[%get3A_947, %get3A_948, %get3A_949] {strides = array<i32>} : memref<4x128x128xf32, #tpu.memory_space<vmem>>, vector<1x1x16xf32>,
        %get3A_951 = vector.shape_cast %get3A_950 : vector<1x1x16xf32> to vector<16xf32>
        %add3A_952 = arith.constant 1 : i32
        %add3A_953 = arith.addi %mul3A_903, %add3A_952 : i32
        %get3A_954 = arith.constant 1 : i32
        %get3A_955 = arith.index_cast %get3A_954 : i32 to index
        %get3A_956 = arith.index_cast %add3A_953 : i32 to index
        %get3A_957 = arith.constant 0 : index
        %get3A_958 = tpu.vector_load %arg6[%get3A_955, %get3A_956, %get3A_957] {strides = array<i32>} : memref<4x128x128xf32, #tpu.memory_space<vmem>>, vector<1x1x16xf32>,
        %get3A_959 = vector.shape_cast %get3A_958 : vector<1x1x16xf32> to vector<16xf32>
        %add3A_960 = arith.addf %get3A_909, %get3A_959 : vector<16xf32>
        %add3A_961 = arith.constant 1 : i32
        %add3A_962 = arith.addi %mul3A_903, %add3A_961 : i32
        %get3A_963 = arith.constant 1 : i32
        %get3A_964 = arith.index_cast %get3A_963 : i32 to index
        %get3A_965 = arith.index_cast %add3A_962 : i32 to index
        %get3A_966 = arith.constant 16 : index
        %get3A_967 = tpu.vector_load %arg6[%get3A_964, %get3A_965, %get3A_966] {strides = array<i32>} : memref<4x128x128xf32, #tpu.memory_space<vmem>>, vector<1x1x16xf32>,
        %get3A_968 = vector.shape_cast %get3A_967 : vector<1x1x16xf32> to vector<16xf32>
        %add3A_969 = arith.addf %get3A_915, %get3A_968 : vector<16xf32>
        %add3A_970 = arith.constant 1 : i32
        %add3A_971 = arith.addi %mul3A_903, %add3A_970 : i32
        %get3A_972 = arith.constant 1 : i32
        %get3A_973 = arith.index_cast %get3A_972 : i32 to index
        %get3A_974 = arith.index_cast %add3A_971 : i32 to index
        %get3A_975 = arith.constant 32 : index
        %get3A_976 = tpu.vector_load %arg6[%get3A_973, %get3A_974, %get3A_975] {strides = array<i32>} : memref<4x128x128xf32, #tpu.memory_space<vmem>>, vector<1x1x16xf32>,
        %get3A_977 = vector.shape_cast %get3A_976 : vector<1x1x16xf32> to vector<16xf32>
        %add3A_978 = arith.addf %get3A_921, %get3A_977 : vector<16xf32>
        %add3A_979 = arith.constant 1 : i32
        %add3A_980 = arith.addi %mul3A_903, %add3A_979 : i32
        %get3A_981 = arith.constant 1 : i32
        %get3A_982 = arith.index_cast %get3A_981 : i32 to index
        %get3A_983 = arith.index_cast %add3A_980 : i32 to index
        %get3A_984 = arith.constant 48 : index
        %get3A_985 = tpu.vector_load %arg6[%get3A_982, %get3A_983, %get3A_984] {strides = array<i32>} : memref<4x128x128xf32, #tpu.memory_space<vmem>>, vector<1x1x16xf32>,
        %get3A_986 = vector.shape_cast %get3A_985 : vector<1x1x16xf32> to vector<16xf32>
        %add3A_987 = arith.addf %get3A_927, %get3A_986 : vector<16xf32>
        %add3A_988 = arith.constant 1 : i32
        %add3A_989 = arith.addi %mul3A_903, %add3A_988 : i32
        %get3A_990 = arith.constant 1 : i32
        %get3A_991 = arith.index_cast %get3A_990 : i32 to index
        %get3A_992 = arith.index_cast %add3A_989 : i32 to index
        %get3A_993 = arith.constant 64 : index
        %get3A_994 = tpu.vector_load %arg6[%get3A_991, %get3A_992, %get3A_993] {strides = array<i32>} : memref<4x128x128xf32, #tpu.memory_space<vmem>>, vector<1x1x16xf32>,
        %get3A_995 = vector.shape_cast %get3A_994 : vector<1x1x16xf32> to vector<16xf32>
        %add3A_996 = arith.addf %get3A_933, %get3A_995 : vector<16xf32>
        %add3A_997 = arith.constant 1 : i32
        %add3A_998 = arith.addi %mul3A_903, %add3A_997 : i32
        %get3A_999 = arith.constant 1 : i32
        %get3A_1000 = arith.index_cast %get3A_999 : i32 to index
        %get3A_1001 = arith.index_cast %add3A_998 : i32 to index
        %get3A_1002 = arith.constant 80 : index
        %get3A_1003 = tpu.vector_load %arg6[%get3A_1000, %get3A_1001, %get3A_1002] {strides = array<i32>} : memref<4x128x128xf32, #tpu.memory_space<vmem>>, vector<1x1x16xf32>,
        %get3A_1004 = vector.shape_cast %get3A_1003 : vector<1x1x16xf32> to vector<16xf32>
        %add3A_1005 = arith.addf %get3A_939, %get3A_1004 : vector<16xf32>
        %add3A_1006 = arith.constant 1 : i32
        %add3A_1007 = arith.addi %mul3A_903, %add3A_1006 : i32
        %get3A_1008 = arith.constant 1 : i32
        %get3A_1009 = arith.index_cast %get3A_1008 : i32 to index
        %get3A_1010 = arith.index_cast %add3A_1007 : i32 to index
        %get3A_1011 = arith.constant 96 : index
        %get3A_1012 = tpu.vector_load %arg6[%get3A_1009, %get3A_1010, %get3A_1011] {strides = array<i32>} : memref<4x128x128xf32, #tpu.memory_space<vmem>>, vector<1x1x16xf32>,
        %get3A_1013 = vector.shape_cast %get3A_1012 : vector<1x1x16xf32> to vector<16xf32>
        %add3A_1014 = arith.addf %get3A_945, %get3A_1013 : vector<16xf32>
        %add3A_1015 = arith.constant 1 : i32
        %add3A_1016 = arith.addi %mul3A_903, %add3A_1015 : i32
        %get3A_1017 = arith.constant 1 : i32
        %get3A_1018 = arith.index_cast %get3A_1017 : i32 to index
        %get3A_1019 = arith.index_cast %add3A_1016 : i32 to index
        %get3A_1020 = arith.constant 112 : index
        %get3A_1021 = tpu.vector_load %arg6[%get3A_1018, %get3A_1019, %get3A_1020] {strides = array<i32>} : memref<4x128x128xf32, #tpu.memory_space<vmem>>, vector<1x1x16xf32>,
        %get3A_1022 = vector.shape_cast %get3A_1021 : vector<1x1x16xf32> to vector<16xf32>
        %add3A_1023 = arith.addf %get3A_951, %get3A_1022 : vector<16xf32>
        %add3A_1024 = arith.constant 2 : i32
        %add3A_1025 = arith.addi %mul3A_903, %add3A_1024 : i32
        %get3A_1026 = arith.constant 1 : i32
        %get3A_1027 = arith.index_cast %get3A_1026 : i32 to index
        %get3A_1028 = arith.index_cast %add3A_1025 : i32 to index
        %get3A_1029 = arith.constant 0 : index
        %get3A_1030 = tpu.vector_load %arg6[%get3A_1027, %get3A_1028, %get3A_1029] {strides = array<i32>} : memref<4x128x128xf32, #tpu.memory_space<vmem>>, vector<1x1x16xf32>,
        %get3A_1031 = vector.shape_cast %get3A_1030 : vector<1x1x16xf32> to vector<16xf32>
        %add3A_1032 = arith.addf %add3A_960, %get3A_1031 : vector<16xf32>
        %add3A_1033 = arith.constant 2 : i32
        %add3A_1034 = arith.addi %mul3A_903, %add3A_1033 : i32
        %get3A_1035 = arith.constant 1 : i32
        %get3A_1036 = arith.index_cast %get3A_1035 : i32 to index
        %get3A_1037 = arith.index_cast %add3A_1034 : i32 to index
        %get3A_1038 = arith.constant 16 : index
        %get3A_1039 = tpu.vector_load %arg6[%get3A_1036, %get3A_1037, %get3A_1038] {strides = array<i32>} : memref<4x128x128xf32, #tpu.memory_space<vmem>>, vector<1x1x16xf32>,
        %get3A_1040 = vector.shape_cast %get3A_1039 : vector<1x1x16xf32> to vector<16xf32>
        %add3A_1041 = arith.addf %add3A_969, %get3A_1040 : vector<16xf32>
        %add3A_1042 = arith.constant 2 : i32
        %add3A_1043 = arith.addi %mul3A_903, %add3A_1042 : i32
        %get3A_1044 = arith.constant 1 : i32
        %get3A_1045 = arith.index_cast %get3A_1044 : i32 to index
        %get3A_1046 = arith.index_cast %add3A_1043 : i32 to index
        %get3A_1047 = arith.constant 32 : index
        %get3A_1048 = tpu.vector_load %arg6[%get3A_1045, %get3A_1046, %get3A_1047] {strides = array<i32>} : memref<4x128x128xf32, #tpu.memory_space<vmem>>, vector<1x1x16xf32>,
        %get3A_1049 = vector.shape_cast %get3A_1048 : vector<1x1x16xf32> to vector<16xf32>
        %add3A_1050 = arith.addf %add3A_978, %get3A_1049 : vector<16xf32>
        %add3A_1051 = arith.constant 2 : i32
        %add3A_1052 = arith.addi %mul3A_903, %add3A_1051 : i32
        %get3A_1053 = arith.constant 1 : i32
        %get3A_1054 = arith.index_cast %get3A_1053 : i32 to index
        %get3A_1055 = arith.index_cast %add3A_1052 : i32 to index
        %get3A_1056 = arith.constant 48 : index
        %get3A_1057 = tpu.vector_load %arg6[%get3A_1054, %get3A_1055, %get3A_1056] {strides = array<i32>} : memref<4x128x128xf32, #tpu.memory_space<vmem>>, vector<1x1x16xf32>,
        %get3A_1058 = vector.shape_cast %get3A_1057 : vector<1x1x16xf32> to vector<16xf32>
        %add3A_1059 = arith.addf %add3A_987, %get3A_1058 : vector<16xf32>
        %add3A_1060 = arith.constant 2 : i32
        %add3A_1061 = arith.addi %mul3A_903, %add3A_1060 : i32
        %get3A_1062 = arith.constant 1 : i32
        %get3A_1063 = arith.index_cast %get3A_1062 : i32 to index
        %get3A_1064 = arith.index_cast %add3A_1061 : i32 to index
        %get3A_1065 = arith.constant 64 : index
        %get3A_1066 = tpu.vector_load %arg6[%get3A_1063, %get3A_1064, %get3A_1065] {strides = array<i32>} : memref<4x128x128xf32, #tpu.memory_space<vmem>>, vector<1x1x16xf32>,
        %get3A_1067 = vector.shape_cast %get3A_1066 : vector<1x1x16xf32> to vector<16xf32>
        %add3A_1068 = arith.addf %add3A_996, %get3A_1067 : vector<16xf32>
        %add3A_1069 = arith.constant 2 : i32
        %add3A_1070 = arith.addi %mul3A_903, %add3A_1069 : i32
        %get3A_1071 = arith.constant 1 : i32
        %get3A_1072 = arith.index_cast %get3A_1071 : i32 to index
        %get3A_1073 = arith.index_cast %add3A_1070 : i32 to index
        %get3A_1074 = arith.constant 80 : index
        %get3A_1075 = tpu.vector_load %arg6[%get3A_1072, %get3A_1073, %get3A_1074] {strides = array<i32>} : memref<4x128x128xf32, #tpu.memory_space<vmem>>, vector<1x1x16xf32>,
        %get3A_1076 = vector.shape_cast %get3A_1075 : vector<1x1x16xf32> to vector<16xf32>
        %add3A_1077 = arith.addf %add3A_1005, %get3A_1076 : vector<16xf32>
        %add3A_1078 = arith.constant 2 : i32
        %add3A_1079 = arith.addi %mul3A_903, %add3A_1078 : i32
        %get3A_1080 = arith.constant 1 : i32
        %get3A_1081 = arith.index_cast %get3A_1080 : i32 to index
        %get3A_1082 = arith.index_cast %add3A_1079 : i32 to index
        %get3A_1083 = arith.constant 96 : index
        %get3A_1084 = tpu.vector_load %arg6[%get3A_1081, %get3A_1082, %get3A_1083] {strides = array<i32>} : memref<4x128x128xf32, #tpu.memory_space<vmem>>, vector<1x1x16xf32>,
        %get3A_1085 = vector.shape_cast %get3A_1084 : vector<1x1x16xf32> to vector<16xf32>
        %add3A_1086 = arith.addf %add3A_1014, %get3A_1085 : vector<16xf32>
        %add3A_1087 = arith.constant 2 : i32
        %add3A_1088 = arith.addi %mul3A_903, %add3A_1087 : i32
        %get3A_1089 = arith.constant 1 : i32
        %get3A_1090 = arith.index_cast %get3A_1089 : i32 to index
        %get3A_1091 = arith.index_cast %add3A_1088 : i32 to index
        %get3A_1092 = arith.constant 112 : index
        %get3A_1093 = tpu.vector_load %arg6[%get3A_1090, %get3A_1091, %get3A_1092] {strides = array<i32>} : memref<4x128x128xf32, #tpu.memory_space<vmem>>, vector<1x1x16xf32>,
        %get3A_1094 = vector.shape_cast %get3A_1093 : vector<1x1x16xf32> to vector<16xf32>
        %add3A_1095 = arith.addf %add3A_1023, %get3A_1094 : vector<16xf32>
        %add3A_1096 = arith.constant 3 : i32
        %add3A_1097 = arith.addi %mul3A_903, %add3A_1096 : i32
        %get3A_1098 = arith.constant 1 : i32
        %get3A_1099 = arith.index_cast %get3A_1098 : i32 to index
        %get3A_1100 = arith.index_cast %add3A_1097 : i32 to index
        %get3A_1101 = arith.constant 0 : index
        %get3A_1102 = tpu.vector_load %arg6[%get3A_1099, %get3A_1100, %get3A_1101] {strides = array<i32>} : memref<4x128x128xf32, #tpu.memory_space<vmem>>, vector<1x1x16xf32>,
        %get3A_1103 = vector.shape_cast %get3A_1102 : vector<1x1x16xf32> to vector<16xf32>
        %add3A_1104 = arith.addf %add3A_1032, %get3A_1103 : vector<16xf32>
        %add3A_1105 = arith.constant 3 : i32
        %add3A_1106 = arith.addi %mul3A_903, %add3A_1105 : i32
        %get3A_1107 = arith.constant 1 : i32
        %get3A_1108 = arith.index_cast %get3A_1107 : i32 to index
        %get3A_1109 = arith.index_cast %add3A_1106 : i32 to index
        %get3A_1110 = arith.constant 16 : index
        %get3A_1111 = tpu.vector_load %arg6[%get3A_1108, %get3A_1109, %get3A_1110] {strides = array<i32>} : memref<4x128x128xf32, #tpu.memory_space<vmem>>, vector<1x1x16xf32>,
        %get3A_1112 = vector.shape_cast %get3A_1111 : vector<1x1x16xf32> to vector<16xf32>
        %add3A_1113 = arith.addf %add3A_1041, %get3A_1112 : vector<16xf32>
        %add3A_1114 = arith.constant 3 : i32
        %add3A_1115 = arith.addi %mul3A_903, %add3A_1114 : i32
        %get3A_1116 = arith.constant 1 : i32
        %get3A_1117 = arith.index_cast %get3A_1116 : i32 to index
        %get3A_1118 = arith.index_cast %add3A_1115 : i32 to index
        %get3A_1119 = arith.constant 32 : index
        %get3A_1120 = tpu.vector_load %arg6[%get3A_1117, %get3A_1118, %get3A_1119] {strides = array<i32>} : memref<4x128x128xf32, #tpu.memory_space<vmem>>, vector<1x1x16xf32>,
        %get3A_1121 = vector.shape_cast %get3A_1120 : vector<1x1x16xf32> to vector<16xf32>
        %add3A_1122 = arith.addf %add3A_1050, %get3A_1121 : vector<16xf32>
        %add3A_1123 = arith.constant 3 : i32
        %add3A_1124 = arith.addi %mul3A_903, %add3A_1123 : i32
        %get3A_1125 = arith.constant 1 : i32
        %get3A_1126 = arith.index_cast %get3A_1125 : i32 to index
        %get3A_1127 = arith.index_cast %add3A_1124 : i32 to index
        %get3A_1128 = arith.constant 48 : index
        %get3A_1129 = tpu.vector_load %arg6[%get3A_1126, %get3A_1127, %get3A_1128] {strides = array<i32>} : memref<4x128x128xf32, #tpu.memory_space<vmem>>, vector<1x1x16xf32>,
        %get3A_1130 = vector.shape_cast %get3A_1129 : vector<1x1x16xf32> to vector<16xf32>
        %add3A_1131 = arith.addf %add3A_1059, %get3A_1130 : vector<16xf32>
        %add3A_1132 = arith.constant 3 : i32
        %add3A_1133 = arith.addi %mul3A_903, %add3A_1132 : i32
        %get3A_1134 = arith.constant 1 : i32
        %get3A_1135 = arith.index_cast %get3A_1134 : i32 to index
        %get3A_1136 = arith.index_cast %add3A_1133 : i32 to index
        %get3A_1137 = arith.constant 64 : index
        %get3A_1138 = tpu.vector_load %arg6[%get3A_1135, %get3A_1136, %get3A_1137] {strides = array<i32>} : memref<4x128x128xf32, #tpu.memory_space<vmem>>, vector<1x1x16xf32>,
        %get3A_1139 = vector.shape_cast %get3A_1138 : vector<1x1x16xf32> to vector<16xf32>
        %add3A_1140 = arith.addf %add3A_1068, %get3A_1139 : vector<16xf32>
        %add3A_1141 = arith.constant 3 : i32
        %add3A_1142 = arith.addi %mul3A_903, %add3A_1141 : i32
        %get3A_1143 = arith.constant 1 : i32
        %get3A_1144 = arith.index_cast %get3A_1143 : i32 to index
        %get3A_1145 = arith.index_cast %add3A_1142 : i32 to index
        %get3A_1146 = arith.constant 80 : index
        %get3A_1147 = tpu.vector_load %arg6[%get3A_1144, %get3A_1145, %get3A_1146] {strides = array<i32>} : memref<4x128x128xf32, #tpu.memory_space<vmem>>, vector<1x1x16xf32>,
        %get3A_1148 = vector.shape_cast %get3A_1147 : vector<1x1x16xf32> to vector<16xf32>
        %add3A_1149 = arith.addf %add3A_1077, %get3A_1148 : vector<16xf32>
        %add3A_1150 = arith.constant 3 : i32
        %add3A_1151 = arith.addi %mul3A_903, %add3A_1150 : i32
        %get3A_1152 = arith.constant 1 : i32
        %get3A_1153 = arith.index_cast %get3A_1152 : i32 to index
        %get3A_1154 = arith.index_cast %add3A_1151 : i32 to index
        %get3A_1155 = arith.constant 96 : index
        %get3A_1156 = tpu.vector_load %arg6[%get3A_1153, %get3A_1154, %get3A_1155] {strides = array<i32>} : memref<4x128x128xf32, #tpu.memory_space<vmem>>, vector<1x1x16xf32>,
        %get3A_1157 = vector.shape_cast %get3A_1156 : vector<1x1x16xf32> to vector<16xf32>
        %add3A_1158 = arith.addf %add3A_1086, %get3A_1157 : vector<16xf32>
        %add3A_1159 = arith.constant 3 : i32
        %add3A_1160 = arith.addi %mul3A_903, %add3A_1159 : i32
        %get3A_1161 = arith.constant 1 : i32
        %get3A_1162 = arith.index_cast %get3A_1161 : i32 to index
        %get3A_1163 = arith.index_cast %add3A_1160 : i32 to index
        %get3A_1164 = arith.constant 112 : index
        %get3A_1165 = tpu.vector_load %arg6[%get3A_1162, %get3A_1163, %get3A_1164] {strides = array<i32>} : memref<4x128x128xf32, #tpu.memory_space<vmem>>, vector<1x1x16xf32>,
        %get3A_1166 = vector.shape_cast %get3A_1165 : vector<1x1x16xf32> to vector<16xf32>
        %add3A_1167 = arith.addf %add3A_1095, %get3A_1166 : vector<16xf32>
        %add3A_1168 = arith.constant 4 : i32
        %add3A_1169 = arith.addi %mul3A_903, %add3A_1168 : i32
        %get3A_1170 = arith.constant 1 : i32
        %get3A_1171 = arith.index_cast %get3A_1170 : i32 to index
        %get3A_1172 = arith.index_cast %add3A_1169 : i32 to index
        %get3A_1173 = arith.constant 0 : index
        %get3A_1174 = tpu.vector_load %arg6[%get3A_1171, %get3A_1172, %get3A_1173] {strides = array<i32>} : memref<4x128x128xf32, #tpu.memory_space<vmem>>, vector<1x1x16xf32>,
        %get3A_1175 = vector.shape_cast %get3A_1174 : vector<1x1x16xf32> to vector<16xf32>
        %add3A_1176 = arith.addf %add3A_1104, %get3A_1175 : vector<16xf32>
        %add3A_1177 = arith.constant 4 : i32
        %add3A_1178 = arith.addi %mul3A_903, %add3A_1177 : i32
        %get3A_1179 = arith.constant 1 : i32
        %get3A_1180 = arith.index_cast %get3A_1179 : i32 to index
        %get3A_1181 = arith.index_cast %add3A_1178 : i32 to index
        %get3A_1182 = arith.constant 16 : index
        %get3A_1183 = tpu.vector_load %arg6[%get3A_1180, %get3A_1181, %get3A_1182] {strides = array<i32>} : memref<4x128x128xf32, #tpu.memory_space<vmem>>, vector<1x1x16xf32>,
        %get3A_1184 = vector.shape_cast %get3A_1183 : vector<1x1x16xf32> to vector<16xf32>
        %add3A_1185 = arith.addf %add3A_1113, %get3A_1184 : vector<16xf32>
        %add3A_1186 = arith.constant 4 : i32
        %add3A_1187 = arith.addi %mul3A_903, %add3A_1186 : i32
        %get3A_1188 = arith.constant 1 : i32
        %get3A_1189 = arith.index_cast %get3A_1188 : i32 to index
        %get3A_1190 = arith.index_cast %add3A_1187 : i32 to index
        %get3A_1191 = arith.constant 32 : index
        %get3A_1192 = tpu.vector_load %arg6[%get3A_1189, %get3A_1190, %get3A_1191] {strides = array<i32>} : memref<4x128x128xf32, #tpu.memory_space<vmem>>, vector<1x1x16xf32>,
        %get3A_1193 = vector.shape_cast %get3A_1192 : vector<1x1x16xf32> to vector<16xf32>
        %add3A_1194 = arith.addf %add3A_1122, %get3A_1193 : vector<16xf32>
        %add3A_1195 = arith.constant 4 : i32
        %add3A_1196 = arith.addi %mul3A_903, %add3A_1195 : i32
        %get3A_1197 = arith.constant 1 : i32
        %get3A_1198 = arith.index_cast %get3A_1197 : i32 to index
        %get3A_1199 = arith.index_cast %add3A_1196 : i32 to index
        %get3A_1200 = arith.constant 48 : index
        %get3A_1201 = tpu.vector_load %arg6[%get3A_1198, %get3A_1199, %get3A_1200] {strides = array<i32>} : memref<4x128x128xf32, #tpu.memory_space<vmem>>, vector<1x1x16xf32>,
        %get3A_1202 = vector.shape_cast %get3A_1201 : vector<1x1x16xf32> to vector<16xf32>
        %add3A_1203 = arith.addf %add3A_1131, %get3A_1202 : vector<16xf32>
        %add3A_1204 = arith.constant 4 : i32
        %add3A_1205 = arith.addi %mul3A_903, %add3A_1204 : i32
        %get3A_1206 = arith.constant 1 : i32
        %get3A_1207 = arith.index_cast %get3A_1206 : i32 to index
        %get3A_1208 = arith.index_cast %add3A_1205 : i32 to index
        %get3A_1209 = arith.constant 64 : index
        %get3A_1210 = tpu.vector_load %arg6[%get3A_1207, %get3A_1208, %get3A_1209] {strides = array<i32>} : memref<4x128x128xf32, #tpu.memory_space<vmem>>, vector<1x1x16xf32>,
        %get3A_1211 = vector.shape_cast %get3A_1210 : vector<1x1x16xf32> to vector<16xf32>
        %add3A_1212 = arith.addf %add3A_1140, %get3A_1211 : vector<16xf32>
        %add3A_1213 = arith.constant 4 : i32
        %add3A_1214 = arith.addi %mul3A_903, %add3A_1213 : i32
        %get3A_1215 = arith.constant 1 : i32
        %get3A_1216 = arith.index_cast %get3A_1215 : i32 to index
        %get3A_1217 = arith.index_cast %add3A_1214 : i32 to index
        %get3A_1218 = arith.constant 80 : index
        %get3A_1219 = tpu.vector_load %arg6[%get3A_1216, %get3A_1217, %get3A_1218] {strides = array<i32>} : memref<4x128x128xf32, #tpu.memory_space<vmem>>, vector<1x1x16xf32>,
        %get3A_1220 = vector.shape_cast %get3A_1219 : vector<1x1x16xf32> to vector<16xf32>
        %add3A_1221 = arith.addf %add3A_1149, %get3A_1220 : vector<16xf32>
        %add3A_1222 = arith.constant 4 : i32
        %add3A_1223 = arith.addi %mul3A_903, %add3A_1222 : i32
        %get3A_1224 = arith.constant 1 : i32
        %get3A_1225 = arith.index_cast %get3A_1224 : i32 to index
        %get3A_1226 = arith.index_cast %add3A_1223 : i32 to index
        %get3A_1227 = arith.constant 96 : index
        %get3A_1228 = tpu.vector_load %arg6[%get3A_1225, %get3A_1226, %get3A_1227] {strides = array<i32>} : memref<4x128x128xf32, #tpu.memory_space<vmem>>, vector<1x1x16xf32>,
        %get3A_1229 = vector.shape_cast %get3A_1228 : vector<1x1x16xf32> to vector<16xf32>
        %add3A_1230 = arith.addf %add3A_1158, %get3A_1229 : vector<16xf32>
        %add3A_1231 = arith.constant 4 : i32
        %add3A_1232 = arith.addi %mul3A_903, %add3A_1231 : i32
        %get3A_1233 = arith.constant 1 : i32
        %get3A_1234 = arith.index_cast %get3A_1233 : i32 to index
        %get3A_1235 = arith.index_cast %add3A_1232 : i32 to index
        %get3A_1236 = arith.constant 112 : index
        %get3A_1237 = tpu.vector_load %arg6[%get3A_1234, %get3A_1235, %get3A_1236] {strides = array<i32>} : memref<4x128x128xf32, #tpu.memory_space<vmem>>, vector<1x1x16xf32>,
        %get3A_1238 = vector.shape_cast %get3A_1237 : vector<1x1x16xf32> to vector<16xf32>
        %add3A_1239 = arith.addf %add3A_1167, %get3A_1238 : vector<16xf32>
        %add3A_1240 = arith.constant 5 : i32
        %add3A_1241 = arith.addi %mul3A_903, %add3A_1240 : i32
        %get3A_1242 = arith.constant 1 : i32
        %get3A_1243 = arith.index_cast %get3A_1242 : i32 to index
        %get3A_1244 = arith.index_cast %add3A_1241 : i32 to index
        %get3A_1245 = arith.constant 0 : index
        %get3A_1246 = tpu.vector_load %arg6[%get3A_1243, %get3A_1244, %get3A_1245] {strides = array<i32>} : memref<4x128x128xf32, #tpu.memory_space<vmem>>, vector<1x1x16xf32>,
        %get3A_1247 = vector.shape_cast %get3A_1246 : vector<1x1x16xf32> to vector<16xf32>
        %add3A_1248 = arith.addf %add3A_1176, %get3A_1247 : vector<16xf32>
        %add3A_1249 = arith.constant 5 : i32
        %add3A_1250 = arith.addi %mul3A_903, %add3A_1249 : i32
        %get3A_1251 = arith.constant 1 : i32
        %get3A_1252 = arith.index_cast %get3A_1251 : i32 to index
        %get3A_1253 = arith.index_cast %add3A_1250 : i32 to index
        %get3A_1254 = arith.constant 16 : index
        %get3A_1255 = tpu.vector_load %arg6[%get3A_1252, %get3A_1253, %get3A_1254] {strides = array<i32>} : memref<4x128x128xf32, #tpu.memory_space<vmem>>, vector<1x1x16xf32>,
        %get3A_1256 = vector.shape_cast %get3A_1255 : vector<1x1x16xf32> to vector<16xf32>
        %add3A_1257 = arith.addf %add3A_1185, %get3A_1256 : vector<16xf32>
        %add3A_1258 = arith.constant 5 : i32
        %add3A_1259 = arith.addi %mul3A_903, %add3A_1258 : i32
        %get3A_1260 = arith.constant 1 : i32
        %get3A_1261 = arith.index_cast %get3A_1260 : i32 to index
        %get3A_1262 = arith.index_cast %add3A_1259 : i32 to index
        %get3A_1263 = arith.constant 32 : index
        %get3A_1264 = tpu.vector_load %arg6[%get3A_1261, %get3A_1262, %get3A_1263] {strides = array<i32>} : memref<4x128x128xf32, #tpu.memory_space<vmem>>, vector<1x1x16xf32>,
        %get3A_1265 = vector.shape_cast %get3A_1264 : vector<1x1x16xf32> to vector<16xf32>
        %add3A_1266 = arith.addf %add3A_1194, %get3A_1265 : vector<16xf32>
        %add3A_1267 = arith.constant 5 : i32
        %add3A_1268 = arith.addi %mul3A_903, %add3A_1267 : i32
        %get3A_1269 = arith.constant 1 : i32
        %get3A_1270 = arith.index_cast %get3A_1269 : i32 to index
        %get3A_1271 = arith.index_cast %add3A_1268 : i32 to index
        %get3A_1272 = arith.constant 48 : index
        %get3A_1273 = tpu.vector_load %arg6[%get3A_1270, %get3A_1271, %get3A_1272] {strides = array<i32>} : memref<4x128x128xf32, #tpu.memory_space<vmem>>, vector<1x1x16xf32>,
        %get3A_1274 = vector.shape_cast %get3A_1273 : vector<1x1x16xf32> to vector<16xf32>
        %add3A_1275 = arith.addf %add3A_1203, %get3A_1274 : vector<16xf32>
        %add3A_1276 = arith.constant 5 : i32
        %add3A_1277 = arith.addi %mul3A_903, %add3A_1276 : i32
        %get3A_1278 = arith.constant 1 : i32
        %get3A_1279 = arith.index_cast %get3A_1278 : i32 to index
        %get3A_1280 = arith.index_cast %add3A_1277 : i32 to index
        %get3A_1281 = arith.constant 64 : index
        %get3A_1282 = tpu.vector_load %arg6[%get3A_1279, %get3A_1280, %get3A_1281] {strides = array<i32>} : memref<4x128x128xf32, #tpu.memory_space<vmem>>, vector<1x1x16xf32>,
        %get3A_1283 = vector.shape_cast %get3A_1282 : vector<1x1x16xf32> to vector<16xf32>
        %add3A_1284 = arith.addf %add3A_1212, %get3A_1283 : vector<16xf32>
        %add3A_1285 = arith.constant 5 : i32
        %add3A_1286 = arith.addi %mul3A_903, %add3A_1285 : i32
        %get3A_1287 = arith.constant 1 : i32
        %get3A_1288 = arith.index_cast %get3A_1287 : i32 to index
        %get3A_1289 = arith.index_cast %add3A_1286 : i32 to index
        %get3A_1290 = arith.constant 80 : index
        %get3A_1291 = tpu.vector_load %arg6[%get3A_1288, %get3A_1289, %get3A_1290] {strides = array<i32>} : memref<4x128x128xf32, #tpu.memory_space<vmem>>, vector<1x1x16xf32>,
        %get3A_1292 = vector.shape_cast %get3A_1291 : vector<1x1x16xf32> to vector<16xf32>
        %add3A_1293 = arith.addf %add3A_1221, %get3A_1292 : vector<16xf32>
        %add3A_1294 = arith.constant 5 : i32
        %add3A_1295 = arith.addi %mul3A_903, %add3A_1294 : i32
        %get3A_1296 = arith.constant 1 : i32
        %get3A_1297 = arith.index_cast %get3A_1296 : i32 to index
        %get3A_1298 = arith.index_cast %add3A_1295 : i32 to index
        %get3A_1299 = arith.constant 96 : index
        %get3A_1300 = tpu.vector_load %arg6[%get3A_1297, %get3A_1298, %get3A_1299] {strides = array<i32>} : memref<4x128x128xf32, #tpu.memory_space<vmem>>, vector<1x1x16xf32>,
        %get3A_1301 = vector.shape_cast %get3A_1300 : vector<1x1x16xf32> to vector<16xf32>
        %add3A_1302 = arith.addf %add3A_1230, %get3A_1301 : vector<16xf32>
        %add3A_1303 = arith.constant 5 : i32
        %add3A_1304 = arith.addi %mul3A_903, %add3A_1303 : i32
        %get3A_1305 = arith.constant 1 : i32
        %get3A_1306 = arith.index_cast %get3A_1305 : i32 to index
        %get3A_1307 = arith.index_cast %add3A_1304 : i32 to index
        %get3A_1308 = arith.constant 112 : index
        %get3A_1309 = tpu.vector_load %arg6[%get3A_1306, %get3A_1307, %get3A_1308] {strides = array<i32>} : memref<4x128x128xf32, #tpu.memory_space<vmem>>, vector<1x1x16xf32>,
        %get3A_1310 = vector.shape_cast %get3A_1309 : vector<1x1x16xf32> to vector<16xf32>
        %add3A_1311 = arith.addf %add3A_1239, %get3A_1310 : vector<16xf32>
        %add3A_1312 = arith.constant 6 : i32
        %add3A_1313 = arith.addi %mul3A_903, %add3A_1312 : i32
        %get3A_1314 = arith.constant 1 : i32
        %get3A_1315 = arith.index_cast %get3A_1314 : i32 to index
        %get3A_1316 = arith.index_cast %add3A_1313 : i32 to index
        %get3A_1317 = arith.constant 0 : index
        %get3A_1318 = tpu.vector_load %arg6[%get3A_1315, %get3A_1316, %get3A_1317] {strides = array<i32>} : memref<4x128x128xf32, #tpu.memory_space<vmem>>, vector<1x1x16xf32>,
        %get3A_1319 = vector.shape_cast %get3A_1318 : vector<1x1x16xf32> to vector<16xf32>
        %add3A_1320 = arith.addf %add3A_1248, %get3A_1319 : vector<16xf32>
        %add3A_1321 = arith.constant 6 : i32
        %add3A_1322 = arith.addi %mul3A_903, %add3A_1321 : i32
        %get3A_1323 = arith.constant 1 : i32
        %get3A_1324 = arith.index_cast %get3A_1323 : i32 to index
        %get3A_1325 = arith.index_cast %add3A_1322 : i32 to index
        %get3A_1326 = arith.constant 16 : index
        %get3A_1327 = tpu.vector_load %arg6[%get3A_1324, %get3A_1325, %get3A_1326] {strides = array<i32>} : memref<4x128x128xf32, #tpu.memory_space<vmem>>, vector<1x1x16xf32>,
        %get3A_1328 = vector.shape_cast %get3A_1327 : vector<1x1x16xf32> to vector<16xf32>
        %add3A_1329 = arith.addf %add3A_1257, %get3A_1328 : vector<16xf32>
        %add3A_1330 = arith.constant 6 : i32
        %add3A_1331 = arith.addi %mul3A_903, %add3A_1330 : i32
        %get3A_1332 = arith.constant 1 : i32
        %get3A_1333 = arith.index_cast %get3A_1332 : i32 to index
        %get3A_1334 = arith.index_cast %add3A_1331 : i32 to index
        %get3A_1335 = arith.constant 32 : index
        %get3A_1336 = tpu.vector_load %arg6[%get3A_1333, %get3A_1334, %get3A_1335] {strides = array<i32>} : memref<4x128x128xf32, #tpu.memory_space<vmem>>, vector<1x1x16xf32>,
        %get3A_1337 = vector.shape_cast %get3A_1336 : vector<1x1x16xf32> to vector<16xf32>
        %add3A_1338 = arith.addf %add3A_1266, %get3A_1337 : vector<16xf32>
        %add3A_1339 = arith.constant 6 : i32
        %add3A_1340 = arith.addi %mul3A_903, %add3A_1339 : i32
        %get3A_1341 = arith.constant 1 : i32
        %get3A_1342 = arith.index_cast %get3A_1341 : i32 to index
        %get3A_1343 = arith.index_cast %add3A_1340 : i32 to index
        %get3A_1344 = arith.constant 48 : index
        %get3A_1345 = tpu.vector_load %arg6[%get3A_1342, %get3A_1343, %get3A_1344] {strides = array<i32>} : memref<4x128x128xf32, #tpu.memory_space<vmem>>, vector<1x1x16xf32>,
        %get3A_1346 = vector.shape_cast %get3A_1345 : vector<1x1x16xf32> to vector<16xf32>
        %add3A_1347 = arith.addf %add3A_1275, %get3A_1346 : vector<16xf32>
        %add3A_1348 = arith.constant 6 : i32
        %add3A_1349 = arith.addi %mul3A_903, %add3A_1348 : i32
        %get3A_1350 = arith.constant 1 : i32
        %get3A_1351 = arith.index_cast %get3A_1350 : i32 to index
        %get3A_1352 = arith.index_cast %add3A_1349 : i32 to index
        %get3A_1353 = arith.constant 64 : index
        %get3A_1354 = tpu.vector_load %arg6[%get3A_1351, %get3A_1352, %get3A_1353] {strides = array<i32>} : memref<4x128x128xf32, #tpu.memory_space<vmem>>, vector<1x1x16xf32>,
        %get3A_1355 = vector.shape_cast %get3A_1354 : vector<1x1x16xf32> to vector<16xf32>
        %add3A_1356 = arith.addf %add3A_1284, %get3A_1355 : vector<16xf32>
        %add3A_1357 = arith.constant 6 : i32
        %add3A_1358 = arith.addi %mul3A_903, %add3A_1357 : i32
        %get3A_1359 = arith.constant 1 : i32
        %get3A_1360 = arith.index_cast %get3A_1359 : i32 to index
        %get3A_1361 = arith.index_cast %add3A_1358 : i32 to index
        %get3A_1362 = arith.constant 80 : index
        %get3A_1363 = tpu.vector_load %arg6[%get3A_1360, %get3A_1361, %get3A_1362] {strides = array<i32>} : memref<4x128x128xf32, #tpu.memory_space<vmem>>, vector<1x1x16xf32>,
        %get3A_1364 = vector.shape_cast %get3A_1363 : vector<1x1x16xf32> to vector<16xf32>
        %add3A_1365 = arith.addf %add3A_1293, %get3A_1364 : vector<16xf32>
        %add3A_1366 = arith.constant 6 : i32
        %add3A_1367 = arith.addi %mul3A_903, %add3A_1366 : i32
        %get3A_1368 = arith.constant 1 : i32
        %get3A_1369 = arith.index_cast %get3A_1368 : i32 to index
        %get3A_1370 = arith.index_cast %add3A_1367 : i32 to index
        %get3A_1371 = arith.constant 96 : index
        %get3A_1372 = tpu.vector_load %arg6[%get3A_1369, %get3A_1370, %get3A_1371] {strides = array<i32>} : memref<4x128x128xf32, #tpu.memory_space<vmem>>, vector<1x1x16xf32>,
        %get3A_1373 = vector.shape_cast %get3A_1372 : vector<1x1x16xf32> to vector<16xf32>
        %add3A_1374 = arith.addf %add3A_1302, %get3A_1373 : vector<16xf32>
        %add3A_1375 = arith.constant 6 : i32
        %add3A_1376 = arith.addi %mul3A_903, %add3A_1375 : i32
        %get3A_1377 = arith.constant 1 : i32
        %get3A_1378 = arith.index_cast %get3A_1377 : i32 to index
        %get3A_1379 = arith.index_cast %add3A_1376 : i32 to index
        %get3A_1380 = arith.constant 112 : index
        %get3A_1381 = tpu.vector_load %arg6[%get3A_1378, %get3A_1379, %get3A_1380] {strides = array<i32>} : memref<4x128x128xf32, #tpu.memory_space<vmem>>, vector<1x1x16xf32>,
        %get3A_1382 = vector.shape_cast %get3A_1381 : vector<1x1x16xf32> to vector<16xf32>
        %add3A_1383 = arith.addf %add3A_1311, %get3A_1382 : vector<16xf32>
        %add3A_1384 = arith.constant 7 : i32
        %add3A_1385 = arith.addi %mul3A_903, %add3A_1384 : i32
        %get3A_1386 = arith.constant 1 : i32
        %get3A_1387 = arith.index_cast %get3A_1386 : i32 to index
        %get3A_1388 = arith.index_cast %add3A_1385 : i32 to index
        %get3A_1389 = arith.constant 0 : index
        %get3A_1390 = tpu.vector_load %arg6[%get3A_1387, %get3A_1388, %get3A_1389] {strides = array<i32>} : memref<4x128x128xf32, #tpu.memory_space<vmem>>, vector<1x1x16xf32>,
        %get3A_1391 = vector.shape_cast %get3A_1390 : vector<1x1x16xf32> to vector<16xf32>
        %add3A_1392 = arith.addf %add3A_1320, %get3A_1391 : vector<16xf32>
        %add3A_1393 = arith.constant 7 : i32
        %add3A_1394 = arith.addi %mul3A_903, %add3A_1393 : i32
        %get3A_1395 = arith.constant 1 : i32
        %get3A_1396 = arith.index_cast %get3A_1395 : i32 to index
        %get3A_1397 = arith.index_cast %add3A_1394 : i32 to index
        %get3A_1398 = arith.constant 16 : index
        %get3A_1399 = tpu.vector_load %arg6[%get3A_1396, %get3A_1397, %get3A_1398] {strides = array<i32>} : memref<4x128x128xf32, #tpu.memory_space<vmem>>, vector<1x1x16xf32>,
        %get3A_1400 = vector.shape_cast %get3A_1399 : vector<1x1x16xf32> to vector<16xf32>
        %add3A_1401 = arith.addf %add3A_1329, %get3A_1400 : vector<16xf32>
        %add3A_1402 = arith.constant 7 : i32
        %add3A_1403 = arith.addi %mul3A_903, %add3A_1402 : i32
        %get3A_1404 = arith.constant 1 : i32
        %get3A_1405 = arith.index_cast %get3A_1404 : i32 to index
        %get3A_1406 = arith.index_cast %add3A_1403 : i32 to index
        %get3A_1407 = arith.constant 32 : index
        %get3A_1408 = tpu.vector_load %arg6[%get3A_1405, %get3A_1406, %get3A_1407] {strides = array<i32>} : memref<4x128x128xf32, #tpu.memory_space<vmem>>, vector<1x1x16xf32>,
        %get3A_1409 = vector.shape_cast %get3A_1408 : vector<1x1x16xf32> to vector<16xf32>
        %add3A_1410 = arith.addf %add3A_1338, %get3A_1409 : vector<16xf32>
        %add3A_1411 = arith.constant 7 : i32
        %add3A_1412 = arith.addi %mul3A_903, %add3A_1411 : i32
        %get3A_1413 = arith.constant 1 : i32
        %get3A_1414 = arith.index_cast %get3A_1413 : i32 to index
        %get3A_1415 = arith.index_cast %add3A_1412 : i32 to index
        %get3A_1416 = arith.constant 48 : index
        %get3A_1417 = tpu.vector_load %arg6[%get3A_1414, %get3A_1415, %get3A_1416] {strides = array<i32>} : memref<4x128x128xf32, #tpu.memory_space<vmem>>, vector<1x1x16xf32>,
        %get3A_1418 = vector.shape_cast %get3A_1417 : vector<1x1x16xf32> to vector<16xf32>
        %add3A_1419 = arith.addf %add3A_1347, %get3A_1418 : vector<16xf32>
        %add3A_1420 = arith.constant 7 : i32
        %add3A_1421 = arith.addi %mul3A_903, %add3A_1420 : i32
        %get3A_1422 = arith.constant 1 : i32
        %get3A_1423 = arith.index_cast %get3A_1422 : i32 to index
        %get3A_1424 = arith.index_cast %add3A_1421 : i32 to index
        %get3A_1425 = arith.constant 64 : index
        %get3A_1426 = tpu.vector_load %arg6[%get3A_1423, %get3A_1424, %get3A_1425] {strides = array<i32>} : memref<4x128x128xf32, #tpu.memory_space<vmem>>, vector<1x1x16xf32>,
        %get3A_1427 = vector.shape_cast %get3A_1426 : vector<1x1x16xf32> to vector<16xf32>
        %add3A_1428 = arith.addf %add3A_1356, %get3A_1427 : vector<16xf32>
        %add3A_1429 = arith.constant 7 : i32
        %add3A_1430 = arith.addi %mul3A_903, %add3A_1429 : i32
        %get3A_1431 = arith.constant 1 : i32
        %get3A_1432 = arith.index_cast %get3A_1431 : i32 to index
        %get3A_1433 = arith.index_cast %add3A_1430 : i32 to index
        %get3A_1434 = arith.constant 80 : index
        %get3A_1435 = tpu.vector_load %arg6[%get3A_1432, %get3A_1433, %get3A_1434] {strides = array<i32>} : memref<4x128x128xf32, #tpu.memory_space<vmem>>, vector<1x1x16xf32>,
        %get3A_1436 = vector.shape_cast %get3A_1435 : vector<1x1x16xf32> to vector<16xf32>
        %add3A_1437 = arith.addf %add3A_1365, %get3A_1436 : vector<16xf32>
        %add3A_1438 = arith.constant 7 : i32
        %add3A_1439 = arith.addi %mul3A_903, %add3A_1438 : i32
        %get3A_1440 = arith.constant 1 : i32
        %get3A_1441 = arith.index_cast %get3A_1440 : i32 to index
        %get3A_1442 = arith.index_cast %add3A_1439 : i32 to index
        %get3A_1443 = arith.constant 96 : index
        %get3A_1444 = tpu.vector_load %arg6[%get3A_1441, %get3A_1442, %get3A_1443] {strides = array<i32>} : memref<4x128x128xf32, #tpu.memory_space<vmem>>, vector<1x1x16xf32>,
        %get3A_1445 = vector.shape_cast %get3A_1444 : vector<1x1x16xf32> to vector<16xf32>
        %add3A_1446 = arith.addf %add3A_1374, %get3A_1445 : vector<16xf32>
        %add3A_1447 = arith.constant 7 : i32
        %add3A_1448 = arith.addi %mul3A_903, %add3A_1447 : i32
        %get3A_1449 = arith.constant 1 : i32
        %get3A_1450 = arith.index_cast %get3A_1449 : i32 to index
        %get3A_1451 = arith.index_cast %add3A_1448 : i32 to index
        %get3A_1452 = arith.constant 112 : index
        %get3A_1453 = tpu.vector_load %arg6[%get3A_1450, %get3A_1451, %get3A_1452] {strides = array<i32>} : memref<4x128x128xf32, #tpu.memory_space<vmem>>, vector<1x1x16xf32>,
        %get3A_1454 = vector.shape_cast %get3A_1453 : vector<1x1x16xf32> to vector<16xf32>
        %add3A_1455 = arith.addf %add3A_1383, %get3A_1454 : vector<16xf32>
        %swap3A_1456 = arith.constant 1 : i32
        %swap3A_1457 = arith.index_cast %swap3A_1456 : i32 to index
        %swap3A_1458 = arith.index_cast %add3A_901 : i32 to index
        %swap3A_1459 = arith.constant 0 : index
        %swap3A_1460 = tpu.vector_load %arg7[%swap3A_1457, %swap3A_1458, %swap3A_1459] {strides = array<i32>} : memref<2x16x128xf32, #tpu.memory_space<vmem>>, vector<1x1x16xf32>,
        %swap3A_1461 = vector.shape_cast %swap3A_1460 : vector<1x1x16xf32> to vector<16xf32>
        %swap3A_1462 = vector.shape_cast %add3A_1392 : vector<16xf32> to vector<1x1x16xf32>
        tpu.vector_store %arg7[%swap3A_1457, %swap3A_1458, %swap3A_1459], %swap3A_1462 {strides = array<i32>} : memref<2x16x128xf32, #tpu.memory_space<vmem>>, vector<1x1x16xf32>,
        %swap3A_1463 = arith.constant 1 : i32
        %swap3A_1464 = arith.index_cast %swap3A_1463 : i32 to index
        %swap3A_1465 = arith.index_cast %add3A_901 : i32 to index
        %swap3A_1466 = arith.constant 16 : index
        %swap3A_1467 = tpu.vector_load %arg7[%swap3A_1464, %swap3A_1465, %swap3A_1466] {strides = array<i32>} : memref<2x16x128xf32, #tpu.memory_space<vmem>>, vector<1x1x16xf32>,
        %swap3A_1468 = vector.shape_cast %swap3A_1467 : vector<1x1x16xf32> to vector<16xf32>
        %swap3A_1469 = vector.shape_cast %add3A_1401 : vector<16xf32> to vector<1x1x16xf32>
        tpu.vector_store %arg7[%swap3A_1464, %swap3A_1465, %swap3A_1466], %swap3A_1469 {strides = array<i32>} : memref<2x16x128xf32, #tpu.memory_space<vmem>>, vector<1x1x16xf32>,
        %swap3A_1470 = arith.constant 1 : i32
        %swap3A_1471 = arith.index_cast %swap3A_1470 : i32 to index
        %swap3A_1472 = arith.index_cast %add3A_901 : i32 to index
        %swap3A_1473 = arith.constant 32 : index
        %swap3A_1474 = tpu.vector_load %arg7[%swap3A_1471, %swap3A_1472, %swap3A_1473] {strides = array<i32>} : memref<2x16x128xf32, #tpu.memory_space<vmem>>, vector<1x1x16xf32>,
        %swap3A_1475 = vector.shape_cast %swap3A_1474 : vector<1x1x16xf32> to vector<16xf32>
        %swap3A_1476 = vector.shape_cast %add3A_1410 : vector<16xf32> to vector<1x1x16xf32>
        tpu.vector_store %arg7[%swap3A_1471, %swap3A_1472, %swap3A_1473], %swap3A_1476 {strides = array<i32>} : memref<2x16x128xf32, #tpu.memory_space<vmem>>, vector<1x1x16xf32>,
        %swap3A_1477 = arith.constant 1 : i32
        %swap3A_1478 = arith.index_cast %swap3A_1477 : i32 to index
        %swap3A_1479 = arith.index_cast %add3A_901 : i32 to index
        %swap3A_1480 = arith.constant 48 : index
        %swap3A_1481 = tpu.vector_load %arg7[%swap3A_1478, %swap3A_1479, %swap3A_1480] {strides = array<i32>} : memref<2x16x128xf32, #tpu.memory_space<vmem>>, vector<1x1x16xf32>,
        %swap3A_1482 = vector.shape_cast %swap3A_1481 : vector<1x1x16xf32> to vector<16xf32>
        %swap3A_1483 = vector.shape_cast %add3A_1419 : vector<16xf32> to vector<1x1x16xf32>
        tpu.vector_store %arg7[%swap3A_1478, %swap3A_1479, %swap3A_1480], %swap3A_1483 {strides = array<i32>} : memref<2x16x128xf32, #tpu.memory_space<vmem>>, vector<1x1x16xf32>,
        %swap3A_1484 = arith.constant 1 : i32
        %swap3A_1485 = arith.index_cast %swap3A_1484 : i32 to index
        %swap3A_1486 = arith.index_cast %add3A_901 : i32 to index
        %swap3A_1487 = arith.constant 64 : index
        %swap3A_1488 = tpu.vector_load %arg7[%swap3A_1485, %swap3A_1486, %swap3A_1487] {strides = array<i32>} : memref<2x16x128xf32, #tpu.memory_space<vmem>>, vector<1x1x16xf32>,
        %swap3A_1489 = vector.shape_cast %swap3A_1488 : vector<1x1x16xf32> to vector<16xf32>
        %swap3A_1490 = vector.shape_cast %add3A_1428 : vector<16xf32> to vector<1x1x16xf32>
        tpu.vector_store %arg7[%swap3A_1485, %swap3A_1486, %swap3A_1487], %swap3A_1490 {strides = array<i32>} : memref<2x16x128xf32, #tpu.memory_space<vmem>>, vector<1x1x16xf32>,
        %swap3A_1491 = arith.constant 1 : i32
        %swap3A_1492 = arith.index_cast %swap3A_1491 : i32 to index
        %swap3A_1493 = arith.index_cast %add3A_901 : i32 to index
        %swap3A_1494 = arith.constant 80 : index
        %swap3A_1495 = tpu.vector_load %arg7[%swap3A_1492, %swap3A_1493, %swap3A_1494] {strides = array<i32>} : memref<2x16x128xf32, #tpu.memory_space<vmem>>, vector<1x1x16xf32>,
        %swap3A_1496 = vector.shape_cast %swap3A_1495 : vector<1x1x16xf32> to vector<16xf32>
        %swap3A_1497 = vector.shape_cast %add3A_1437 : vector<16xf32> to vector<1x1x16xf32>
        tpu.vector_store %arg7[%swap3A_1492, %swap3A_1493, %swap3A_1494], %swap3A_1497 {strides = array<i32>} : memref<2x16x128xf32, #tpu.memory_space<vmem>>, vector<1x1x16xf32>,
        %swap3A_1498 = arith.constant 1 : i32
        %swap3A_1499 = arith.index_cast %swap3A_1498 : i32 to index
        %swap3A_1500 = arith.index_cast %add3A_901 : i32 to index
        %swap3A_1501 = arith.constant 96 : index
        %swap3A_1502 = tpu.vector_load %arg7[%swap3A_1499, %swap3A_1500, %swap3A_1501] {strides = array<i32>} : memref<2x16x128xf32, #tpu.memory_space<vmem>>, vector<1x1x16xf32>,
        %swap3A_1503 = vector.shape_cast %swap3A_1502 : vector<1x1x16xf32> to vector<16xf32>
        %swap3A_1504 = vector.shape_cast %add3A_1446 : vector<16xf32> to vector<1x1x16xf32>
        tpu.vector_store %arg7[%swap3A_1499, %swap3A_1500, %swap3A_1501], %swap3A_1504 {strides = array<i32>} : memref<2x16x128xf32, #tpu.memory_space<vmem>>, vector<1x1x16xf32>,
        %swap3A_1505 = arith.constant 1 : i32
        %swap3A_1506 = arith.index_cast %swap3A_1505 : i32 to index
        %swap3A_1507 = arith.index_cast %add3A_901 : i32 to index
        %swap3A_1508 = arith.constant 112 : index
        %swap3A_1509 = tpu.vector_load %arg7[%swap3A_1506, %swap3A_1507, %swap3A_1508] {strides = array<i32>} : memref<2x16x128xf32, #tpu.memory_space<vmem>>, vector<1x1x16xf32>,
        %swap3A_1510 = vector.shape_cast %swap3A_1509 : vector<1x1x16xf32> to vector<16xf32>
        %swap3A_1511 = vector.shape_cast %add3A_1455 : vector<16xf32> to vector<1x1x16xf32>
        tpu.vector_store %arg7[%swap3A_1506, %swap3A_1507, %swap3A_1508], %swap3A_1511 {strides = array<i32>} : memref<2x16x128xf32, #tpu.memory_space<vmem>>, vector<1x1x16xf32>,
      }
      %scan3A_155 = arith.constant 8 : i32
      %add3A_156 = arith.constant 4 : i32
      %add3A_157 = arith.addi %add3A_129, %add3A_156 : i32
      %lt3A_158 = arith.constant 64 : i32
      %lt3A_159 = arith.cmpi slt, %add3A_157, %lt3A_158 : i32
      %convert_element_type3A_160 = arith.extui %lt3A_159 : i1 to i32
      %cond3A_161 = arith.constant 0 : i32
      %cond3A_162 = arith.cmpi ne, %convert_element_type3A_160, %cond3A_161 : i32
      scf.if %cond3A_162 {
        %add3A_285 = arith.constant 4 : i32
        %add3A_286 = arith.addi %add3A_129, %add3A_285 : i32
        %mul3A_287 = arith.constant 128 : i32
        %mul3A_288 = arith.muli %add3A_286, %mul3A_287 : i32
        %dma_start3A_289 = arith.constant 1 : i32
        %dma_start3A_290 = arith.constant 0 : i32
        %dma_start3A_291 = arith.constant 0 : i32
        %dma_start3A_292 = tpu.memref_slice %arg6[%dma_start3A_289, %dma_start3A_290, %dma_start3A_291] : memref<4x128x128xf32, #tpu.memory_space<vmem>> -> memref<1x128x128xf32, #tpu.memory_space<vmem>>
        %dma_start3A_293 = tpu.memref_squeeze %dma_start3A_292 : memref<1x128x128xf32, #tpu.memory_space<vmem>> -> memref<128x128xf32, #tpu.memory_space<vmem>>
        %dma_start3A_294 = tpu.memref_slice %arg5[%mul3A_288] : memref<8192xi32, #tpu.memory_space<vmem>> -> memref<128xi32, #tpu.memory_space<vmem>>
        %dma_start3A_295 = arith.constant 0 : i32
        %dma_start3A_296 = arith.constant 0 : i32
        %dma_start3A_297 = tpu.memref_slice %arg3[%dma_start3A_295, %dma_start3A_296] : memref<65536x128xf32, #tpu.memory_space<hbm>> -> memref<65536x128xf32, #tpu.memory_space<hbm>>
        tpu.enqueue_indirect_dma source(%dma_start3A_297 : memref<65536x128xf32, #tpu.memory_space<hbm>>) target(%dma_start3A_293 : memref<128x128xf32, #tpu.memory_space<vmem>>) offsets(%dma_start3A_294 : memref<128xi32, #tpu.memory_space<vmem>>) semaphore(%arg9 : memref<!tpu.dma_semaphore, #tpu.memory_space<semaphore_mem>>)
      } else {
      }
      %mul3A_163 = arith.constant 16 : i32
      %mul3A_164 = arith.muli %add3A_129, %mul3A_163 : i32
      %add3A_165 = arith.addi %mul3A_2, %mul3A_164 : i32
      %dma_start3A_166 = arith.constant 1 : i32
      %dma_start3A_167 = arith.constant 0 : i32
      %dma_start3A_168 = arith.constant 0 : i32
      %dma_start3A_169 = tpu.memref_slice %arg7[%dma_start3A_166, %dma_start3A_167, %dma_start3A_168] : memref<2x16x128xf32, #tpu.memory_space<vmem>> -> memref<1x16x128xf32, #tpu.memory_space<vmem>>
      %dma_start3A_170 = tpu.memref_squeeze %dma_start3A_169 : memref<1x16x128xf32, #tpu.memory_space<vmem>> -> memref<16x128xf32, #tpu.memory_space<vmem>>
      %dma_start3A_171 = arith.constant 0 : i32
      %dma_start3A_172 = tpu.memref_slice %arg4[%add3A_165, %dma_start3A_171] : memref<32768x128xf32, #tpu.memory_space<hbm>> -> memref<16x128xf32, #tpu.memory_space<hbm>>
      %dma_start3A_173 = arith.constant 0 : i32
      %dma_start3A_174 = tpu.memref_slice %arg4[%add3A_165, %dma_start3A_173] : memref<32768x128xf32, #tpu.memory_space<hbm>> -> memref<16x128xf32, #tpu.memory_space<hbm>>
      %dma_start3A_175 = arith.constant 0 : i32
      %dma_start3A_176 = arith.constant 0 : i32
      %dma_start3A_177 = tpu.memref_slice %arg7[%dma_start3A_166, %dma_start3A_175, %dma_start3A_176] : memref<2x16x128xf32, #tpu.memory_space<vmem>> -> memref<1x16x128xf32, #tpu.memory_space<vmem>>
      %dma_start3A_178 = tpu.memref_squeeze %dma_start3A_177 : memref<1x16x128xf32, #tpu.memory_space<vmem>> -> memref<16x128xf32, #tpu.memory_space<vmem>>
      tpu.enqueue_dma source(%dma_start3A_178 : memref<16x128xf32, #tpu.memory_space<vmem>>) target(%dma_start3A_174 : memref<16x128xf32, #tpu.memory_space<hbm>>) target_semaphore(%arg13 : memref<!tpu.dma_semaphore, #tpu.memory_space<semaphore_mem>>)
      %mul3A_179 = arith.constant 4 : i32
      %mul3A_180 = arith.muli %scan3A_76, %mul3A_179 : i32
      %add3A_181 = arith.constant 2 : i32
      %add3A_182 = arith.addi %mul3A_180, %add3A_181 : i32
      %dma_wait3A_183 = arith.constant 2 : i32
      %dma_wait3A_184 = arith.constant 0 : i32
      %dma_wait3A_185 = arith.constant 0 : i32
      %dma_wait3A_186 = tpu.memref_slice %arg6[%dma_wait3A_183, %dma_wait3A_184, %dma_wait3A_185] : memref<4x128x128xf32, #tpu.memory_space<vmem>> -> memref<1x128x128xf32, #tpu.memory_space<vmem>>
      %dma_wait3A_187 = tpu.memref_squeeze %dma_wait3A_186 : memref<1x128x128xf32, #tpu.memory_space<vmem>> -> memref<128x128xf32, #tpu.memory_space<vmem>>
      %dma_wait3A_188 = arith.constant 0 : i32
      %dma_wait3A_189 = arith.constant 0 : i32
      %dma_wait3A_190 = tpu.memref_slice %arg3[%dma_wait3A_188, %dma_wait3A_189] : memref<65536x128xf32, #tpu.memory_space<hbm>> -> memref<128x128xf32, #tpu.memory_space<hbm>>
      %dma_wait3A_191 = arith.constant 0 : i32
      %dma_wait3A_192 = arith.constant 0 : i32
      %dma_wait3A_193 = tpu.memref_slice %arg6[%dma_wait3A_183, %dma_wait3A_191, %dma_wait3A_192] : memref<4x128x128xf32, #tpu.memory_space<vmem>> -> memref<1x128x128xf32, #tpu.memory_space<vmem>>
      %dma_wait3A_194 = tpu.memref_squeeze %dma_wait3A_193 : memref<1x128x128xf32, #tpu.memory_space<vmem>> -> memref<128x128xf32, #tpu.memory_space<vmem>>
      %dma_wait3A_195 = arith.constant 0 : i32
      %dma_wait3A_196 = arith.constant 0 : i32
      %dma_wait3A_197 = tpu.memref_slice %arg3[%dma_wait3A_195, %dma_wait3A_196] : memref<65536x128xf32, #tpu.memory_space<hbm>> -> memref<128x128xf32, #tpu.memory_space<hbm>>
      tpu.wait_dma2 semaphore(%arg10 : memref<!tpu.dma_semaphore, #tpu.memory_space<semaphore_mem>>) src(%dma_wait3A_197 : memref<128x128xf32, #tpu.memory_space<hbm>>) dst(%dma_wait3A_194 : memref<128x128xf32, #tpu.memory_space<vmem>>)
      %ge3A_198 = arith.constant 2 : i32
      %ge3A_199 = arith.cmpi sge, %add3A_182, %ge3A_198 : i32
      %convert_element_type3A_200 = arith.extui %ge3A_199 : i1 to i32
      %cond3A_201 = arith.constant 0 : i32
      %cond3A_202 = arith.cmpi ne, %convert_element_type3A_200, %cond3A_201 : i32
      scf.if %cond3A_202 {
        %dma_wait3A_285 = arith.constant 0 : i32
        %dma_wait3A_286 = arith.constant 0 : i32
        %dma_wait3A_287 = arith.constant 0 : i32
        %dma_wait3A_288 = tpu.memref_slice %arg7[%dma_wait3A_285, %dma_wait3A_286, %dma_wait3A_287] : memref<2x16x128xf32, #tpu.memory_space<vmem>> -> memref<1x16x128xf32, #tpu.memory_space<vmem>>
        %dma_wait3A_289 = tpu.memref_squeeze %dma_wait3A_288 : memref<1x16x128xf32, #tpu.memory_space<vmem>> -> memref<16x128xf32, #tpu.memory_space<vmem>>
        %dma_wait3A_290 = arith.constant 0 : i32
        %dma_wait3A_291 = arith.constant 0 : i32
        %dma_wait3A_292 = tpu.memref_slice %arg4[%dma_wait3A_290, %dma_wait3A_291] : memref<32768x128xf32, #tpu.memory_space<hbm>> -> memref<16x128xf32, #tpu.memory_space<hbm>>
        %dma_wait3A_293 = arith.constant 0 : i32
        %dma_wait3A_294 = arith.constant 0 : i32
        %dma_wait3A_295 = tpu.memref_slice %arg4[%dma_wait3A_293, %dma_wait3A_294] : memref<32768x128xf32, #tpu.memory_space<hbm>> -> memref<16x128xf32, #tpu.memory_space<hbm>>
        %dma_wait3A_296 = arith.constant 0 : i32
        %dma_wait3A_297 = arith.constant 0 : i32
        %dma_wait3A_298 = tpu.memref_slice %arg7[%dma_wait3A_285, %dma_wait3A_296, %dma_wait3A_297] : memref<2x16x128xf32, #tpu.memory_space<vmem>> -> memref<1x16x128xf32, #tpu.memory_space<vmem>>
        %dma_wait3A_299 = tpu.memref_squeeze %dma_wait3A_298 : memref<1x16x128xf32, #tpu.memory_space<vmem>> -> memref<16x128xf32, #tpu.memory_space<vmem>>
        tpu.wait_dma2 semaphore(%arg12 : memref<!tpu.dma_semaphore, #tpu.memory_space<semaphore_mem>>) src(%dma_wait3A_299 : memref<16x128xf32, #tpu.memory_space<vmem>>) dst(%dma_wait3A_295 : memref<16x128xf32, #tpu.memory_space<hbm>>)
      } else {
      }
      %scan3A_203 = arith.constant 0 : i32
      %scan3A_204 = arith.constant 0 : i32
      %scan3A_205 = arith.constant 8 : i32
      %scan3A_206 = arith.addi %scan3A_204, %scan3A_205 : i32
      %scan3A_207 = arith.constant 1 : i32
      scf.for %scan3A_285 = %scan3A_204 to %scan3A_206 step %scan3A_207  : i32 {
        %mul3A_286 = arith.constant 2 : i32
        %mul3A_287 = arith.muli %scan3A_285, %mul3A_286 : i32
        %add3A_288 = arith.constant 0 : i32
        %add3A_289 = arith.addi %mul3A_287, %add3A_288 : i32
        %mul3A_290 = arith.constant 8 : i32
        %mul3A_291 = arith.muli %add3A_289, %mul3A_290 : i32
        %get3A = arith.constant 2 : i32
        %get3A_292 = arith.index_cast %get3A : i32 to index
        %get3A_293 = arith.index_cast %mul3A_291 : i32 to index
        %get3A_294 = arith.constant 0 : index
        %get3A_295 = tpu.vector_load %arg6[%get3A_292, %get3A_293, %get3A_294] {strides = array<i32>} : memref<4x128x128xf32, #tpu.memory_space<vmem>>, vector<1x1x16xf32>,
        %get3A_296 = vector.shape_cast %get3A_295 : vector<1x1x16xf32> to vector<16xf32>
        %get3A_297 = arith.constant 2 : i32
        %get3A_298 = arith.index_cast %get3A_297 : i32 to index
        %get3A_299 = arith.index_cast %mul3A_291 : i32 to index
        %get3A_300 = arith.constant 16 : index
        %get3A_301 = tpu.vector_load %arg6[%get3A_298, %get3A_299, %get3A_300] {strides = array<i32>} : memref<4x128x128xf32, #tpu.memory_space<vmem>>, vector<1x1x16xf32>,
        %get3A_302 = vector.shape_cast %get3A_301 : vector<1x1x16xf32> to vector<16xf32>
        %get3A_303 = arith.constant 2 : i32
        %get3A_304 = arith.index_cast %get3A_303 : i32 to index
        %get3A_305 = arith.index_cast %mul3A_291 : i32 to index
        %get3A_306 = arith.constant 32 : index
        %get3A_307 = tpu.vector_load %arg6[%get3A_304, %get3A_305, %get3A_306] {strides = array<i32>} : memref<4x128x128xf32, #tpu.memory_space<vmem>>, vector<1x1x16xf32>,
        %get3A_308 = vector.shape_cast %get3A_307 : vector<1x1x16xf32> to vector<16xf32>
        %get3A_309 = arith.constant 2 : i32
        %get3A_310 = arith.index_cast %get3A_309 : i32 to index
        %get3A_311 = arith.index_cast %mul3A_291 : i32 to index
        %get3A_312 = arith.constant 48 : index
        %get3A_313 = tpu.vector_load %arg6[%get3A_310, %get3A_311, %get3A_312] {strides = array<i32>} : memref<4x128x128xf32, #tpu.memory_space<vmem>>, vector<1x1x16xf32>,
        %get3A_314 = vector.shape_cast %get3A_313 : vector<1x1x16xf32> to vector<16xf32>
        %get3A_315 = arith.constant 2 : i32
        %get3A_316 = arith.index_cast %get3A_315 : i32 to index
        %get3A_317 = arith.index_cast %mul3A_291 : i32 to index
        %get3A_318 = arith.constant 64 : index
        %get3A_319 = tpu.vector_load %arg6[%get3A_316, %get3A_317, %get3A_318] {strides = array<i32>} : memref<4x128x128xf32, #tpu.memory_space<vmem>>, vector<1x1x16xf32>,
        %get3A_320 = vector.shape_cast %get3A_319 : vector<1x1x16xf32> to vector<16xf32>
        %get3A_321 = arith.constant 2 : i32
        %get3A_322 = arith.index_cast %get3A_321 : i32 to index
        %get3A_323 = arith.index_cast %mul3A_291 : i32 to index
        %get3A_324 = arith.constant 80 : index
        %get3A_325 = tpu.vector_load %arg6[%get3A_322, %get3A_323, %get3A_324] {strides = array<i32>} : memref<4x128x128xf32, #tpu.memory_space<vmem>>, vector<1x1x16xf32>,
        %get3A_326 = vector.shape_cast %get3A_325 : vector<1x1x16xf32> to vector<16xf32>
        %get3A_327 = arith.constant 2 : i32
        %get3A_328 = arith.index_cast %get3A_327 : i32 to index
        %get3A_329 = arith.index_cast %mul3A_291 : i32 to index
        %get3A_330 = arith.constant 96 : index
        %get3A_331 = tpu.vector_load %arg6[%get3A_328, %get3A_329, %get3A_330] {strides = array<i32>} : memref<4x128x128xf32, #tpu.memory_space<vmem>>, vector<1x1x16xf32>,
        %get3A_332 = vector.shape_cast %get3A_331 : vector<1x1x16xf32> to vector<16xf32>
        %get3A_333 = arith.constant 2 : i32
        %get3A_334 = arith.index_cast %get3A_333 : i32 to index
        %get3A_335 = arith.index_cast %mul3A_291 : i32 to index
        %get3A_336 = arith.constant 112 : index
        %get3A_337 = tpu.vector_load %arg6[%get3A_334, %get3A_335, %get3A_336] {strides = array<i32>} : memref<4x128x128xf32, #tpu.memory_space<vmem>>, vector<1x1x16xf32>,
        %get3A_338 = vector.shape_cast %get3A_337 : vector<1x1x16xf32> to vector<16xf32>
        %add3A_339 = arith.constant 1 : i32
        %add3A_340 = arith.addi %mul3A_291, %add3A_339 : i32
        %get3A_341 = arith.constant 2 : i32
        %get3A_342 = arith.index_cast %get3A_341 : i32 to index
        %get3A_343 = arith.index_cast %add3A_340 : i32 to index
        %get3A_344 = arith.constant 0 : index
        %get3A_345 = tpu.vector_load %arg6[%get3A_342, %get3A_343, %get3A_344] {strides = array<i32>} : memref<4x128x128xf32, #tpu.memory_space<vmem>>, vector<1x1x16xf32>,
        %get3A_346 = vector.shape_cast %get3A_345 : vector<1x1x16xf32> to vector<16xf32>
        %add3A_347 = arith.addf %get3A_296, %get3A_346 : vector<16xf32>
        %add3A_348 = arith.constant 1 : i32
        %add3A_349 = arith.addi %mul3A_291, %add3A_348 : i32
        %get3A_350 = arith.constant 2 : i32
        %get3A_351 = arith.index_cast %get3A_350 : i32 to index
        %get3A_352 = arith.index_cast %add3A_349 : i32 to index
        %get3A_353 = arith.constant 16 : index
        %get3A_354 = tpu.vector_load %arg6[%get3A_351, %get3A_352, %get3A_353] {strides = array<i32>} : memref<4x128x128xf32, #tpu.memory_space<vmem>>, vector<1x1x16xf32>,
        %get3A_355 = vector.shape_cast %get3A_354 : vector<1x1x16xf32> to vector<16xf32>
        %add3A_356 = arith.addf %get3A_302, %get3A_355 : vector<16xf32>
        %add3A_357 = arith.constant 1 : i32
        %add3A_358 = arith.addi %mul3A_291, %add3A_357 : i32
        %get3A_359 = arith.constant 2 : i32
        %get3A_360 = arith.index_cast %get3A_359 : i32 to index
        %get3A_361 = arith.index_cast %add3A_358 : i32 to index
        %get3A_362 = arith.constant 32 : index
        %get3A_363 = tpu.vector_load %arg6[%get3A_360, %get3A_361, %get3A_362] {strides = array<i32>} : memref<4x128x128xf32, #tpu.memory_space<vmem>>, vector<1x1x16xf32>,
        %get3A_364 = vector.shape_cast %get3A_363 : vector<1x1x16xf32> to vector<16xf32>
        %add3A_365 = arith.addf %get3A_308, %get3A_364 : vector<16xf32>
        %add3A_366 = arith.constant 1 : i32
        %add3A_367 = arith.addi %mul3A_291, %add3A_366 : i32
        %get3A_368 = arith.constant 2 : i32
        %get3A_369 = arith.index_cast %get3A_368 : i32 to index
        %get3A_370 = arith.index_cast %add3A_367 : i32 to index
        %get3A_371 = arith.constant 48 : index
        %get3A_372 = tpu.vector_load %arg6[%get3A_369, %get3A_370, %get3A_371] {strides = array<i32>} : memref<4x128x128xf32, #tpu.memory_space<vmem>>, vector<1x1x16xf32>,
        %get3A_373 = vector.shape_cast %get3A_372 : vector<1x1x16xf32> to vector<16xf32>
        %add3A_374 = arith.addf %get3A_314, %get3A_373 : vector<16xf32>
        %add3A_375 = arith.constant 1 : i32
        %add3A_376 = arith.addi %mul3A_291, %add3A_375 : i32
        %get3A_377 = arith.constant 2 : i32
        %get3A_378 = arith.index_cast %get3A_377 : i32 to index
        %get3A_379 = arith.index_cast %add3A_376 : i32 to index
        %get3A_380 = arith.constant 64 : index
        %get3A_381 = tpu.vector_load %arg6[%get3A_378, %get3A_379, %get3A_380] {strides = array<i32>} : memref<4x128x128xf32, #tpu.memory_space<vmem>>, vector<1x1x16xf32>,
        %get3A_382 = vector.shape_cast %get3A_381 : vector<1x1x16xf32> to vector<16xf32>
        %add3A_383 = arith.addf %get3A_320, %get3A_382 : vector<16xf32>
        %add3A_384 = arith.constant 1 : i32
        %add3A_385 = arith.addi %mul3A_291, %add3A_384 : i32
        %get3A_386 = arith.constant 2 : i32
        %get3A_387 = arith.index_cast %get3A_386 : i32 to index
        %get3A_388 = arith.index_cast %add3A_385 : i32 to index
        %get3A_389 = arith.constant 80 : index
        %get3A_390 = tpu.vector_load %arg6[%get3A_387, %get3A_388, %get3A_389] {strides = array<i32>} : memref<4x128x128xf32, #tpu.memory_space<vmem>>, vector<1x1x16xf32>,
        %get3A_391 = vector.shape_cast %get3A_390 : vector<1x1x16xf32> to vector<16xf32>
        %add3A_392 = arith.addf %get3A_326, %get3A_391 : vector<16xf32>
        %add3A_393 = arith.constant 1 : i32
        %add3A_394 = arith.addi %mul3A_291, %add3A_393 : i32
        %get3A_395 = arith.constant 2 : i32
        %get3A_396 = arith.index_cast %get3A_395 : i32 to index
        %get3A_397 = arith.index_cast %add3A_394 : i32 to index
        %get3A_398 = arith.constant 96 : index
        %get3A_399 = tpu.vector_load %arg6[%get3A_396, %get3A_397, %get3A_398] {strides = array<i32>} : memref<4x128x128xf32, #tpu.memory_space<vmem>>, vector<1x1x16xf32>,
        %get3A_400 = vector.shape_cast %get3A_399 : vector<1x1x16xf32> to vector<16xf32>
        %add3A_401 = arith.addf %get3A_332, %get3A_400 : vector<16xf32>
        %add3A_402 = arith.constant 1 : i32
        %add3A_403 = arith.addi %mul3A_291, %add3A_402 : i32
        %get3A_404 = arith.constant 2 : i32
        %get3A_405 = arith.index_cast %get3A_404 : i32 to index
        %get3A_406 = arith.index_cast %add3A_403 : i32 to index
        %get3A_407 = arith.constant 112 : index
        %get3A_408 = tpu.vector_load %arg6[%get3A_405, %get3A_406, %get3A_407] {strides = array<i32>} : memref<4x128x128xf32, #tpu.memory_space<vmem>>, vector<1x1x16xf32>,
        %get3A_409 = vector.shape_cast %get3A_408 : vector<1x1x16xf32> to vector<16xf32>
        %add3A_410 = arith.addf %get3A_338, %get3A_409 : vector<16xf32>
        %add3A_411 = arith.constant 2 : i32
        %add3A_412 = arith.addi %mul3A_291, %add3A_411 : i32
        %get3A_413 = arith.constant 2 : i32
        %get3A_414 = arith.index_cast %get3A_413 : i32 to index
        %get3A_415 = arith.index_cast %add3A_412 : i32 to index
        %get3A_416 = arith.constant 0 : index
        %get3A_417 = tpu.vector_load %arg6[%get3A_414, %get3A_415, %get3A_416] {strides = array<i32>} : memref<4x128x128xf32, #tpu.memory_space<vmem>>, vector<1x1x16xf32>,
        %get3A_418 = vector.shape_cast %get3A_417 : vector<1x1x16xf32> to vector<16xf32>
        %add3A_419 = arith.addf %add3A_347, %get3A_418 : vector<16xf32>
        %add3A_420 = arith.constant 2 : i32
        %add3A_421 = arith.addi %mul3A_291, %add3A_420 : i32
        %get3A_422 = arith.constant 2 : i32
        %get3A_423 = arith.index_cast %get3A_422 : i32 to index
        %get3A_424 = arith.index_cast %add3A_421 : i32 to index
        %get3A_425 = arith.constant 16 : index
        %get3A_426 = tpu.vector_load %arg6[%get3A_423, %get3A_424, %get3A_425] {strides = array<i32>} : memref<4x128x128xf32, #tpu.memory_space<vmem>>, vector<1x1x16xf32>,
        %get3A_427 = vector.shape_cast %get3A_426 : vector<1x1x16xf32> to vector<16xf32>
        %add3A_428 = arith.addf %add3A_356, %get3A_427 : vector<16xf32>
        %add3A_429 = arith.constant 2 : i32
        %add3A_430 = arith.addi %mul3A_291, %add3A_429 : i32
        %get3A_431 = arith.constant 2 : i32
        %get3A_432 = arith.index_cast %get3A_431 : i32 to index
        %get3A_433 = arith.index_cast %add3A_430 : i32 to index
        %get3A_434 = arith.constant 32 : index
        %get3A_435 = tpu.vector_load %arg6[%get3A_432, %get3A_433, %get3A_434] {strides = array<i32>} : memref<4x128x128xf32, #tpu.memory_space<vmem>>, vector<1x1x16xf32>,
        %get3A_436 = vector.shape_cast %get3A_435 : vector<1x1x16xf32> to vector<16xf32>
        %add3A_437 = arith.addf %add3A_365, %get3A_436 : vector<16xf32>
        %add3A_438 = arith.constant 2 : i32
        %add3A_439 = arith.addi %mul3A_291, %add3A_438 : i32
        %get3A_440 = arith.constant 2 : i32
        %get3A_441 = arith.index_cast %get3A_440 : i32 to index
        %get3A_442 = arith.index_cast %add3A_439 : i32 to index
        %get3A_443 = arith.constant 48 : index
        %get3A_444 = tpu.vector_load %arg6[%get3A_441, %get3A_442, %get3A_443] {strides = array<i32>} : memref<4x128x128xf32, #tpu.memory_space<vmem>>, vector<1x1x16xf32>,
        %get3A_445 = vector.shape_cast %get3A_444 : vector<1x1x16xf32> to vector<16xf32>
        %add3A_446 = arith.addf %add3A_374, %get3A_445 : vector<16xf32>
        %add3A_447 = arith.constant 2 : i32
        %add3A_448 = arith.addi %mul3A_291, %add3A_447 : i32
        %get3A_449 = arith.constant 2 : i32
        %get3A_450 = arith.index_cast %get3A_449 : i32 to index
        %get3A_451 = arith.index_cast %add3A_448 : i32 to index
        %get3A_452 = arith.constant 64 : index
        %get3A_453 = tpu.vector_load %arg6[%get3A_450, %get3A_451, %get3A_452] {strides = array<i32>} : memref<4x128x128xf32, #tpu.memory_space<vmem>>, vector<1x1x16xf32>,
        %get3A_454 = vector.shape_cast %get3A_453 : vector<1x1x16xf32> to vector<16xf32>
        %add3A_455 = arith.addf %add3A_383, %get3A_454 : vector<16xf32>
        %add3A_456 = arith.constant 2 : i32
        %add3A_457 = arith.addi %mul3A_291, %add3A_456 : i32
        %get3A_458 = arith.constant 2 : i32
        %get3A_459 = arith.index_cast %get3A_458 : i32 to index
        %get3A_460 = arith.index_cast %add3A_457 : i32 to index
        %get3A_461 = arith.constant 80 : index
        %get3A_462 = tpu.vector_load %arg6[%get3A_459, %get3A_460, %get3A_461] {strides = array<i32>} : memref<4x128x128xf32, #tpu.memory_space<vmem>>, vector<1x1x16xf32>,
        %get3A_463 = vector.shape_cast %get3A_462 : vector<1x1x16xf32> to vector<16xf32>
        %add3A_464 = arith.addf %add3A_392, %get3A_463 : vector<16xf32>
        %add3A_465 = arith.constant 2 : i32
        %add3A_466 = arith.addi %mul3A_291, %add3A_465 : i32
        %get3A_467 = arith.constant 2 : i32
        %get3A_468 = arith.index_cast %get3A_467 : i32 to index
        %get3A_469 = arith.index_cast %add3A_466 : i32 to index
        %get3A_470 = arith.constant 96 : index
        %get3A_471 = tpu.vector_load %arg6[%get3A_468, %get3A_469, %get3A_470] {strides = array<i32>} : memref<4x128x128xf32, #tpu.memory_space<vmem>>, vector<1x1x16xf32>,
        %get3A_472 = vector.shape_cast %get3A_471 : vector<1x1x16xf32> to vector<16xf32>
        %add3A_473 = arith.addf %add3A_401, %get3A_472 : vector<16xf32>
        %add3A_474 = arith.constant 2 : i32
        %add3A_475 = arith.addi %mul3A_291, %add3A_474 : i32
        %get3A_476 = arith.constant 2 : i32
        %get3A_477 = arith.index_cast %get3A_476 : i32 to index
        %get3A_478 = arith.index_cast %add3A_475 : i32 to index
        %get3A_479 = arith.constant 112 : index
        %get3A_480 = tpu.vector_load %arg6[%get3A_477, %get3A_478, %get3A_479] {strides = array<i32>} : memref<4x128x128xf32, #tpu.memory_space<vmem>>, vector<1x1x16xf32>,
        %get3A_481 = vector.shape_cast %get3A_480 : vector<1x1x16xf32> to vector<16xf32>
        %add3A_482 = arith.addf %add3A_410, %get3A_481 : vector<16xf32>
        %add3A_483 = arith.constant 3 : i32
        %add3A_484 = arith.addi %mul3A_291, %add3A_483 : i32
        %get3A_485 = arith.constant 2 : i32
        %get3A_486 = arith.index_cast %get3A_485 : i32 to index
        %get3A_487 = arith.index_cast %add3A_484 : i32 to index
        %get3A_488 = arith.constant 0 : index
        %get3A_489 = tpu.vector_load %arg6[%get3A_486, %get3A_487, %get3A_488] {strides = array<i32>} : memref<4x128x128xf32, #tpu.memory_space<vmem>>, vector<1x1x16xf32>,
        %get3A_490 = vector.shape_cast %get3A_489 : vector<1x1x16xf32> to vector<16xf32>
        %add3A_491 = arith.addf %add3A_419, %get3A_490 : vector<16xf32>
        %add3A_492 = arith.constant 3 : i32
        %add3A_493 = arith.addi %mul3A_291, %add3A_492 : i32
        %get3A_494 = arith.constant 2 : i32
        %get3A_495 = arith.index_cast %get3A_494 : i32 to index
        %get3A_496 = arith.index_cast %add3A_493 : i32 to index
        %get3A_497 = arith.constant 16 : index
        %get3A_498 = tpu.vector_load %arg6[%get3A_495, %get3A_496, %get3A_497] {strides = array<i32>} : memref<4x128x128xf32, #tpu.memory_space<vmem>>, vector<1x1x16xf32>,
        %get3A_499 = vector.shape_cast %get3A_498 : vector<1x1x16xf32> to vector<16xf32>
        %add3A_500 = arith.addf %add3A_428, %get3A_499 : vector<16xf32>
        %add3A_501 = arith.constant 3 : i32
        %add3A_502 = arith.addi %mul3A_291, %add3A_501 : i32
        %get3A_503 = arith.constant 2 : i32
        %get3A_504 = arith.index_cast %get3A_503 : i32 to index
        %get3A_505 = arith.index_cast %add3A_502 : i32 to index
        %get3A_506 = arith.constant 32 : index
        %get3A_507 = tpu.vector_load %arg6[%get3A_504, %get3A_505, %get3A_506] {strides = array<i32>} : memref<4x128x128xf32, #tpu.memory_space<vmem>>, vector<1x1x16xf32>,
        %get3A_508 = vector.shape_cast %get3A_507 : vector<1x1x16xf32> to vector<16xf32>
        %add3A_509 = arith.addf %add3A_437, %get3A_508 : vector<16xf32>
        %add3A_510 = arith.constant 3 : i32
        %add3A_511 = arith.addi %mul3A_291, %add3A_510 : i32
        %get3A_512 = arith.constant 2 : i32
        %get3A_513 = arith.index_cast %get3A_512 : i32 to index
        %get3A_514 = arith.index_cast %add3A_511 : i32 to index
        %get3A_515 = arith.constant 48 : index
        %get3A_516 = tpu.vector_load %arg6[%get3A_513, %get3A_514, %get3A_515] {strides = array<i32>} : memref<4x128x128xf32, #tpu.memory_space<vmem>>, vector<1x1x16xf32>,
        %get3A_517 = vector.shape_cast %get3A_516 : vector<1x1x16xf32> to vector<16xf32>
        %add3A_518 = arith.addf %add3A_446, %get3A_517 : vector<16xf32>
        %add3A_519 = arith.constant 3 : i32
        %add3A_520 = arith.addi %mul3A_291, %add3A_519 : i32
        %get3A_521 = arith.constant 2 : i32
        %get3A_522 = arith.index_cast %get3A_521 : i32 to index
        %get3A_523 = arith.index_cast %add3A_520 : i32 to index
        %get3A_524 = arith.constant 64 : index
        %get3A_525 = tpu.vector_load %arg6[%get3A_522, %get3A_523, %get3A_524] {strides = array<i32>} : memref<4x128x128xf32, #tpu.memory_space<vmem>>, vector<1x1x16xf32>,
        %get3A_526 = vector.shape_cast %get3A_525 : vector<1x1x16xf32> to vector<16xf32>
        %add3A_527 = arith.addf %add3A_455, %get3A_526 : vector<16xf32>
        %add3A_528 = arith.constant 3 : i32
        %add3A_529 = arith.addi %mul3A_291, %add3A_528 : i32
        %get3A_530 = arith.constant 2 : i32
        %get3A_531 = arith.index_cast %get3A_530 : i32 to index
        %get3A_532 = arith.index_cast %add3A_529 : i32 to index
        %get3A_533 = arith.constant 80 : index
        %get3A_534 = tpu.vector_load %arg6[%get3A_531, %get3A_532, %get3A_533] {strides = array<i32>} : memref<4x128x128xf32, #tpu.memory_space<vmem>>, vector<1x1x16xf32>,
        %get3A_535 = vector.shape_cast %get3A_534 : vector<1x1x16xf32> to vector<16xf32>
        %add3A_536 = arith.addf %add3A_464, %get3A_535 : vector<16xf32>
        %add3A_537 = arith.constant 3 : i32
        %add3A_538 = arith.addi %mul3A_291, %add3A_537 : i32
        %get3A_539 = arith.constant 2 : i32
        %get3A_540 = arith.index_cast %get3A_539 : i32 to index
        %get3A_541 = arith.index_cast %add3A_538 : i32 to index
        %get3A_542 = arith.constant 96 : index
        %get3A_543 = tpu.vector_load %arg6[%get3A_540, %get3A_541, %get3A_542] {strides = array<i32>} : memref<4x128x128xf32, #tpu.memory_space<vmem>>, vector<1x1x16xf32>,
        %get3A_544 = vector.shape_cast %get3A_543 : vector<1x1x16xf32> to vector<16xf32>
        %add3A_545 = arith.addf %add3A_473, %get3A_544 : vector<16xf32>
        %add3A_546 = arith.constant 3 : i32
        %add3A_547 = arith.addi %mul3A_291, %add3A_546 : i32
        %get3A_548 = arith.constant 2 : i32
        %get3A_549 = arith.index_cast %get3A_548 : i32 to index
        %get3A_550 = arith.index_cast %add3A_547 : i32 to index
        %get3A_551 = arith.constant 112 : index
        %get3A_552 = tpu.vector_load %arg6[%get3A_549, %get3A_550, %get3A_551] {strides = array<i32>} : memref<4x128x128xf32, #tpu.memory_space<vmem>>, vector<1x1x16xf32>,
        %get3A_553 = vector.shape_cast %get3A_552 : vector<1x1x16xf32> to vector<16xf32>
        %add3A_554 = arith.addf %add3A_482, %get3A_553 : vector<16xf32>
        %add3A_555 = arith.constant 4 : i32
        %add3A_556 = arith.addi %mul3A_291, %add3A_555 : i32
        %get3A_557 = arith.constant 2 : i32
        %get3A_558 = arith.index_cast %get3A_557 : i32 to index
        %get3A_559 = arith.index_cast %add3A_556 : i32 to index
        %get3A_560 = arith.constant 0 : index
        %get3A_561 = tpu.vector_load %arg6[%get3A_558, %get3A_559, %get3A_560] {strides = array<i32>} : memref<4x128x128xf32, #tpu.memory_space<vmem>>, vector<1x1x16xf32>,
        %get3A_562 = vector.shape_cast %get3A_561 : vector<1x1x16xf32> to vector<16xf32>
        %add3A_563 = arith.addf %add3A_491, %get3A_562 : vector<16xf32>
        %add3A_564 = arith.constant 4 : i32
        %add3A_565 = arith.addi %mul3A_291, %add3A_564 : i32
        %get3A_566 = arith.constant 2 : i32
        %get3A_567 = arith.index_cast %get3A_566 : i32 to index
        %get3A_568 = arith.index_cast %add3A_565 : i32 to index
        %get3A_569 = arith.constant 16 : index
        %get3A_570 = tpu.vector_load %arg6[%get3A_567, %get3A_568, %get3A_569] {strides = array<i32>} : memref<4x128x128xf32, #tpu.memory_space<vmem>>, vector<1x1x16xf32>,
        %get3A_571 = vector.shape_cast %get3A_570 : vector<1x1x16xf32> to vector<16xf32>
        %add3A_572 = arith.addf %add3A_500, %get3A_571 : vector<16xf32>
        %add3A_573 = arith.constant 4 : i32
        %add3A_574 = arith.addi %mul3A_291, %add3A_573 : i32
        %get3A_575 = arith.constant 2 : i32
        %get3A_576 = arith.index_cast %get3A_575 : i32 to index
        %get3A_577 = arith.index_cast %add3A_574 : i32 to index
        %get3A_578 = arith.constant 32 : index
        %get3A_579 = tpu.vector_load %arg6[%get3A_576, %get3A_577, %get3A_578] {strides = array<i32>} : memref<4x128x128xf32, #tpu.memory_space<vmem>>, vector<1x1x16xf32>,
        %get3A_580 = vector.shape_cast %get3A_579 : vector<1x1x16xf32> to vector<16xf32>
        %add3A_581 = arith.addf %add3A_509, %get3A_580 : vector<16xf32>
        %add3A_582 = arith.constant 4 : i32
        %add3A_583 = arith.addi %mul3A_291, %add3A_582 : i32
        %get3A_584 = arith.constant 2 : i32
        %get3A_585 = arith.index_cast %get3A_584 : i32 to index
        %get3A_586 = arith.index_cast %add3A_583 : i32 to index
        %get3A_587 = arith.constant 48 : index
        %get3A_588 = tpu.vector_load %arg6[%get3A_585, %get3A_586, %get3A_587] {strides = array<i32>} : memref<4x128x128xf32, #tpu.memory_space<vmem>>, vector<1x1x16xf32>,
        %get3A_589 = vector.shape_cast %get3A_588 : vector<1x1x16xf32> to vector<16xf32>
        %add3A_590 = arith.addf %add3A_518, %get3A_589 : vector<16xf32>
        %add3A_591 = arith.constant 4 : i32
        %add3A_592 = arith.addi %mul3A_291, %add3A_591 : i32
        %get3A_593 = arith.constant 2 : i32
        %get3A_594 = arith.index_cast %get3A_593 : i32 to index
        %get3A_595 = arith.index_cast %add3A_592 : i32 to index
        %get3A_596 = arith.constant 64 : index
        %get3A_597 = tpu.vector_load %arg6[%get3A_594, %get3A_595, %get3A_596] {strides = array<i32>} : memref<4x128x128xf32, #tpu.memory_space<vmem>>, vector<1x1x16xf32>,
        %get3A_598 = vector.shape_cast %get3A_597 : vector<1x1x16xf32> to vector<16xf32>
        %add3A_599 = arith.addf %add3A_527, %get3A_598 : vector<16xf32>
        %add3A_600 = arith.constant 4 : i32
        %add3A_601 = arith.addi %mul3A_291, %add3A_600 : i32
        %get3A_602 = arith.constant 2 : i32
        %get3A_603 = arith.index_cast %get3A_602 : i32 to index
        %get3A_604 = arith.index_cast %add3A_601 : i32 to index
        %get3A_605 = arith.constant 80 : index
        %get3A_606 = tpu.vector_load %arg6[%get3A_603, %get3A_604, %get3A_605] {strides = array<i32>} : memref<4x128x128xf32, #tpu.memory_space<vmem>>, vector<1x1x16xf32>,
        %get3A_607 = vector.shape_cast %get3A_606 : vector<1x1x16xf32> to vector<16xf32>
        %add3A_608 = arith.addf %add3A_536, %get3A_607 : vector<16xf32>
        %add3A_609 = arith.constant 4 : i32
        %add3A_610 = arith.addi %mul3A_291, %add3A_609 : i32
        %get3A_611 = arith.constant 2 : i32
        %get3A_612 = arith.index_cast %get3A_611 : i32 to index
        %get3A_613 = arith.index_cast %add3A_610 : i32 to index
        %get3A_614 = arith.constant 96 : index
        %get3A_615 = tpu.vector_load %arg6[%get3A_612, %get3A_613, %get3A_614] {strides = array<i32>} : memref<4x128x128xf32, #tpu.memory_space<vmem>>, vector<1x1x16xf32>,
        %get3A_616 = vector.shape_cast %get3A_615 : vector<1x1x16xf32> to vector<16xf32>
        %add3A_617 = arith.addf %add3A_545, %get3A_616 : vector<16xf32>
        %add3A_618 = arith.constant 4 : i32
        %add3A_619 = arith.addi %mul3A_291, %add3A_618 : i32
        %get3A_620 = arith.constant 2 : i32
        %get3A_621 = arith.index_cast %get3A_620 : i32 to index
        %get3A_622 = arith.index_cast %add3A_619 : i32 to index
        %get3A_623 = arith.constant 112 : index
        %get3A_624 = tpu.vector_load %arg6[%get3A_621, %get3A_622, %get3A_623] {strides = array<i32>} : memref<4x128x128xf32, #tpu.memory_space<vmem>>, vector<1x1x16xf32>,
        %get3A_625 = vector.shape_cast %get3A_624 : vector<1x1x16xf32> to vector<16xf32>
        %add3A_626 = arith.addf %add3A_554, %get3A_625 : vector<16xf32>
        %add3A_627 = arith.constant 5 : i32
        %add3A_628 = arith.addi %mul3A_291, %add3A_627 : i32
        %get3A_629 = arith.constant 2 : i32
        %get3A_630 = arith.index_cast %get3A_629 : i32 to index
        %get3A_631 = arith.index_cast %add3A_628 : i32 to index
        %get3A_632 = arith.constant 0 : index
        %get3A_633 = tpu.vector_load %arg6[%get3A_630, %get3A_631, %get3A_632] {strides = array<i32>} : memref<4x128x128xf32, #tpu.memory_space<vmem>>, vector<1x1x16xf32>,
        %get3A_634 = vector.shape_cast %get3A_633 : vector<1x1x16xf32> to vector<16xf32>
        %add3A_635 = arith.addf %add3A_563, %get3A_634 : vector<16xf32>
        %add3A_636 = arith.constant 5 : i32
        %add3A_637 = arith.addi %mul3A_291, %add3A_636 : i32
        %get3A_638 = arith.constant 2 : i32
        %get3A_639 = arith.index_cast %get3A_638 : i32 to index
        %get3A_640 = arith.index_cast %add3A_637 : i32 to index
        %get3A_641 = arith.constant 16 : index
        %get3A_642 = tpu.vector_load %arg6[%get3A_639, %get3A_640, %get3A_641] {strides = array<i32>} : memref<4x128x128xf32, #tpu.memory_space<vmem>>, vector<1x1x16xf32>,
        %get3A_643 = vector.shape_cast %get3A_642 : vector<1x1x16xf32> to vector<16xf32>
        %add3A_644 = arith.addf %add3A_572, %get3A_643 : vector<16xf32>
        %add3A_645 = arith.constant 5 : i32
        %add3A_646 = arith.addi %mul3A_291, %add3A_645 : i32
        %get3A_647 = arith.constant 2 : i32
        %get3A_648 = arith.index_cast %get3A_647 : i32 to index
        %get3A_649 = arith.index_cast %add3A_646 : i32 to index
        %get3A_650 = arith.constant 32 : index
        %get3A_651 = tpu.vector_load %arg6[%get3A_648, %get3A_649, %get3A_650] {strides = array<i32>} : memref<4x128x128xf32, #tpu.memory_space<vmem>>, vector<1x1x16xf32>,
        %get3A_652 = vector.shape_cast %get3A_651 : vector<1x1x16xf32> to vector<16xf32>
        %add3A_653 = arith.addf %add3A_581, %get3A_652 : vector<16xf32>
        %add3A_654 = arith.constant 5 : i32
        %add3A_655 = arith.addi %mul3A_291, %add3A_654 : i32
        %get3A_656 = arith.constant 2 : i32
        %get3A_657 = arith.index_cast %get3A_656 : i32 to index
        %get3A_658 = arith.index_cast %add3A_655 : i32 to index
        %get3A_659 = arith.constant 48 : index
        %get3A_660 = tpu.vector_load %arg6[%get3A_657, %get3A_658, %get3A_659] {strides = array<i32>} : memref<4x128x128xf32, #tpu.memory_space<vmem>>, vector<1x1x16xf32>,
        %get3A_661 = vector.shape_cast %get3A_660 : vector<1x1x16xf32> to vector<16xf32>
        %add3A_662 = arith.addf %add3A_590, %get3A_661 : vector<16xf32>
        %add3A_663 = arith.constant 5 : i32
        %add3A_664 = arith.addi %mul3A_291, %add3A_663 : i32
        %get3A_665 = arith.constant 2 : i32
        %get3A_666 = arith.index_cast %get3A_665 : i32 to index
        %get3A_667 = arith.index_cast %add3A_664 : i32 to index
        %get3A_668 = arith.constant 64 : index
        %get3A_669 = tpu.vector_load %arg6[%get3A_666, %get3A_667, %get3A_668] {strides = array<i32>} : memref<4x128x128xf32, #tpu.memory_space<vmem>>, vector<1x1x16xf32>,
        %get3A_670 = vector.shape_cast %get3A_669 : vector<1x1x16xf32> to vector<16xf32>
        %add3A_671 = arith.addf %add3A_599, %get3A_670 : vector<16xf32>
        %add3A_672 = arith.constant 5 : i32
        %add3A_673 = arith.addi %mul3A_291, %add3A_672 : i32
        %get3A_674 = arith.constant 2 : i32
        %get3A_675 = arith.index_cast %get3A_674 : i32 to index
        %get3A_676 = arith.index_cast %add3A_673 : i32 to index
        %get3A_677 = arith.constant 80 : index
        %get3A_678 = tpu.vector_load %arg6[%get3A_675, %get3A_676, %get3A_677] {strides = array<i32>} : memref<4x128x128xf32, #tpu.memory_space<vmem>>, vector<1x1x16xf32>,
        %get3A_679 = vector.shape_cast %get3A_678 : vector<1x1x16xf32> to vector<16xf32>
        %add3A_680 = arith.addf %add3A_608, %get3A_679 : vector<16xf32>
        %add3A_681 = arith.constant 5 : i32
        %add3A_682 = arith.addi %mul3A_291, %add3A_681 : i32
        %get3A_683 = arith.constant 2 : i32
        %get3A_684 = arith.index_cast %get3A_683 : i32 to index
        %get3A_685 = arith.index_cast %add3A_682 : i32 to index
        %get3A_686 = arith.constant 96 : index
        %get3A_687 = tpu.vector_load %arg6[%get3A_684, %get3A_685, %get3A_686] {strides = array<i32>} : memref<4x128x128xf32, #tpu.memory_space<vmem>>, vector<1x1x16xf32>,
        %get3A_688 = vector.shape_cast %get3A_687 : vector<1x1x16xf32> to vector<16xf32>
        %add3A_689 = arith.addf %add3A_617, %get3A_688 : vector<16xf32>
        %add3A_690 = arith.constant 5 : i32
        %add3A_691 = arith.addi %mul3A_291, %add3A_690 : i32
        %get3A_692 = arith.constant 2 : i32
        %get3A_693 = arith.index_cast %get3A_692 : i32 to index
        %get3A_694 = arith.index_cast %add3A_691 : i32 to index
        %get3A_695 = arith.constant 112 : index
        %get3A_696 = tpu.vector_load %arg6[%get3A_693, %get3A_694, %get3A_695] {strides = array<i32>} : memref<4x128x128xf32, #tpu.memory_space<vmem>>, vector<1x1x16xf32>,
        %get3A_697 = vector.shape_cast %get3A_696 : vector<1x1x16xf32> to vector<16xf32>
        %add3A_698 = arith.addf %add3A_626, %get3A_697 : vector<16xf32>
        %add3A_699 = arith.constant 6 : i32
        %add3A_700 = arith.addi %mul3A_291, %add3A_699 : i32
        %get3A_701 = arith.constant 2 : i32
        %get3A_702 = arith.index_cast %get3A_701 : i32 to index
        %get3A_703 = arith.index_cast %add3A_700 : i32 to index
        %get3A_704 = arith.constant 0 : index
        %get3A_705 = tpu.vector_load %arg6[%get3A_702, %get3A_703, %get3A_704] {strides = array<i32>} : memref<4x128x128xf32, #tpu.memory_space<vmem>>, vector<1x1x16xf32>,
        %get3A_706 = vector.shape_cast %get3A_705 : vector<1x1x16xf32> to vector<16xf32>
        %add3A_707 = arith.addf %add3A_635, %get3A_706 : vector<16xf32>
        %add3A_708 = arith.constant 6 : i32
        %add3A_709 = arith.addi %mul3A_291, %add3A_708 : i32
        %get3A_710 = arith.constant 2 : i32
        %get3A_711 = arith.index_cast %get3A_710 : i32 to index
        %get3A_712 = arith.index_cast %add3A_709 : i32 to index
        %get3A_713 = arith.constant 16 : index
        %get3A_714 = tpu.vector_load %arg6[%get3A_711, %get3A_712, %get3A_713] {strides = array<i32>} : memref<4x128x128xf32, #tpu.memory_space<vmem>>, vector<1x1x16xf32>,
        %get3A_715 = vector.shape_cast %get3A_714 : vector<1x1x16xf32> to vector<16xf32>
        %add3A_716 = arith.addf %add3A_644, %get3A_715 : vector<16xf32>
        %add3A_717 = arith.constant 6 : i32
        %add3A_718 = arith.addi %mul3A_291, %add3A_717 : i32
        %get3A_719 = arith.constant 2 : i32
        %get3A_720 = arith.index_cast %get3A_719 : i32 to index
        %get3A_721 = arith.index_cast %add3A_718 : i32 to index
        %get3A_722 = arith.constant 32 : index
        %get3A_723 = tpu.vector_load %arg6[%get3A_720, %get3A_721, %get3A_722] {strides = array<i32>} : memref<4x128x128xf32, #tpu.memory_space<vmem>>, vector<1x1x16xf32>,
        %get3A_724 = vector.shape_cast %get3A_723 : vector<1x1x16xf32> to vector<16xf32>
        %add3A_725 = arith.addf %add3A_653, %get3A_724 : vector<16xf32>
        %add3A_726 = arith.constant 6 : i32
        %add3A_727 = arith.addi %mul3A_291, %add3A_726 : i32
        %get3A_728 = arith.constant 2 : i32
        %get3A_729 = arith.index_cast %get3A_728 : i32 to index
        %get3A_730 = arith.index_cast %add3A_727 : i32 to index
        %get3A_731 = arith.constant 48 : index
        %get3A_732 = tpu.vector_load %arg6[%get3A_729, %get3A_730, %get3A_731] {strides = array<i32>} : memref<4x128x128xf32, #tpu.memory_space<vmem>>, vector<1x1x16xf32>,
        %get3A_733 = vector.shape_cast %get3A_732 : vector<1x1x16xf32> to vector<16xf32>
        %add3A_734 = arith.addf %add3A_662, %get3A_733 : vector<16xf32>
        %add3A_735 = arith.constant 6 : i32
        %add3A_736 = arith.addi %mul3A_291, %add3A_735 : i32
        %get3A_737 = arith.constant 2 : i32
        %get3A_738 = arith.index_cast %get3A_737 : i32 to index
        %get3A_739 = arith.index_cast %add3A_736 : i32 to index
        %get3A_740 = arith.constant 64 : index
        %get3A_741 = tpu.vector_load %arg6[%get3A_738, %get3A_739, %get3A_740] {strides = array<i32>} : memref<4x128x128xf32, #tpu.memory_space<vmem>>, vector<1x1x16xf32>,
        %get3A_742 = vector.shape_cast %get3A_741 : vector<1x1x16xf32> to vector<16xf32>
        %add3A_743 = arith.addf %add3A_671, %get3A_742 : vector<16xf32>
        %add3A_744 = arith.constant 6 : i32
        %add3A_745 = arith.addi %mul3A_291, %add3A_744 : i32
        %get3A_746 = arith.constant 2 : i32
        %get3A_747 = arith.index_cast %get3A_746 : i32 to index
        %get3A_748 = arith.index_cast %add3A_745 : i32 to index
        %get3A_749 = arith.constant 80 : index
        %get3A_750 = tpu.vector_load %arg6[%get3A_747, %get3A_748, %get3A_749] {strides = array<i32>} : memref<4x128x128xf32, #tpu.memory_space<vmem>>, vector<1x1x16xf32>,
        %get3A_751 = vector.shape_cast %get3A_750 : vector<1x1x16xf32> to vector<16xf32>
        %add3A_752 = arith.addf %add3A_680, %get3A_751 : vector<16xf32>
        %add3A_753 = arith.constant 6 : i32
        %add3A_754 = arith.addi %mul3A_291, %add3A_753 : i32
        %get3A_755 = arith.constant 2 : i32
        %get3A_756 = arith.index_cast %get3A_755 : i32 to index
        %get3A_757 = arith.index_cast %add3A_754 : i32 to index
        %get3A_758 = arith.constant 96 : index
        %get3A_759 = tpu.vector_load %arg6[%get3A_756, %get3A_757, %get3A_758] {strides = array<i32>} : memref<4x128x128xf32, #tpu.memory_space<vmem>>, vector<1x1x16xf32>,
        %get3A_760 = vector.shape_cast %get3A_759 : vector<1x1x16xf32> to vector<16xf32>
        %add3A_761 = arith.addf %add3A_689, %get3A_760 : vector<16xf32>
        %add3A_762 = arith.constant 6 : i32
        %add3A_763 = arith.addi %mul3A_291, %add3A_762 : i32
        %get3A_764 = arith.constant 2 : i32
        %get3A_765 = arith.index_cast %get3A_764 : i32 to index
        %get3A_766 = arith.index_cast %add3A_763 : i32 to index
        %get3A_767 = arith.constant 112 : index
        %get3A_768 = tpu.vector_load %arg6[%get3A_765, %get3A_766, %get3A_767] {strides = array<i32>} : memref<4x128x128xf32, #tpu.memory_space<vmem>>, vector<1x1x16xf32>,
        %get3A_769 = vector.shape_cast %get3A_768 : vector<1x1x16xf32> to vector<16xf32>
        %add3A_770 = arith.addf %add3A_698, %get3A_769 : vector<16xf32>
        %add3A_771 = arith.constant 7 : i32
        %add3A_772 = arith.addi %mul3A_291, %add3A_771 : i32
        %get3A_773 = arith.constant 2 : i32
        %get3A_774 = arith.index_cast %get3A_773 : i32 to index
        %get3A_775 = arith.index_cast %add3A_772 : i32 to index
        %get3A_776 = arith.constant 0 : index
        %get3A_777 = tpu.vector_load %arg6[%get3A_774, %get3A_775, %get3A_776] {strides = array<i32>} : memref<4x128x128xf32, #tpu.memory_space<vmem>>, vector<1x1x16xf32>,
        %get3A_778 = vector.shape_cast %get3A_777 : vector<1x1x16xf32> to vector<16xf32>
        %add3A_779 = arith.addf %add3A_707, %get3A_778 : vector<16xf32>
        %add3A_780 = arith.constant 7 : i32
        %add3A_781 = arith.addi %mul3A_291, %add3A_780 : i32
        %get3A_782 = arith.constant 2 : i32
        %get3A_783 = arith.index_cast %get3A_782 : i32 to index
        %get3A_784 = arith.index_cast %add3A_781 : i32 to index
        %get3A_785 = arith.constant 16 : index
        %get3A_786 = tpu.vector_load %arg6[%get3A_783, %get3A_784, %get3A_785] {strides = array<i32>} : memref<4x128x128xf32, #tpu.memory_space<vmem>>, vector<1x1x16xf32>,
        %get3A_787 = vector.shape_cast %get3A_786 : vector<1x1x16xf32> to vector<16xf32>
        %add3A_788 = arith.addf %add3A_716, %get3A_787 : vector<16xf32>
        %add3A_789 = arith.constant 7 : i32
        %add3A_790 = arith.addi %mul3A_291, %add3A_789 : i32
        %get3A_791 = arith.constant 2 : i32
        %get3A_792 = arith.index_cast %get3A_791 : i32 to index
        %get3A_793 = arith.index_cast %add3A_790 : i32 to index
        %get3A_794 = arith.constant 32 : index
        %get3A_795 = tpu.vector_load %arg6[%get3A_792, %get3A_793, %get3A_794] {strides = array<i32>} : memref<4x128x128xf32, #tpu.memory_space<vmem>>, vector<1x1x16xf32>,
        %get3A_796 = vector.shape_cast %get3A_795 : vector<1x1x16xf32> to vector<16xf32>
        %add3A_797 = arith.addf %add3A_725, %get3A_796 : vector<16xf32>
        %add3A_798 = arith.constant 7 : i32
        %add3A_799 = arith.addi %mul3A_291, %add3A_798 : i32
        %get3A_800 = arith.constant 2 : i32
        %get3A_801 = arith.index_cast %get3A_800 : i32 to index
        %get3A_802 = arith.index_cast %add3A_799 : i32 to index
        %get3A_803 = arith.constant 48 : index
        %get3A_804 = tpu.vector_load %arg6[%get3A_801, %get3A_802, %get3A_803] {strides = array<i32>} : memref<4x128x128xf32, #tpu.memory_space<vmem>>, vector<1x1x16xf32>,
        %get3A_805 = vector.shape_cast %get3A_804 : vector<1x1x16xf32> to vector<16xf32>
        %add3A_806 = arith.addf %add3A_734, %get3A_805 : vector<16xf32>
        %add3A_807 = arith.constant 7 : i32
        %add3A_808 = arith.addi %mul3A_291, %add3A_807 : i32
        %get3A_809 = arith.constant 2 : i32
        %get3A_810 = arith.index_cast %get3A_809 : i32 to index
        %get3A_811 = arith.index_cast %add3A_808 : i32 to index
        %get3A_812 = arith.constant 64 : index
        %get3A_813 = tpu.vector_load %arg6[%get3A_810, %get3A_811, %get3A_812] {strides = array<i32>} : memref<4x128x128xf32, #tpu.memory_space<vmem>>, vector<1x1x16xf32>,
        %get3A_814 = vector.shape_cast %get3A_813 : vector<1x1x16xf32> to vector<16xf32>
        %add3A_815 = arith.addf %add3A_743, %get3A_814 : vector<16xf32>
        %add3A_816 = arith.constant 7 : i32
        %add3A_817 = arith.addi %mul3A_291, %add3A_816 : i32
        %get3A_818 = arith.constant 2 : i32
        %get3A_819 = arith.index_cast %get3A_818 : i32 to index
        %get3A_820 = arith.index_cast %add3A_817 : i32 to index
        %get3A_821 = arith.constant 80 : index
        %get3A_822 = tpu.vector_load %arg6[%get3A_819, %get3A_820, %get3A_821] {strides = array<i32>} : memref<4x128x128xf32, #tpu.memory_space<vmem>>, vector<1x1x16xf32>,
        %get3A_823 = vector.shape_cast %get3A_822 : vector<1x1x16xf32> to vector<16xf32>
        %add3A_824 = arith.addf %add3A_752, %get3A_823 : vector<16xf32>
        %add3A_825 = arith.constant 7 : i32
        %add3A_826 = arith.addi %mul3A_291, %add3A_825 : i32
        %get3A_827 = arith.constant 2 : i32
        %get3A_828 = arith.index_cast %get3A_827 : i32 to index
        %get3A_829 = arith.index_cast %add3A_826 : i32 to index
        %get3A_830 = arith.constant 96 : index
        %get3A_831 = tpu.vector_load %arg6[%get3A_828, %get3A_829, %get3A_830] {strides = array<i32>} : memref<4x128x128xf32, #tpu.memory_space<vmem>>, vector<1x1x16xf32>,
        %get3A_832 = vector.shape_cast %get3A_831 : vector<1x1x16xf32> to vector<16xf32>
        %add3A_833 = arith.addf %add3A_761, %get3A_832 : vector<16xf32>
        %add3A_834 = arith.constant 7 : i32
        %add3A_835 = arith.addi %mul3A_291, %add3A_834 : i32
        %get3A_836 = arith.constant 2 : i32
        %get3A_837 = arith.index_cast %get3A_836 : i32 to index
        %get3A_838 = arith.index_cast %add3A_835 : i32 to index
        %get3A_839 = arith.constant 112 : index
        %get3A_840 = tpu.vector_load %arg6[%get3A_837, %get3A_838, %get3A_839] {strides = array<i32>} : memref<4x128x128xf32, #tpu.memory_space<vmem>>, vector<1x1x16xf32>,
        %get3A_841 = vector.shape_cast %get3A_840 : vector<1x1x16xf32> to vector<16xf32>
        %add3A_842 = arith.addf %add3A_770, %get3A_841 : vector<16xf32>
        %swap3A = arith.constant 0 : i32
        %swap3A_843 = arith.index_cast %swap3A : i32 to index
        %swap3A_844 = arith.index_cast %add3A_289 : i32 to index
        %swap3A_845 = arith.constant 0 : index
        %swap3A_846 = tpu.vector_load %arg7[%swap3A_843, %swap3A_844, %swap3A_845] {strides = array<i32>} : memref<2x16x128xf32, #tpu.memory_space<vmem>>, vector<1x1x16xf32>,
        %swap3A_847 = vector.shape_cast %swap3A_846 : vector<1x1x16xf32> to vector<16xf32>
        %swap3A_848 = vector.shape_cast %add3A_779 : vector<16xf32> to vector<1x1x16xf32>
        tpu.vector_store %arg7[%swap3A_843, %swap3A_844, %swap3A_845], %swap3A_848 {strides = array<i32>} : memref<2x16x128xf32, #tpu.memory_space<vmem>>, vector<1x1x16xf32>,
        %swap3A_849 = arith.constant 0 : i32
        %swap3A_850 = arith.index_cast %swap3A_849 : i32 to index
        %swap3A_851 = arith.index_cast %add3A_289 : i32 to index
        %swap3A_852 = arith.constant 16 : index
        %swap3A_853 = tpu.vector_load %arg7[%swap3A_850, %swap3A_851, %swap3A_852] {strides = array<i32>} : memref<2x16x128xf32, #tpu.memory_space<vmem>>, vector<1x1x16xf32>,
        %swap3A_854 = vector.shape_cast %swap3A_853 : vector<1x1x16xf32> to vector<16xf32>
        %swap3A_855 = vector.shape_cast %add3A_788 : vector<16xf32> to vector<1x1x16xf32>
        tpu.vector_store %arg7[%swap3A_850, %swap3A_851, %swap3A_852], %swap3A_855 {strides = array<i32>} : memref<2x16x128xf32, #tpu.memory_space<vmem>>, vector<1x1x16xf32>,
        %swap3A_856 = arith.constant 0 : i32
        %swap3A_857 = arith.index_cast %swap3A_856 : i32 to index
        %swap3A_858 = arith.index_cast %add3A_289 : i32 to index
        %swap3A_859 = arith.constant 32 : index
        %swap3A_860 = tpu.vector_load %arg7[%swap3A_857, %swap3A_858, %swap3A_859] {strides = array<i32>} : memref<2x16x128xf32, #tpu.memory_space<vmem>>, vector<1x1x16xf32>,
        %swap3A_861 = vector.shape_cast %swap3A_860 : vector<1x1x16xf32> to vector<16xf32>
        %swap3A_862 = vector.shape_cast %add3A_797 : vector<16xf32> to vector<1x1x16xf32>
        tpu.vector_store %arg7[%swap3A_857, %swap3A_858, %swap3A_859], %swap3A_862 {strides = array<i32>} : memref<2x16x128xf32, #tpu.memory_space<vmem>>, vector<1x1x16xf32>,
        %swap3A_863 = arith.constant 0 : i32
        %swap3A_864 = arith.index_cast %swap3A_863 : i32 to index
        %swap3A_865 = arith.index_cast %add3A_289 : i32 to index
        %swap3A_866 = arith.constant 48 : index
        %swap3A_867 = tpu.vector_load %arg7[%swap3A_864, %swap3A_865, %swap3A_866] {strides = array<i32>} : memref<2x16x128xf32, #tpu.memory_space<vmem>>, vector<1x1x16xf32>,
        %swap3A_868 = vector.shape_cast %swap3A_867 : vector<1x1x16xf32> to vector<16xf32>
        %swap3A_869 = vector.shape_cast %add3A_806 : vector<16xf32> to vector<1x1x16xf32>
        tpu.vector_store %arg7[%swap3A_864, %swap3A_865, %swap3A_866], %swap3A_869 {strides = array<i32>} : memref<2x16x128xf32, #tpu.memory_space<vmem>>, vector<1x1x16xf32>,
        %swap3A_870 = arith.constant 0 : i32
        %swap3A_871 = arith.index_cast %swap3A_870 : i32 to index
        %swap3A_872 = arith.index_cast %add3A_289 : i32 to index
        %swap3A_873 = arith.constant 64 : index
        %swap3A_874 = tpu.vector_load %arg7[%swap3A_871, %swap3A_872, %swap3A_873] {strides = array<i32>} : memref<2x16x128xf32, #tpu.memory_space<vmem>>, vector<1x1x16xf32>,
        %swap3A_875 = vector.shape_cast %swap3A_874 : vector<1x1x16xf32> to vector<16xf32>
        %swap3A_876 = vector.shape_cast %add3A_815 : vector<16xf32> to vector<1x1x16xf32>
        tpu.vector_store %arg7[%swap3A_871, %swap3A_872, %swap3A_873], %swap3A_876 {strides = array<i32>} : memref<2x16x128xf32, #tpu.memory_space<vmem>>, vector<1x1x16xf32>,
        %swap3A_877 = arith.constant 0 : i32
        %swap3A_878 = arith.index_cast %swap3A_877 : i32 to index
        %swap3A_879 = arith.index_cast %add3A_289 : i32 to index
        %swap3A_880 = arith.constant 80 : index
        %swap3A_881 = tpu.vector_load %arg7[%swap3A_878, %swap3A_879, %swap3A_880] {strides = array<i32>} : memref<2x16x128xf32, #tpu.memory_space<vmem>>, vector<1x1x16xf32>,
        %swap3A_882 = vector.shape_cast %swap3A_881 : vector<1x1x16xf32> to vector<16xf32>
        %swap3A_883 = vector.shape_cast %add3A_824 : vector<16xf32> to vector<1x1x16xf32>
        tpu.vector_store %arg7[%swap3A_878, %swap3A_879, %swap3A_880], %swap3A_883 {strides = array<i32>} : memref<2x16x128xf32, #tpu.memory_space<vmem>>, vector<1x1x16xf32>,
        %swap3A_884 = arith.constant 0 : i32
        %swap3A_885 = arith.index_cast %swap3A_884 : i32 to index
        %swap3A_886 = arith.index_cast %add3A_289 : i32 to index
        %swap3A_887 = arith.constant 96 : index
        %swap3A_888 = tpu.vector_load %arg7[%swap3A_885, %swap3A_886, %swap3A_887] {strides = array<i32>} : memref<2x16x128xf32, #tpu.memory_space<vmem>>, vector<1x1x16xf32>,
        %swap3A_889 = vector.shape_cast %swap3A_888 : vector<1x1x16xf32> to vector<16xf32>
        %swap3A_890 = vector.shape_cast %add3A_833 : vector<16xf32> to vector<1x1x16xf32>
        tpu.vector_store %arg7[%swap3A_885, %swap3A_886, %swap3A_887], %swap3A_890 {strides = array<i32>} : memref<2x16x128xf32, #tpu.memory_space<vmem>>, vector<1x1x16xf32>,
        %swap3A_891 = arith.constant 0 : i32
        %swap3A_892 = arith.index_cast %swap3A_891 : i32 to index
        %swap3A_893 = arith.index_cast %add3A_289 : i32 to index
        %swap3A_894 = arith.constant 112 : index
        %swap3A_895 = tpu.vector_load %arg7[%swap3A_892, %swap3A_893, %swap3A_894] {strides = array<i32>} : memref<2x16x128xf32, #tpu.memory_space<vmem>>, vector<1x1x16xf32>,
        %swap3A_896 = vector.shape_cast %swap3A_895 : vector<1x1x16xf32> to vector<16xf32>
        %swap3A_897 = vector.shape_cast %add3A_842 : vector<16xf32> to vector<1x1x16xf32>
        tpu.vector_store %arg7[%swap3A_892, %swap3A_893, %swap3A_894], %swap3A_897 {strides = array<i32>} : memref<2x16x128xf32, #tpu.memory_space<vmem>>, vector<1x1x16xf32>,
        %mul3A_898 = arith.constant 2 : i32
        %mul3A_899 = arith.muli %scan3A_285, %mul3A_898 : i32
        %add3A_900 = arith.constant 1 : i32
        %add3A_901 = arith.addi %mul3A_899, %add3A_900 : i32
        %mul3A_902 = arith.constant 8 : i32
        %mul3A_903 = arith.muli %add3A_901, %mul3A_902 : i32
        %get3A_904 = arith.constant 2 : i32
        %get3A_905 = arith.index_cast %get3A_904 : i32 to index
        %get3A_906 = arith.index_cast %mul3A_903 : i32 to index
        %get3A_907 = arith.constant 0 : index
        %get3A_908 = tpu.vector_load %arg6[%get3A_905, %get3A_906, %get3A_907] {strides = array<i32>} : memref<4x128x128xf32, #tpu.memory_space<vmem>>, vector<1x1x16xf32>,
        %get3A_909 = vector.shape_cast %get3A_908 : vector<1x1x16xf32> to vector<16xf32>
        %get3A_910 = arith.constant 2 : i32
        %get3A_911 = arith.index_cast %get3A_910 : i32 to index
        %get3A_912 = arith.index_cast %mul3A_903 : i32 to index
        %get3A_913 = arith.constant 16 : index
        %get3A_914 = tpu.vector_load %arg6[%get3A_911, %get3A_912, %get3A_913] {strides = array<i32>} : memref<4x128x128xf32, #tpu.memory_space<vmem>>, vector<1x1x16xf32>,
        %get3A_915 = vector.shape_cast %get3A_914 : vector<1x1x16xf32> to vector<16xf32>
        %get3A_916 = arith.constant 2 : i32
        %get3A_917 = arith.index_cast %get3A_916 : i32 to index
        %get3A_918 = arith.index_cast %mul3A_903 : i32 to index
        %get3A_919 = arith.constant 32 : index
        %get3A_920 = tpu.vector_load %arg6[%get3A_917, %get3A_918, %get3A_919] {strides = array<i32>} : memref<4x128x128xf32, #tpu.memory_space<vmem>>, vector<1x1x16xf32>,
        %get3A_921 = vector.shape_cast %get3A_920 : vector<1x1x16xf32> to vector<16xf32>
        %get3A_922 = arith.constant 2 : i32
        %get3A_923 = arith.index_cast %get3A_922 : i32 to index
        %get3A_924 = arith.index_cast %mul3A_903 : i32 to index
        %get3A_925 = arith.constant 48 : index
        %get3A_926 = tpu.vector_load %arg6[%get3A_923, %get3A_924, %get3A_925] {strides = array<i32>} : memref<4x128x128xf32, #tpu.memory_space<vmem>>, vector<1x1x16xf32>,
        %get3A_927 = vector.shape_cast %get3A_926 : vector<1x1x16xf32> to vector<16xf32>
        %get3A_928 = arith.constant 2 : i32
        %get3A_929 = arith.index_cast %get3A_928 : i32 to index
        %get3A_930 = arith.index_cast %mul3A_903 : i32 to index
        %get3A_931 = arith.constant 64 : index
        %get3A_932 = tpu.vector_load %arg6[%get3A_929, %get3A_930, %get3A_931] {strides = array<i32>} : memref<4x128x128xf32, #tpu.memory_space<vmem>>, vector<1x1x16xf32>,
        %get3A_933 = vector.shape_cast %get3A_932 : vector<1x1x16xf32> to vector<16xf32>
        %get3A_934 = arith.constant 2 : i32
        %get3A_935 = arith.index_cast %get3A_934 : i32 to index
        %get3A_936 = arith.index_cast %mul3A_903 : i32 to index
        %get3A_937 = arith.constant 80 : index
        %get3A_938 = tpu.vector_load %arg6[%get3A_935, %get3A_936, %get3A_937] {strides = array<i32>} : memref<4x128x128xf32, #tpu.memory_space<vmem>>, vector<1x1x16xf32>,
        %get3A_939 = vector.shape_cast %get3A_938 : vector<1x1x16xf32> to vector<16xf32>
        %get3A_940 = arith.constant 2 : i32
        %get3A_941 = arith.index_cast %get3A_940 : i32 to index
        %get3A_942 = arith.index_cast %mul3A_903 : i32 to index
        %get3A_943 = arith.constant 96 : index
        %get3A_944 = tpu.vector_load %arg6[%get3A_941, %get3A_942, %get3A_943] {strides = array<i32>} : memref<4x128x128xf32, #tpu.memory_space<vmem>>, vector<1x1x16xf32>,
        %get3A_945 = vector.shape_cast %get3A_944 : vector<1x1x16xf32> to vector<16xf32>
        %get3A_946 = arith.constant 2 : i32
        %get3A_947 = arith.index_cast %get3A_946 : i32 to index
        %get3A_948 = arith.index_cast %mul3A_903 : i32 to index
        %get3A_949 = arith.constant 112 : index
        %get3A_950 = tpu.vector_load %arg6[%get3A_947, %get3A_948, %get3A_949] {strides = array<i32>} : memref<4x128x128xf32, #tpu.memory_space<vmem>>, vector<1x1x16xf32>,
        %get3A_951 = vector.shape_cast %get3A_950 : vector<1x1x16xf32> to vector<16xf32>
        %add3A_952 = arith.constant 1 : i32
        %add3A_953 = arith.addi %mul3A_903, %add3A_952 : i32
        %get3A_954 = arith.constant 2 : i32
        %get3A_955 = arith.index_cast %get3A_954 : i32 to index
        %get3A_956 = arith.index_cast %add3A_953 : i32 to index
        %get3A_957 = arith.constant 0 : index
        %get3A_958 = tpu.vector_load %arg6[%get3A_955, %get3A_956, %get3A_957] {strides = array<i32>} : memref<4x128x128xf32, #tpu.memory_space<vmem>>, vector<1x1x16xf32>,
        %get3A_959 = vector.shape_cast %get3A_958 : vector<1x1x16xf32> to vector<16xf32>
        %add3A_960 = arith.addf %get3A_909, %get3A_959 : vector<16xf32>
        %add3A_961 = arith.constant 1 : i32
        %add3A_962 = arith.addi %mul3A_903, %add3A_961 : i32
        %get3A_963 = arith.constant 2 : i32
        %get3A_964 = arith.index_cast %get3A_963 : i32 to index
        %get3A_965 = arith.index_cast %add3A_962 : i32 to index
        %get3A_966 = arith.constant 16 : index
        %get3A_967 = tpu.vector_load %arg6[%get3A_964, %get3A_965, %get3A_966] {strides = array<i32>} : memref<4x128x128xf32, #tpu.memory_space<vmem>>, vector<1x1x16xf32>,
        %get3A_968 = vector.shape_cast %get3A_967 : vector<1x1x16xf32> to vector<16xf32>
        %add3A_969 = arith.addf %get3A_915, %get3A_968 : vector<16xf32>
        %add3A_970 = arith.constant 1 : i32
        %add3A_971 = arith.addi %mul3A_903, %add3A_970 : i32
        %get3A_972 = arith.constant 2 : i32
        %get3A_973 = arith.index_cast %get3A_972 : i32 to index
        %get3A_974 = arith.index_cast %add3A_971 : i32 to index
        %get3A_975 = arith.constant 32 : index
        %get3A_976 = tpu.vector_load %arg6[%get3A_973, %get3A_974, %get3A_975] {strides = array<i32>} : memref<4x128x128xf32, #tpu.memory_space<vmem>>, vector<1x1x16xf32>,
        %get3A_977 = vector.shape_cast %get3A_976 : vector<1x1x16xf32> to vector<16xf32>
        %add3A_978 = arith.addf %get3A_921, %get3A_977 : vector<16xf32>
        %add3A_979 = arith.constant 1 : i32
        %add3A_980 = arith.addi %mul3A_903, %add3A_979 : i32
        %get3A_981 = arith.constant 2 : i32
        %get3A_982 = arith.index_cast %get3A_981 : i32 to index
        %get3A_983 = arith.index_cast %add3A_980 : i32 to index
        %get3A_984 = arith.constant 48 : index
        %get3A_985 = tpu.vector_load %arg6[%get3A_982, %get3A_983, %get3A_984] {strides = array<i32>} : memref<4x128x128xf32, #tpu.memory_space<vmem>>, vector<1x1x16xf32>,
        %get3A_986 = vector.shape_cast %get3A_985 : vector<1x1x16xf32> to vector<16xf32>
        %add3A_987 = arith.addf %get3A_927, %get3A_986 : vector<16xf32>
        %add3A_988 = arith.constant 1 : i32
        %add3A_989 = arith.addi %mul3A_903, %add3A_988 : i32
        %get3A_990 = arith.constant 2 : i32
        %get3A_991 = arith.index_cast %get3A_990 : i32 to index
        %get3A_992 = arith.index_cast %add3A_989 : i32 to index
        %get3A_993 = arith.constant 64 : index
        %get3A_994 = tpu.vector_load %arg6[%get3A_991, %get3A_992, %get3A_993] {strides = array<i32>} : memref<4x128x128xf32, #tpu.memory_space<vmem>>, vector<1x1x16xf32>,
        %get3A_995 = vector.shape_cast %get3A_994 : vector<1x1x16xf32> to vector<16xf32>
        %add3A_996 = arith.addf %get3A_933, %get3A_995 : vector<16xf32>
        %add3A_997 = arith.constant 1 : i32
        %add3A_998 = arith.addi %mul3A_903, %add3A_997 : i32
        %get3A_999 = arith.constant 2 : i32
        %get3A_1000 = arith.index_cast %get3A_999 : i32 to index
        %get3A_1001 = arith.index_cast %add3A_998 : i32 to index
        %get3A_1002 = arith.constant 80 : index
        %get3A_1003 = tpu.vector_load %arg6[%get3A_1000, %get3A_1001, %get3A_1002] {strides = array<i32>} : memref<4x128x128xf32, #tpu.memory_space<vmem>>, vector<1x1x16xf32>,
        %get3A_1004 = vector.shape_cast %get3A_1003 : vector<1x1x16xf32> to vector<16xf32>
        %add3A_1005 = arith.addf %get3A_939, %get3A_1004 : vector<16xf32>
        %add3A_1006 = arith.constant 1 : i32
        %add3A_1007 = arith.addi %mul3A_903, %add3A_1006 : i32
        %get3A_1008 = arith.constant 2 : i32
        %get3A_1009 = arith.index_cast %get3A_1008 : i32 to index
        %get3A_1010 = arith.index_cast %add3A_1007 : i32 to index
        %get3A_1011 = arith.constant 96 : index
        %get3A_1012 = tpu.vector_load %arg6[%get3A_1009, %get3A_1010, %get3A_1011] {strides = array<i32>} : memref<4x128x128xf32, #tpu.memory_space<vmem>>, vector<1x1x16xf32>,
        %get3A_1013 = vector.shape_cast %get3A_1012 : vector<1x1x16xf32> to vector<16xf32>
        %add3A_1014 = arith.addf %get3A_945, %get3A_1013 : vector<16xf32>
        %add3A_1015 = arith.constant 1 : i32
        %add3A_1016 = arith.addi %mul3A_903, %add3A_1015 : i32
        %get3A_1017 = arith.constant 2 : i32
        %get3A_1018 = arith.index_cast %get3A_1017 : i32 to index
        %get3A_1019 = arith.index_cast %add3A_1016 : i32 to index
        %get3A_1020 = arith.constant 112 : index
        %get3A_1021 = tpu.vector_load %arg6[%get3A_1018, %get3A_1019, %get3A_1020] {strides = array<i32>} : memref<4x128x128xf32, #tpu.memory_space<vmem>>, vector<1x1x16xf32>,
        %get3A_1022 = vector.shape_cast %get3A_1021 : vector<1x1x16xf32> to vector<16xf32>
        %add3A_1023 = arith.addf %get3A_951, %get3A_1022 : vector<16xf32>
        %add3A_1024 = arith.constant 2 : i32
        %add3A_1025 = arith.addi %mul3A_903, %add3A_1024 : i32
        %get3A_1026 = arith.constant 2 : i32
        %get3A_1027 = arith.index_cast %get3A_1026 : i32 to index
        %get3A_1028 = arith.index_cast %add3A_1025 : i32 to index
        %get3A_1029 = arith.constant 0 : index
        %get3A_1030 = tpu.vector_load %arg6[%get3A_1027, %get3A_1028, %get3A_1029] {strides = array<i32>} : memref<4x128x128xf32, #tpu.memory_space<vmem>>, vector<1x1x16xf32>,
        %get3A_1031 = vector.shape_cast %get3A_1030 : vector<1x1x16xf32> to vector<16xf32>
        %add3A_1032 = arith.addf %add3A_960, %get3A_1031 : vector<16xf32>
        %add3A_1033 = arith.constant 2 : i32
        %add3A_1034 = arith.addi %mul3A_903, %add3A_1033 : i32
        %get3A_1035 = arith.constant 2 : i32
        %get3A_1036 = arith.index_cast %get3A_1035 : i32 to index
        %get3A_1037 = arith.index_cast %add3A_1034 : i32 to index
        %get3A_1038 = arith.constant 16 : index
        %get3A_1039 = tpu.vector_load %arg6[%get3A_1036, %get3A_1037, %get3A_1038] {strides = array<i32>} : memref<4x128x128xf32, #tpu.memory_space<vmem>>, vector<1x1x16xf32>,
        %get3A_1040 = vector.shape_cast %get3A_1039 : vector<1x1x16xf32> to vector<16xf32>
        %add3A_1041 = arith.addf %add3A_969, %get3A_1040 : vector<16xf32>
        %add3A_1042 = arith.constant 2 : i32
        %add3A_1043 = arith.addi %mul3A_903, %add3A_1042 : i32
        %get3A_1044 = arith.constant 2 : i32
        %get3A_1045 = arith.index_cast %get3A_1044 : i32 to index
        %get3A_1046 = arith.index_cast %add3A_1043 : i32 to index
        %get3A_1047 = arith.constant 32 : index
        %get3A_1048 = tpu.vector_load %arg6[%get3A_1045, %get3A_1046, %get3A_1047] {strides = array<i32>} : memref<4x128x128xf32, #tpu.memory_space<vmem>>, vector<1x1x16xf32>,
        %get3A_1049 = vector.shape_cast %get3A_1048 : vector<1x1x16xf32> to vector<16xf32>
        %add3A_1050 = arith.addf %add3A_978, %get3A_1049 : vector<16xf32>
        %add3A_1051 = arith.constant 2 : i32
        %add3A_1052 = arith.addi %mul3A_903, %add3A_1051 : i32
        %get3A_1053 = arith.constant 2 : i32
        %get3A_1054 = arith.index_cast %get3A_1053 : i32 to index
        %get3A_1055 = arith.index_cast %add3A_1052 : i32 to index
        %get3A_1056 = arith.constant 48 : index
        %get3A_1057 = tpu.vector_load %arg6[%get3A_1054, %get3A_1055, %get3A_1056] {strides = array<i32>} : memref<4x128x128xf32, #tpu.memory_space<vmem>>, vector<1x1x16xf32>,
        %get3A_1058 = vector.shape_cast %get3A_1057 : vector<1x1x16xf32> to vector<16xf32>
        %add3A_1059 = arith.addf %add3A_987, %get3A_1058 : vector<16xf32>
        %add3A_1060 = arith.constant 2 : i32
        %add3A_1061 = arith.addi %mul3A_903, %add3A_1060 : i32
        %get3A_1062 = arith.constant 2 : i32
        %get3A_1063 = arith.index_cast %get3A_1062 : i32 to index
        %get3A_1064 = arith.index_cast %add3A_1061 : i32 to index
        %get3A_1065 = arith.constant 64 : index
        %get3A_1066 = tpu.vector_load %arg6[%get3A_1063, %get3A_1064, %get3A_1065] {strides = array<i32>} : memref<4x128x128xf32, #tpu.memory_space<vmem>>, vector<1x1x16xf32>,
        %get3A_1067 = vector.shape_cast %get3A_1066 : vector<1x1x16xf32> to vector<16xf32>
        %add3A_1068 = arith.addf %add3A_996, %get3A_1067 : vector<16xf32>
        %add3A_1069 = arith.constant 2 : i32
        %add3A_1070 = arith.addi %mul3A_903, %add3A_1069 : i32
        %get3A_1071 = arith.constant 2 : i32
        %get3A_1072 = arith.index_cast %get3A_1071 : i32 to index
        %get3A_1073 = arith.index_cast %add3A_1070 : i32 to index
        %get3A_1074 = arith.constant 80 : index
        %get3A_1075 = tpu.vector_load %arg6[%get3A_1072, %get3A_1073, %get3A_1074] {strides = array<i32>} : memref<4x128x128xf32, #tpu.memory_space<vmem>>, vector<1x1x16xf32>,
        %get3A_1076 = vector.shape_cast %get3A_1075 : vector<1x1x16xf32> to vector<16xf32>
        %add3A_1077 = arith.addf %add3A_1005, %get3A_1076 : vector<16xf32>
        %add3A_1078 = arith.constant 2 : i32
        %add3A_1079 = arith.addi %mul3A_903, %add3A_1078 : i32
        %get3A_1080 = arith.constant 2 : i32
        %get3A_1081 = arith.index_cast %get3A_1080 : i32 to index
        %get3A_1082 = arith.index_cast %add3A_1079 : i32 to index
        %get3A_1083 = arith.constant 96 : index
        %get3A_1084 = tpu.vector_load %arg6[%get3A_1081, %get3A_1082, %get3A_1083] {strides = array<i32>} : memref<4x128x128xf32, #tpu.memory_space<vmem>>, vector<1x1x16xf32>,
        %get3A_1085 = vector.shape_cast %get3A_1084 : vector<1x1x16xf32> to vector<16xf32>
        %add3A_1086 = arith.addf %add3A_1014, %get3A_1085 : vector<16xf32>
        %add3A_1087 = arith.constant 2 : i32
        %add3A_1088 = arith.addi %mul3A_903, %add3A_1087 : i32
        %get3A_1089 = arith.constant 2 : i32
        %get3A_1090 = arith.index_cast %get3A_1089 : i32 to index
        %get3A_1091 = arith.index_cast %add3A_1088 : i32 to index
        %get3A_1092 = arith.constant 112 : index
        %get3A_1093 = tpu.vector_load %arg6[%get3A_1090, %get3A_1091, %get3A_1092] {strides = array<i32>} : memref<4x128x128xf32, #tpu.memory_space<vmem>>, vector<1x1x16xf32>,
        %get3A_1094 = vector.shape_cast %get3A_1093 : vector<1x1x16xf32> to vector<16xf32>
        %add3A_1095 = arith.addf %add3A_1023, %get3A_1094 : vector<16xf32>
        %add3A_1096 = arith.constant 3 : i32
        %add3A_1097 = arith.addi %mul3A_903, %add3A_1096 : i32
        %get3A_1098 = arith.constant 2 : i32
        %get3A_1099 = arith.index_cast %get3A_1098 : i32 to index
        %get3A_1100 = arith.index_cast %add3A_1097 : i32 to index
        %get3A_1101 = arith.constant 0 : index
        %get3A_1102 = tpu.vector_load %arg6[%get3A_1099, %get3A_1100, %get3A_1101] {strides = array<i32>} : memref<4x128x128xf32, #tpu.memory_space<vmem>>, vector<1x1x16xf32>,
        %get3A_1103 = vector.shape_cast %get3A_1102 : vector<1x1x16xf32> to vector<16xf32>
        %add3A_1104 = arith.addf %add3A_1032, %get3A_1103 : vector<16xf32>
        %add3A_1105 = arith.constant 3 : i32
        %add3A_1106 = arith.addi %mul3A_903, %add3A_1105 : i32
        %get3A_1107 = arith.constant 2 : i32
        %get3A_1108 = arith.index_cast %get3A_1107 : i32 to index
        %get3A_1109 = arith.index_cast %add3A_1106 : i32 to index
        %get3A_1110 = arith.constant 16 : index
        %get3A_1111 = tpu.vector_load %arg6[%get3A_1108, %get3A_1109, %get3A_1110] {strides = array<i32>} : memref<4x128x128xf32, #tpu.memory_space<vmem>>, vector<1x1x16xf32>,
        %get3A_1112 = vector.shape_cast %get3A_1111 : vector<1x1x16xf32> to vector<16xf32>
        %add3A_1113 = arith.addf %add3A_1041, %get3A_1112 : vector<16xf32>
        %add3A_1114 = arith.constant 3 : i32
        %add3A_1115 = arith.addi %mul3A_903, %add3A_1114 : i32
        %get3A_1116 = arith.constant 2 : i32
        %get3A_1117 = arith.index_cast %get3A_1116 : i32 to index
        %get3A_1118 = arith.index_cast %add3A_1115 : i32 to index
        %get3A_1119 = arith.constant 32 : index
        %get3A_1120 = tpu.vector_load %arg6[%get3A_1117, %get3A_1118, %get3A_1119] {strides = array<i32>} : memref<4x128x128xf32, #tpu.memory_space<vmem>>, vector<1x1x16xf32>,
        %get3A_1121 = vector.shape_cast %get3A_1120 : vector<1x1x16xf32> to vector<16xf32>
        %add3A_1122 = arith.addf %add3A_1050, %get3A_1121 : vector<16xf32>
        %add3A_1123 = arith.constant 3 : i32
        %add3A_1124 = arith.addi %mul3A_903, %add3A_1123 : i32
        %get3A_1125 = arith.constant 2 : i32
        %get3A_1126 = arith.index_cast %get3A_1125 : i32 to index
        %get3A_1127 = arith.index_cast %add3A_1124 : i32 to index
        %get3A_1128 = arith.constant 48 : index
        %get3A_1129 = tpu.vector_load %arg6[%get3A_1126, %get3A_1127, %get3A_1128] {strides = array<i32>} : memref<4x128x128xf32, #tpu.memory_space<vmem>>, vector<1x1x16xf32>,
        %get3A_1130 = vector.shape_cast %get3A_1129 : vector<1x1x16xf32> to vector<16xf32>
        %add3A_1131 = arith.addf %add3A_1059, %get3A_1130 : vector<16xf32>
        %add3A_1132 = arith.constant 3 : i32
        %add3A_1133 = arith.addi %mul3A_903, %add3A_1132 : i32
        %get3A_1134 = arith.constant 2 : i32
        %get3A_1135 = arith.index_cast %get3A_1134 : i32 to index
        %get3A_1136 = arith.index_cast %add3A_1133 : i32 to index
        %get3A_1137 = arith.constant 64 : index
        %get3A_1138 = tpu.vector_load %arg6[%get3A_1135, %get3A_1136, %get3A_1137] {strides = array<i32>} : memref<4x128x128xf32, #tpu.memory_space<vmem>>, vector<1x1x16xf32>,
        %get3A_1139 = vector.shape_cast %get3A_1138 : vector<1x1x16xf32> to vector<16xf32>
        %add3A_1140 = arith.addf %add3A_1068, %get3A_1139 : vector<16xf32>
        %add3A_1141 = arith.constant 3 : i32
        %add3A_1142 = arith.addi %mul3A_903, %add3A_1141 : i32
        %get3A_1143 = arith.constant 2 : i32
        %get3A_1144 = arith.index_cast %get3A_1143 : i32 to index
        %get3A_1145 = arith.index_cast %add3A_1142 : i32 to index
        %get3A_1146 = arith.constant 80 : index
        %get3A_1147 = tpu.vector_load %arg6[%get3A_1144, %get3A_1145, %get3A_1146] {strides = array<i32>} : memref<4x128x128xf32, #tpu.memory_space<vmem>>, vector<1x1x16xf32>,
        %get3A_1148 = vector.shape_cast %get3A_1147 : vector<1x1x16xf32> to vector<16xf32>
        %add3A_1149 = arith.addf %add3A_1077, %get3A_1148 : vector<16xf32>
        %add3A_1150 = arith.constant 3 : i32
        %add3A_1151 = arith.addi %mul3A_903, %add3A_1150 : i32
        %get3A_1152 = arith.constant 2 : i32
        %get3A_1153 = arith.index_cast %get3A_1152 : i32 to index
        %get3A_1154 = arith.index_cast %add3A_1151 : i32 to index
        %get3A_1155 = arith.constant 96 : index
        %get3A_1156 = tpu.vector_load %arg6[%get3A_1153, %get3A_1154, %get3A_1155] {strides = array<i32>} : memref<4x128x128xf32, #tpu.memory_space<vmem>>, vector<1x1x16xf32>,
        %get3A_1157 = vector.shape_cast %get3A_1156 : vector<1x1x16xf32> to vector<16xf32>
        %add3A_1158 = arith.addf %add3A_1086, %get3A_1157 : vector<16xf32>
        %add3A_1159 = arith.constant 3 : i32
        %add3A_1160 = arith.addi %mul3A_903, %add3A_1159 : i32
        %get3A_1161 = arith.constant 2 : i32
        %get3A_1162 = arith.index_cast %get3A_1161 : i32 to index
        %get3A_1163 = arith.index_cast %add3A_1160 : i32 to index
        %get3A_1164 = arith.constant 112 : index
        %get3A_1165 = tpu.vector_load %arg6[%get3A_1162, %get3A_1163, %get3A_1164] {strides = array<i32>} : memref<4x128x128xf32, #tpu.memory_space<vmem>>, vector<1x1x16xf32>,
        %get3A_1166 = vector.shape_cast %get3A_1165 : vector<1x1x16xf32> to vector<16xf32>
        %add3A_1167 = arith.addf %add3A_1095, %get3A_1166 : vector<16xf32>
        %add3A_1168 = arith.constant 4 : i32
        %add3A_1169 = arith.addi %mul3A_903, %add3A_1168 : i32
        %get3A_1170 = arith.constant 2 : i32
        %get3A_1171 = arith.index_cast %get3A_1170 : i32 to index
        %get3A_1172 = arith.index_cast %add3A_1169 : i32 to index
        %get3A_1173 = arith.constant 0 : index
        %get3A_1174 = tpu.vector_load %arg6[%get3A_1171, %get3A_1172, %get3A_1173] {strides = array<i32>} : memref<4x128x128xf32, #tpu.memory_space<vmem>>, vector<1x1x16xf32>,
        %get3A_1175 = vector.shape_cast %get3A_1174 : vector<1x1x16xf32> to vector<16xf32>
        %add3A_1176 = arith.addf %add3A_1104, %get3A_1175 : vector<16xf32>
        %add3A_1177 = arith.constant 4 : i32
        %add3A_1178 = arith.addi %mul3A_903, %add3A_1177 : i32
        %get3A_1179 = arith.constant 2 : i32
        %get3A_1180 = arith.index_cast %get3A_1179 : i32 to index
        %get3A_1181 = arith.index_cast %add3A_1178 : i32 to index
        %get3A_1182 = arith.constant 16 : index
        %get3A_1183 = tpu.vector_load %arg6[%get3A_1180, %get3A_1181, %get3A_1182] {strides = array<i32>} : memref<4x128x128xf32, #tpu.memory_space<vmem>>, vector<1x1x16xf32>,
        %get3A_1184 = vector.shape_cast %get3A_1183 : vector<1x1x16xf32> to vector<16xf32>
        %add3A_1185 = arith.addf %add3A_1113, %get3A_1184 : vector<16xf32>
        %add3A_1186 = arith.constant 4 : i32
        %add3A_1187 = arith.addi %mul3A_903, %add3A_1186 : i32
        %get3A_1188 = arith.constant 2 : i32
        %get3A_1189 = arith.index_cast %get3A_1188 : i32 to index
        %get3A_1190 = arith.index_cast %add3A_1187 : i32 to index
        %get3A_1191 = arith.constant 32 : index
        %get3A_1192 = tpu.vector_load %arg6[%get3A_1189, %get3A_1190, %get3A_1191] {strides = array<i32>} : memref<4x128x128xf32, #tpu.memory_space<vmem>>, vector<1x1x16xf32>,
        %get3A_1193 = vector.shape_cast %get3A_1192 : vector<1x1x16xf32> to vector<16xf32>
        %add3A_1194 = arith.addf %add3A_1122, %get3A_1193 : vector<16xf32>
        %add3A_1195 = arith.constant 4 : i32
        %add3A_1196 = arith.addi %mul3A_903, %add3A_1195 : i32
        %get3A_1197 = arith.constant 2 : i32
        %get3A_1198 = arith.index_cast %get3A_1197 : i32 to index
        %get3A_1199 = arith.index_cast %add3A_1196 : i32 to index
        %get3A_1200 = arith.constant 48 : index
        %get3A_1201 = tpu.vector_load %arg6[%get3A_1198, %get3A_1199, %get3A_1200] {strides = array<i32>} : memref<4x128x128xf32, #tpu.memory_space<vmem>>, vector<1x1x16xf32>,
        %get3A_1202 = vector.shape_cast %get3A_1201 : vector<1x1x16xf32> to vector<16xf32>
        %add3A_1203 = arith.addf %add3A_1131, %get3A_1202 : vector<16xf32>
        %add3A_1204 = arith.constant 4 : i32
        %add3A_1205 = arith.addi %mul3A_903, %add3A_1204 : i32
        %get3A_1206 = arith.constant 2 : i32
        %get3A_1207 = arith.index_cast %get3A_1206 : i32 to index
        %get3A_1208 = arith.index_cast %add3A_1205 : i32 to index
        %get3A_1209 = arith.constant 64 : index
        %get3A_1210 = tpu.vector_load %arg6[%get3A_1207, %get3A_1208, %get3A_1209] {strides = array<i32>} : memref<4x128x128xf32, #tpu.memory_space<vmem>>, vector<1x1x16xf32>,
        %get3A_1211 = vector.shape_cast %get3A_1210 : vector<1x1x16xf32> to vector<16xf32>
        %add3A_1212 = arith.addf %add3A_1140, %get3A_1211 : vector<16xf32>
        %add3A_1213 = arith.constant 4 : i32
        %add3A_1214 = arith.addi %mul3A_903, %add3A_1213 : i32
        %get3A_1215 = arith.constant 2 : i32
        %get3A_1216 = arith.index_cast %get3A_1215 : i32 to index
        %get3A_1217 = arith.index_cast %add3A_1214 : i32 to index
        %get3A_1218 = arith.constant 80 : index
        %get3A_1219 = tpu.vector_load %arg6[%get3A_1216, %get3A_1217, %get3A_1218] {strides = array<i32>} : memref<4x128x128xf32, #tpu.memory_space<vmem>>, vector<1x1x16xf32>,
        %get3A_1220 = vector.shape_cast %get3A_1219 : vector<1x1x16xf32> to vector<16xf32>
        %add3A_1221 = arith.addf %add3A_1149, %get3A_1220 : vector<16xf32>
        %add3A_1222 = arith.constant 4 : i32
        %add3A_1223 = arith.addi %mul3A_903, %add3A_1222 : i32
        %get3A_1224 = arith.constant 2 : i32
        %get3A_1225 = arith.index_cast %get3A_1224 : i32 to index
        %get3A_1226 = arith.index_cast %add3A_1223 : i32 to index
        %get3A_1227 = arith.constant 96 : index
        %get3A_1228 = tpu.vector_load %arg6[%get3A_1225, %get3A_1226, %get3A_1227] {strides = array<i32>} : memref<4x128x128xf32, #tpu.memory_space<vmem>>, vector<1x1x16xf32>,
        %get3A_1229 = vector.shape_cast %get3A_1228 : vector<1x1x16xf32> to vector<16xf32>
        %add3A_1230 = arith.addf %add3A_1158, %get3A_1229 : vector<16xf32>
        %add3A_1231 = arith.constant 4 : i32
        %add3A_1232 = arith.addi %mul3A_903, %add3A_1231 : i32
        %get3A_1233 = arith.constant 2 : i32
        %get3A_1234 = arith.index_cast %get3A_1233 : i32 to index
        %get3A_1235 = arith.index_cast %add3A_1232 : i32 to index
        %get3A_1236 = arith.constant 112 : index
        %get3A_1237 = tpu.vector_load %arg6[%get3A_1234, %get3A_1235, %get3A_1236] {strides = array<i32>} : memref<4x128x128xf32, #tpu.memory_space<vmem>>, vector<1x1x16xf32>,
        %get3A_1238 = vector.shape_cast %get3A_1237 : vector<1x1x16xf32> to vector<16xf32>
        %add3A_1239 = arith.addf %add3A_1167, %get3A_1238 : vector<16xf32>
        %add3A_1240 = arith.constant 5 : i32
        %add3A_1241 = arith.addi %mul3A_903, %add3A_1240 : i32
        %get3A_1242 = arith.constant 2 : i32
        %get3A_1243 = arith.index_cast %get3A_1242 : i32 to index
        %get3A_1244 = arith.index_cast %add3A_1241 : i32 to index
        %get3A_1245 = arith.constant 0 : index
        %get3A_1246 = tpu.vector_load %arg6[%get3A_1243, %get3A_1244, %get3A_1245] {strides = array<i32>} : memref<4x128x128xf32, #tpu.memory_space<vmem>>, vector<1x1x16xf32>,
        %get3A_1247 = vector.shape_cast %get3A_1246 : vector<1x1x16xf32> to vector<16xf32>
        %add3A_1248 = arith.addf %add3A_1176, %get3A_1247 : vector<16xf32>
        %add3A_1249 = arith.constant 5 : i32
        %add3A_1250 = arith.addi %mul3A_903, %add3A_1249 : i32
        %get3A_1251 = arith.constant 2 : i32
        %get3A_1252 = arith.index_cast %get3A_1251 : i32 to index
        %get3A_1253 = arith.index_cast %add3A_1250 : i32 to index
        %get3A_1254 = arith.constant 16 : index
        %get3A_1255 = tpu.vector_load %arg6[%get3A_1252, %get3A_1253, %get3A_1254] {strides = array<i32>} : memref<4x128x128xf32, #tpu.memory_space<vmem>>, vector<1x1x16xf32>,
        %get3A_1256 = vector.shape_cast %get3A_1255 : vector<1x1x16xf32> to vector<16xf32>
        %add3A_1257 = arith.addf %add3A_1185, %get3A_1256 : vector<16xf32>
        %add3A_1258 = arith.constant 5 : i32
        %add3A_1259 = arith.addi %mul3A_903, %add3A_1258 : i32
        %get3A_1260 = arith.constant 2 : i32
        %get3A_1261 = arith.index_cast %get3A_1260 : i32 to index
        %get3A_1262 = arith.index_cast %add3A_1259 : i32 to index
        %get3A_1263 = arith.constant 32 : index
        %get3A_1264 = tpu.vector_load %arg6[%get3A_1261, %get3A_1262, %get3A_1263] {strides = array<i32>} : memref<4x128x128xf32, #tpu.memory_space<vmem>>, vector<1x1x16xf32>,
        %get3A_1265 = vector.shape_cast %get3A_1264 : vector<1x1x16xf32> to vector<16xf32>
        %add3A_1266 = arith.addf %add3A_1194, %get3A_1265 : vector<16xf32>
        %add3A_1267 = arith.constant 5 : i32
        %add3A_1268 = arith.addi %mul3A_903, %add3A_1267 : i32
        %get3A_1269 = arith.constant 2 : i32
        %get3A_1270 = arith.index_cast %get3A_1269 : i32 to index
        %get3A_1271 = arith.index_cast %add3A_1268 : i32 to index
        %get3A_1272 = arith.constant 48 : index
        %get3A_1273 = tpu.vector_load %arg6[%get3A_1270, %get3A_1271, %get3A_1272] {strides = array<i32>} : memref<4x128x128xf32, #tpu.memory_space<vmem>>, vector<1x1x16xf32>,
        %get3A_1274 = vector.shape_cast %get3A_1273 : vector<1x1x16xf32> to vector<16xf32>
        %add3A_1275 = arith.addf %add3A_1203, %get3A_1274 : vector<16xf32>
        %add3A_1276 = arith.constant 5 : i32
        %add3A_1277 = arith.addi %mul3A_903, %add3A_1276 : i32
        %get3A_1278 = arith.constant 2 : i32
        %get3A_1279 = arith.index_cast %get3A_1278 : i32 to index
        %get3A_1280 = arith.index_cast %add3A_1277 : i32 to index
        %get3A_1281 = arith.constant 64 : index
        %get3A_1282 = tpu.vector_load %arg6[%get3A_1279, %get3A_1280, %get3A_1281] {strides = array<i32>} : memref<4x128x128xf32, #tpu.memory_space<vmem>>, vector<1x1x16xf32>,
        %get3A_1283 = vector.shape_cast %get3A_1282 : vector<1x1x16xf32> to vector<16xf32>
        %add3A_1284 = arith.addf %add3A_1212, %get3A_1283 : vector<16xf32>
        %add3A_1285 = arith.constant 5 : i32
        %add3A_1286 = arith.addi %mul3A_903, %add3A_1285 : i32
        %get3A_1287 = arith.constant 2 : i32
        %get3A_1288 = arith.index_cast %get3A_1287 : i32 to index
        %get3A_1289 = arith.index_cast %add3A_1286 : i32 to index
        %get3A_1290 = arith.constant 80 : index
        %get3A_1291 = tpu.vector_load %arg6[%get3A_1288, %get3A_1289, %get3A_1290] {strides = array<i32>} : memref<4x128x128xf32, #tpu.memory_space<vmem>>, vector<1x1x16xf32>,
        %get3A_1292 = vector.shape_cast %get3A_1291 : vector<1x1x16xf32> to vector<16xf32>
        %add3A_1293 = arith.addf %add3A_1221, %get3A_1292 : vector<16xf32>
        %add3A_1294 = arith.constant 5 : i32
        %add3A_1295 = arith.addi %mul3A_903, %add3A_1294 : i32
        %get3A_1296 = arith.constant 2 : i32
        %get3A_1297 = arith.index_cast %get3A_1296 : i32 to index
        %get3A_1298 = arith.index_cast %add3A_1295 : i32 to index
        %get3A_1299 = arith.constant 96 : index
        %get3A_1300 = tpu.vector_load %arg6[%get3A_1297, %get3A_1298, %get3A_1299] {strides = array<i32>} : memref<4x128x128xf32, #tpu.memory_space<vmem>>, vector<1x1x16xf32>,
        %get3A_1301 = vector.shape_cast %get3A_1300 : vector<1x1x16xf32> to vector<16xf32>
        %add3A_1302 = arith.addf %add3A_1230, %get3A_1301 : vector<16xf32>
        %add3A_1303 = arith.constant 5 : i32
        %add3A_1304 = arith.addi %mul3A_903, %add3A_1303 : i32
        %get3A_1305 = arith.constant 2 : i32
        %get3A_1306 = arith.index_cast %get3A_1305 : i32 to index
        %get3A_1307 = arith.index_cast %add3A_1304 : i32 to index
        %get3A_1308 = arith.constant 112 : index
        %get3A_1309 = tpu.vector_load %arg6[%get3A_1306, %get3A_1307, %get3A_1308] {strides = array<i32>} : memref<4x128x128xf32, #tpu.memory_space<vmem>>, vector<1x1x16xf32>,
        %get3A_1310 = vector.shape_cast %get3A_1309 : vector<1x1x16xf32> to vector<16xf32>
        %add3A_1311 = arith.addf %add3A_1239, %get3A_1310 : vector<16xf32>
        %add3A_1312 = arith.constant 6 : i32
        %add3A_1313 = arith.addi %mul3A_903, %add3A_1312 : i32
        %get3A_1314 = arith.constant 2 : i32
        %get3A_1315 = arith.index_cast %get3A_1314 : i32 to index
        %get3A_1316 = arith.index_cast %add3A_1313 : i32 to index
        %get3A_1317 = arith.constant 0 : index
        %get3A_1318 = tpu.vector_load %arg6[%get3A_1315, %get3A_1316, %get3A_1317] {strides = array<i32>} : memref<4x128x128xf32, #tpu.memory_space<vmem>>, vector<1x1x16xf32>,
        %get3A_1319 = vector.shape_cast %get3A_1318 : vector<1x1x16xf32> to vector<16xf32>
        %add3A_1320 = arith.addf %add3A_1248, %get3A_1319 : vector<16xf32>
        %add3A_1321 = arith.constant 6 : i32
        %add3A_1322 = arith.addi %mul3A_903, %add3A_1321 : i32
        %get3A_1323 = arith.constant 2 : i32
        %get3A_1324 = arith.index_cast %get3A_1323 : i32 to index
        %get3A_1325 = arith.index_cast %add3A_1322 : i32 to index
        %get3A_1326 = arith.constant 16 : index
        %get3A_1327 = tpu.vector_load %arg6[%get3A_1324, %get3A_1325, %get3A_1326] {strides = array<i32>} : memref<4x128x128xf32, #tpu.memory_space<vmem>>, vector<1x1x16xf32>,
        %get3A_1328 = vector.shape_cast %get3A_1327 : vector<1x1x16xf32> to vector<16xf32>
        %add3A_1329 = arith.addf %add3A_1257, %get3A_1328 : vector<16xf32>
        %add3A_1330 = arith.constant 6 : i32
        %add3A_1331 = arith.addi %mul3A_903, %add3A_1330 : i32
        %get3A_1332 = arith.constant 2 : i32
        %get3A_1333 = arith.index_cast %get3A_1332 : i32 to index
        %get3A_1334 = arith.index_cast %add3A_1331 : i32 to index
        %get3A_1335 = arith.constant 32 : index
        %get3A_1336 = tpu.vector_load %arg6[%get3A_1333, %get3A_1334, %get3A_1335] {strides = array<i32>} : memref<4x128x128xf32, #tpu.memory_space<vmem>>, vector<1x1x16xf32>,
        %get3A_1337 = vector.shape_cast %get3A_1336 : vector<1x1x16xf32> to vector<16xf32>
        %add3A_1338 = arith.addf %add3A_1266, %get3A_1337 : vector<16xf32>
        %add3A_1339 = arith.constant 6 : i32
        %add3A_1340 = arith.addi %mul3A_903, %add3A_1339 : i32
        %get3A_1341 = arith.constant 2 : i32
        %get3A_1342 = arith.index_cast %get3A_1341 : i32 to index
        %get3A_1343 = arith.index_cast %add3A_1340 : i32 to index
        %get3A_1344 = arith.constant 48 : index
        %get3A_1345 = tpu.vector_load %arg6[%get3A_1342, %get3A_1343, %get3A_1344] {strides = array<i32>} : memref<4x128x128xf32, #tpu.memory_space<vmem>>, vector<1x1x16xf32>,
        %get3A_1346 = vector.shape_cast %get3A_1345 : vector<1x1x16xf32> to vector<16xf32>
        %add3A_1347 = arith.addf %add3A_1275, %get3A_1346 : vector<16xf32>
        %add3A_1348 = arith.constant 6 : i32
        %add3A_1349 = arith.addi %mul3A_903, %add3A_1348 : i32
        %get3A_1350 = arith.constant 2 : i32
        %get3A_1351 = arith.index_cast %get3A_1350 : i32 to index
        %get3A_1352 = arith.index_cast %add3A_1349 : i32 to index
        %get3A_1353 = arith.constant 64 : index
        %get3A_1354 = tpu.vector_load %arg6[%get3A_1351, %get3A_1352, %get3A_1353] {strides = array<i32>} : memref<4x128x128xf32, #tpu.memory_space<vmem>>, vector<1x1x16xf32>,
        %get3A_1355 = vector.shape_cast %get3A_1354 : vector<1x1x16xf32> to vector<16xf32>
        %add3A_1356 = arith.addf %add3A_1284, %get3A_1355 : vector<16xf32>
        %add3A_1357 = arith.constant 6 : i32
        %add3A_1358 = arith.addi %mul3A_903, %add3A_1357 : i32
        %get3A_1359 = arith.constant 2 : i32
        %get3A_1360 = arith.index_cast %get3A_1359 : i32 to index
        %get3A_1361 = arith.index_cast %add3A_1358 : i32 to index
        %get3A_1362 = arith.constant 80 : index
        %get3A_1363 = tpu.vector_load %arg6[%get3A_1360, %get3A_1361, %get3A_1362] {strides = array<i32>} : memref<4x128x128xf32, #tpu.memory_space<vmem>>, vector<1x1x16xf32>,
        %get3A_1364 = vector.shape_cast %get3A_1363 : vector<1x1x16xf32> to vector<16xf32>
        %add3A_1365 = arith.addf %add3A_1293, %get3A_1364 : vector<16xf32>
        %add3A_1366 = arith.constant 6 : i32
        %add3A_1367 = arith.addi %mul3A_903, %add3A_1366 : i32
        %get3A_1368 = arith.constant 2 : i32
        %get3A_1369 = arith.index_cast %get3A_1368 : i32 to index
        %get3A_1370 = arith.index_cast %add3A_1367 : i32 to index
        %get3A_1371 = arith.constant 96 : index
        %get3A_1372 = tpu.vector_load %arg6[%get3A_1369, %get3A_1370, %get3A_1371] {strides = array<i32>} : memref<4x128x128xf32, #tpu.memory_space<vmem>>, vector<1x1x16xf32>,
        %get3A_1373 = vector.shape_cast %get3A_1372 : vector<1x1x16xf32> to vector<16xf32>
        %add3A_1374 = arith.addf %add3A_1302, %get3A_1373 : vector<16xf32>
        %add3A_1375 = arith.constant 6 : i32
        %add3A_1376 = arith.addi %mul3A_903, %add3A_1375 : i32
        %get3A_1377 = arith.constant 2 : i32
        %get3A_1378 = arith.index_cast %get3A_1377 : i32 to index
        %get3A_1379 = arith.index_cast %add3A_1376 : i32 to index
        %get3A_1380 = arith.constant 112 : index
        %get3A_1381 = tpu.vector_load %arg6[%get3A_1378, %get3A_1379, %get3A_1380] {strides = array<i32>} : memref<4x128x128xf32, #tpu.memory_space<vmem>>, vector<1x1x16xf32>,
        %get3A_1382 = vector.shape_cast %get3A_1381 : vector<1x1x16xf32> to vector<16xf32>
        %add3A_1383 = arith.addf %add3A_1311, %get3A_1382 : vector<16xf32>
        %add3A_1384 = arith.constant 7 : i32
        %add3A_1385 = arith.addi %mul3A_903, %add3A_1384 : i32
        %get3A_1386 = arith.constant 2 : i32
        %get3A_1387 = arith.index_cast %get3A_1386 : i32 to index
        %get3A_1388 = arith.index_cast %add3A_1385 : i32 to index
        %get3A_1389 = arith.constant 0 : index
        %get3A_1390 = tpu.vector_load %arg6[%get3A_1387, %get3A_1388, %get3A_1389] {strides = array<i32>} : memref<4x128x128xf32, #tpu.memory_space<vmem>>, vector<1x1x16xf32>,
        %get3A_1391 = vector.shape_cast %get3A_1390 : vector<1x1x16xf32> to vector<16xf32>
        %add3A_1392 = arith.addf %add3A_1320, %get3A_1391 : vector<16xf32>
        %add3A_1393 = arith.constant 7 : i32
        %add3A_1394 = arith.addi %mul3A_903, %add3A_1393 : i32
        %get3A_1395 = arith.constant 2 : i32
        %get3A_1396 = arith.index_cast %get3A_1395 : i32 to index
        %get3A_1397 = arith.index_cast %add3A_1394 : i32 to index
        %get3A_1398 = arith.constant 16 : index
        %get3A_1399 = tpu.vector_load %arg6[%get3A_1396, %get3A_1397, %get3A_1398] {strides = array<i32>} : memref<4x128x128xf32, #tpu.memory_space<vmem>>, vector<1x1x16xf32>,
        %get3A_1400 = vector.shape_cast %get3A_1399 : vector<1x1x16xf32> to vector<16xf32>
        %add3A_1401 = arith.addf %add3A_1329, %get3A_1400 : vector<16xf32>
        %add3A_1402 = arith.constant 7 : i32
        %add3A_1403 = arith.addi %mul3A_903, %add3A_1402 : i32
        %get3A_1404 = arith.constant 2 : i32
        %get3A_1405 = arith.index_cast %get3A_1404 : i32 to index
        %get3A_1406 = arith.index_cast %add3A_1403 : i32 to index
        %get3A_1407 = arith.constant 32 : index
        %get3A_1408 = tpu.vector_load %arg6[%get3A_1405, %get3A_1406, %get3A_1407] {strides = array<i32>} : memref<4x128x128xf32, #tpu.memory_space<vmem>>, vector<1x1x16xf32>,
        %get3A_1409 = vector.shape_cast %get3A_1408 : vector<1x1x16xf32> to vector<16xf32>
        %add3A_1410 = arith.addf %add3A_1338, %get3A_1409 : vector<16xf32>
        %add3A_1411 = arith.constant 7 : i32
        %add3A_1412 = arith.addi %mul3A_903, %add3A_1411 : i32
        %get3A_1413 = arith.constant 2 : i32
        %get3A_1414 = arith.index_cast %get3A_1413 : i32 to index
        %get3A_1415 = arith.index_cast %add3A_1412 : i32 to index
        %get3A_1416 = arith.constant 48 : index
        %get3A_1417 = tpu.vector_load %arg6[%get3A_1414, %get3A_1415, %get3A_1416] {strides = array<i32>} : memref<4x128x128xf32, #tpu.memory_space<vmem>>, vector<1x1x16xf32>,
        %get3A_1418 = vector.shape_cast %get3A_1417 : vector<1x1x16xf32> to vector<16xf32>
        %add3A_1419 = arith.addf %add3A_1347, %get3A_1418 : vector<16xf32>
        %add3A_1420 = arith.constant 7 : i32
        %add3A_1421 = arith.addi %mul3A_903, %add3A_1420 : i32
        %get3A_1422 = arith.constant 2 : i32
        %get3A_1423 = arith.index_cast %get3A_1422 : i32 to index
        %get3A_1424 = arith.index_cast %add3A_1421 : i32 to index
        %get3A_1425 = arith.constant 64 : index
        %get3A_1426 = tpu.vector_load %arg6[%get3A_1423, %get3A_1424, %get3A_1425] {strides = array<i32>} : memref<4x128x128xf32, #tpu.memory_space<vmem>>, vector<1x1x16xf32>,
        %get3A_1427 = vector.shape_cast %get3A_1426 : vector<1x1x16xf32> to vector<16xf32>
        %add3A_1428 = arith.addf %add3A_1356, %get3A_1427 : vector<16xf32>
        %add3A_1429 = arith.constant 7 : i32
        %add3A_1430 = arith.addi %mul3A_903, %add3A_1429 : i32
        %get3A_1431 = arith.constant 2 : i32
        %get3A_1432 = arith.index_cast %get3A_1431 : i32 to index
        %get3A_1433 = arith.index_cast %add3A_1430 : i32 to index
        %get3A_1434 = arith.constant 80 : index
        %get3A_1435 = tpu.vector_load %arg6[%get3A_1432, %get3A_1433, %get3A_1434] {strides = array<i32>} : memref<4x128x128xf32, #tpu.memory_space<vmem>>, vector<1x1x16xf32>,
        %get3A_1436 = vector.shape_cast %get3A_1435 : vector<1x1x16xf32> to vector<16xf32>
        %add3A_1437 = arith.addf %add3A_1365, %get3A_1436 : vector<16xf32>
        %add3A_1438 = arith.constant 7 : i32
        %add3A_1439 = arith.addi %mul3A_903, %add3A_1438 : i32
        %get3A_1440 = arith.constant 2 : i32
        %get3A_1441 = arith.index_cast %get3A_1440 : i32 to index
        %get3A_1442 = arith.index_cast %add3A_1439 : i32 to index
        %get3A_1443 = arith.constant 96 : index
        %get3A_1444 = tpu.vector_load %arg6[%get3A_1441, %get3A_1442, %get3A_1443] {strides = array<i32>} : memref<4x128x128xf32, #tpu.memory_space<vmem>>, vector<1x1x16xf32>,
        %get3A_1445 = vector.shape_cast %get3A_1444 : vector<1x1x16xf32> to vector<16xf32>
        %add3A_1446 = arith.addf %add3A_1374, %get3A_1445 : vector<16xf32>
        %add3A_1447 = arith.constant 7 : i32
        %add3A_1448 = arith.addi %mul3A_903, %add3A_1447 : i32
        %get3A_1449 = arith.constant 2 : i32
        %get3A_1450 = arith.index_cast %get3A_1449 : i32 to index
        %get3A_1451 = arith.index_cast %add3A_1448 : i32 to index
        %get3A_1452 = arith.constant 112 : index
        %get3A_1453 = tpu.vector_load %arg6[%get3A_1450, %get3A_1451, %get3A_1452] {strides = array<i32>} : memref<4x128x128xf32, #tpu.memory_space<vmem>>, vector<1x1x16xf32>,
        %get3A_1454 = vector.shape_cast %get3A_1453 : vector<1x1x16xf32> to vector<16xf32>
        %add3A_1455 = arith.addf %add3A_1383, %get3A_1454 : vector<16xf32>
        %swap3A_1456 = arith.constant 0 : i32
        %swap3A_1457 = arith.index_cast %swap3A_1456 : i32 to index
        %swap3A_1458 = arith.index_cast %add3A_901 : i32 to index
        %swap3A_1459 = arith.constant 0 : index
        %swap3A_1460 = tpu.vector_load %arg7[%swap3A_1457, %swap3A_1458, %swap3A_1459] {strides = array<i32>} : memref<2x16x128xf32, #tpu.memory_space<vmem>>, vector<1x1x16xf32>,
        %swap3A_1461 = vector.shape_cast %swap3A_1460 : vector<1x1x16xf32> to vector<16xf32>
        %swap3A_1462 = vector.shape_cast %add3A_1392 : vector<16xf32> to vector<1x1x16xf32>
        tpu.vector_store %arg7[%swap3A_1457, %swap3A_1458, %swap3A_1459], %swap3A_1462 {strides = array<i32>} : memref<2x16x128xf32, #tpu.memory_space<vmem>>, vector<1x1x16xf32>,
        %swap3A_1463 = arith.constant 0 : i32
        %swap3A_1464 = arith.index_cast %swap3A_1463 : i32 to index
        %swap3A_1465 = arith.index_cast %add3A_901 : i32 to index
        %swap3A_1466 = arith.constant 16 : index
        %swap3A_1467 = tpu.vector_load %arg7[%swap3A_1464, %swap3A_1465, %swap3A_1466] {strides = array<i32>} : memref<2x16x128xf32, #tpu.memory_space<vmem>>, vector<1x1x16xf32>,
        %swap3A_1468 = vector.shape_cast %swap3A_1467 : vector<1x1x16xf32> to vector<16xf32>
        %swap3A_1469 = vector.shape_cast %add3A_1401 : vector<16xf32> to vector<1x1x16xf32>
        tpu.vector_store %arg7[%swap3A_1464, %swap3A_1465, %swap3A_1466], %swap3A_1469 {strides = array<i32>} : memref<2x16x128xf32, #tpu.memory_space<vmem>>, vector<1x1x16xf32>,
        %swap3A_1470 = arith.constant 0 : i32
        %swap3A_1471 = arith.index_cast %swap3A_1470 : i32 to index
        %swap3A_1472 = arith.index_cast %add3A_901 : i32 to index
        %swap3A_1473 = arith.constant 32 : index
        %swap3A_1474 = tpu.vector_load %arg7[%swap3A_1471, %swap3A_1472, %swap3A_1473] {strides = array<i32>} : memref<2x16x128xf32, #tpu.memory_space<vmem>>, vector<1x1x16xf32>,
        %swap3A_1475 = vector.shape_cast %swap3A_1474 : vector<1x1x16xf32> to vector<16xf32>
        %swap3A_1476 = vector.shape_cast %add3A_1410 : vector<16xf32> to vector<1x1x16xf32>
        tpu.vector_store %arg7[%swap3A_1471, %swap3A_1472, %swap3A_1473], %swap3A_1476 {strides = array<i32>} : memref<2x16x128xf32, #tpu.memory_space<vmem>>, vector<1x1x16xf32>,
        %swap3A_1477 = arith.constant 0 : i32
        %swap3A_1478 = arith.index_cast %swap3A_1477 : i32 to index
        %swap3A_1479 = arith.index_cast %add3A_901 : i32 to index
        %swap3A_1480 = arith.constant 48 : index
        %swap3A_1481 = tpu.vector_load %arg7[%swap3A_1478, %swap3A_1479, %swap3A_1480] {strides = array<i32>} : memref<2x16x128xf32, #tpu.memory_space<vmem>>, vector<1x1x16xf32>,
        %swap3A_1482 = vector.shape_cast %swap3A_1481 : vector<1x1x16xf32> to vector<16xf32>
        %swap3A_1483 = vector.shape_cast %add3A_1419 : vector<16xf32> to vector<1x1x16xf32>
        tpu.vector_store %arg7[%swap3A_1478, %swap3A_1479, %swap3A_1480], %swap3A_1483 {strides = array<i32>} : memref<2x16x128xf32, #tpu.memory_space<vmem>>, vector<1x1x16xf32>,
        %swap3A_1484 = arith.constant 0 : i32
        %swap3A_1485 = arith.index_cast %swap3A_1484 : i32 to index
        %swap3A_1486 = arith.index_cast %add3A_901 : i32 to index
        %swap3A_1487 = arith.constant 64 : index
        %swap3A_1488 = tpu.vector_load %arg7[%swap3A_1485, %swap3A_1486, %swap3A_1487] {strides = array<i32>} : memref<2x16x128xf32, #tpu.memory_space<vmem>>, vector<1x1x16xf32>,
        %swap3A_1489 = vector.shape_cast %swap3A_1488 : vector<1x1x16xf32> to vector<16xf32>
        %swap3A_1490 = vector.shape_cast %add3A_1428 : vector<16xf32> to vector<1x1x16xf32>
        tpu.vector_store %arg7[%swap3A_1485, %swap3A_1486, %swap3A_1487], %swap3A_1490 {strides = array<i32>} : memref<2x16x128xf32, #tpu.memory_space<vmem>>, vector<1x1x16xf32>,
        %swap3A_1491 = arith.constant 0 : i32
        %swap3A_1492 = arith.index_cast %swap3A_1491 : i32 to index
        %swap3A_1493 = arith.index_cast %add3A_901 : i32 to index
        %swap3A_1494 = arith.constant 80 : index
        %swap3A_1495 = tpu.vector_load %arg7[%swap3A_1492, %swap3A_1493, %swap3A_1494] {strides = array<i32>} : memref<2x16x128xf32, #tpu.memory_space<vmem>>, vector<1x1x16xf32>,
        %swap3A_1496 = vector.shape_cast %swap3A_1495 : vector<1x1x16xf32> to vector<16xf32>
        %swap3A_1497 = vector.shape_cast %add3A_1437 : vector<16xf32> to vector<1x1x16xf32>
        tpu.vector_store %arg7[%swap3A_1492, %swap3A_1493, %swap3A_1494], %swap3A_1497 {strides = array<i32>} : memref<2x16x128xf32, #tpu.memory_space<vmem>>, vector<1x1x16xf32>,
        %swap3A_1498 = arith.constant 0 : i32
        %swap3A_1499 = arith.index_cast %swap3A_1498 : i32 to index
        %swap3A_1500 = arith.index_cast %add3A_901 : i32 to index
        %swap3A_1501 = arith.constant 96 : index
        %swap3A_1502 = tpu.vector_load %arg7[%swap3A_1499, %swap3A_1500, %swap3A_1501] {strides = array<i32>} : memref<2x16x128xf32, #tpu.memory_space<vmem>>, vector<1x1x16xf32>,
        %swap3A_1503 = vector.shape_cast %swap3A_1502 : vector<1x1x16xf32> to vector<16xf32>
        %swap3A_1504 = vector.shape_cast %add3A_1446 : vector<16xf32> to vector<1x1x16xf32>
        tpu.vector_store %arg7[%swap3A_1499, %swap3A_1500, %swap3A_1501], %swap3A_1504 {strides = array<i32>} : memref<2x16x128xf32, #tpu.memory_space<vmem>>, vector<1x1x16xf32>,
        %swap3A_1505 = arith.constant 0 : i32
        %swap3A_1506 = arith.index_cast %swap3A_1505 : i32 to index
        %swap3A_1507 = arith.index_cast %add3A_901 : i32 to index
        %swap3A_1508 = arith.constant 112 : index
        %swap3A_1509 = tpu.vector_load %arg7[%swap3A_1506, %swap3A_1507, %swap3A_1508] {strides = array<i32>} : memref<2x16x128xf32, #tpu.memory_space<vmem>>, vector<1x1x16xf32>,
        %swap3A_1510 = vector.shape_cast %swap3A_1509 : vector<1x1x16xf32> to vector<16xf32>
        %swap3A_1511 = vector.shape_cast %add3A_1455 : vector<16xf32> to vector<1x1x16xf32>
        tpu.vector_store %arg7[%swap3A_1506, %swap3A_1507, %swap3A_1508], %swap3A_1511 {strides = array<i32>} : memref<2x16x128xf32, #tpu.memory_space<vmem>>, vector<1x1x16xf32>,
      }
      %scan3A_208 = arith.constant 8 : i32
      %add3A_209 = arith.constant 4 : i32
      %add3A_210 = arith.addi %add3A_182, %add3A_209 : i32
      %lt3A_211 = arith.constant 64 : i32
      %lt3A_212 = arith.cmpi slt, %add3A_210, %lt3A_211 : i32
      %convert_element_type3A_213 = arith.extui %lt3A_212 : i1 to i32
      %cond3A_214 = arith.constant 0 : i32
      %cond3A_215 = arith.cmpi ne, %convert_element_type3A_213, %cond3A_214 : i32
      scf.if %cond3A_215 {
        %add3A_285 = arith.constant 4 : i32
        %add3A_286 = arith.addi %add3A_182, %add3A_285 : i32
        %mul3A_287 = arith.constant 128 : i32
        %mul3A_288 = arith.muli %add3A_286, %mul3A_287 : i32
        %dma_start3A_289 = arith.constant 2 : i32
        %dma_start3A_290 = arith.constant 0 : i32
        %dma_start3A_291 = arith.constant 0 : i32
        %dma_start3A_292 = tpu.memref_slice %arg6[%dma_start3A_289, %dma_start3A_290, %dma_start3A_291] : memref<4x128x128xf32, #tpu.memory_space<vmem>> -> memref<1x128x128xf32, #tpu.memory_space<vmem>>
        %dma_start3A_293 = tpu.memref_squeeze %dma_start3A_292 : memref<1x128x128xf32, #tpu.memory_space<vmem>> -> memref<128x128xf32, #tpu.memory_space<vmem>>
        %dma_start3A_294 = tpu.memref_slice %arg5[%mul3A_288] : memref<8192xi32, #tpu.memory_space<vmem>> -> memref<128xi32, #tpu.memory_space<vmem>>
        %dma_start3A_295 = arith.constant 0 : i32
        %dma_start3A_296 = arith.constant 0 : i32
        %dma_start3A_297 = tpu.memref_slice %arg3[%dma_start3A_295, %dma_start3A_296] : memref<65536x128xf32, #tpu.memory_space<hbm>> -> memref<65536x128xf32, #tpu.memory_space<hbm>>
        tpu.enqueue_indirect_dma source(%dma_start3A_297 : memref<65536x128xf32, #tpu.memory_space<hbm>>) target(%dma_start3A_293 : memref<128x128xf32, #tpu.memory_space<vmem>>) offsets(%dma_start3A_294 : memref<128xi32, #tpu.memory_space<vmem>>) semaphore(%arg10 : memref<!tpu.dma_semaphore, #tpu.memory_space<semaphore_mem>>)
      } else {
      }
      %mul3A_216 = arith.constant 16 : i32
      %mul3A_217 = arith.muli %add3A_182, %mul3A_216 : i32
      %add3A_218 = arith.addi %mul3A_2, %mul3A_217 : i32
      %dma_start3A_219 = arith.constant 0 : i32
      %dma_start3A_220 = arith.constant 0 : i32
      %dma_start3A_221 = arith.constant 0 : i32
      %dma_start3A_222 = tpu.memref_slice %arg7[%dma_start3A_219, %dma_start3A_220, %dma_start3A_221] : memref<2x16x128xf32, #tpu.memory_space<vmem>> -> memref<1x16x128xf32, #tpu.memory_space<vmem>>
      %dma_start3A_223 = tpu.memref_squeeze %dma_start3A_222 : memref<1x16x128xf32, #tpu.memory_space<vmem>> -> memref<16x128xf32, #tpu.memory_space<vmem>>
      %dma_start3A_224 = arith.constant 0 : i32
      %dma_start3A_225 = tpu.memref_slice %arg4[%add3A_218, %dma_start3A_224] : memref<32768x128xf32, #tpu.memory_space<hbm>> -> memref<16x128xf32, #tpu.memory_space<hbm>>
      %dma_start3A_226 = arith.constant 0 : i32
      %dma_start3A_227 = tpu.memref_slice %arg4[%add3A_218, %dma_start3A_226] : memref<32768x128xf32, #tpu.memory_space<hbm>> -> memref<16x128xf32, #tpu.memory_space<hbm>>
      %dma_start3A_228 = arith.constant 0 : i32
      %dma_start3A_229 = arith.constant 0 : i32
      %dma_start3A_230 = tpu.memref_slice %arg7[%dma_start3A_219, %dma_start3A_228, %dma_start3A_229] : memref<2x16x128xf32, #tpu.memory_space<vmem>> -> memref<1x16x128xf32, #tpu.memory_space<vmem>>
      %dma_start3A_231 = tpu.memref_squeeze %dma_start3A_230 : memref<1x16x128xf32, #tpu.memory_space<vmem>> -> memref<16x128xf32, #tpu.memory_space<vmem>>
      tpu.enqueue_dma source(%dma_start3A_231 : memref<16x128xf32, #tpu.memory_space<vmem>>) target(%dma_start3A_227 : memref<16x128xf32, #tpu.memory_space<hbm>>) target_semaphore(%arg12 : memref<!tpu.dma_semaphore, #tpu.memory_space<semaphore_mem>>)
      %mul3A_232 = arith.constant 4 : i32
      %mul3A_233 = arith.muli %scan3A_76, %mul3A_232 : i32
      %add3A_234 = arith.constant 3 : i32
      %add3A_235 = arith.addi %mul3A_233, %add3A_234 : i32
      %dma_wait3A_236 = arith.constant 3 : i32
      %dma_wait3A_237 = arith.constant 0 : i32
      %dma_wait3A_238 = arith.constant 0 : i32
      %dma_wait3A_239 = tpu.memref_slice %arg6[%dma_wait3A_236, %dma_wait3A_237, %dma_wait3A_238] : memref<4x128x128xf32, #tpu.memory_space<vmem>> -> memref<1x128x128xf32, #tpu.memory_space<vmem>>
      %dma_wait3A_240 = tpu.memref_squeeze %dma_wait3A_239 : memref<1x128x128xf32, #tpu.memory_space<vmem>> -> memref<128x128xf32, #tpu.memory_space<vmem>>
      %dma_wait3A_241 = arith.constant 0 : i32
      %dma_wait3A_242 = arith.constant 0 : i32
      %dma_wait3A_243 = tpu.memref_slice %arg3[%dma_wait3A_241, %dma_wait3A_242] : memref<65536x128xf32, #tpu.memory_space<hbm>> -> memref<128x128xf32, #tpu.memory_space<hbm>>
      %dma_wait3A_244 = arith.constant 0 : i32
      %dma_wait3A_245 = arith.constant 0 : i32
      %dma_wait3A_246 = tpu.memref_slice %arg6[%dma_wait3A_236, %dma_wait3A_244, %dma_wait3A_245] : memref<4x128x128xf32, #tpu.memory_space<vmem>> -> memref<1x128x128xf32, #tpu.memory_space<vmem>>
      %dma_wait3A_247 = tpu.memref_squeeze %dma_wait3A_246 : memref<1x128x128xf32, #tpu.memory_space<vmem>> -> memref<128x128xf32, #tpu.memory_space<vmem>>
      %dma_wait3A_248 = arith.constant 0 : i32
      %dma_wait3A_249 = arith.constant 0 : i32
      %dma_wait3A_250 = tpu.memref_slice %arg3[%dma_wait3A_248, %dma_wait3A_249] : memref<65536x128xf32, #tpu.memory_space<hbm>> -> memref<128x128xf32, #tpu.memory_space<hbm>>
      tpu.wait_dma2 semaphore(%arg11 : memref<!tpu.dma_semaphore, #tpu.memory_space<semaphore_mem>>) src(%dma_wait3A_250 : memref<128x128xf32, #tpu.memory_space<hbm>>) dst(%dma_wait3A_247 : memref<128x128xf32, #tpu.memory_space<vmem>>)
      %ge3A_251 = arith.constant 2 : i32
      %ge3A_252 = arith.cmpi sge, %add3A_235, %ge3A_251 : i32
      %convert_element_type3A_253 = arith.extui %ge3A_252 : i1 to i32
      %cond3A_254 = arith.constant 0 : i32
      %cond3A_255 = arith.cmpi ne, %convert_element_type3A_253, %cond3A_254 : i32
      scf.if %cond3A_255 {
        %dma_wait3A_285 = arith.constant 1 : i32
        %dma_wait3A_286 = arith.constant 0 : i32
        %dma_wait3A_287 = arith.constant 0 : i32
        %dma_wait3A_288 = tpu.memref_slice %arg7[%dma_wait3A_285, %dma_wait3A_286, %dma_wait3A_287] : memref<2x16x128xf32, #tpu.memory_space<vmem>> -> memref<1x16x128xf32, #tpu.memory_space<vmem>>
        %dma_wait3A_289 = tpu.memref_squeeze %dma_wait3A_288 : memref<1x16x128xf32, #tpu.memory_space<vmem>> -> memref<16x128xf32, #tpu.memory_space<vmem>>
        %dma_wait3A_290 = arith.constant 0 : i32
        %dma_wait3A_291 = arith.constant 0 : i32
        %dma_wait3A_292 = tpu.memref_slice %arg4[%dma_wait3A_290, %dma_wait3A_291] : memref<32768x128xf32, #tpu.memory_space<hbm>> -> memref<16x128xf32, #tpu.memory_space<hbm>>
        %dma_wait3A_293 = arith.constant 0 : i32
        %dma_wait3A_294 = arith.constant 0 : i32
        %dma_wait3A_295 = tpu.memref_slice %arg4[%dma_wait3A_293, %dma_wait3A_294] : memref<32768x128xf32, #tpu.memory_space<hbm>> -> memref<16x128xf32, #tpu.memory_space<hbm>>
        %dma_wait3A_296 = arith.constant 0 : i32
        %dma_wait3A_297 = arith.constant 0 : i32
        %dma_wait3A_298 = tpu.memref_slice %arg7[%dma_wait3A_285, %dma_wait3A_296, %dma_wait3A_297] : memref<2x16x128xf32, #tpu.memory_space<vmem>> -> memref<1x16x128xf32, #tpu.memory_space<vmem>>
        %dma_wait3A_299 = tpu.memref_squeeze %dma_wait3A_298 : memref<1x16x128xf32, #tpu.memory_space<vmem>> -> memref<16x128xf32, #tpu.memory_space<vmem>>
        tpu.wait_dma2 semaphore(%arg13 : memref<!tpu.dma_semaphore, #tpu.memory_space<semaphore_mem>>) src(%dma_wait3A_299 : memref<16x128xf32, #tpu.memory_space<vmem>>) dst(%dma_wait3A_295 : memref<16x128xf32, #tpu.memory_space<hbm>>)
      } else {
      }
      %scan3A_256 = arith.constant 0 : i32
      %scan3A_257 = arith.constant 0 : i32
      %scan3A_258 = arith.constant 8 : i32
      %scan3A_259 = arith.addi %scan3A_257, %scan3A_258 : i32
      %scan3A_260 = arith.constant 1 : i32
      scf.for %scan3A_285 = %scan3A_257 to %scan3A_259 step %scan3A_260  : i32 {
        %mul3A_286 = arith.constant 2 : i32
        %mul3A_287 = arith.muli %scan3A_285, %mul3A_286 : i32
        %add3A_288 = arith.constant 0 : i32
        %add3A_289 = arith.addi %mul3A_287, %add3A_288 : i32
        %mul3A_290 = arith.constant 8 : i32
        %mul3A_291 = arith.muli %add3A_289, %mul3A_290 : i32
        %get3A = arith.constant 3 : i32
        %get3A_292 = arith.index_cast %get3A : i32 to index
        %get3A_293 = arith.index_cast %mul3A_291 : i32 to index
        %get3A_294 = arith.constant 0 : index
        %get3A_295 = tpu.vector_load %arg6[%get3A_292, %get3A_293, %get3A_294] {strides = array<i32>} : memref<4x128x128xf32, #tpu.memory_space<vmem>>, vector<1x1x16xf32>,
        %get3A_296 = vector.shape_cast %get3A_295 : vector<1x1x16xf32> to vector<16xf32>
        %get3A_297 = arith.constant 3 : i32
        %get3A_298 = arith.index_cast %get3A_297 : i32 to index
        %get3A_299 = arith.index_cast %mul3A_291 : i32 to index
        %get3A_300 = arith.constant 16 : index
        %get3A_301 = tpu.vector_load %arg6[%get3A_298, %get3A_299, %get3A_300] {strides = array<i32>} : memref<4x128x128xf32, #tpu.memory_space<vmem>>, vector<1x1x16xf32>,
        %get3A_302 = vector.shape_cast %get3A_301 : vector<1x1x16xf32> to vector<16xf32>
        %get3A_303 = arith.constant 3 : i32
        %get3A_304 = arith.index_cast %get3A_303 : i32 to index
        %get3A_305 = arith.index_cast %mul3A_291 : i32 to index
        %get3A_306 = arith.constant 32 : index
        %get3A_307 = tpu.vector_load %arg6[%get3A_304, %get3A_305, %get3A_306] {strides = array<i32>} : memref<4x128x128xf32, #tpu.memory_space<vmem>>, vector<1x1x16xf32>,
        %get3A_308 = vector.shape_cast %get3A_307 : vector<1x1x16xf32> to vector<16xf32>
        %get3A_309 = arith.constant 3 : i32
        %get3A_310 = arith.index_cast %get3A_309 : i32 to index
        %get3A_311 = arith.index_cast %mul3A_291 : i32 to index
        %get3A_312 = arith.constant 48 : index
        %get3A_313 = tpu.vector_load %arg6[%get3A_310, %get3A_311, %get3A_312] {strides = array<i32>} : memref<4x128x128xf32, #tpu.memory_space<vmem>>, vector<1x1x16xf32>,
        %get3A_314 = vector.shape_cast %get3A_313 : vector<1x1x16xf32> to vector<16xf32>
        %get3A_315 = arith.constant 3 : i32
        %get3A_316 = arith.index_cast %get3A_315 : i32 to index
        %get3A_317 = arith.index_cast %mul3A_291 : i32 to index
        %get3A_318 = arith.constant 64 : index
        %get3A_319 = tpu.vector_load %arg6[%get3A_316, %get3A_317, %get3A_318] {strides = array<i32>} : memref<4x128x128xf32, #tpu.memory_space<vmem>>, vector<1x1x16xf32>,
        %get3A_320 = vector.shape_cast %get3A_319 : vector<1x1x16xf32> to vector<16xf32>
        %get3A_321 = arith.constant 3 : i32
        %get3A_322 = arith.index_cast %get3A_321 : i32 to index
        %get3A_323 = arith.index_cast %mul3A_291 : i32 to index
        %get3A_324 = arith.constant 80 : index
        %get3A_325 = tpu.vector_load %arg6[%get3A_322, %get3A_323, %get3A_324] {strides = array<i32>} : memref<4x128x128xf32, #tpu.memory_space<vmem>>, vector<1x1x16xf32>,
        %get3A_326 = vector.shape_cast %get3A_325 : vector<1x1x16xf32> to vector<16xf32>
        %get3A_327 = arith.constant 3 : i32
        %get3A_328 = arith.index_cast %get3A_327 : i32 to index
        %get3A_329 = arith.index_cast %mul3A_291 : i32 to index
        %get3A_330 = arith.constant 96 : index
        %get3A_331 = tpu.vector_load %arg6[%get3A_328, %get3A_329, %get3A_330] {strides = array<i32>} : memref<4x128x128xf32, #tpu.memory_space<vmem>>, vector<1x1x16xf32>,
        %get3A_332 = vector.shape_cast %get3A_331 : vector<1x1x16xf32> to vector<16xf32>
        %get3A_333 = arith.constant 3 : i32
        %get3A_334 = arith.index_cast %get3A_333 : i32 to index
        %get3A_335 = arith.index_cast %mul3A_291 : i32 to index
        %get3A_336 = arith.constant 112 : index
        %get3A_337 = tpu.vector_load %arg6[%get3A_334, %get3A_335, %get3A_336] {strides = array<i32>} : memref<4x128x128xf32, #tpu.memory_space<vmem>>, vector<1x1x16xf32>,
        %get3A_338 = vector.shape_cast %get3A_337 : vector<1x1x16xf32> to vector<16xf32>
        %add3A_339 = arith.constant 1 : i32
        %add3A_340 = arith.addi %mul3A_291, %add3A_339 : i32
        %get3A_341 = arith.constant 3 : i32
        %get3A_342 = arith.index_cast %get3A_341 : i32 to index
        %get3A_343 = arith.index_cast %add3A_340 : i32 to index
        %get3A_344 = arith.constant 0 : index
        %get3A_345 = tpu.vector_load %arg6[%get3A_342, %get3A_343, %get3A_344] {strides = array<i32>} : memref<4x128x128xf32, #tpu.memory_space<vmem>>, vector<1x1x16xf32>,
        %get3A_346 = vector.shape_cast %get3A_345 : vector<1x1x16xf32> to vector<16xf32>
        %add3A_347 = arith.addf %get3A_296, %get3A_346 : vector<16xf32>
        %add3A_348 = arith.constant 1 : i32
        %add3A_349 = arith.addi %mul3A_291, %add3A_348 : i32
        %get3A_350 = arith.constant 3 : i32
        %get3A_351 = arith.index_cast %get3A_350 : i32 to index
        %get3A_352 = arith.index_cast %add3A_349 : i32 to index
        %get3A_353 = arith.constant 16 : index
        %get3A_354 = tpu.vector_load %arg6[%get3A_351, %get3A_352, %get3A_353] {strides = array<i32>} : memref<4x128x128xf32, #tpu.memory_space<vmem>>, vector<1x1x16xf32>,
        %get3A_355 = vector.shape_cast %get3A_354 : vector<1x1x16xf32> to vector<16xf32>
        %add3A_356 = arith.addf %get3A_302, %get3A_355 : vector<16xf32>
        %add3A_357 = arith.constant 1 : i32
        %add3A_358 = arith.addi %mul3A_291, %add3A_357 : i32
        %get3A_359 = arith.constant 3 : i32
        %get3A_360 = arith.index_cast %get3A_359 : i32 to index
        %get3A_361 = arith.index_cast %add3A_358 : i32 to index
        %get3A_362 = arith.constant 32 : index
        %get3A_363 = tpu.vector_load %arg6[%get3A_360, %get3A_361, %get3A_362] {strides = array<i32>} : memref<4x128x128xf32, #tpu.memory_space<vmem>>, vector<1x1x16xf32>,
        %get3A_364 = vector.shape_cast %get3A_363 : vector<1x1x16xf32> to vector<16xf32>
        %add3A_365 = arith.addf %get3A_308, %get3A_364 : vector<16xf32>
        %add3A_366 = arith.constant 1 : i32
        %add3A_367 = arith.addi %mul3A_291, %add3A_366 : i32
        %get3A_368 = arith.constant 3 : i32
        %get3A_369 = arith.index_cast %get3A_368 : i32 to index
        %get3A_370 = arith.index_cast %add3A_367 : i32 to index
        %get3A_371 = arith.constant 48 : index
        %get3A_372 = tpu.vector_load %arg6[%get3A_369, %get3A_370, %get3A_371] {strides = array<i32>} : memref<4x128x128xf32, #tpu.memory_space<vmem>>, vector<1x1x16xf32>,
        %get3A_373 = vector.shape_cast %get3A_372 : vector<1x1x16xf32> to vector<16xf32>
        %add3A_374 = arith.addf %get3A_314, %get3A_373 : vector<16xf32>
        %add3A_375 = arith.constant 1 : i32
        %add3A_376 = arith.addi %mul3A_291, %add3A_375 : i32
        %get3A_377 = arith.constant 3 : i32
        %get3A_378 = arith.index_cast %get3A_377 : i32 to index
        %get3A_379 = arith.index_cast %add3A_376 : i32 to index
        %get3A_380 = arith.constant 64 : index
        %get3A_381 = tpu.vector_load %arg6[%get3A_378, %get3A_379, %get3A_380] {strides = array<i32>} : memref<4x128x128xf32, #tpu.memory_space<vmem>>, vector<1x1x16xf32>,
        %get3A_382 = vector.shape_cast %get3A_381 : vector<1x1x16xf32> to vector<16xf32>
        %add3A_383 = arith.addf %get3A_320, %get3A_382 : vector<16xf32>
        %add3A_384 = arith.constant 1 : i32
        %add3A_385 = arith.addi %mul3A_291, %add3A_384 : i32
        %get3A_386 = arith.constant 3 : i32
        %get3A_387 = arith.index_cast %get3A_386 : i32 to index
        %get3A_388 = arith.index_cast %add3A_385 : i32 to index
        %get3A_389 = arith.constant 80 : index
        %get3A_390 = tpu.vector_load %arg6[%get3A_387, %get3A_388, %get3A_389] {strides = array<i32>} : memref<4x128x128xf32, #tpu.memory_space<vmem>>, vector<1x1x16xf32>,
        %get3A_391 = vector.shape_cast %get3A_390 : vector<1x1x16xf32> to vector<16xf32>
        %add3A_392 = arith.addf %get3A_326, %get3A_391 : vector<16xf32>
        %add3A_393 = arith.constant 1 : i32
        %add3A_394 = arith.addi %mul3A_291, %add3A_393 : i32
        %get3A_395 = arith.constant 3 : i32
        %get3A_396 = arith.index_cast %get3A_395 : i32 to index
        %get3A_397 = arith.index_cast %add3A_394 : i32 to index
        %get3A_398 = arith.constant 96 : index
        %get3A_399 = tpu.vector_load %arg6[%get3A_396, %get3A_397, %get3A_398] {strides = array<i32>} : memref<4x128x128xf32, #tpu.memory_space<vmem>>, vector<1x1x16xf32>,
        %get3A_400 = vector.shape_cast %get3A_399 : vector<1x1x16xf32> to vector<16xf32>
        %add3A_401 = arith.addf %get3A_332, %get3A_400 : vector<16xf32>
        %add3A_402 = arith.constant 1 : i32
        %add3A_403 = arith.addi %mul3A_291, %add3A_402 : i32
        %get3A_404 = arith.constant 3 : i32
        %get3A_405 = arith.index_cast %get3A_404 : i32 to index
        %get3A_406 = arith.index_cast %add3A_403 : i32 to index
        %get3A_407 = arith.constant 112 : index
        %get3A_408 = tpu.vector_load %arg6[%get3A_405, %get3A_406, %get3A_407] {strides = array<i32>} : memref<4x128x128xf32, #tpu.memory_space<vmem>>, vector<1x1x16xf32>,
        %get3A_409 = vector.shape_cast %get3A_408 : vector<1x1x16xf32> to vector<16xf32>
        %add3A_410 = arith.addf %get3A_338, %get3A_409 : vector<16xf32>
        %add3A_411 = arith.constant 2 : i32
        %add3A_412 = arith.addi %mul3A_291, %add3A_411 : i32
        %get3A_413 = arith.constant 3 : i32
        %get3A_414 = arith.index_cast %get3A_413 : i32 to index
        %get3A_415 = arith.index_cast %add3A_412 : i32 to index
        %get3A_416 = arith.constant 0 : index
        %get3A_417 = tpu.vector_load %arg6[%get3A_414, %get3A_415, %get3A_416] {strides = array<i32>} : memref<4x128x128xf32, #tpu.memory_space<vmem>>, vector<1x1x16xf32>,
        %get3A_418 = vector.shape_cast %get3A_417 : vector<1x1x16xf32> to vector<16xf32>
        %add3A_419 = arith.addf %add3A_347, %get3A_418 : vector<16xf32>
        %add3A_420 = arith.constant 2 : i32
        %add3A_421 = arith.addi %mul3A_291, %add3A_420 : i32
        %get3A_422 = arith.constant 3 : i32
        %get3A_423 = arith.index_cast %get3A_422 : i32 to index
        %get3A_424 = arith.index_cast %add3A_421 : i32 to index
        %get3A_425 = arith.constant 16 : index
        %get3A_426 = tpu.vector_load %arg6[%get3A_423, %get3A_424, %get3A_425] {strides = array<i32>} : memref<4x128x128xf32, #tpu.memory_space<vmem>>, vector<1x1x16xf32>,
        %get3A_427 = vector.shape_cast %get3A_426 : vector<1x1x16xf32> to vector<16xf32>
        %add3A_428 = arith.addf %add3A_356, %get3A_427 : vector<16xf32>
        %add3A_429 = arith.constant 2 : i32
        %add3A_430 = arith.addi %mul3A_291, %add3A_429 : i32
        %get3A_431 = arith.constant 3 : i32
        %get3A_432 = arith.index_cast %get3A_431 : i32 to index
        %get3A_433 = arith.index_cast %add3A_430 : i32 to index
        %get3A_434 = arith.constant 32 : index
        %get3A_435 = tpu.vector_load %arg6[%get3A_432, %get3A_433, %get3A_434] {strides = array<i32>} : memref<4x128x128xf32, #tpu.memory_space<vmem>>, vector<1x1x16xf32>,
        %get3A_436 = vector.shape_cast %get3A_435 : vector<1x1x16xf32> to vector<16xf32>
        %add3A_437 = arith.addf %add3A_365, %get3A_436 : vector<16xf32>
        %add3A_438 = arith.constant 2 : i32
        %add3A_439 = arith.addi %mul3A_291, %add3A_438 : i32
        %get3A_440 = arith.constant 3 : i32
        %get3A_441 = arith.index_cast %get3A_440 : i32 to index
        %get3A_442 = arith.index_cast %add3A_439 : i32 to index
        %get3A_443 = arith.constant 48 : index
        %get3A_444 = tpu.vector_load %arg6[%get3A_441, %get3A_442, %get3A_443] {strides = array<i32>} : memref<4x128x128xf32, #tpu.memory_space<vmem>>, vector<1x1x16xf32>,
        %get3A_445 = vector.shape_cast %get3A_444 : vector<1x1x16xf32> to vector<16xf32>
        %add3A_446 = arith.addf %add3A_374, %get3A_445 : vector<16xf32>
        %add3A_447 = arith.constant 2 : i32
        %add3A_448 = arith.addi %mul3A_291, %add3A_447 : i32
        %get3A_449 = arith.constant 3 : i32
        %get3A_450 = arith.index_cast %get3A_449 : i32 to index
        %get3A_451 = arith.index_cast %add3A_448 : i32 to index
        %get3A_452 = arith.constant 64 : index
        %get3A_453 = tpu.vector_load %arg6[%get3A_450, %get3A_451, %get3A_452] {strides = array<i32>} : memref<4x128x128xf32, #tpu.memory_space<vmem>>, vector<1x1x16xf32>,
        %get3A_454 = vector.shape_cast %get3A_453 : vector<1x1x16xf32> to vector<16xf32>
        %add3A_455 = arith.addf %add3A_383, %get3A_454 : vector<16xf32>
        %add3A_456 = arith.constant 2 : i32
        %add3A_457 = arith.addi %mul3A_291, %add3A_456 : i32
        %get3A_458 = arith.constant 3 : i32
        %get3A_459 = arith.index_cast %get3A_458 : i32 to index
        %get3A_460 = arith.index_cast %add3A_457 : i32 to index
        %get3A_461 = arith.constant 80 : index
        %get3A_462 = tpu.vector_load %arg6[%get3A_459, %get3A_460, %get3A_461] {strides = array<i32>} : memref<4x128x128xf32, #tpu.memory_space<vmem>>, vector<1x1x16xf32>,
        %get3A_463 = vector.shape_cast %get3A_462 : vector<1x1x16xf32> to vector<16xf32>
        %add3A_464 = arith.addf %add3A_392, %get3A_463 : vector<16xf32>
        %add3A_465 = arith.constant 2 : i32
        %add3A_466 = arith.addi %mul3A_291, %add3A_465 : i32
        %get3A_467 = arith.constant 3 : i32
        %get3A_468 = arith.index_cast %get3A_467 : i32 to index
        %get3A_469 = arith.index_cast %add3A_466 : i32 to index
        %get3A_470 = arith.constant 96 : index
        %get3A_471 = tpu.vector_load %arg6[%get3A_468, %get3A_469, %get3A_470] {strides = array<i32>} : memref<4x128x128xf32, #tpu.memory_space<vmem>>, vector<1x1x16xf32>,
        %get3A_472 = vector.shape_cast %get3A_471 : vector<1x1x16xf32> to vector<16xf32>
        %add3A_473 = arith.addf %add3A_401, %get3A_472 : vector<16xf32>
        %add3A_474 = arith.constant 2 : i32
        %add3A_475 = arith.addi %mul3A_291, %add3A_474 : i32
        %get3A_476 = arith.constant 3 : i32
        %get3A_477 = arith.index_cast %get3A_476 : i32 to index
        %get3A_478 = arith.index_cast %add3A_475 : i32 to index
        %get3A_479 = arith.constant 112 : index
        %get3A_480 = tpu.vector_load %arg6[%get3A_477, %get3A_478, %get3A_479] {strides = array<i32>} : memref<4x128x128xf32, #tpu.memory_space<vmem>>, vector<1x1x16xf32>,
        %get3A_481 = vector.shape_cast %get3A_480 : vector<1x1x16xf32> to vector<16xf32>
        %add3A_482 = arith.addf %add3A_410, %get3A_481 : vector<16xf32>
        %add3A_483 = arith.constant 3 : i32
        %add3A_484 = arith.addi %mul3A_291, %add3A_483 : i32
        %get3A_485 = arith.constant 3 : i32
        %get3A_486 = arith.index_cast %get3A_485 : i32 to index
        %get3A_487 = arith.index_cast %add3A_484 : i32 to index
        %get3A_488 = arith.constant 0 : index
        %get3A_489 = tpu.vector_load %arg6[%get3A_486, %get3A_487, %get3A_488] {strides = array<i32>} : memref<4x128x128xf32, #tpu.memory_space<vmem>>, vector<1x1x16xf32>,
        %get3A_490 = vector.shape_cast %get3A_489 : vector<1x1x16xf32> to vector<16xf32>
        %add3A_491 = arith.addf %add3A_419, %get3A_490 : vector<16xf32>
        %add3A_492 = arith.constant 3 : i32
        %add3A_493 = arith.addi %mul3A_291, %add3A_492 : i32
        %get3A_494 = arith.constant 3 : i32
        %get3A_495 = arith.index_cast %get3A_494 : i32 to index
        %get3A_496 = arith.index_cast %add3A_493 : i32 to index
        %get3A_497 = arith.constant 16 : index
        %get3A_498 = tpu.vector_load %arg6[%get3A_495, %get3A_496, %get3A_497] {strides = array<i32>} : memref<4x128x128xf32, #tpu.memory_space<vmem>>, vector<1x1x16xf32>,
        %get3A_499 = vector.shape_cast %get3A_498 : vector<1x1x16xf32> to vector<16xf32>
        %add3A_500 = arith.addf %add3A_428, %get3A_499 : vector<16xf32>
        %add3A_501 = arith.constant 3 : i32
        %add3A_502 = arith.addi %mul3A_291, %add3A_501 : i32
        %get3A_503 = arith.constant 3 : i32
        %get3A_504 = arith.index_cast %get3A_503 : i32 to index
        %get3A_505 = arith.index_cast %add3A_502 : i32 to index
        %get3A_506 = arith.constant 32 : index
        %get3A_507 = tpu.vector_load %arg6[%get3A_504, %get3A_505, %get3A_506] {strides = array<i32>} : memref<4x128x128xf32, #tpu.memory_space<vmem>>, vector<1x1x16xf32>,
        %get3A_508 = vector.shape_cast %get3A_507 : vector<1x1x16xf32> to vector<16xf32>
        %add3A_509 = arith.addf %add3A_437, %get3A_508 : vector<16xf32>
        %add3A_510 = arith.constant 3 : i32
        %add3A_511 = arith.addi %mul3A_291, %add3A_510 : i32
        %get3A_512 = arith.constant 3 : i32
        %get3A_513 = arith.index_cast %get3A_512 : i32 to index
        %get3A_514 = arith.index_cast %add3A_511 : i32 to index
        %get3A_515 = arith.constant 48 : index
        %get3A_516 = tpu.vector_load %arg6[%get3A_513, %get3A_514, %get3A_515] {strides = array<i32>} : memref<4x128x128xf32, #tpu.memory_space<vmem>>, vector<1x1x16xf32>,
        %get3A_517 = vector.shape_cast %get3A_516 : vector<1x1x16xf32> to vector<16xf32>
        %add3A_518 = arith.addf %add3A_446, %get3A_517 : vector<16xf32>
        %add3A_519 = arith.constant 3 : i32
        %add3A_520 = arith.addi %mul3A_291, %add3A_519 : i32
        %get3A_521 = arith.constant 3 : i32
        %get3A_522 = arith.index_cast %get3A_521 : i32 to index
        %get3A_523 = arith.index_cast %add3A_520 : i32 to index
        %get3A_524 = arith.constant 64 : index
        %get3A_525 = tpu.vector_load %arg6[%get3A_522, %get3A_523, %get3A_524] {strides = array<i32>} : memref<4x128x128xf32, #tpu.memory_space<vmem>>, vector<1x1x16xf32>,
        %get3A_526 = vector.shape_cast %get3A_525 : vector<1x1x16xf32> to vector<16xf32>
        %add3A_527 = arith.addf %add3A_455, %get3A_526 : vector<16xf32>
        %add3A_528 = arith.constant 3 : i32
        %add3A_529 = arith.addi %mul3A_291, %add3A_528 : i32
        %get3A_530 = arith.constant 3 : i32
        %get3A_531 = arith.index_cast %get3A_530 : i32 to index
        %get3A_532 = arith.index_cast %add3A_529 : i32 to index
        %get3A_533 = arith.constant 80 : index
        %get3A_534 = tpu.vector_load %arg6[%get3A_531, %get3A_532, %get3A_533] {strides = array<i32>} : memref<4x128x128xf32, #tpu.memory_space<vmem>>, vector<1x1x16xf32>,
        %get3A_535 = vector.shape_cast %get3A_534 : vector<1x1x16xf32> to vector<16xf32>
        %add3A_536 = arith.addf %add3A_464, %get3A_535 : vector<16xf32>
        %add3A_537 = arith.constant 3 : i32
        %add3A_538 = arith.addi %mul3A_291, %add3A_537 : i32
        %get3A_539 = arith.constant 3 : i32
        %get3A_540 = arith.index_cast %get3A_539 : i32 to index
        %get3A_541 = arith.index_cast %add3A_538 : i32 to index
        %get3A_542 = arith.constant 96 : index
        %get3A_543 = tpu.vector_load %arg6[%get3A_540, %get3A_541, %get3A_542] {strides = array<i32>} : memref<4x128x128xf32, #tpu.memory_space<vmem>>, vector<1x1x16xf32>,
        %get3A_544 = vector.shape_cast %get3A_543 : vector<1x1x16xf32> to vector<16xf32>
        %add3A_545 = arith.addf %add3A_473, %get3A_544 : vector<16xf32>
        %add3A_546 = arith.constant 3 : i32
        %add3A_547 = arith.addi %mul3A_291, %add3A_546 : i32
        %get3A_548 = arith.constant 3 : i32
        %get3A_549 = arith.index_cast %get3A_548 : i32 to index
        %get3A_550 = arith.index_cast %add3A_547 : i32 to index
        %get3A_551 = arith.constant 112 : index
        %get3A_552 = tpu.vector_load %arg6[%get3A_549, %get3A_550, %get3A_551] {strides = array<i32>} : memref<4x128x128xf32, #tpu.memory_space<vmem>>, vector<1x1x16xf32>,
        %get3A_553 = vector.shape_cast %get3A_552 : vector<1x1x16xf32> to vector<16xf32>
        %add3A_554 = arith.addf %add3A_482, %get3A_553 : vector<16xf32>
        %add3A_555 = arith.constant 4 : i32
        %add3A_556 = arith.addi %mul3A_291, %add3A_555 : i32
        %get3A_557 = arith.constant 3 : i32
        %get3A_558 = arith.index_cast %get3A_557 : i32 to index
        %get3A_559 = arith.index_cast %add3A_556 : i32 to index
        %get3A_560 = arith.constant 0 : index
        %get3A_561 = tpu.vector_load %arg6[%get3A_558, %get3A_559, %get3A_560] {strides = array<i32>} : memref<4x128x128xf32, #tpu.memory_space<vmem>>, vector<1x1x16xf32>,
        %get3A_562 = vector.shape_cast %get3A_561 : vector<1x1x16xf32> to vector<16xf32>
        %add3A_563 = arith.addf %add3A_491, %get3A_562 : vector<16xf32>
        %add3A_564 = arith.constant 4 : i32
        %add3A_565 = arith.addi %mul3A_291, %add3A_564 : i32
        %get3A_566 = arith.constant 3 : i32
        %get3A_567 = arith.index_cast %get3A_566 : i32 to index
        %get3A_568 = arith.index_cast %add3A_565 : i32 to index
        %get3A_569 = arith.constant 16 : index
        %get3A_570 = tpu.vector_load %arg6[%get3A_567, %get3A_568, %get3A_569] {strides = array<i32>} : memref<4x128x128xf32, #tpu.memory_space<vmem>>, vector<1x1x16xf32>,
        %get3A_571 = vector.shape_cast %get3A_570 : vector<1x1x16xf32> to vector<16xf32>
        %add3A_572 = arith.addf %add3A_500, %get3A_571 : vector<16xf32>
        %add3A_573 = arith.constant 4 : i32
        %add3A_574 = arith.addi %mul3A_291, %add3A_573 : i32
        %get3A_575 = arith.constant 3 : i32
        %get3A_576 = arith.index_cast %get3A_575 : i32 to index
        %get3A_577 = arith.index_cast %add3A_574 : i32 to index
        %get3A_578 = arith.constant 32 : index
        %get3A_579 = tpu.vector_load %arg6[%get3A_576, %get3A_577, %get3A_578] {strides = array<i32>} : memref<4x128x128xf32, #tpu.memory_space<vmem>>, vector<1x1x16xf32>,
        %get3A_580 = vector.shape_cast %get3A_579 : vector<1x1x16xf32> to vector<16xf32>
        %add3A_581 = arith.addf %add3A_509, %get3A_580 : vector<16xf32>
        %add3A_582 = arith.constant 4 : i32
        %add3A_583 = arith.addi %mul3A_291, %add3A_582 : i32
        %get3A_584 = arith.constant 3 : i32
        %get3A_585 = arith.index_cast %get3A_584 : i32 to index
        %get3A_586 = arith.index_cast %add3A_583 : i32 to index
        %get3A_587 = arith.constant 48 : index
        %get3A_588 = tpu.vector_load %arg6[%get3A_585, %get3A_586, %get3A_587] {strides = array<i32>} : memref<4x128x128xf32, #tpu.memory_space<vmem>>, vector<1x1x16xf32>,
        %get3A_589 = vector.shape_cast %get3A_588 : vector<1x1x16xf32> to vector<16xf32>
        %add3A_590 = arith.addf %add3A_518, %get3A_589 : vector<16xf32>
        %add3A_591 = arith.constant 4 : i32
        %add3A_592 = arith.addi %mul3A_291, %add3A_591 : i32
        %get3A_593 = arith.constant 3 : i32
        %get3A_594 = arith.index_cast %get3A_593 : i32 to index
        %get3A_595 = arith.index_cast %add3A_592 : i32 to index
        %get3A_596 = arith.constant 64 : index
        %get3A_597 = tpu.vector_load %arg6[%get3A_594, %get3A_595, %get3A_596] {strides = array<i32>} : memref<4x128x128xf32, #tpu.memory_space<vmem>>, vector<1x1x16xf32>,
        %get3A_598 = vector.shape_cast %get3A_597 : vector<1x1x16xf32> to vector<16xf32>
        %add3A_599 = arith.addf %add3A_527, %get3A_598 : vector<16xf32>
        %add3A_600 = arith.constant 4 : i32
        %add3A_601 = arith.addi %mul3A_291, %add3A_600 : i32
        %get3A_602 = arith.constant 3 : i32
        %get3A_603 = arith.index_cast %get3A_602 : i32 to index
        %get3A_604 = arith.index_cast %add3A_601 : i32 to index
        %get3A_605 = arith.constant 80 : index
        %get3A_606 = tpu.vector_load %arg6[%get3A_603, %get3A_604, %get3A_605] {strides = array<i32>} : memref<4x128x128xf32, #tpu.memory_space<vmem>>, vector<1x1x16xf32>,
        %get3A_607 = vector.shape_cast %get3A_606 : vector<1x1x16xf32> to vector<16xf32>
        %add3A_608 = arith.addf %add3A_536, %get3A_607 : vector<16xf32>
        %add3A_609 = arith.constant 4 : i32
        %add3A_610 = arith.addi %mul3A_291, %add3A_609 : i32
        %get3A_611 = arith.constant 3 : i32
        %get3A_612 = arith.index_cast %get3A_611 : i32 to index
        %get3A_613 = arith.index_cast %add3A_610 : i32 to index
        %get3A_614 = arith.constant 96 : index
        %get3A_615 = tpu.vector_load %arg6[%get3A_612, %get3A_613, %get3A_614] {strides = array<i32>} : memref<4x128x128xf32, #tpu.memory_space<vmem>>, vector<1x1x16xf32>,
        %get3A_616 = vector.shape_cast %get3A_615 : vector<1x1x16xf32> to vector<16xf32>
        %add3A_617 = arith.addf %add3A_545, %get3A_616 : vector<16xf32>
        %add3A_618 = arith.constant 4 : i32
        %add3A_619 = arith.addi %mul3A_291, %add3A_618 : i32
        %get3A_620 = arith.constant 3 : i32
        %get3A_621 = arith.index_cast %get3A_620 : i32 to index
        %get3A_622 = arith.index_cast %add3A_619 : i32 to index
        %get3A_623 = arith.constant 112 : index
        %get3A_624 = tpu.vector_load %arg6[%get3A_621, %get3A_622, %get3A_623] {strides = array<i32>} : memref<4x128x128xf32, #tpu.memory_space<vmem>>, vector<1x1x16xf32>,
        %get3A_625 = vector.shape_cast %get3A_624 : vector<1x1x16xf32> to vector<16xf32>
        %add3A_626 = arith.addf %add3A_554, %get3A_625 : vector<16xf32>
        %add3A_627 = arith.constant 5 : i32
        %add3A_628 = arith.addi %mul3A_291, %add3A_627 : i32
        %get3A_629 = arith.constant 3 : i32
        %get3A_630 = arith.index_cast %get3A_629 : i32 to index
        %get3A_631 = arith.index_cast %add3A_628 : i32 to index
        %get3A_632 = arith.constant 0 : index
        %get3A_633 = tpu.vector_load %arg6[%get3A_630, %get3A_631, %get3A_632] {strides = array<i32>} : memref<4x128x128xf32, #tpu.memory_space<vmem>>, vector<1x1x16xf32>,
        %get3A_634 = vector.shape_cast %get3A_633 : vector<1x1x16xf32> to vector<16xf32>
        %add3A_635 = arith.addf %add3A_563, %get3A_634 : vector<16xf32>
        %add3A_636 = arith.constant 5 : i32
        %add3A_637 = arith.addi %mul3A_291, %add3A_636 : i32
        %get3A_638 = arith.constant 3 : i32
        %get3A_639 = arith.index_cast %get3A_638 : i32 to index
        %get3A_640 = arith.index_cast %add3A_637 : i32 to index
        %get3A_641 = arith.constant 16 : index
        %get3A_642 = tpu.vector_load %arg6[%get3A_639, %get3A_640, %get3A_641] {strides = array<i32>} : memref<4x128x128xf32, #tpu.memory_space<vmem>>, vector<1x1x16xf32>,
        %get3A_643 = vector.shape_cast %get3A_642 : vector<1x1x16xf32> to vector<16xf32>
        %add3A_644 = arith.addf %add3A_572, %get3A_643 : vector<16xf32>
        %add3A_645 = arith.constant 5 : i32
        %add3A_646 = arith.addi %mul3A_291, %add3A_645 : i32
        %get3A_647 = arith.constant 3 : i32
        %get3A_648 = arith.index_cast %get3A_647 : i32 to index
        %get3A_649 = arith.index_cast %add3A_646 : i32 to index
        %get3A_650 = arith.constant 32 : index
        %get3A_651 = tpu.vector_load %arg6[%get3A_648, %get3A_649, %get3A_650] {strides = array<i32>} : memref<4x128x128xf32, #tpu.memory_space<vmem>>, vector<1x1x16xf32>,
        %get3A_652 = vector.shape_cast %get3A_651 : vector<1x1x16xf32> to vector<16xf32>
        %add3A_653 = arith.addf %add3A_581, %get3A_652 : vector<16xf32>
        %add3A_654 = arith.constant 5 : i32
        %add3A_655 = arith.addi %mul3A_291, %add3A_654 : i32
        %get3A_656 = arith.constant 3 : i32
        %get3A_657 = arith.index_cast %get3A_656 : i32 to index
        %get3A_658 = arith.index_cast %add3A_655 : i32 to index
        %get3A_659 = arith.constant 48 : index
        %get3A_660 = tpu.vector_load %arg6[%get3A_657, %get3A_658, %get3A_659] {strides = array<i32>} : memref<4x128x128xf32, #tpu.memory_space<vmem>>, vector<1x1x16xf32>,
        %get3A_661 = vector.shape_cast %get3A_660 : vector<1x1x16xf32> to vector<16xf32>
        %add3A_662 = arith.addf %add3A_590, %get3A_661 : vector<16xf32>
        %add3A_663 = arith.constant 5 : i32
        %add3A_664 = arith.addi %mul3A_291, %add3A_663 : i32
        %get3A_665 = arith.constant 3 : i32
        %get3A_666 = arith.index_cast %get3A_665 : i32 to index
        %get3A_667 = arith.index_cast %add3A_664 : i32 to index
        %get3A_668 = arith.constant 64 : index
        %get3A_669 = tpu.vector_load %arg6[%get3A_666, %get3A_667, %get3A_668] {strides = array<i32>} : memref<4x128x128xf32, #tpu.memory_space<vmem>>, vector<1x1x16xf32>,
        %get3A_670 = vector.shape_cast %get3A_669 : vector<1x1x16xf32> to vector<16xf32>
        %add3A_671 = arith.addf %add3A_599, %get3A_670 : vector<16xf32>
        %add3A_672 = arith.constant 5 : i32
        %add3A_673 = arith.addi %mul3A_291, %add3A_672 : i32
        %get3A_674 = arith.constant 3 : i32
        %get3A_675 = arith.index_cast %get3A_674 : i32 to index
        %get3A_676 = arith.index_cast %add3A_673 : i32 to index
        %get3A_677 = arith.constant 80 : index
        %get3A_678 = tpu.vector_load %arg6[%get3A_675, %get3A_676, %get3A_677] {strides = array<i32>} : memref<4x128x128xf32, #tpu.memory_space<vmem>>, vector<1x1x16xf32>,
        %get3A_679 = vector.shape_cast %get3A_678 : vector<1x1x16xf32> to vector<16xf32>
        %add3A_680 = arith.addf %add3A_608, %get3A_679 : vector<16xf32>
        %add3A_681 = arith.constant 5 : i32
        %add3A_682 = arith.addi %mul3A_291, %add3A_681 : i32
        %get3A_683 = arith.constant 3 : i32
        %get3A_684 = arith.index_cast %get3A_683 : i32 to index
        %get3A_685 = arith.index_cast %add3A_682 : i32 to index
        %get3A_686 = arith.constant 96 : index
        %get3A_687 = tpu.vector_load %arg6[%get3A_684, %get3A_685, %get3A_686] {strides = array<i32>} : memref<4x128x128xf32, #tpu.memory_space<vmem>>, vector<1x1x16xf32>,
        %get3A_688 = vector.shape_cast %get3A_687 : vector<1x1x16xf32> to vector<16xf32>
        %add3A_689 = arith.addf %add3A_617, %get3A_688 : vector<16xf32>
        %add3A_690 = arith.constant 5 : i32
        %add3A_691 = arith.addi %mul3A_291, %add3A_690 : i32
        %get3A_692 = arith.constant 3 : i32
        %get3A_693 = arith.index_cast %get3A_692 : i32 to index
        %get3A_694 = arith.index_cast %add3A_691 : i32 to index
        %get3A_695 = arith.constant 112 : index
        %get3A_696 = tpu.vector_load %arg6[%get3A_693, %get3A_694, %get3A_695] {strides = array<i32>} : memref<4x128x128xf32, #tpu.memory_space<vmem>>, vector<1x1x16xf32>,
        %get3A_697 = vector.shape_cast %get3A_696 : vector<1x1x16xf32> to vector<16xf32>
        %add3A_698 = arith.addf %add3A_626, %get3A_697 : vector<16xf32>
        %add3A_699 = arith.constant 6 : i32
        %add3A_700 = arith.addi %mul3A_291, %add3A_699 : i32
        %get3A_701 = arith.constant 3 : i32
        %get3A_702 = arith.index_cast %get3A_701 : i32 to index
        %get3A_703 = arith.index_cast %add3A_700 : i32 to index
        %get3A_704 = arith.constant 0 : index
        %get3A_705 = tpu.vector_load %arg6[%get3A_702, %get3A_703, %get3A_704] {strides = array<i32>} : memref<4x128x128xf32, #tpu.memory_space<vmem>>, vector<1x1x16xf32>,
        %get3A_706 = vector.shape_cast %get3A_705 : vector<1x1x16xf32> to vector<16xf32>
        %add3A_707 = arith.addf %add3A_635, %get3A_706 : vector<16xf32>
        %add3A_708 = arith.constant 6 : i32
        %add3A_709 = arith.addi %mul3A_291, %add3A_708 : i32
        %get3A_710 = arith.constant 3 : i32
        %get3A_711 = arith.index_cast %get3A_710 : i32 to index
        %get3A_712 = arith.index_cast %add3A_709 : i32 to index
        %get3A_713 = arith.constant 16 : index
        %get3A_714 = tpu.vector_load %arg6[%get3A_711, %get3A_712, %get3A_713] {strides = array<i32>} : memref<4x128x128xf32, #tpu.memory_space<vmem>>, vector<1x1x16xf32>,
        %get3A_715 = vector.shape_cast %get3A_714 : vector<1x1x16xf32> to vector<16xf32>
        %add3A_716 = arith.addf %add3A_644, %get3A_715 : vector<16xf32>
        %add3A_717 = arith.constant 6 : i32
        %add3A_718 = arith.addi %mul3A_291, %add3A_717 : i32
        %get3A_719 = arith.constant 3 : i32
        %get3A_720 = arith.index_cast %get3A_719 : i32 to index
        %get3A_721 = arith.index_cast %add3A_718 : i32 to index
        %get3A_722 = arith.constant 32 : index
        %get3A_723 = tpu.vector_load %arg6[%get3A_720, %get3A_721, %get3A_722] {strides = array<i32>} : memref<4x128x128xf32, #tpu.memory_space<vmem>>, vector<1x1x16xf32>,
        %get3A_724 = vector.shape_cast %get3A_723 : vector<1x1x16xf32> to vector<16xf32>
        %add3A_725 = arith.addf %add3A_653, %get3A_724 : vector<16xf32>
        %add3A_726 = arith.constant 6 : i32
        %add3A_727 = arith.addi %mul3A_291, %add3A_726 : i32
        %get3A_728 = arith.constant 3 : i32
        %get3A_729 = arith.index_cast %get3A_728 : i32 to index
        %get3A_730 = arith.index_cast %add3A_727 : i32 to index
        %get3A_731 = arith.constant 48 : index
        %get3A_732 = tpu.vector_load %arg6[%get3A_729, %get3A_730, %get3A_731] {strides = array<i32>} : memref<4x128x128xf32, #tpu.memory_space<vmem>>, vector<1x1x16xf32>,
        %get3A_733 = vector.shape_cast %get3A_732 : vector<1x1x16xf32> to vector<16xf32>
        %add3A_734 = arith.addf %add3A_662, %get3A_733 : vector<16xf32>
        %add3A_735 = arith.constant 6 : i32
        %add3A_736 = arith.addi %mul3A_291, %add3A_735 : i32
        %get3A_737 = arith.constant 3 : i32
        %get3A_738 = arith.index_cast %get3A_737 : i32 to index
        %get3A_739 = arith.index_cast %add3A_736 : i32 to index
        %get3A_740 = arith.constant 64 : index
        %get3A_741 = tpu.vector_load %arg6[%get3A_738, %get3A_739, %get3A_740] {strides = array<i32>} : memref<4x128x128xf32, #tpu.memory_space<vmem>>, vector<1x1x16xf32>,
        %get3A_742 = vector.shape_cast %get3A_741 : vector<1x1x16xf32> to vector<16xf32>
        %add3A_743 = arith.addf %add3A_671, %get3A_742 : vector<16xf32>
        %add3A_744 = arith.constant 6 : i32
        %add3A_745 = arith.addi %mul3A_291, %add3A_744 : i32
        %get3A_746 = arith.constant 3 : i32
        %get3A_747 = arith.index_cast %get3A_746 : i32 to index
        %get3A_748 = arith.index_cast %add3A_745 : i32 to index
        %get3A_749 = arith.constant 80 : index
        %get3A_750 = tpu.vector_load %arg6[%get3A_747, %get3A_748, %get3A_749] {strides = array<i32>} : memref<4x128x128xf32, #tpu.memory_space<vmem>>, vector<1x1x16xf32>,
        %get3A_751 = vector.shape_cast %get3A_750 : vector<1x1x16xf32> to vector<16xf32>
        %add3A_752 = arith.addf %add3A_680, %get3A_751 : vector<16xf32>
        %add3A_753 = arith.constant 6 : i32
        %add3A_754 = arith.addi %mul3A_291, %add3A_753 : i32
        %get3A_755 = arith.constant 3 : i32
        %get3A_756 = arith.index_cast %get3A_755 : i32 to index
        %get3A_757 = arith.index_cast %add3A_754 : i32 to index
        %get3A_758 = arith.constant 96 : index
        %get3A_759 = tpu.vector_load %arg6[%get3A_756, %get3A_757, %get3A_758] {strides = array<i32>} : memref<4x128x128xf32, #tpu.memory_space<vmem>>, vector<1x1x16xf32>,
        %get3A_760 = vector.shape_cast %get3A_759 : vector<1x1x16xf32> to vector<16xf32>
        %add3A_761 = arith.addf %add3A_689, %get3A_760 : vector<16xf32>
        %add3A_762 = arith.constant 6 : i32
        %add3A_763 = arith.addi %mul3A_291, %add3A_762 : i32
        %get3A_764 = arith.constant 3 : i32
        %get3A_765 = arith.index_cast %get3A_764 : i32 to index
        %get3A_766 = arith.index_cast %add3A_763 : i32 to index
        %get3A_767 = arith.constant 112 : index
        %get3A_768 = tpu.vector_load %arg6[%get3A_765, %get3A_766, %get3A_767] {strides = array<i32>} : memref<4x128x128xf32, #tpu.memory_space<vmem>>, vector<1x1x16xf32>,
        %get3A_769 = vector.shape_cast %get3A_768 : vector<1x1x16xf32> to vector<16xf32>
        %add3A_770 = arith.addf %add3A_698, %get3A_769 : vector<16xf32>
        %add3A_771 = arith.constant 7 : i32
        %add3A_772 = arith.addi %mul3A_291, %add3A_771 : i32
        %get3A_773 = arith.constant 3 : i32
        %get3A_774 = arith.index_cast %get3A_773 : i32 to index
        %get3A_775 = arith.index_cast %add3A_772 : i32 to index
        %get3A_776 = arith.constant 0 : index
        %get3A_777 = tpu.vector_load %arg6[%get3A_774, %get3A_775, %get3A_776] {strides = array<i32>} : memref<4x128x128xf32, #tpu.memory_space<vmem>>, vector<1x1x16xf32>,
        %get3A_778 = vector.shape_cast %get3A_777 : vector<1x1x16xf32> to vector<16xf32>
        %add3A_779 = arith.addf %add3A_707, %get3A_778 : vector<16xf32>
        %add3A_780 = arith.constant 7 : i32
        %add3A_781 = arith.addi %mul3A_291, %add3A_780 : i32
        %get3A_782 = arith.constant 3 : i32
        %get3A_783 = arith.index_cast %get3A_782 : i32 to index
        %get3A_784 = arith.index_cast %add3A_781 : i32 to index
        %get3A_785 = arith.constant 16 : index
        %get3A_786 = tpu.vector_load %arg6[%get3A_783, %get3A_784, %get3A_785] {strides = array<i32>} : memref<4x128x128xf32, #tpu.memory_space<vmem>>, vector<1x1x16xf32>,
        %get3A_787 = vector.shape_cast %get3A_786 : vector<1x1x16xf32> to vector<16xf32>
        %add3A_788 = arith.addf %add3A_716, %get3A_787 : vector<16xf32>
        %add3A_789 = arith.constant 7 : i32
        %add3A_790 = arith.addi %mul3A_291, %add3A_789 : i32
        %get3A_791 = arith.constant 3 : i32
        %get3A_792 = arith.index_cast %get3A_791 : i32 to index
        %get3A_793 = arith.index_cast %add3A_790 : i32 to index
        %get3A_794 = arith.constant 32 : index
        %get3A_795 = tpu.vector_load %arg6[%get3A_792, %get3A_793, %get3A_794] {strides = array<i32>} : memref<4x128x128xf32, #tpu.memory_space<vmem>>, vector<1x1x16xf32>,
        %get3A_796 = vector.shape_cast %get3A_795 : vector<1x1x16xf32> to vector<16xf32>
        %add3A_797 = arith.addf %add3A_725, %get3A_796 : vector<16xf32>
        %add3A_798 = arith.constant 7 : i32
        %add3A_799 = arith.addi %mul3A_291, %add3A_798 : i32
        %get3A_800 = arith.constant 3 : i32
        %get3A_801 = arith.index_cast %get3A_800 : i32 to index
        %get3A_802 = arith.index_cast %add3A_799 : i32 to index
        %get3A_803 = arith.constant 48 : index
        %get3A_804 = tpu.vector_load %arg6[%get3A_801, %get3A_802, %get3A_803] {strides = array<i32>} : memref<4x128x128xf32, #tpu.memory_space<vmem>>, vector<1x1x16xf32>,
        %get3A_805 = vector.shape_cast %get3A_804 : vector<1x1x16xf32> to vector<16xf32>
        %add3A_806 = arith.addf %add3A_734, %get3A_805 : vector<16xf32>
        %add3A_807 = arith.constant 7 : i32
        %add3A_808 = arith.addi %mul3A_291, %add3A_807 : i32
        %get3A_809 = arith.constant 3 : i32
        %get3A_810 = arith.index_cast %get3A_809 : i32 to index
        %get3A_811 = arith.index_cast %add3A_808 : i32 to index
        %get3A_812 = arith.constant 64 : index
        %get3A_813 = tpu.vector_load %arg6[%get3A_810, %get3A_811, %get3A_812] {strides = array<i32>} : memref<4x128x128xf32, #tpu.memory_space<vmem>>, vector<1x1x16xf32>,
        %get3A_814 = vector.shape_cast %get3A_813 : vector<1x1x16xf32> to vector<16xf32>
        %add3A_815 = arith.addf %add3A_743, %get3A_814 : vector<16xf32>
        %add3A_816 = arith.constant 7 : i32
        %add3A_817 = arith.addi %mul3A_291, %add3A_816 : i32
        %get3A_818 = arith.constant 3 : i32
        %get3A_819 = arith.index_cast %get3A_818 : i32 to index
        %get3A_820 = arith.index_cast %add3A_817 : i32 to index
        %get3A_821 = arith.constant 80 : index
        %get3A_822 = tpu.vector_load %arg6[%get3A_819, %get3A_820, %get3A_821] {strides = array<i32>} : memref<4x128x128xf32, #tpu.memory_space<vmem>>, vector<1x1x16xf32>,
        %get3A_823 = vector.shape_cast %get3A_822 : vector<1x1x16xf32> to vector<16xf32>
        %add3A_824 = arith.addf %add3A_752, %get3A_823 : vector<16xf32>
        %add3A_825 = arith.constant 7 : i32
        %add3A_826 = arith.addi %mul3A_291, %add3A_825 : i32
        %get3A_827 = arith.constant 3 : i32
        %get3A_828 = arith.index_cast %get3A_827 : i32 to index
        %get3A_829 = arith.index_cast %add3A_826 : i32 to index
        %get3A_830 = arith.constant 96 : index
        %get3A_831 = tpu.vector_load %arg6[%get3A_828, %get3A_829, %get3A_830] {strides = array<i32>} : memref<4x128x128xf32, #tpu.memory_space<vmem>>, vector<1x1x16xf32>,
        %get3A_832 = vector.shape_cast %get3A_831 : vector<1x1x16xf32> to vector<16xf32>
        %add3A_833 = arith.addf %add3A_761, %get3A_832 : vector<16xf32>
        %add3A_834 = arith.constant 7 : i32
        %add3A_835 = arith.addi %mul3A_291, %add3A_834 : i32
        %get3A_836 = arith.constant 3 : i32
        %get3A_837 = arith.index_cast %get3A_836 : i32 to index
        %get3A_838 = arith.index_cast %add3A_835 : i32 to index
        %get3A_839 = arith.constant 112 : index
        %get3A_840 = tpu.vector_load %arg6[%get3A_837, %get3A_838, %get3A_839] {strides = array<i32>} : memref<4x128x128xf32, #tpu.memory_space<vmem>>, vector<1x1x16xf32>,
        %get3A_841 = vector.shape_cast %get3A_840 : vector<1x1x16xf32> to vector<16xf32>
        %add3A_842 = arith.addf %add3A_770, %get3A_841 : vector<16xf32>
        %swap3A = arith.constant 1 : i32
        %swap3A_843 = arith.index_cast %swap3A : i32 to index
        %swap3A_844 = arith.index_cast %add3A_289 : i32 to index
        %swap3A_845 = arith.constant 0 : index
        %swap3A_846 = tpu.vector_load %arg7[%swap3A_843, %swap3A_844, %swap3A_845] {strides = array<i32>} : memref<2x16x128xf32, #tpu.memory_space<vmem>>, vector<1x1x16xf32>,
        %swap3A_847 = vector.shape_cast %swap3A_846 : vector<1x1x16xf32> to vector<16xf32>
        %swap3A_848 = vector.shape_cast %add3A_779 : vector<16xf32> to vector<1x1x16xf32>
        tpu.vector_store %arg7[%swap3A_843, %swap3A_844, %swap3A_845], %swap3A_848 {strides = array<i32>} : memref<2x16x128xf32, #tpu.memory_space<vmem>>, vector<1x1x16xf32>,
        %swap3A_849 = arith.constant 1 : i32
        %swap3A_850 = arith.index_cast %swap3A_849 : i32 to index
        %swap3A_851 = arith.index_cast %add3A_289 : i32 to index
        %swap3A_852 = arith.constant 16 : index
        %swap3A_853 = tpu.vector_load %arg7[%swap3A_850, %swap3A_851, %swap3A_852] {strides = array<i32>} : memref<2x16x128xf32, #tpu.memory_space<vmem>>, vector<1x1x16xf32>,
        %swap3A_854 = vector.shape_cast %swap3A_853 : vector<1x1x16xf32> to vector<16xf32>
        %swap3A_855 = vector.shape_cast %add3A_788 : vector<16xf32> to vector<1x1x16xf32>
        tpu.vector_store %arg7[%swap3A_850, %swap3A_851, %swap3A_852], %swap3A_855 {strides = array<i32>} : memref<2x16x128xf32, #tpu.memory_space<vmem>>, vector<1x1x16xf32>,
        %swap3A_856 = arith.constant 1 : i32
        %swap3A_857 = arith.index_cast %swap3A_856 : i32 to index
        %swap3A_858 = arith.index_cast %add3A_289 : i32 to index
        %swap3A_859 = arith.constant 32 : index
        %swap3A_860 = tpu.vector_load %arg7[%swap3A_857, %swap3A_858, %swap3A_859] {strides = array<i32>} : memref<2x16x128xf32, #tpu.memory_space<vmem>>, vector<1x1x16xf32>,
        %swap3A_861 = vector.shape_cast %swap3A_860 : vector<1x1x16xf32> to vector<16xf32>
        %swap3A_862 = vector.shape_cast %add3A_797 : vector<16xf32> to vector<1x1x16xf32>
        tpu.vector_store %arg7[%swap3A_857, %swap3A_858, %swap3A_859], %swap3A_862 {strides = array<i32>} : memref<2x16x128xf32, #tpu.memory_space<vmem>>, vector<1x1x16xf32>,
        %swap3A_863 = arith.constant 1 : i32
        %swap3A_864 = arith.index_cast %swap3A_863 : i32 to index
        %swap3A_865 = arith.index_cast %add3A_289 : i32 to index
        %swap3A_866 = arith.constant 48 : index
        %swap3A_867 = tpu.vector_load %arg7[%swap3A_864, %swap3A_865, %swap3A_866] {strides = array<i32>} : memref<2x16x128xf32, #tpu.memory_space<vmem>>, vector<1x1x16xf32>,
        %swap3A_868 = vector.shape_cast %swap3A_867 : vector<1x1x16xf32> to vector<16xf32>
        %swap3A_869 = vector.shape_cast %add3A_806 : vector<16xf32> to vector<1x1x16xf32>
        tpu.vector_store %arg7[%swap3A_864, %swap3A_865, %swap3A_866], %swap3A_869 {strides = array<i32>} : memref<2x16x128xf32, #tpu.memory_space<vmem>>, vector<1x1x16xf32>,
        %swap3A_870 = arith.constant 1 : i32
        %swap3A_871 = arith.index_cast %swap3A_870 : i32 to index
        %swap3A_872 = arith.index_cast %add3A_289 : i32 to index
        %swap3A_873 = arith.constant 64 : index
        %swap3A_874 = tpu.vector_load %arg7[%swap3A_871, %swap3A_872, %swap3A_873] {strides = array<i32>} : memref<2x16x128xf32, #tpu.memory_space<vmem>>, vector<1x1x16xf32>,
        %swap3A_875 = vector.shape_cast %swap3A_874 : vector<1x1x16xf32> to vector<16xf32>
        %swap3A_876 = vector.shape_cast %add3A_815 : vector<16xf32> to vector<1x1x16xf32>
        tpu.vector_store %arg7[%swap3A_871, %swap3A_872, %swap3A_873], %swap3A_876 {strides = array<i32>} : memref<2x16x128xf32, #tpu.memory_space<vmem>>, vector<1x1x16xf32>,
        %swap3A_877 = arith.constant 1 : i32
        %swap3A_878 = arith.index_cast %swap3A_877 : i32 to index
        %swap3A_879 = arith.index_cast %add3A_289 : i32 to index
        %swap3A_880 = arith.constant 80 : index
        %swap3A_881 = tpu.vector_load %arg7[%swap3A_878, %swap3A_879, %swap3A_880] {strides = array<i32>} : memref<2x16x128xf32, #tpu.memory_space<vmem>>, vector<1x1x16xf32>,
        %swap3A_882 = vector.shape_cast %swap3A_881 : vector<1x1x16xf32> to vector<16xf32>
        %swap3A_883 = vector.shape_cast %add3A_824 : vector<16xf32> to vector<1x1x16xf32>
        tpu.vector_store %arg7[%swap3A_878, %swap3A_879, %swap3A_880], %swap3A_883 {strides = array<i32>} : memref<2x16x128xf32, #tpu.memory_space<vmem>>, vector<1x1x16xf32>,
        %swap3A_884 = arith.constant 1 : i32
        %swap3A_885 = arith.index_cast %swap3A_884 : i32 to index
        %swap3A_886 = arith.index_cast %add3A_289 : i32 to index
        %swap3A_887 = arith.constant 96 : index
        %swap3A_888 = tpu.vector_load %arg7[%swap3A_885, %swap3A_886, %swap3A_887] {strides = array<i32>} : memref<2x16x128xf32, #tpu.memory_space<vmem>>, vector<1x1x16xf32>,
        %swap3A_889 = vector.shape_cast %swap3A_888 : vector<1x1x16xf32> to vector<16xf32>
        %swap3A_890 = vector.shape_cast %add3A_833 : vector<16xf32> to vector<1x1x16xf32>
        tpu.vector_store %arg7[%swap3A_885, %swap3A_886, %swap3A_887], %swap3A_890 {strides = array<i32>} : memref<2x16x128xf32, #tpu.memory_space<vmem>>, vector<1x1x16xf32>,
        %swap3A_891 = arith.constant 1 : i32
        %swap3A_892 = arith.index_cast %swap3A_891 : i32 to index
        %swap3A_893 = arith.index_cast %add3A_289 : i32 to index
        %swap3A_894 = arith.constant 112 : index
        %swap3A_895 = tpu.vector_load %arg7[%swap3A_892, %swap3A_893, %swap3A_894] {strides = array<i32>} : memref<2x16x128xf32, #tpu.memory_space<vmem>>, vector<1x1x16xf32>,
        %swap3A_896 = vector.shape_cast %swap3A_895 : vector<1x1x16xf32> to vector<16xf32>
        %swap3A_897 = vector.shape_cast %add3A_842 : vector<16xf32> to vector<1x1x16xf32>
        tpu.vector_store %arg7[%swap3A_892, %swap3A_893, %swap3A_894], %swap3A_897 {strides = array<i32>} : memref<2x16x128xf32, #tpu.memory_space<vmem>>, vector<1x1x16xf32>,
        %mul3A_898 = arith.constant 2 : i32
        %mul3A_899 = arith.muli %scan3A_285, %mul3A_898 : i32
        %add3A_900 = arith.constant 1 : i32
        %add3A_901 = arith.addi %mul3A_899, %add3A_900 : i32
        %mul3A_902 = arith.constant 8 : i32
        %mul3A_903 = arith.muli %add3A_901, %mul3A_902 : i32
        %get3A_904 = arith.constant 3 : i32
        %get3A_905 = arith.index_cast %get3A_904 : i32 to index
        %get3A_906 = arith.index_cast %mul3A_903 : i32 to index
        %get3A_907 = arith.constant 0 : index
        %get3A_908 = tpu.vector_load %arg6[%get3A_905, %get3A_906, %get3A_907] {strides = array<i32>} : memref<4x128x128xf32, #tpu.memory_space<vmem>>, vector<1x1x16xf32>,
        %get3A_909 = vector.shape_cast %get3A_908 : vector<1x1x16xf32> to vector<16xf32>
        %get3A_910 = arith.constant 3 : i32
        %get3A_911 = arith.index_cast %get3A_910 : i32 to index
        %get3A_912 = arith.index_cast %mul3A_903 : i32 to index
        %get3A_913 = arith.constant 16 : index
        %get3A_914 = tpu.vector_load %arg6[%get3A_911, %get3A_912, %get3A_913] {strides = array<i32>} : memref<4x128x128xf32, #tpu.memory_space<vmem>>, vector<1x1x16xf32>,
        %get3A_915 = vector.shape_cast %get3A_914 : vector<1x1x16xf32> to vector<16xf32>
        %get3A_916 = arith.constant 3 : i32
        %get3A_917 = arith.index_cast %get3A_916 : i32 to index
        %get3A_918 = arith.index_cast %mul3A_903 : i32 to index
        %get3A_919 = arith.constant 32 : index
        %get3A_920 = tpu.vector_load %arg6[%get3A_917, %get3A_918, %get3A_919] {strides = array<i32>} : memref<4x128x128xf32, #tpu.memory_space<vmem>>, vector<1x1x16xf32>,
        %get3A_921 = vector.shape_cast %get3A_920 : vector<1x1x16xf32> to vector<16xf32>
        %get3A_922 = arith.constant 3 : i32
        %get3A_923 = arith.index_cast %get3A_922 : i32 to index
        %get3A_924 = arith.index_cast %mul3A_903 : i32 to index
        %get3A_925 = arith.constant 48 : index
        %get3A_926 = tpu.vector_load %arg6[%get3A_923, %get3A_924, %get3A_925] {strides = array<i32>} : memref<4x128x128xf32, #tpu.memory_space<vmem>>, vector<1x1x16xf32>,
        %get3A_927 = vector.shape_cast %get3A_926 : vector<1x1x16xf32> to vector<16xf32>
        %get3A_928 = arith.constant 3 : i32
        %get3A_929 = arith.index_cast %get3A_928 : i32 to index
        %get3A_930 = arith.index_cast %mul3A_903 : i32 to index
        %get3A_931 = arith.constant 64 : index
        %get3A_932 = tpu.vector_load %arg6[%get3A_929, %get3A_930, %get3A_931] {strides = array<i32>} : memref<4x128x128xf32, #tpu.memory_space<vmem>>, vector<1x1x16xf32>,
        %get3A_933 = vector.shape_cast %get3A_932 : vector<1x1x16xf32> to vector<16xf32>
        %get3A_934 = arith.constant 3 : i32
        %get3A_935 = arith.index_cast %get3A_934 : i32 to index
        %get3A_936 = arith.index_cast %mul3A_903 : i32 to index
        %get3A_937 = arith.constant 80 : index
        %get3A_938 = tpu.vector_load %arg6[%get3A_935, %get3A_936, %get3A_937] {strides = array<i32>} : memref<4x128x128xf32, #tpu.memory_space<vmem>>, vector<1x1x16xf32>,
        %get3A_939 = vector.shape_cast %get3A_938 : vector<1x1x16xf32> to vector<16xf32>
        %get3A_940 = arith.constant 3 : i32
        %get3A_941 = arith.index_cast %get3A_940 : i32 to index
        %get3A_942 = arith.index_cast %mul3A_903 : i32 to index
        %get3A_943 = arith.constant 96 : index
        %get3A_944 = tpu.vector_load %arg6[%get3A_941, %get3A_942, %get3A_943] {strides = array<i32>} : memref<4x128x128xf32, #tpu.memory_space<vmem>>, vector<1x1x16xf32>,
        %get3A_945 = vector.shape_cast %get3A_944 : vector<1x1x16xf32> to vector<16xf32>
        %get3A_946 = arith.constant 3 : i32
        %get3A_947 = arith.index_cast %get3A_946 : i32 to index
        %get3A_948 = arith.index_cast %mul3A_903 : i32 to index
        %get3A_949 = arith.constant 112 : index
        %get3A_950 = tpu.vector_load %arg6[%get3A_947, %get3A_948, %get3A_949] {strides = array<i32>} : memref<4x128x128xf32, #tpu.memory_space<vmem>>, vector<1x1x16xf32>,
        %get3A_951 = vector.shape_cast %get3A_950 : vector<1x1x16xf32> to vector<16xf32>
        %add3A_952 = arith.constant 1 : i32
        %add3A_953 = arith.addi %mul3A_903, %add3A_952 : i32
        %get3A_954 = arith.constant 3 : i32
        %get3A_955 = arith.index_cast %get3A_954 : i32 to index
        %get3A_956 = arith.index_cast %add3A_953 : i32 to index
        %get3A_957 = arith.constant 0 : index
        %get3A_958 = tpu.vector_load %arg6[%get3A_955, %get3A_956, %get3A_957] {strides = array<i32>} : memref<4x128x128xf32, #tpu.memory_space<vmem>>, vector<1x1x16xf32>,
        %get3A_959 = vector.shape_cast %get3A_958 : vector<1x1x16xf32> to vector<16xf32>
        %add3A_960 = arith.addf %get3A_909, %get3A_959 : vector<16xf32>
        %add3A_961 = arith.constant 1 : i32
        %add3A_962 = arith.addi %mul3A_903, %add3A_961 : i32
        %get3A_963 = arith.constant 3 : i32
        %get3A_964 = arith.index_cast %get3A_963 : i32 to index
        %get3A_965 = arith.index_cast %add3A_962 : i32 to index
        %get3A_966 = arith.constant 16 : index
        %get3A_967 = tpu.vector_load %arg6[%get3A_964, %get3A_965, %get3A_966] {strides = array<i32>} : memref<4x128x128xf32, #tpu.memory_space<vmem>>, vector<1x1x16xf32>,
        %get3A_968 = vector.shape_cast %get3A_967 : vector<1x1x16xf32> to vector<16xf32>
        %add3A_969 = arith.addf %get3A_915, %get3A_968 : vector<16xf32>
        %add3A_970 = arith.constant 1 : i32
        %add3A_971 = arith.addi %mul3A_903, %add3A_970 : i32
        %get3A_972 = arith.constant 3 : i32
        %get3A_973 = arith.index_cast %get3A_972 : i32 to index
        %get3A_974 = arith.index_cast %add3A_971 : i32 to index
        %get3A_975 = arith.constant 32 : index
        %get3A_976 = tpu.vector_load %arg6[%get3A_973, %get3A_974, %get3A_975] {strides = array<i32>} : memref<4x128x128xf32, #tpu.memory_space<vmem>>, vector<1x1x16xf32>,
        %get3A_977 = vector.shape_cast %get3A_976 : vector<1x1x16xf32> to vector<16xf32>
        %add3A_978 = arith.addf %get3A_921, %get3A_977 : vector<16xf32>
        %add3A_979 = arith.constant 1 : i32
        %add3A_980 = arith.addi %mul3A_903, %add3A_979 : i32
        %get3A_981 = arith.constant 3 : i32
        %get3A_982 = arith.index_cast %get3A_981 : i32 to index
        %get3A_983 = arith.index_cast %add3A_980 : i32 to index
        %get3A_984 = arith.constant 48 : index
        %get3A_985 = tpu.vector_load %arg6[%get3A_982, %get3A_983, %get3A_984] {strides = array<i32>} : memref<4x128x128xf32, #tpu.memory_space<vmem>>, vector<1x1x16xf32>,
        %get3A_986 = vector.shape_cast %get3A_985 : vector<1x1x16xf32> to vector<16xf32>
        %add3A_987 = arith.addf %get3A_927, %get3A_986 : vector<16xf32>
        %add3A_988 = arith.constant 1 : i32
        %add3A_989 = arith.addi %mul3A_903, %add3A_988 : i32
        %get3A_990 = arith.constant 3 : i32
        %get3A_991 = arith.index_cast %get3A_990 : i32 to index
        %get3A_992 = arith.index_cast %add3A_989 : i32 to index
        %get3A_993 = arith.constant 64 : index
        %get3A_994 = tpu.vector_load %arg6[%get3A_991, %get3A_992, %get3A_993] {strides = array<i32>} : memref<4x128x128xf32, #tpu.memory_space<vmem>>, vector<1x1x16xf32>,
        %get3A_995 = vector.shape_cast %get3A_994 : vector<1x1x16xf32> to vector<16xf32>
        %add3A_996 = arith.addf %get3A_933, %get3A_995 : vector<16xf32>
        %add3A_997 = arith.constant 1 : i32
        %add3A_998 = arith.addi %mul3A_903, %add3A_997 : i32
        %get3A_999 = arith.constant 3 : i32
        %get3A_1000 = arith.index_cast %get3A_999 : i32 to index
        %get3A_1001 = arith.index_cast %add3A_998 : i32 to index
        %get3A_1002 = arith.constant 80 : index
        %get3A_1003 = tpu.vector_load %arg6[%get3A_1000, %get3A_1001, %get3A_1002] {strides = array<i32>} : memref<4x128x128xf32, #tpu.memory_space<vmem>>, vector<1x1x16xf32>,
        %get3A_1004 = vector.shape_cast %get3A_1003 : vector<1x1x16xf32> to vector<16xf32>
        %add3A_1005 = arith.addf %get3A_939, %get3A_1004 : vector<16xf32>
        %add3A_1006 = arith.constant 1 : i32
        %add3A_1007 = arith.addi %mul3A_903, %add3A_1006 : i32
        %get3A_1008 = arith.constant 3 : i32
        %get3A_1009 = arith.index_cast %get3A_1008 : i32 to index
        %get3A_1010 = arith.index_cast %add3A_1007 : i32 to index
        %get3A_1011 = arith.constant 96 : index
        %get3A_1012 = tpu.vector_load %arg6[%get3A_1009, %get3A_1010, %get3A_1011] {strides = array<i32>} : memref<4x128x128xf32, #tpu.memory_space<vmem>>, vector<1x1x16xf32>,
        %get3A_1013 = vector.shape_cast %get3A_1012 : vector<1x1x16xf32> to vector<16xf32>
        %add3A_1014 = arith.addf %get3A_945, %get3A_1013 : vector<16xf32>
        %add3A_1015 = arith.constant 1 : i32
        %add3A_1016 = arith.addi %mul3A_903, %add3A_1015 : i32
        %get3A_1017 = arith.constant 3 : i32
        %get3A_1018 = arith.index_cast %get3A_1017 : i32 to index
        %get3A_1019 = arith.index_cast %add3A_1016 : i32 to index
        %get3A_1020 = arith.constant 112 : index
        %get3A_1021 = tpu.vector_load %arg6[%get3A_1018, %get3A_1019, %get3A_1020] {strides = array<i32>} : memref<4x128x128xf32, #tpu.memory_space<vmem>>, vector<1x1x16xf32>,
        %get3A_1022 = vector.shape_cast %get3A_1021 : vector<1x1x16xf32> to vector<16xf32>
        %add3A_1023 = arith.addf %get3A_951, %get3A_1022 : vector<16xf32>
        %add3A_1024 = arith.constant 2 : i32
        %add3A_1025 = arith.addi %mul3A_903, %add3A_1024 : i32
        %get3A_1026 = arith.constant 3 : i32
        %get3A_1027 = arith.index_cast %get3A_1026 : i32 to index
        %get3A_1028 = arith.index_cast %add3A_1025 : i32 to index
        %get3A_1029 = arith.constant 0 : index
        %get3A_1030 = tpu.vector_load %arg6[%get3A_1027, %get3A_1028, %get3A_1029] {strides = array<i32>} : memref<4x128x128xf32, #tpu.memory_space<vmem>>, vector<1x1x16xf32>,
        %get3A_1031 = vector.shape_cast %get3A_1030 : vector<1x1x16xf32> to vector<16xf32>
        %add3A_1032 = arith.addf %add3A_960, %get3A_1031 : vector<16xf32>
        %add3A_1033 = arith.constant 2 : i32
        %add3A_1034 = arith.addi %mul3A_903, %add3A_1033 : i32
        %get3A_1035 = arith.constant 3 : i32
        %get3A_1036 = arith.index_cast %get3A_1035 : i32 to index
        %get3A_1037 = arith.index_cast %add3A_1034 : i32 to index
        %get3A_1038 = arith.constant 16 : index
        %get3A_1039 = tpu.vector_load %arg6[%get3A_1036, %get3A_1037, %get3A_1038] {strides = array<i32>} : memref<4x128x128xf32, #tpu.memory_space<vmem>>, vector<1x1x16xf32>,
        %get3A_1040 = vector.shape_cast %get3A_1039 : vector<1x1x16xf32> to vector<16xf32>
        %add3A_1041 = arith.addf %add3A_969, %get3A_1040 : vector<16xf32>
        %add3A_1042 = arith.constant 2 : i32
        %add3A_1043 = arith.addi %mul3A_903, %add3A_1042 : i32
        %get3A_1044 = arith.constant 3 : i32
        %get3A_1045 = arith.index_cast %get3A_1044 : i32 to index
        %get3A_1046 = arith.index_cast %add3A_1043 : i32 to index
        %get3A_1047 = arith.constant 32 : index
        %get3A_1048 = tpu.vector_load %arg6[%get3A_1045, %get3A_1046, %get3A_1047] {strides = array<i32>} : memref<4x128x128xf32, #tpu.memory_space<vmem>>, vector<1x1x16xf32>,
        %get3A_1049 = vector.shape_cast %get3A_1048 : vector<1x1x16xf32> to vector<16xf32>
        %add3A_1050 = arith.addf %add3A_978, %get3A_1049 : vector<16xf32>
        %add3A_1051 = arith.constant 2 : i32
        %add3A_1052 = arith.addi %mul3A_903, %add3A_1051 : i32
        %get3A_1053 = arith.constant 3 : i32
        %get3A_1054 = arith.index_cast %get3A_1053 : i32 to index
        %get3A_1055 = arith.index_cast %add3A_1052 : i32 to index
        %get3A_1056 = arith.constant 48 : index
        %get3A_1057 = tpu.vector_load %arg6[%get3A_1054, %get3A_1055, %get3A_1056] {strides = array<i32>} : memref<4x128x128xf32, #tpu.memory_space<vmem>>, vector<1x1x16xf32>,
        %get3A_1058 = vector.shape_cast %get3A_1057 : vector<1x1x16xf32> to vector<16xf32>
        %add3A_1059 = arith.addf %add3A_987, %get3A_1058 : vector<16xf32>
        %add3A_1060 = arith.constant 2 : i32
        %add3A_1061 = arith.addi %mul3A_903, %add3A_1060 : i32
        %get3A_1062 = arith.constant 3 : i32
        %get3A_1063 = arith.index_cast %get3A_1062 : i32 to index
        %get3A_1064 = arith.index_cast %add3A_1061 : i32 to index
        %get3A_1065 = arith.constant 64 : index
        %get3A_1066 = tpu.vector_load %arg6[%get3A_1063, %get3A_1064, %get3A_1065] {strides = array<i32>} : memref<4x128x128xf32, #tpu.memory_space<vmem>>, vector<1x1x16xf32>,
        %get3A_1067 = vector.shape_cast %get3A_1066 : vector<1x1x16xf32> to vector<16xf32>
        %add3A_1068 = arith.addf %add3A_996, %get3A_1067 : vector<16xf32>
        %add3A_1069 = arith.constant 2 : i32
        %add3A_1070 = arith.addi %mul3A_903, %add3A_1069 : i32
        %get3A_1071 = arith.constant 3 : i32
        %get3A_1072 = arith.index_cast %get3A_1071 : i32 to index
        %get3A_1073 = arith.index_cast %add3A_1070 : i32 to index
        %get3A_1074 = arith.constant 80 : index
        %get3A_1075 = tpu.vector_load %arg6[%get3A_1072, %get3A_1073, %get3A_1074] {strides = array<i32>} : memref<4x128x128xf32, #tpu.memory_space<vmem>>, vector<1x1x16xf32>,
        %get3A_1076 = vector.shape_cast %get3A_1075 : vector<1x1x16xf32> to vector<16xf32>
        %add3A_1077 = arith.addf %add3A_1005, %get3A_1076 : vector<16xf32>
        %add3A_1078 = arith.constant 2 : i32
        %add3A_1079 = arith.addi %mul3A_903, %add3A_1078 : i32
        %get3A_1080 = arith.constant 3 : i32
        %get3A_1081 = arith.index_cast %get3A_1080 : i32 to index
        %get3A_1082 = arith.index_cast %add3A_1079 : i32 to index
        %get3A_1083 = arith.constant 96 : index
        %get3A_1084 = tpu.vector_load %arg6[%get3A_1081, %get3A_1082, %get3A_1083] {strides = array<i32>} : memref<4x128x128xf32, #tpu.memory_space<vmem>>, vector<1x1x16xf32>,
        %get3A_1085 = vector.shape_cast %get3A_1084 : vector<1x1x16xf32> to vector<16xf32>
        %add3A_1086 = arith.addf %add3A_1014, %get3A_1085 : vector<16xf32>
        %add3A_1087 = arith.constant 2 : i32
        %add3A_1088 = arith.addi %mul3A_903, %add3A_1087 : i32
        %get3A_1089 = arith.constant 3 : i32
        %get3A_1090 = arith.index_cast %get3A_1089 : i32 to index
        %get3A_1091 = arith.index_cast %add3A_1088 : i32 to index
        %get3A_1092 = arith.constant 112 : index
        %get3A_1093 = tpu.vector_load %arg6[%get3A_1090, %get3A_1091, %get3A_1092] {strides = array<i32>} : memref<4x128x128xf32, #tpu.memory_space<vmem>>, vector<1x1x16xf32>,
        %get3A_1094 = vector.shape_cast %get3A_1093 : vector<1x1x16xf32> to vector<16xf32>
        %add3A_1095 = arith.addf %add3A_1023, %get3A_1094 : vector<16xf32>
        %add3A_1096 = arith.constant 3 : i32
        %add3A_1097 = arith.addi %mul3A_903, %add3A_1096 : i32
        %get3A_1098 = arith.constant 3 : i32
        %get3A_1099 = arith.index_cast %get3A_1098 : i32 to index
        %get3A_1100 = arith.index_cast %add3A_1097 : i32 to index
        %get3A_1101 = arith.constant 0 : index
        %get3A_1102 = tpu.vector_load %arg6[%get3A_1099, %get3A_1100, %get3A_1101] {strides = array<i32>} : memref<4x128x128xf32, #tpu.memory_space<vmem>>, vector<1x1x16xf32>,
        %get3A_1103 = vector.shape_cast %get3A_1102 : vector<1x1x16xf32> to vector<16xf32>
        %add3A_1104 = arith.addf %add3A_1032, %get3A_1103 : vector<16xf32>
        %add3A_1105 = arith.constant 3 : i32
        %add3A_1106 = arith.addi %mul3A_903, %add3A_1105 : i32
        %get3A_1107 = arith.constant 3 : i32
        %get3A_1108 = arith.index_cast %get3A_1107 : i32 to index
        %get3A_1109 = arith.index_cast %add3A_1106 : i32 to index
        %get3A_1110 = arith.constant 16 : index
        %get3A_1111 = tpu.vector_load %arg6[%get3A_1108, %get3A_1109, %get3A_1110] {strides = array<i32>} : memref<4x128x128xf32, #tpu.memory_space<vmem>>, vector<1x1x16xf32>,
        %get3A_1112 = vector.shape_cast %get3A_1111 : vector<1x1x16xf32> to vector<16xf32>
        %add3A_1113 = arith.addf %add3A_1041, %get3A_1112 : vector<16xf32>
        %add3A_1114 = arith.constant 3 : i32
        %add3A_1115 = arith.addi %mul3A_903, %add3A_1114 : i32
        %get3A_1116 = arith.constant 3 : i32
        %get3A_1117 = arith.index_cast %get3A_1116 : i32 to index
        %get3A_1118 = arith.index_cast %add3A_1115 : i32 to index
        %get3A_1119 = arith.constant 32 : index
        %get3A_1120 = tpu.vector_load %arg6[%get3A_1117, %get3A_1118, %get3A_1119] {strides = array<i32>} : memref<4x128x128xf32, #tpu.memory_space<vmem>>, vector<1x1x16xf32>,
        %get3A_1121 = vector.shape_cast %get3A_1120 : vector<1x1x16xf32> to vector<16xf32>
        %add3A_1122 = arith.addf %add3A_1050, %get3A_1121 : vector<16xf32>
        %add3A_1123 = arith.constant 3 : i32
        %add3A_1124 = arith.addi %mul3A_903, %add3A_1123 : i32
        %get3A_1125 = arith.constant 3 : i32
        %get3A_1126 = arith.index_cast %get3A_1125 : i32 to index
        %get3A_1127 = arith.index_cast %add3A_1124 : i32 to index
        %get3A_1128 = arith.constant 48 : index
        %get3A_1129 = tpu.vector_load %arg6[%get3A_1126, %get3A_1127, %get3A_1128] {strides = array<i32>} : memref<4x128x128xf32, #tpu.memory_space<vmem>>, vector<1x1x16xf32>,
        %get3A_1130 = vector.shape_cast %get3A_1129 : vector<1x1x16xf32> to vector<16xf32>
        %add3A_1131 = arith.addf %add3A_1059, %get3A_1130 : vector<16xf32>
        %add3A_1132 = arith.constant 3 : i32
        %add3A_1133 = arith.addi %mul3A_903, %add3A_1132 : i32
        %get3A_1134 = arith.constant 3 : i32
        %get3A_1135 = arith.index_cast %get3A_1134 : i32 to index
        %get3A_1136 = arith.index_cast %add3A_1133 : i32 to index
        %get3A_1137 = arith.constant 64 : index
        %get3A_1138 = tpu.vector_load %arg6[%get3A_1135, %get3A_1136, %get3A_1137] {strides = array<i32>} : memref<4x128x128xf32, #tpu.memory_space<vmem>>, vector<1x1x16xf32>,
        %get3A_1139 = vector.shape_cast %get3A_1138 : vector<1x1x16xf32> to vector<16xf32>
        %add3A_1140 = arith.addf %add3A_1068, %get3A_1139 : vector<16xf32>
        %add3A_1141 = arith.constant 3 : i32
        %add3A_1142 = arith.addi %mul3A_903, %add3A_1141 : i32
        %get3A_1143 = arith.constant 3 : i32
        %get3A_1144 = arith.index_cast %get3A_1143 : i32 to index
        %get3A_1145 = arith.index_cast %add3A_1142 : i32 to index
        %get3A_1146 = arith.constant 80 : index
        %get3A_1147 = tpu.vector_load %arg6[%get3A_1144, %get3A_1145, %get3A_1146] {strides = array<i32>} : memref<4x128x128xf32, #tpu.memory_space<vmem>>, vector<1x1x16xf32>,
        %get3A_1148 = vector.shape_cast %get3A_1147 : vector<1x1x16xf32> to vector<16xf32>
        %add3A_1149 = arith.addf %add3A_1077, %get3A_1148 : vector<16xf32>
        %add3A_1150 = arith.constant 3 : i32
        %add3A_1151 = arith.addi %mul3A_903, %add3A_1150 : i32
        %get3A_1152 = arith.constant 3 : i32
        %get3A_1153 = arith.index_cast %get3A_1152 : i32 to index
        %get3A_1154 = arith.index_cast %add3A_1151 : i32 to index
        %get3A_1155 = arith.constant 96 : index
        %get3A_1156 = tpu.vector_load %arg6[%get3A_1153, %get3A_1154, %get3A_1155] {strides = array<i32>} : memref<4x128x128xf32, #tpu.memory_space<vmem>>, vector<1x1x16xf32>,
        %get3A_1157 = vector.shape_cast %get3A_1156 : vector<1x1x16xf32> to vector<16xf32>
        %add3A_1158 = arith.addf %add3A_1086, %get3A_1157 : vector<16xf32>
        %add3A_1159 = arith.constant 3 : i32
        %add3A_1160 = arith.addi %mul3A_903, %add3A_1159 : i32
        %get3A_1161 = arith.constant 3 : i32
        %get3A_1162 = arith.index_cast %get3A_1161 : i32 to index
        %get3A_1163 = arith.index_cast %add3A_1160 : i32 to index
        %get3A_1164 = arith.constant 112 : index
        %get3A_1165 = tpu.vector_load %arg6[%get3A_1162, %get3A_1163, %get3A_1164] {strides = array<i32>} : memref<4x128x128xf32, #tpu.memory_space<vmem>>, vector<1x1x16xf32>,
        %get3A_1166 = vector.shape_cast %get3A_1165 : vector<1x1x16xf32> to vector<16xf32>
        %add3A_1167 = arith.addf %add3A_1095, %get3A_1166 : vector<16xf32>
        %add3A_1168 = arith.constant 4 : i32
        %add3A_1169 = arith.addi %mul3A_903, %add3A_1168 : i32
        %get3A_1170 = arith.constant 3 : i32
        %get3A_1171 = arith.index_cast %get3A_1170 : i32 to index
        %get3A_1172 = arith.index_cast %add3A_1169 : i32 to index
        %get3A_1173 = arith.constant 0 : index
        %get3A_1174 = tpu.vector_load %arg6[%get3A_1171, %get3A_1172, %get3A_1173] {strides = array<i32>} : memref<4x128x128xf32, #tpu.memory_space<vmem>>, vector<1x1x16xf32>,
        %get3A_1175 = vector.shape_cast %get3A_1174 : vector<1x1x16xf32> to vector<16xf32>
        %add3A_1176 = arith.addf %add3A_1104, %get3A_1175 : vector<16xf32>
        %add3A_1177 = arith.constant 4 : i32
        %add3A_1178 = arith.addi %mul3A_903, %add3A_1177 : i32
        %get3A_1179 = arith.constant 3 : i32
        %get3A_1180 = arith.index_cast %get3A_1179 : i32 to index
        %get3A_1181 = arith.index_cast %add3A_1178 : i32 to index
        %get3A_1182 = arith.constant 16 : index
        %get3A_1183 = tpu.vector_load %arg6[%get3A_1180, %get3A_1181, %get3A_1182] {strides = array<i32>} : memref<4x128x128xf32, #tpu.memory_space<vmem>>, vector<1x1x16xf32>,
        %get3A_1184 = vector.shape_cast %get3A_1183 : vector<1x1x16xf32> to vector<16xf32>
        %add3A_1185 = arith.addf %add3A_1113, %get3A_1184 : vector<16xf32>
        %add3A_1186 = arith.constant 4 : i32
        %add3A_1187 = arith.addi %mul3A_903, %add3A_1186 : i32
        %get3A_1188 = arith.constant 3 : i32
        %get3A_1189 = arith.index_cast %get3A_1188 : i32 to index
        %get3A_1190 = arith.index_cast %add3A_1187 : i32 to index
        %get3A_1191 = arith.constant 32 : index
        %get3A_1192 = tpu.vector_load %arg6[%get3A_1189, %get3A_1190, %get3A_1191] {strides = array<i32>} : memref<4x128x128xf32, #tpu.memory_space<vmem>>, vector<1x1x16xf32>,
        %get3A_1193 = vector.shape_cast %get3A_1192 : vector<1x1x16xf32> to vector<16xf32>
        %add3A_1194 = arith.addf %add3A_1122, %get3A_1193 : vector<16xf32>
        %add3A_1195 = arith.constant 4 : i32
        %add3A_1196 = arith.addi %mul3A_903, %add3A_1195 : i32
        %get3A_1197 = arith.constant 3 : i32
        %get3A_1198 = arith.index_cast %get3A_1197 : i32 to index
        %get3A_1199 = arith.index_cast %add3A_1196 : i32 to index
        %get3A_1200 = arith.constant 48 : index
        %get3A_1201 = tpu.vector_load %arg6[%get3A_1198, %get3A_1199, %get3A_1200] {strides = array<i32>} : memref<4x128x128xf32, #tpu.memory_space<vmem>>, vector<1x1x16xf32>,
        %get3A_1202 = vector.shape_cast %get3A_1201 : vector<1x1x16xf32> to vector<16xf32>
        %add3A_1203 = arith.addf %add3A_1131, %get3A_1202 : vector<16xf32>
        %add3A_1204 = arith.constant 4 : i32
        %add3A_1205 = arith.addi %mul3A_903, %add3A_1204 : i32
        %get3A_1206 = arith.constant 3 : i32
        %get3A_1207 = arith.index_cast %get3A_1206 : i32 to index
        %get3A_1208 = arith.index_cast %add3A_1205 : i32 to index
        %get3A_1209 = arith.constant 64 : index
        %get3A_1210 = tpu.vector_load %arg6[%get3A_1207, %get3A_1208, %get3A_1209] {strides = array<i32>} : memref<4x128x128xf32, #tpu.memory_space<vmem>>, vector<1x1x16xf32>,
        %get3A_1211 = vector.shape_cast %get3A_1210 : vector<1x1x16xf32> to vector<16xf32>
        %add3A_1212 = arith.addf %add3A_1140, %get3A_1211 : vector<16xf32>
        %add3A_1213 = arith.constant 4 : i32
        %add3A_1214 = arith.addi %mul3A_903, %add3A_1213 : i32
        %get3A_1215 = arith.constant 3 : i32
        %get3A_1216 = arith.index_cast %get3A_1215 : i32 to index
        %get3A_1217 = arith.index_cast %add3A_1214 : i32 to index
        %get3A_1218 = arith.constant 80 : index
        %get3A_1219 = tpu.vector_load %arg6[%get3A_1216, %get3A_1217, %get3A_1218] {strides = array<i32>} : memref<4x128x128xf32, #tpu.memory_space<vmem>>, vector<1x1x16xf32>,
        %get3A_1220 = vector.shape_cast %get3A_1219 : vector<1x1x16xf32> to vector<16xf32>
        %add3A_1221 = arith.addf %add3A_1149, %get3A_1220 : vector<16xf32>
        %add3A_1222 = arith.constant 4 : i32
        %add3A_1223 = arith.addi %mul3A_903, %add3A_1222 : i32
        %get3A_1224 = arith.constant 3 : i32
        %get3A_1225 = arith.index_cast %get3A_1224 : i32 to index
        %get3A_1226 = arith.index_cast %add3A_1223 : i32 to index
        %get3A_1227 = arith.constant 96 : index
        %get3A_1228 = tpu.vector_load %arg6[%get3A_1225, %get3A_1226, %get3A_1227] {strides = array<i32>} : memref<4x128x128xf32, #tpu.memory_space<vmem>>, vector<1x1x16xf32>,
        %get3A_1229 = vector.shape_cast %get3A_1228 : vector<1x1x16xf32> to vector<16xf32>
        %add3A_1230 = arith.addf %add3A_1158, %get3A_1229 : vector<16xf32>
        %add3A_1231 = arith.constant 4 : i32
        %add3A_1232 = arith.addi %mul3A_903, %add3A_1231 : i32
        %get3A_1233 = arith.constant 3 : i32
        %get3A_1234 = arith.index_cast %get3A_1233 : i32 to index
        %get3A_1235 = arith.index_cast %add3A_1232 : i32 to index
        %get3A_1236 = arith.constant 112 : index
        %get3A_1237 = tpu.vector_load %arg6[%get3A_1234, %get3A_1235, %get3A_1236] {strides = array<i32>} : memref<4x128x128xf32, #tpu.memory_space<vmem>>, vector<1x1x16xf32>,
        %get3A_1238 = vector.shape_cast %get3A_1237 : vector<1x1x16xf32> to vector<16xf32>
        %add3A_1239 = arith.addf %add3A_1167, %get3A_1238 : vector<16xf32>
        %add3A_1240 = arith.constant 5 : i32
        %add3A_1241 = arith.addi %mul3A_903, %add3A_1240 : i32
        %get3A_1242 = arith.constant 3 : i32
        %get3A_1243 = arith.index_cast %get3A_1242 : i32 to index
        %get3A_1244 = arith.index_cast %add3A_1241 : i32 to index
        %get3A_1245 = arith.constant 0 : index
        %get3A_1246 = tpu.vector_load %arg6[%get3A_1243, %get3A_1244, %get3A_1245] {strides = array<i32>} : memref<4x128x128xf32, #tpu.memory_space<vmem>>, vector<1x1x16xf32>,
        %get3A_1247 = vector.shape_cast %get3A_1246 : vector<1x1x16xf32> to vector<16xf32>
        %add3A_1248 = arith.addf %add3A_1176, %get3A_1247 : vector<16xf32>
        %add3A_1249 = arith.constant 5 : i32
        %add3A_1250 = arith.addi %mul3A_903, %add3A_1249 : i32
        %get3A_1251 = arith.constant 3 : i32
        %get3A_1252 = arith.index_cast %get3A_1251 : i32 to index
        %get3A_1253 = arith.index_cast %add3A_1250 : i32 to index
        %get3A_1254 = arith.constant 16 : index
        %get3A_1255 = tpu.vector_load %arg6[%get3A_1252, %get3A_1253, %get3A_1254] {strides = array<i32>} : memref<4x128x128xf32, #tpu.memory_space<vmem>>, vector<1x1x16xf32>,
        %get3A_1256 = vector.shape_cast %get3A_1255 : vector<1x1x16xf32> to vector<16xf32>
        %add3A_1257 = arith.addf %add3A_1185, %get3A_1256 : vector<16xf32>
        %add3A_1258 = arith.constant 5 : i32
        %add3A_1259 = arith.addi %mul3A_903, %add3A_1258 : i32
        %get3A_1260 = arith.constant 3 : i32
        %get3A_1261 = arith.index_cast %get3A_1260 : i32 to index
        %get3A_1262 = arith.index_cast %add3A_1259 : i32 to index
        %get3A_1263 = arith.constant 32 : index
        %get3A_1264 = tpu.vector_load %arg6[%get3A_1261, %get3A_1262, %get3A_1263] {strides = array<i32>} : memref<4x128x128xf32, #tpu.memory_space<vmem>>, vector<1x1x16xf32>,
        %get3A_1265 = vector.shape_cast %get3A_1264 : vector<1x1x16xf32> to vector<16xf32>
        %add3A_1266 = arith.addf %add3A_1194, %get3A_1265 : vector<16xf32>
        %add3A_1267 = arith.constant 5 : i32
        %add3A_1268 = arith.addi %mul3A_903, %add3A_1267 : i32
        %get3A_1269 = arith.constant 3 : i32
        %get3A_1270 = arith.index_cast %get3A_1269 : i32 to index
        %get3A_1271 = arith.index_cast %add3A_1268 : i32 to index
        %get3A_1272 = arith.constant 48 : index
        %get3A_1273 = tpu.vector_load %arg6[%get3A_1270, %get3A_1271, %get3A_1272] {strides = array<i32>} : memref<4x128x128xf32, #tpu.memory_space<vmem>>, vector<1x1x16xf32>,
        %get3A_1274 = vector.shape_cast %get3A_1273 : vector<1x1x16xf32> to vector<16xf32>
        %add3A_1275 = arith.addf %add3A_1203, %get3A_1274 : vector<16xf32>
        %add3A_1276 = arith.constant 5 : i32
        %add3A_1277 = arith.addi %mul3A_903, %add3A_1276 : i32
        %get3A_1278 = arith.constant 3 : i32
        %get3A_1279 = arith.index_cast %get3A_1278 : i32 to index
        %get3A_1280 = arith.index_cast %add3A_1277 : i32 to index
        %get3A_1281 = arith.constant 64 : index
        %get3A_1282 = tpu.vector_load %arg6[%get3A_1279, %get3A_1280, %get3A_1281] {strides = array<i32>} : memref<4x128x128xf32, #tpu.memory_space<vmem>>, vector<1x1x16xf32>,
        %get3A_1283 = vector.shape_cast %get3A_1282 : vector<1x1x16xf32> to vector<16xf32>
        %add3A_1284 = arith.addf %add3A_1212, %get3A_1283 : vector<16xf32>
        %add3A_1285 = arith.constant 5 : i32
        %add3A_1286 = arith.addi %mul3A_903, %add3A_1285 : i32
        %get3A_1287 = arith.constant 3 : i32
        %get3A_1288 = arith.index_cast %get3A_1287 : i32 to index
        %get3A_1289 = arith.index_cast %add3A_1286 : i32 to index
        %get3A_1290 = arith.constant 80 : index
        %get3A_1291 = tpu.vector_load %arg6[%get3A_1288, %get3A_1289, %get3A_1290] {strides = array<i32>} : memref<4x128x128xf32, #tpu.memory_space<vmem>>, vector<1x1x16xf32>,
        %get3A_1292 = vector.shape_cast %get3A_1291 : vector<1x1x16xf32> to vector<16xf32>
        %add3A_1293 = arith.addf %add3A_1221, %get3A_1292 : vector<16xf32>
        %add3A_1294 = arith.constant 5 : i32
        %add3A_1295 = arith.addi %mul3A_903, %add3A_1294 : i32
        %get3A_1296 = arith.constant 3 : i32
        %get3A_1297 = arith.index_cast %get3A_1296 : i32 to index
        %get3A_1298 = arith.index_cast %add3A_1295 : i32 to index
        %get3A_1299 = arith.constant 96 : index
        %get3A_1300 = tpu.vector_load %arg6[%get3A_1297, %get3A_1298, %get3A_1299] {strides = array<i32>} : memref<4x128x128xf32, #tpu.memory_space<vmem>>, vector<1x1x16xf32>,
        %get3A_1301 = vector.shape_cast %get3A_1300 : vector<1x1x16xf32> to vector<16xf32>
        %add3A_1302 = arith.addf %add3A_1230, %get3A_1301 : vector<16xf32>
        %add3A_1303 = arith.constant 5 : i32
        %add3A_1304 = arith.addi %mul3A_903, %add3A_1303 : i32
        %get3A_1305 = arith.constant 3 : i32
        %get3A_1306 = arith.index_cast %get3A_1305 : i32 to index
        %get3A_1307 = arith.index_cast %add3A_1304 : i32 to index
        %get3A_1308 = arith.constant 112 : index
        %get3A_1309 = tpu.vector_load %arg6[%get3A_1306, %get3A_1307, %get3A_1308] {strides = array<i32>} : memref<4x128x128xf32, #tpu.memory_space<vmem>>, vector<1x1x16xf32>,
        %get3A_1310 = vector.shape_cast %get3A_1309 : vector<1x1x16xf32> to vector<16xf32>
        %add3A_1311 = arith.addf %add3A_1239, %get3A_1310 : vector<16xf32>
        %add3A_1312 = arith.constant 6 : i32
        %add3A_1313 = arith.addi %mul3A_903, %add3A_1312 : i32
        %get3A_1314 = arith.constant 3 : i32
        %get3A_1315 = arith.index_cast %get3A_1314 : i32 to index
        %get3A_1316 = arith.index_cast %add3A_1313 : i32 to index
        %get3A_1317 = arith.constant 0 : index
        %get3A_1318 = tpu.vector_load %arg6[%get3A_1315, %get3A_1316, %get3A_1317] {strides = array<i32>} : memref<4x128x128xf32, #tpu.memory_space<vmem>>, vector<1x1x16xf32>,
        %get3A_1319 = vector.shape_cast %get3A_1318 : vector<1x1x16xf32> to vector<16xf32>
        %add3A_1320 = arith.addf %add3A_1248, %get3A_1319 : vector<16xf32>
        %add3A_1321 = arith.constant 6 : i32
        %add3A_1322 = arith.addi %mul3A_903, %add3A_1321 : i32
        %get3A_1323 = arith.constant 3 : i32
        %get3A_1324 = arith.index_cast %get3A_1323 : i32 to index
        %get3A_1325 = arith.index_cast %add3A_1322 : i32 to index
        %get3A_1326 = arith.constant 16 : index
        %get3A_1327 = tpu.vector_load %arg6[%get3A_1324, %get3A_1325, %get3A_1326] {strides = array<i32>} : memref<4x128x128xf32, #tpu.memory_space<vmem>>, vector<1x1x16xf32>,
        %get3A_1328 = vector.shape_cast %get3A_1327 : vector<1x1x16xf32> to vector<16xf32>
        %add3A_1329 = arith.addf %add3A_1257, %get3A_1328 : vector<16xf32>
        %add3A_1330 = arith.constant 6 : i32
        %add3A_1331 = arith.addi %mul3A_903, %add3A_1330 : i32
        %get3A_1332 = arith.constant 3 : i32
        %get3A_1333 = arith.index_cast %get3A_1332 : i32 to index
        %get3A_1334 = arith.index_cast %add3A_1331 : i32 to index
        %get3A_1335 = arith.constant 32 : index
        %get3A_1336 = tpu.vector_load %arg6[%get3A_1333, %get3A_1334, %get3A_1335] {strides = array<i32>} : memref<4x128x128xf32, #tpu.memory_space<vmem>>, vector<1x1x16xf32>,
        %get3A_1337 = vector.shape_cast %get3A_1336 : vector<1x1x16xf32> to vector<16xf32>
        %add3A_1338 = arith.addf %add3A_1266, %get3A_1337 : vector<16xf32>
        %add3A_1339 = arith.constant 6 : i32
        %add3A_1340 = arith.addi %mul3A_903, %add3A_1339 : i32
        %get3A_1341 = arith.constant 3 : i32
        %get3A_1342 = arith.index_cast %get3A_1341 : i32 to index
        %get3A_1343 = arith.index_cast %add3A_1340 : i32 to index
        %get3A_1344 = arith.constant 48 : index
        %get3A_1345 = tpu.vector_load %arg6[%get3A_1342, %get3A_1343, %get3A_1344] {strides = array<i32>} : memref<4x128x128xf32, #tpu.memory_space<vmem>>, vector<1x1x16xf32>,
        %get3A_1346 = vector.shape_cast %get3A_1345 : vector<1x1x16xf32> to vector<16xf32>
        %add3A_1347 = arith.addf %add3A_1275, %get3A_1346 : vector<16xf32>
        %add3A_1348 = arith.constant 6 : i32
        %add3A_1349 = arith.addi %mul3A_903, %add3A_1348 : i32
        %get3A_1350 = arith.constant 3 : i32
        %get3A_1351 = arith.index_cast %get3A_1350 : i32 to index
        %get3A_1352 = arith.index_cast %add3A_1349 : i32 to index
        %get3A_1353 = arith.constant 64 : index
        %get3A_1354 = tpu.vector_load %arg6[%get3A_1351, %get3A_1352, %get3A_1353] {strides = array<i32>} : memref<4x128x128xf32, #tpu.memory_space<vmem>>, vector<1x1x16xf32>,
        %get3A_1355 = vector.shape_cast %get3A_1354 : vector<1x1x16xf32> to vector<16xf32>
        %add3A_1356 = arith.addf %add3A_1284, %get3A_1355 : vector<16xf32>
        %add3A_1357 = arith.constant 6 : i32
        %add3A_1358 = arith.addi %mul3A_903, %add3A_1357 : i32
        %get3A_1359 = arith.constant 3 : i32
        %get3A_1360 = arith.index_cast %get3A_1359 : i32 to index
        %get3A_1361 = arith.index_cast %add3A_1358 : i32 to index
        %get3A_1362 = arith.constant 80 : index
        %get3A_1363 = tpu.vector_load %arg6[%get3A_1360, %get3A_1361, %get3A_1362] {strides = array<i32>} : memref<4x128x128xf32, #tpu.memory_space<vmem>>, vector<1x1x16xf32>,
        %get3A_1364 = vector.shape_cast %get3A_1363 : vector<1x1x16xf32> to vector<16xf32>
        %add3A_1365 = arith.addf %add3A_1293, %get3A_1364 : vector<16xf32>
        %add3A_1366 = arith.constant 6 : i32
        %add3A_1367 = arith.addi %mul3A_903, %add3A_1366 : i32
        %get3A_1368 = arith.constant 3 : i32
        %get3A_1369 = arith.index_cast %get3A_1368 : i32 to index
        %get3A_1370 = arith.index_cast %add3A_1367 : i32 to index
        %get3A_1371 = arith.constant 96 : index
        %get3A_1372 = tpu.vector_load %arg6[%get3A_1369, %get3A_1370, %get3A_1371] {strides = array<i32>} : memref<4x128x128xf32, #tpu.memory_space<vmem>>, vector<1x1x16xf32>,
        %get3A_1373 = vector.shape_cast %get3A_1372 : vector<1x1x16xf32> to vector<16xf32>
        %add3A_1374 = arith.addf %add3A_1302, %get3A_1373 : vector<16xf32>
        %add3A_1375 = arith.constant 6 : i32
        %add3A_1376 = arith.addi %mul3A_903, %add3A_1375 : i32
        %get3A_1377 = arith.constant 3 : i32
        %get3A_1378 = arith.index_cast %get3A_1377 : i32 to index
        %get3A_1379 = arith.index_cast %add3A_1376 : i32 to index
        %get3A_1380 = arith.constant 112 : index
        %get3A_1381 = tpu.vector_load %arg6[%get3A_1378, %get3A_1379, %get3A_1380] {strides = array<i32>} : memref<4x128x128xf32, #tpu.memory_space<vmem>>, vector<1x1x16xf32>,
        %get3A_1382 = vector.shape_cast %get3A_1381 : vector<1x1x16xf32> to vector<16xf32>
        %add3A_1383 = arith.addf %add3A_1311, %get3A_1382 : vector<16xf32>
        %add3A_1384 = arith.constant 7 : i32
        %add3A_1385 = arith.addi %mul3A_903, %add3A_1384 : i32
        %get3A_1386 = arith.constant 3 : i32
        %get3A_1387 = arith.index_cast %get3A_1386 : i32 to index
        %get3A_1388 = arith.index_cast %add3A_1385 : i32 to index
        %get3A_1389 = arith.constant 0 : index
        %get3A_1390 = tpu.vector_load %arg6[%get3A_1387, %get3A_1388, %get3A_1389] {strides = array<i32>} : memref<4x128x128xf32, #tpu.memory_space<vmem>>, vector<1x1x16xf32>,
        %get3A_1391 = vector.shape_cast %get3A_1390 : vector<1x1x16xf32> to vector<16xf32>
        %add3A_1392 = arith.addf %add3A_1320, %get3A_1391 : vector<16xf32>
        %add3A_1393 = arith.constant 7 : i32
        %add3A_1394 = arith.addi %mul3A_903, %add3A_1393 : i32
        %get3A_1395 = arith.constant 3 : i32
        %get3A_1396 = arith.index_cast %get3A_1395 : i32 to index
        %get3A_1397 = arith.index_cast %add3A_1394 : i32 to index
        %get3A_1398 = arith.constant 16 : index
        %get3A_1399 = tpu.vector_load %arg6[%get3A_1396, %get3A_1397, %get3A_1398] {strides = array<i32>} : memref<4x128x128xf32, #tpu.memory_space<vmem>>, vector<1x1x16xf32>,
        %get3A_1400 = vector.shape_cast %get3A_1399 : vector<1x1x16xf32> to vector<16xf32>
        %add3A_1401 = arith.addf %add3A_1329, %get3A_1400 : vector<16xf32>
        %add3A_1402 = arith.constant 7 : i32
        %add3A_1403 = arith.addi %mul3A_903, %add3A_1402 : i32
        %get3A_1404 = arith.constant 3 : i32
        %get3A_1405 = arith.index_cast %get3A_1404 : i32 to index
        %get3A_1406 = arith.index_cast %add3A_1403 : i32 to index
        %get3A_1407 = arith.constant 32 : index
        %get3A_1408 = tpu.vector_load %arg6[%get3A_1405, %get3A_1406, %get3A_1407] {strides = array<i32>} : memref<4x128x128xf32, #tpu.memory_space<vmem>>, vector<1x1x16xf32>,
        %get3A_1409 = vector.shape_cast %get3A_1408 : vector<1x1x16xf32> to vector<16xf32>
        %add3A_1410 = arith.addf %add3A_1338, %get3A_1409 : vector<16xf32>
        %add3A_1411 = arith.constant 7 : i32
        %add3A_1412 = arith.addi %mul3A_903, %add3A_1411 : i32
        %get3A_1413 = arith.constant 3 : i32
        %get3A_1414 = arith.index_cast %get3A_1413 : i32 to index
        %get3A_1415 = arith.index_cast %add3A_1412 : i32 to index
        %get3A_1416 = arith.constant 48 : index
        %get3A_1417 = tpu.vector_load %arg6[%get3A_1414, %get3A_1415, %get3A_1416] {strides = array<i32>} : memref<4x128x128xf32, #tpu.memory_space<vmem>>, vector<1x1x16xf32>,
        %get3A_1418 = vector.shape_cast %get3A_1417 : vector<1x1x16xf32> to vector<16xf32>
        %add3A_1419 = arith.addf %add3A_1347, %get3A_1418 : vector<16xf32>
        %add3A_1420 = arith.constant 7 : i32
        %add3A_1421 = arith.addi %mul3A_903, %add3A_1420 : i32
        %get3A_1422 = arith.constant 3 : i32
        %get3A_1423 = arith.index_cast %get3A_1422 : i32 to index
        %get3A_1424 = arith.index_cast %add3A_1421 : i32 to index
        %get3A_1425 = arith.constant 64 : index
        %get3A_1426 = tpu.vector_load %arg6[%get3A_1423, %get3A_1424, %get3A_1425] {strides = array<i32>} : memref<4x128x128xf32, #tpu.memory_space<vmem>>, vector<1x1x16xf32>,
        %get3A_1427 = vector.shape_cast %get3A_1426 : vector<1x1x16xf32> to vector<16xf32>
        %add3A_1428 = arith.addf %add3A_1356, %get3A_1427 : vector<16xf32>
        %add3A_1429 = arith.constant 7 : i32
        %add3A_1430 = arith.addi %mul3A_903, %add3A_1429 : i32
        %get3A_1431 = arith.constant 3 : i32
        %get3A_1432 = arith.index_cast %get3A_1431 : i32 to index
        %get3A_1433 = arith.index_cast %add3A_1430 : i32 to index
        %get3A_1434 = arith.constant 80 : index
        %get3A_1435 = tpu.vector_load %arg6[%get3A_1432, %get3A_1433, %get3A_1434] {strides = array<i32>} : memref<4x128x128xf32, #tpu.memory_space<vmem>>, vector<1x1x16xf32>,
        %get3A_1436 = vector.shape_cast %get3A_1435 : vector<1x1x16xf32> to vector<16xf32>
        %add3A_1437 = arith.addf %add3A_1365, %get3A_1436 : vector<16xf32>
        %add3A_1438 = arith.constant 7 : i32
        %add3A_1439 = arith.addi %mul3A_903, %add3A_1438 : i32
        %get3A_1440 = arith.constant 3 : i32
        %get3A_1441 = arith.index_cast %get3A_1440 : i32 to index
        %get3A_1442 = arith.index_cast %add3A_1439 : i32 to index
        %get3A_1443 = arith.constant 96 : index
        %get3A_1444 = tpu.vector_load %arg6[%get3A_1441, %get3A_1442, %get3A_1443] {strides = array<i32>} : memref<4x128x128xf32, #tpu.memory_space<vmem>>, vector<1x1x16xf32>,
        %get3A_1445 = vector.shape_cast %get3A_1444 : vector<1x1x16xf32> to vector<16xf32>
        %add3A_1446 = arith.addf %add3A_1374, %get3A_1445 : vector<16xf32>
        %add3A_1447 = arith.constant 7 : i32
        %add3A_1448 = arith.addi %mul3A_903, %add3A_1447 : i32
        %get3A_1449 = arith.constant 3 : i32
        %get3A_1450 = arith.index_cast %get3A_1449 : i32 to index
        %get3A_1451 = arith.index_cast %add3A_1448 : i32 to index
        %get3A_1452 = arith.constant 112 : index
        %get3A_1453 = tpu.vector_load %arg6[%get3A_1450, %get3A_1451, %get3A_1452] {strides = array<i32>} : memref<4x128x128xf32, #tpu.memory_space<vmem>>, vector<1x1x16xf32>,
        %get3A_1454 = vector.shape_cast %get3A_1453 : vector<1x1x16xf32> to vector<16xf32>
        %add3A_1455 = arith.addf %add3A_1383, %get3A_1454 : vector<16xf32>
        %swap3A_1456 = arith.constant 1 : i32
        %swap3A_1457 = arith.index_cast %swap3A_1456 : i32 to index
        %swap3A_1458 = arith.index_cast %add3A_901 : i32 to index
        %swap3A_1459 = arith.constant 0 : index
        %swap3A_1460 = tpu.vector_load %arg7[%swap3A_1457, %swap3A_1458, %swap3A_1459] {strides = array<i32>} : memref<2x16x128xf32, #tpu.memory_space<vmem>>, vector<1x1x16xf32>,
        %swap3A_1461 = vector.shape_cast %swap3A_1460 : vector<1x1x16xf32> to vector<16xf32>
        %swap3A_1462 = vector.shape_cast %add3A_1392 : vector<16xf32> to vector<1x1x16xf32>
        tpu.vector_store %arg7[%swap3A_1457, %swap3A_1458, %swap3A_1459], %swap3A_1462 {strides = array<i32>} : memref<2x16x128xf32, #tpu.memory_space<vmem>>, vector<1x1x16xf32>,
        %swap3A_1463 = arith.constant 1 : i32
        %swap3A_1464 = arith.index_cast %swap3A_1463 : i32 to index
        %swap3A_1465 = arith.index_cast %add3A_901 : i32 to index
        %swap3A_1466 = arith.constant 16 : index
        %swap3A_1467 = tpu.vector_load %arg7[%swap3A_1464, %swap3A_1465, %swap3A_1466] {strides = array<i32>} : memref<2x16x128xf32, #tpu.memory_space<vmem>>, vector<1x1x16xf32>,
        %swap3A_1468 = vector.shape_cast %swap3A_1467 : vector<1x1x16xf32> to vector<16xf32>
        %swap3A_1469 = vector.shape_cast %add3A_1401 : vector<16xf32> to vector<1x1x16xf32>
        tpu.vector_store %arg7[%swap3A_1464, %swap3A_1465, %swap3A_1466], %swap3A_1469 {strides = array<i32>} : memref<2x16x128xf32, #tpu.memory_space<vmem>>, vector<1x1x16xf32>,
        %swap3A_1470 = arith.constant 1 : i32
        %swap3A_1471 = arith.index_cast %swap3A_1470 : i32 to index
        %swap3A_1472 = arith.index_cast %add3A_901 : i32 to index
        %swap3A_1473 = arith.constant 32 : index
        %swap3A_1474 = tpu.vector_load %arg7[%swap3A_1471, %swap3A_1472, %swap3A_1473] {strides = array<i32>} : memref<2x16x128xf32, #tpu.memory_space<vmem>>, vector<1x1x16xf32>,
        %swap3A_1475 = vector.shape_cast %swap3A_1474 : vector<1x1x16xf32> to vector<16xf32>
        %swap3A_1476 = vector.shape_cast %add3A_1410 : vector<16xf32> to vector<1x1x16xf32>
        tpu.vector_store %arg7[%swap3A_1471, %swap3A_1472, %swap3A_1473], %swap3A_1476 {strides = array<i32>} : memref<2x16x128xf32, #tpu.memory_space<vmem>>, vector<1x1x16xf32>,
        %swap3A_1477 = arith.constant 1 : i32
        %swap3A_1478 = arith.index_cast %swap3A_1477 : i32 to index
        %swap3A_1479 = arith.index_cast %add3A_901 : i32 to index
        %swap3A_1480 = arith.constant 48 : index
        %swap3A_1481 = tpu.vector_load %arg7[%swap3A_1478, %swap3A_1479, %swap3A_1480] {strides = array<i32>} : memref<2x16x128xf32, #tpu.memory_space<vmem>>, vector<1x1x16xf32>,
        %swap3A_1482 = vector.shape_cast %swap3A_1481 : vector<1x1x16xf32> to vector<16xf32>
        %swap3A_1483 = vector.shape_cast %add3A_1419 : vector<16xf32> to vector<1x1x16xf32>
        tpu.vector_store %arg7[%swap3A_1478, %swap3A_1479, %swap3A_1480], %swap3A_1483 {strides = array<i32>} : memref<2x16x128xf32, #tpu.memory_space<vmem>>, vector<1x1x16xf32>,
        %swap3A_1484 = arith.constant 1 : i32
        %swap3A_1485 = arith.index_cast %swap3A_1484 : i32 to index
        %swap3A_1486 = arith.index_cast %add3A_901 : i32 to index
        %swap3A_1487 = arith.constant 64 : index
        %swap3A_1488 = tpu.vector_load %arg7[%swap3A_1485, %swap3A_1486, %swap3A_1487] {strides = array<i32>} : memref<2x16x128xf32, #tpu.memory_space<vmem>>, vector<1x1x16xf32>,
        %swap3A_1489 = vector.shape_cast %swap3A_1488 : vector<1x1x16xf32> to vector<16xf32>
        %swap3A_1490 = vector.shape_cast %add3A_1428 : vector<16xf32> to vector<1x1x16xf32>
        tpu.vector_store %arg7[%swap3A_1485, %swap3A_1486, %swap3A_1487], %swap3A_1490 {strides = array<i32>} : memref<2x16x128xf32, #tpu.memory_space<vmem>>, vector<1x1x16xf32>,
        %swap3A_1491 = arith.constant 1 : i32
        %swap3A_1492 = arith.index_cast %swap3A_1491 : i32 to index
        %swap3A_1493 = arith.index_cast %add3A_901 : i32 to index
        %swap3A_1494 = arith.constant 80 : index
        %swap3A_1495 = tpu.vector_load %arg7[%swap3A_1492, %swap3A_1493, %swap3A_1494] {strides = array<i32>} : memref<2x16x128xf32, #tpu.memory_space<vmem>>, vector<1x1x16xf32>,
        %swap3A_1496 = vector.shape_cast %swap3A_1495 : vector<1x1x16xf32> to vector<16xf32>
        %swap3A_1497 = vector.shape_cast %add3A_1437 : vector<16xf32> to vector<1x1x16xf32>
        tpu.vector_store %arg7[%swap3A_1492, %swap3A_1493, %swap3A_1494], %swap3A_1497 {strides = array<i32>} : memref<2x16x128xf32, #tpu.memory_space<vmem>>, vector<1x1x16xf32>,
        %swap3A_1498 = arith.constant 1 : i32
        %swap3A_1499 = arith.index_cast %swap3A_1498 : i32 to index
        %swap3A_1500 = arith.index_cast %add3A_901 : i32 to index
        %swap3A_1501 = arith.constant 96 : index
        %swap3A_1502 = tpu.vector_load %arg7[%swap3A_1499, %swap3A_1500, %swap3A_1501] {strides = array<i32>} : memref<2x16x128xf32, #tpu.memory_space<vmem>>, vector<1x1x16xf32>,
        %swap3A_1503 = vector.shape_cast %swap3A_1502 : vector<1x1x16xf32> to vector<16xf32>
        %swap3A_1504 = vector.shape_cast %add3A_1446 : vector<16xf32> to vector<1x1x16xf32>
        tpu.vector_store %arg7[%swap3A_1499, %swap3A_1500, %swap3A_1501], %swap3A_1504 {strides = array<i32>} : memref<2x16x128xf32, #tpu.memory_space<vmem>>, vector<1x1x16xf32>,
        %swap3A_1505 = arith.constant 1 : i32
        %swap3A_1506 = arith.index_cast %swap3A_1505 : i32 to index
        %swap3A_1507 = arith.index_cast %add3A_901 : i32 to index
        %swap3A_1508 = arith.constant 112 : index
        %swap3A_1509 = tpu.vector_load %arg7[%swap3A_1506, %swap3A_1507, %swap3A_1508] {strides = array<i32>} : memref<2x16x128xf32, #tpu.memory_space<vmem>>, vector<1x1x16xf32>,
        %swap3A_1510 = vector.shape_cast %swap3A_1509 : vector<1x1x16xf32> to vector<16xf32>
        %swap3A_1511 = vector.shape_cast %add3A_1455 : vector<16xf32> to vector<1x1x16xf32>
        tpu.vector_store %arg7[%swap3A_1506, %swap3A_1507, %swap3A_1508], %swap3A_1511 {strides = array<i32>} : memref<2x16x128xf32, #tpu.memory_space<vmem>>, vector<1x1x16xf32>,
      }
      %scan3A_261 = arith.constant 8 : i32
      %add3A_262 = arith.constant 4 : i32
      %add3A_263 = arith.addi %add3A_235, %add3A_262 : i32
      %lt3A_264 = arith.constant 64 : i32
      %lt3A_265 = arith.cmpi slt, %add3A_263, %lt3A_264 : i32
      %convert_element_type3A_266 = arith.extui %lt3A_265 : i1 to i32
      %cond3A_267 = arith.constant 0 : i32
      %cond3A_268 = arith.cmpi ne, %convert_element_type3A_266, %cond3A_267 : i32
      scf.if %cond3A_268 {
        %add3A_285 = arith.constant 4 : i32
        %add3A_286 = arith.addi %add3A_235, %add3A_285 : i32
        %mul3A_287 = arith.constant 128 : i32
        %mul3A_288 = arith.muli %add3A_286, %mul3A_287 : i32
        %dma_start3A_289 = arith.constant 3 : i32
        %dma_start3A_290 = arith.constant 0 : i32
        %dma_start3A_291 = arith.constant 0 : i32
        %dma_start3A_292 = tpu.memref_slice %arg6[%dma_start3A_289, %dma_start3A_290, %dma_start3A_291] : memref<4x128x128xf32, #tpu.memory_space<vmem>> -> memref<1x128x128xf32, #tpu.memory_space<vmem>>
        %dma_start3A_293 = tpu.memref_squeeze %dma_start3A_292 : memref<1x128x128xf32, #tpu.memory_space<vmem>> -> memref<128x128xf32, #tpu.memory_space<vmem>>
        %dma_start3A_294 = tpu.memref_slice %arg5[%mul3A_288] : memref<8192xi32, #tpu.memory_space<vmem>> -> memref<128xi32, #tpu.memory_space<vmem>>
        %dma_start3A_295 = arith.constant 0 : i32
        %dma_start3A_296 = arith.constant 0 : i32
        %dma_start3A_297 = tpu.memref_slice %arg3[%dma_start3A_295, %dma_start3A_296] : memref<65536x128xf32, #tpu.memory_space<hbm>> -> memref<65536x128xf32, #tpu.memory_space<hbm>>
        tpu.enqueue_indirect_dma source(%dma_start3A_297 : memref<65536x128xf32, #tpu.memory_space<hbm>>) target(%dma_start3A_293 : memref<128x128xf32, #tpu.memory_space<vmem>>) offsets(%dma_start3A_294 : memref<128xi32, #tpu.memory_space<vmem>>) semaphore(%arg11 : memref<!tpu.dma_semaphore, #tpu.memory_space<semaphore_mem>>)
      } else {
      }
      %mul3A_269 = arith.constant 16 : i32
      %mul3A_270 = arith.muli %add3A_235, %mul3A_269 : i32
      %add3A_271 = arith.addi %mul3A_2, %mul3A_270 : i32
      %dma_start3A_272 = arith.constant 1 : i32
      %dma_start3A_273 = arith.constant 0 : i32
      %dma_start3A_274 = arith.constant 0 : i32
      %dma_start3A_275 = tpu.memref_slice %arg7[%dma_start3A_272, %dma_start3A_273, %dma_start3A_274] : memref<2x16x128xf32, #tpu.memory_space<vmem>> -> memref<1x16x128xf32, #tpu.memory_space<vmem>>
      %dma_start3A_276 = tpu.memref_squeeze %dma_start3A_275 : memref<1x16x128xf32, #tpu.memory_space<vmem>> -> memref<16x128xf32, #tpu.memory_space<vmem>>
      %dma_start3A_277 = arith.constant 0 : i32
      %dma_start3A_278 = tpu.memref_slice %arg4[%add3A_271, %dma_start3A_277] : memref<32768x128xf32, #tpu.memory_space<hbm>> -> memref<16x128xf32, #tpu.memory_space<hbm>>
      %dma_start3A_279 = arith.constant 0 : i32
      %dma_start3A_280 = tpu.memref_slice %arg4[%add3A_271, %dma_start3A_279] : memref<32768x128xf32, #tpu.memory_space<hbm>> -> memref<16x128xf32, #tpu.memory_space<hbm>>
      %dma_start3A_281 = arith.constant 0 : i32
      %dma_start3A_282 = arith.constant 0 : i32
      %dma_start3A_283 = tpu.memref_slice %arg7[%dma_start3A_272, %dma_start3A_281, %dma_start3A_282] : memref<2x16x128xf32, #tpu.memory_space<vmem>> -> memref<1x16x128xf32, #tpu.memory_space<vmem>>
      %dma_start3A_284 = tpu.memref_squeeze %dma_start3A_283 : memref<1x16x128xf32, #tpu.memory_space<vmem>> -> memref<16x128xf32, #tpu.memory_space<vmem>>
      tpu.enqueue_dma source(%dma_start3A_284 : memref<16x128xf32, #tpu.memory_space<vmem>>) target(%dma_start3A_280 : memref<16x128xf32, #tpu.memory_space<hbm>>) target_semaphore(%arg13 : memref<!tpu.dma_semaphore, #tpu.memory_space<semaphore_mem>>)
    }
    %scan3A_46 = arith.constant 16 : i32
    %dma_wait3A = arith.constant 0 : i32
    %dma_wait3A_47 = arith.constant 0 : i32
    %dma_wait3A_48 = arith.constant 0 : i32
    %dma_wait3A_49 = tpu.memref_slice %arg7[%dma_wait3A, %dma_wait3A_47, %dma_wait3A_48] : memref<2x16x128xf32, #tpu.memory_space<vmem>> -> memref<1x16x128xf32, #tpu.memory_space<vmem>>
    %dma_wait3A_50 = tpu.memref_squeeze %dma_wait3A_49 : memref<1x16x128xf32, #tpu.memory_space<vmem>> -> memref<16x128xf32, #tpu.memory_space<vmem>>
    %dma_wait3A_51 = arith.constant 0 : i32
    %dma_wait3A_52 = arith.constant 0 : i32
    %dma_wait3A_53 = tpu.memref_slice %arg4[%dma_wait3A_51, %dma_wait3A_52] : memref<32768x128xf32, #tpu.memory_space<hbm>> -> memref<16x128xf32, #tpu.memory_space<hbm>>
    %dma_wait3A_54 = arith.constant 0 : i32
    %dma_wait3A_55 = arith.constant 0 : i32
    %dma_wait3A_56 = tpu.memref_slice %arg4[%dma_wait3A_54, %dma_wait3A_55] : memref<32768x128xf32, #tpu.memory_space<hbm>> -> memref<16x128xf32, #tpu.memory_space<hbm>>
    %dma_wait3A_57 = arith.constant 0 : i32
    %dma_wait3A_58 = arith.constant 0 : i32
    %dma_wait3A_59 = tpu.memref_slice %arg7[%dma_wait3A, %dma_wait3A_57, %dma_wait3A_58] : memref<2x16x128xf32, #tpu.memory_space<vmem>> -> memref<1x16x128xf32, #tpu.memory_space<vmem>>
    %dma_wait3A_60 = tpu.memref_squeeze %dma_wait3A_59 : memref<1x16x128xf32, #tpu.memory_space<vmem>> -> memref<16x128xf32, #tpu.memory_space<vmem>>
    tpu.wait_dma2 semaphore(%arg12 : memref<!tpu.dma_semaphore, #tpu.memory_space<semaphore_mem>>) src(%dma_wait3A_60 : memref<16x128xf32, #tpu.memory_space<vmem>>) dst(%dma_wait3A_56 : memref<16x128xf32, #tpu.memory_space<hbm>>)
    %dma_wait3A_61 = arith.constant 1 : i32
    %dma_wait3A_62 = arith.constant 0 : i32
    %dma_wait3A_63 = arith.constant 0 : i32
    %dma_wait3A_64 = tpu.memref_slice %arg7[%dma_wait3A_61, %dma_wait3A_62, %dma_wait3A_63] : memref<2x16x128xf32, #tpu.memory_space<vmem>> -> memref<1x16x128xf32, #tpu.memory_space<vmem>>
    %dma_wait3A_65 = tpu.memref_squeeze %dma_wait3A_64 : memref<1x16x128xf32, #tpu.memory_space<vmem>> -> memref<16x128xf32, #tpu.memory_space<vmem>>
    %dma_wait3A_66 = arith.constant 0 : i32
    %dma_wait3A_67 = arith.constant 0 : i32
    %dma_wait3A_68 = tpu.memref_slice %arg4[%dma_wait3A_66, %dma_wait3A_67] : memref<32768x128xf32, #tpu.memory_space<hbm>> -> memref<16x128xf32, #tpu.memory_space<hbm>>
    %dma_wait3A_69 = arith.constant 0 : i32
    %dma_wait3A_70 = arith.constant 0 : i32
    %dma_wait3A_71 = tpu.memref_slice %arg4[%dma_wait3A_69, %dma_wait3A_70] : memref<32768x128xf32, #tpu.memory_space<hbm>> -> memref<16x128xf32, #tpu.memory_space<hbm>>
    %dma_wait3A_72 = arith.constant 0 : i32
    %dma_wait3A_73 = arith.constant 0 : i32
    %dma_wait3A_74 = tpu.memref_slice %arg7[%dma_wait3A_61, %dma_wait3A_72, %dma_wait3A_73] : memref<2x16x128xf32, #tpu.memory_space<vmem>> -> memref<1x16x128xf32, #tpu.memory_space<vmem>>
    %dma_wait3A_75 = tpu.memref_squeeze %dma_wait3A_74 : memref<1x16x128xf32, #tpu.memory_space<vmem>> -> memref<16x128xf32, #tpu.memory_space<vmem>>
    tpu.wait_dma2 semaphore(%arg13 : memref<!tpu.dma_semaphore, #tpu.memory_space<semaphore_mem>>) src(%dma_wait3A_75 : memref<16x128xf32, #tpu.memory_space<vmem>>) dst(%dma_wait3A_71 : memref<16x128xf32, #tpu.memory_space<hbm>>)
    return
  }
}

module attributes {stable_mosaic.version = 14 : i64} {
  func.func @_mlp_body(%arg0: i32, %arg1: memref<16384x128xf32, #tpu.memory_space<vmem>>, %arg2: memref<128x128xf32, #tpu.memory_space<vmem>>, %arg3: memref<1x128xf32, #tpu.memory_space<vmem>>, %arg4: memref<128x66xf32, #tpu.memory_space<vmem>>, %arg5: memref<66x1xf32, #tpu.memory_space<vmem>>, %arg6: memref<66x16384xf32, #tpu.memory_space<vmem>>) attributes {dimension_semantics = [#tpu.dimension_semantics<arbitrary>], iteration_bounds = array<i64: 2>, scalar_prefetch = 0 : i64, scratch_operands = 0 : i64, tpu.core_type = #tpu.core_type<tc>, window_params = [{transform_indices = @transform_0, window_bounds = array<i64: 16384, 128>}, {pipeline_mode = #tpu.pipeline_mode<synchronous>, transform_indices = @transform_1, window_bounds = array<i64: 128, 128>}, {pipeline_mode = #tpu.pipeline_mode<synchronous>, transform_indices = @transform_2, window_bounds = array<i64: 1, 128>}, {pipeline_mode = #tpu.pipeline_mode<synchronous>, transform_indices = @transform_3, window_bounds = array<i64: 128, 66>}, {pipeline_mode = #tpu.pipeline_mode<synchronous>, transform_indices = @transform_4, window_bounds = array<i64: 66, 1>}, {transform_indices = @transform_5, window_bounds = array<i64: 66, 16384>}]} {
    %get3A = arith.constant 0 : index
    %get3A_0 = arith.constant 0 : index
    %get3A_1 = vector.load %arg1[%get3A, %get3A_0] : memref<16384x128xf32, #tpu.memory_space<vmem>>, vector<16384x128xf32>
    %get3A_2 = arith.constant 0 : index
    %get3A_3 = arith.constant 0 : index
    %get3A_4 = vector.load %arg2[%get3A_2, %get3A_3] : memref<128x128xf32, #tpu.memory_space<vmem>>, vector<128x128xf32>
    %dot_general3A = arith.constant dense<0.000000e+00> : vector<16384x128xf32>
    %dot_general3A_5 = tpu.matmul %get3A_1, %get3A_4, %dot_general3A {dimension_numbers = #tpu.dot_dimension_numbers<[1], [0], [0], [1], [0, 0, 1, 1], [], []>, transpose_lhs_hint = false} : vector<16384x128xf32>, vector<128x128xf32>, vector<16384x128xf32> -> vector<16384x128xf32>
    %get3A_6 = arith.constant 0 : index
    %get3A_7 = arith.constant 0 : index
    %get3A_8 = vector.load %arg3[%get3A_6, %get3A_7] : memref<1x128xf32, #tpu.memory_space<vmem>>, vector<1x128xf32>
    %add3A = vector.broadcast %get3A_8 : vector<1x128xf32> to vector<16384x128xf32>
    %add3A_9 = arith.addf %dot_general3A_5, %add3A : vector<16384x128xf32>
    %max3A = arith.constant 0.000000e+00 : f32
    %max3A_10 = vector.broadcast %max3A : f32 to vector<16384x128xf32>
    %max3A_11 = arith.maximumf %add3A_9, %max3A_10 : vector<16384x128xf32>
    %get3A_12 = arith.constant 0 : index
    %get3A_13 = arith.constant 0 : index
    %get3A_14 = vector.load %arg4[%get3A_12, %get3A_13] : memref<128x66xf32, #tpu.memory_space<vmem>>, vector<128x66xf32>
    %dot_general3A_15 = arith.constant dense<0.000000e+00> : vector<66x16384xf32>
    %dot_general3A_16 = tpu.matmul %get3A_14, %max3A_11, %dot_general3A_15 {dimension_numbers = #tpu.dot_dimension_numbers<[0], [1], [1], [0], [0, 1, 1, 0], [], []>, transpose_lhs_hint = false} : vector<128x66xf32>, vector<16384x128xf32>, vector<66x16384xf32> -> vector<66x16384xf32>
    %get3A_17 = arith.constant 0 : index
    %get3A_18 = arith.constant 0 : index
    %get3A_19 = vector.load %arg5[%get3A_17, %get3A_18] : memref<66x1xf32, #tpu.memory_space<vmem>>, vector<66x1xf32>
    %add3A_20 = vector.broadcast %get3A_19 : vector<66x1xf32> to vector<66x16384xf32>
    %add3A_21 = arith.addf %dot_general3A_16, %add3A_20 : vector<66x16384xf32>
    %swap3A = arith.constant 0 : index
    %swap3A_22 = arith.constant 0 : index
    %swap3A_23 = vector.load %arg6[%swap3A, %swap3A_22] : memref<66x16384xf32, #tpu.memory_space<vmem>>, vector<66x16384xf32>
    tpu.vector_store %arg6[%swap3A, %swap3A_22], %add3A_21 {strides = array<i32>} : memref<66x16384xf32, #tpu.memory_space<vmem>>, vector<66x16384xf32>,
    return
  }
  func.func @transform_0(%arg0: i32) -> (i32, i32) {
    %c0_i32 = arith.constant 0 : i32
    %c0_i32_0 = arith.constant 0 : i32
    return %arg0, %c0_i32 : i32, i32
  }
  func.func @transform_1(%arg0: i32) -> (i32, i32) {
    %c0_i32 = arith.constant 0 : i32
    %c0_i32_0 = arith.constant 0 : i32
    %c0_i32_1 = arith.constant 0 : i32
    return %c0_i32, %c0_i32_0 : i32, i32
  }
  func.func @transform_2(%arg0: i32) -> (i32, i32) {
    %c0_i32 = arith.constant 0 : i32
    %c0_i32_0 = arith.constant 0 : i32
    %c0_i32_1 = arith.constant 0 : i32
    return %c0_i32, %c0_i32_0 : i32, i32
  }
  func.func @transform_3(%arg0: i32) -> (i32, i32) {
    %c0_i32 = arith.constant 0 : i32
    %c0_i32_0 = arith.constant 0 : i32
    %c0_i32_1 = arith.constant 0 : i32
    return %c0_i32, %c0_i32_0 : i32, i32
  }
  func.func @transform_4(%arg0: i32) -> (i32, i32) {
    %c0_i32 = arith.constant 0 : i32
    %c0_i32_0 = arith.constant 0 : i32
    %c0_i32_1 = arith.constant 0 : i32
    return %c0_i32, %c0_i32_0 : i32, i32
  }
  func.func @transform_5(%arg0: i32) -> (i32, i32) {
    %c0_i32 = arith.constant 0 : i32
    %c0_i32_0 = arith.constant 0 : i32
    return %c0_i32, %arg0 : i32, i32
  }
}

</mosaic_0001>

<sc_bundles>
// kernel: kernel.4.cloned.1.call-start
scs
__scs_entry_jumppad:
0x0: {  	(pc) =	sbr.rel $0x88, $3  }
0x1: {  	(tag) =	ssettag $0x0;
	lr =	simm.s32 $0x1  }
0x2: {  	[smem:$0x3F9B] =	sst lr;
	_ =	strace $0xD0000000  }
0x3: {  	_ = 	snop  }
0x4: {  	_ = 	snop  }
0x5: {  	_ = 	snop  }
0x6: {  	_ = 	snop  }
0x7: {  	_ = 	snop  }
__scs_overlays_trampoline_lowered:
0x8: {  	[smem:$0x3FAA] =	sst s0  }
0x9: {  	[smem:$0x3FAB] =	sst s1  }
0xa: {  	[smem:$0x3FAC] =	sst s2  }
0xb: {  	[smem:$0x3FAD] =	sst s3  }
0xc: {  	[smem:$0x3FAE] =	sst s4  }
0xd: {  	[smem:$0x3FAF] =	sst s5  }
0xe: {  	[smem:$0x3FB0] =	sst s6  }
0xf: {  	[smem:$0x3FB1] =	sst s7  }
0x10: {  	[smem:$0x3FB2] =	sst s8  }
0x11: {  	[smem:$0x3FB3] =	sst s9;
	s0 =	simm.s32 @!p0 $0x0  }
0x12: {  	s1 =	sld [smem:$0x3F99];
	s0 =	simm.s32 @p0 $0x1  }
0x13: {  	[smem:$0x3FB4] =	sst s0;
	s0 =	simm.s32 @!p1 $0x0  }
0x14: {  	s2 =	sld [smem:$0x3F98];
	s0 =	simm.s32 @p1 $0x1  }
0x15: {  	[smem:$0x3FB5] =	sst s0;
	s0 =	simm.s32 @!p2 $0x0  }
0x16: {  	s3 =	sld [smem:$0x3FDB];
	s0 =	simm.s32 @p2 $0x1  }
0x17: {  	s4 =	simm.s32 $0x1BF5;
	[smem:$0x3FB7] =	sst s0  }
0x18: {  	s0 =	sld [smem:$0x3F9A];
	_ =	swait.ge [sflag:s4], $0x0  }
0x19: {  	s7 =	sld [smem:$0x3F9B]  }
0x1a: {  	s8 =	sadd.s32 $0xFFFFE003, lr  }
0x1b: {  	s9 =	sadd.s32 $0xFFFFFEF7, lr;
	s5 =	simm.s32 $0xFFFFFFFF;
	p2 =	slt.u32 s8, $0xFFFFF086  }
0x1c: {  	p1 =	slt.u32 s9, $0xF7A;
	s5 =	simm.s32 @!p2 $0x0  }
0x1d: {  	s5 =	simm.s32 @p1 $0x1;
	p0 =	seq.s32 s7, s2  }
0x1e: {  	s7 =	smul.u32 @!p0 $0xF7A, s2;
	p2 =	seq.s32 @!p0 s5, $0x0  }
0x1f: {  	s9 =	smul.u32 $0xF7A, s1;
	s8 =	simm.s32 @!p0 $0x1BF5;
	p2 =	por !p2, p0  }
0x20: {  	[sflag:s8] =	ssyncset.s32 @!p0 $0xFFFFF086;
	s6 =	sadd.s32 @!p0 s3, s7;
	s7 =	simm.s32 @!p0 $0x108  }
0x21: {  	s3 =	sadd.s32 s3, s9;
	s6 =	sadd.s32 @!p0 $0x88, s6;
	s7 =	simm.s32 @p2 $0x1082  }
0x22: {  	[simem:s7], [sflag:s8] =	dma.local @!p0 [hbm:s6], $0xF7A  }
0x23: {  	s9 =	sor.u32 $0xD0000000, s2;
	s6 =	simm.s32 $0x108;
	_ =	swait.ge @!p0 [sflag:s8], $0x0  }
0x24: {  	s3 =	sadd.s32 $0x88, s3;
	s6 =	simm.s32 @!p1 $0x1082;
	[sflag:s4] =	ssyncset.s32 $0xFFFFF086  }
0x25: {  	[simem:s6], [sflag:s4] =	dma.local [hbm:s3], $0xF7A  }
0x26: {  	[smem:$0x3F9B] =	sst s1;
	(tag) =	ssettag s2;
	_ =	strace s9  }
0x27: {  	s1 =	sld [smem:$0x3FAB]  }
0x28: {  	s2 =	sld [smem:$0x3FAC]  }
0x29: {  	s4 =	sld [smem:$0x3FAE]  }
0x2a: {  	p0 =	seq.s32 s5, $0x0;
	s5 =	sld [smem:$0x3FAF]  }
0x2b: {  	s6 =	sld [smem:$0x3FB0]  }
0x2c: {  	s7 =	sld [smem:$0x3FB1]  }
0x2d: {  	s3 =	simm.s32 $0x108;
	s8 =	sld [smem:$0x3FB2]  }
0x2e: {  	s3 =	simm.s32 @!p0 $0x1082;
	s9 =	sld [smem:$0x3FB3]  }
0x2f: {  	lr =	sadd.s32 s0, s3;
	s0 =	sld [smem:$0x3FAA]  }
0x30: {  	s3 =	sld [smem:$0x3FAD]  }
0x31: {  	[smem:$0x3FB6] =	sst s10  }
0x32: {  	s10 =	sld [smem:$0x3FB4];
	_ =	sdelay $0x3  }
0x33: {  	p0 =	seq.s32 s10, $0x1;
	s10 =	sld [smem:$0x3FB6];
	_ =	sdelay $0x3  }
0x34: {  	[smem:$0x3FB6] =	sst s10  }
0x35: {  	s10 =	sld [smem:$0x3FB5];
	_ =	sdelay $0x3  }
0x36: {  	p1 =	seq.s32 s10, $0x1;
	s10 =	sld [smem:$0x3FB6];
	_ =	sdelay $0x3  }
0x37: {  	[smem:$0x3FB6] =	sst s10  }
0x38: {  	s10 =	sld [smem:$0x3FB7]  }
0x39: {  	_ = 	snop;
	(pc) =	sbr.ind lr, $3  }
0x3a: {  	_ = 	snop  }
0x3b: {  	_ = 	snop  }
0x3c: {  	p2 =	seq.s32 s10, $0x1;
	s10 =	sld [smem:$0x3FB6]  }
0x3d: {  	_ =	shalt  }
0x3e: {  	_ =	shalt  }
0x3f: {  	_ =	shalt  }
0x40: {  	_ =	shalt  }
0x41: {  	_ =	shalt  }
0x42: {  	_ =	shalt  }
0x43: {  	_ =	shalt  }
0x44: {  	_ =	shalt  }
0x45: {  	_ =	shalt  }
0x46: {  	_ =	shalt  }
0x47: {  	_ =	shalt  }
0x48: {  	_ =	shalt  }
0x49: {  	_ =	shalt  }
0x4a: {  	_ =	shalt  }
0x4b: {  	_ =	shalt  }
0x4c: {  	_ =	shalt  }
0x4d: {  	_ =	shalt  }
0x4e: {  	_ =	shalt  }
0x4f: {  	_ =	shalt  }
0x50: {  	_ =	shalt  }
0x51: {  	_ =	shalt  }
0x52: {  	_ =	shalt  }
0x53: {  	_ =	shalt  }
0x54: {  	_ =	shalt  }
0x55: {  	_ =	shalt  }
0x56: {  	_ =	shalt  }
0x57: {  	_ =	shalt  }
0x58: {  	_ =	shalt  }
0x59: {  	_ =	shalt  }
0x5a: {  	_ =	shalt  }
0x5b: {  	_ =	shalt  }
0x5c: {  	_ =	shalt  }
0x5d: {  	_ =	shalt  }
0x5e: {  	_ =	shalt  }
0x5f: {  	_ =	shalt  }
0x60: {  	_ =	shalt  }
0x61: {  	_ =	shalt  }
0x62: {  	_ =	shalt  }
0x63: {  	_ =	shalt  }
0x64: {  	_ =	shalt  }
0x65: {  	_ =	shalt  }
0x66: {  	_ =	shalt  }
0x67: {  	_ =	shalt  }
0x68: {  	_ =	shalt  }
0x69: {  	_ =	shalt  }
0x6a: {  	_ =	shalt  }
0x6b: {  	_ =	shalt  }
0x6c: {  	_ =	shalt  }
0x6d: {  	_ =	shalt  }
0x6e: {  	_ =	shalt  }
0x6f: {  	_ =	shalt  }
0x70: {  	_ =	shalt  }
0x71: {  	_ =	shalt  }
0x72: {  	_ =	shalt  }
0x73: {  	_ =	shalt  }
0x74: {  	_ =	shalt  }
0x75: {  	_ =	shalt  }
0x76: {  	_ =	shalt  }
0x77: {  	_ =	shalt  }
0x78: {  	_ =	shalt  }
0x79: {  	_ =	shalt  }
0x7a: {  	_ =	shalt  }
0x7b: {  	_ =	shalt  }
0x7c: {  	_ =	shalt  }
0x7d: {  	_ =	shalt  }
0x7e: {  	_ =	shalt  }
0x7f: {  	_ =	shalt  }
0x80: {  	_ =	shalt  }
0x81: {  	_ =	shalt  }
0x82: {  	_ =	shalt  }
0x83: {  	_ =	shalt  }
0x84: {  	_ =	shalt  }
0x85: {  	_ =	shalt  }
0x86: {  	_ =	shalt  }
0x87: {  	_ =	shalt  }
.Lfunc_end0:
.L_simem_size_0:
called_computation_lowered:
.L_overlay_start_0:
0x88: {  	s2 =	sld [smem:$0x3FD9]  }
0x89: {  	s3 =	sld [smem:$0x3FFE];
	_ =	sdelay $0x1  }
0x8a: {  	s1 =	srdreg.scid  }
0x8b: {  	s0 =	sand.u32 $0x1, s1  }
0x8c: {  	s17 =	sshll.u32 s0, $0xA;
	s2 =	sadd.s32 s3, s2  }
0x8d: {  	s2 =	sadd.s32 s2, s17  }
0x8e: {  	[smem:$0x3FC2] =	sst s2  }
0x8f: {  	_ = 	snop  }
0x90: {  	s2 =	sld [smem:$0x3FC8]  }
0x91: {  	s18 =	sld [smem:$0x3FD0];
	(tm) =	ssettm $0x1  }
0x92: {  	s4 =	sld [smem:$0x3FFB];
	_ =	sdelay $0x3  }
0x93: {  	_ =	strace s4  }
0x94: {  	s4 =	sld [smem:$0x3FFC];
	_ =	sdelay $0x3  }
0x95: {  	_ =	strace s4  }
0x96: {  	s4 =	sld [smem:$0x3FFD];
	_ =	sdelay $0x3  }
0x97: {  	_ =	strace s4  }
0x98: {  	_ =	strace $0x8FFFFFFF  }
0x99: {  	s19 =	sld [smem:$0x3FDB];
	_ =	sdelay $0x1  }
0x9a: {  	s5 =	simm.s32 $_scs_section_size  }
0x9b: {  	s6 =	simm.s32 $_size__tile_overlayer_lowered;
	s7 =	simm.s32 $_tile_overlayer_lowered  }
0x9c: {  	s22 =	simm.s32 $0x1BFF;
	s21 =	sshll.u32 s7, $0x1;
	s4 =	sadd.s32 s5, s19  }
0x9d: {  	s8 =	simm.s32 $0x0;
	s20 =	sshll.u32 s6, $0x1;
	s6 =	sadd.s32 s21, s4  }
0x9e: {  	[timem:s8], [sflag:s22] =	dma.local [hbm:s6], s20  }
0x9f: {  	_ =	swait.ge [sflag:s22], s20  }
0xa0: {  	s5 =	ssub.s32 $0x0, s20;
	[sflag:s22] =	ssyncset.done $0x0  }
0xa1: {  	[sflag:s22] =	ssyncadd.s32 s5;
	_ =	sdelay $0x1  }
0xa2: {  	s23 =	simm.s32 $0x1B8B  }
0xa3: {  	_ =	swait.ge [sflag:s23], $0x1  }
0xa4: {  	[sflag:s23] =	ssyncset.done $0x0  }
0xa5: {  	s25 =	simm.s32 $0x1B8E;
	s24 =	sld [smem:$0x3FFE];
	[sflag:s23] =	ssyncadd.s32 $0xFFFFFFFF  }
0xa6: {  	s26 =	simm.s32 $execute0_lowered;
	[smem:$0x3FD2] =	sst s25  }
0xa7: {  	s6 =	sshll.u32 s26, $0x1;
	_ =	strace $0x80000046;
	[dreg:$0x1] =	wrdreg $0xFFFFFFFF  }
0xa8: {  	s28 =	simm.s32 $_size_execute0_lowered;
	s4 =	sadd.s32 s4, s6;
	[dreg:$0x0] =	wrdreg $0x0  }
0xa9: {  	s6 =	sshll.u32 s28, $0x1;
	[dreg:$0x2] =	wrdreg s4  }
0xaa: {  	[dreg:$0x3] =	wrdreg s6  }
0xab: {  	[dreg:$0x4] =	wrdreg $0xC0  }
0xac: {  	_ =	task [dreg:s8], $0x5FFFF  }
0xad: {  	[dreg:$0x1] =	wrdreg $0xFFFFFFFF  }
0xae: {  	[dreg:$0x0] =	wrdreg $0x60  }
0xaf: {  	[dreg:$0x2] =	wrdreg s18  }
0xb0: {  	[dreg:$0x3] =	wrdreg s2  }
0xb1: {  	[dreg:$0x4] =	wrdreg s24  }
0xb2: {  	[dreg:$0x5] =	wrdreg $0x9  }
0xb3: {  	_ =	task.clear_ibuf [dreg:s8], $0x6FFFF;
	_ =	strace $0x90000046  }
0xb4: {  	s29 =	simm.s32 $0x9;
	_ =	strace $0x80000048  }
0xb5: {  	_ =	swait.ge [sflag:s29], $0x1  }
0xb6: {  	[sflag:s29] =	ssyncadd.s32 $0xFFFFFFFF  }
0xb7: {  	_ =	strace $0x90000048  }
0xb8: {  	_ =	sfence  }
0xb9: {  	s30 =	sld [smem:$0x0];
	_ =	sdelay $0x2  }
0xba: {  	s31 =	sshll.u32 s1, $0xD;
	s1 =	sshrl.u32 s1, $0x2  }
0xbb: {  	s3 =	sand.u32 $0x4000, s31;
	s1 =	sadd.s32 s1, s30  }
0xbc: {  	s0 =	sor.u32 s3, s0;
	s1 =	sshll.u32 s1, $0x11  }
0xbd: {  	s0 =	sor.u32 s1, s0  }
0xbe: {  	s0 =	sadd.s32 $0x8F2B, s0  }
0xbf: {  	[sflag:s0] =	ssyncadd.remote.s32 $0x1  }
0xc0: {  	_ =	sfence.sel $0xFFFF  }
0xc1: {  	[dreg:$0x0] =	wrdreg $0xFFFFFFFF;
	(pc) =	sbr.abs _section_cstart, $3  }
0xc2: {  	[dreg:$0x1] =	wrdreg $0xFFFFFFFF  }
0xc3: {  	_ =	task.clear_ibuf [dreg:s8], $0x2FFFF;
	_ =	strace $0x9FFFFFFF  }
0xc4: {  	(tm) =	ssettm $0x7FFFFFFF  }
0xc5: {  	_ =	shalt  }
tec
execute0_lowered:
.L_overlay_start_1:
0x0: {  	(tag) =	ssettag $0x1  }
0x1: {  	s0 =	rddreg [dreg:$0x0]  }
0x2: {  	s1 =	rddreg [dreg:$0x1]  }
0x3: {  	s3 =	rddreg [dreg:$0x2];
	s2 =	simm.s32 $0x0  }
0x4: {  	s4 =	srdreg.scid;
	s8 =	stileid.u32;
	s9 =	simm.s32 $0x80  }
0x5: {  	s10 =	simm.s32 $0x400;
	s11 =	simm.s32 $0x7;
	s12 =	simm.s32 $0x2000  }
0x6: {  	s13 =	simm.s32 $0x6000;
	s14 =	simm.s32 $0x100;
	s15 =	simm.s32 $0xA000  }
0x7: {  	s16 =	simm.s32 $0x180;
	s17 =	simm.s32 $0xE000;
	s18 =	simm.s32 $0x1  }
0x8: {  	s19 =	simm.s32 $0x12000;
	s20 =	simm.s32 $0x2;
	s21 =	simm.s32 $0x12800  }
0x9: {  	s22 =	simm.s32 $0x3;
	s23 =	simm.s32 $0x5;
	s24 =	simm.s32 $0x4  }
0xa: {  	s25 =	simm.s32 $0x6;
	[smem:$0x7FF] =	sst s2;
	s5 =	sand.u32 $0x1, s4  }
0xb: {  	s4 =	sadd.s32 $0xC00, s3;
	s7 =	sshll.u32 s8, $0x1;
	s29 =	sshll.u32 s8, $0xB  }
0xc: {  	_ =	strace $0x80000047;
	s6 =	ssub.s32 $0x2, s5;
	s28 =	sor.u32 s5, s7  }
0xd: {  	s7 =	sand.u32 $0x6000, s29;
	s26 =	sshrl.u32 s6, $0x1;
	s5 =	sshll.u32 s28, $0xA  }
0xe: {  	s30 =	sshll.u32 s28, $0x4;
	s0 =	sadd.s32 s0, s7;
	s31 =	sshll.u32 s28, $0xE  }
0xf: {  	s3 =	ssub.s32 s6, s26;
	s8 =	sand.u32 $0x70, s30;
	s7 =	sadd.s32 s4, s31  }
0x10: {  	s26 =	simm.s32 $0x0;
	s6 =	sadd.s32 s8, s0;
	s8 =	smax.u32 s3, $0x1  }
.LBB2_1:
0x11: {  	[tilespmem:s2], [sflag:$0x7] =	stream.strided.gather [hbm4b:s6+s9], $0x2000, s10, s9, $0x38;
	[tilespmem:$0x13000] =	vst v63  }
0x12: {  	_ =	swait.ge [sflag:s11], $0x2000  }
0x13: {  	[sflag:s11] =	ssyncset.done $0x0  }
0x14: {  	[sflag:s11] =	ssyncadd.s32 $0xFFFFE000  }
0x15: {  	[tilespmem:s12], [sflag:$0x1] =	stream.indirect.gather [hbm4b:s1+s9], $0x80, s2, s9, $0xb8;
	[tilespmem:$0x13000] =	vst v63  }
0x16: {  	_ = 	snop  }
0x17: {  	[tilespmem:s13], [sflag:$0x2] =	stream.indirect.gather [hbm4b:s1+s9], $0x80, s9, s9, $0xb8;
	[tilespmem:$0x13000] =	vst v63  }
0x18: {  	_ = 	snop  }
0x19: {  	[tilespmem:s15], [sflag:$0x3] =	stream.indirect.gather [hbm4b:s1+s9], $0x80, s14, s9, $0xb8;
	[tilespmem:$0x13000] =	vst v63  }
0x1a: {  	s28 =	simm.s32 $0x0  }
0x1b: {  	[tilespmem:s17], [sflag:$0x4] =	stream.indirect.gather [hbm4b:s1+s9], $0x80, s16, s9, $0xb8;
	[tilespmem:$0x13000] =	vst v63  }
.LBB2_2:
0x1c: {  	_ =	swait.ge [sflag:s18], $0x4000  }
0x1d: {  	p1 =	seq.s32 s28, $0x0;
	[sflag:s18] =	ssyncset.done $0x0  }
0x1e: {  	s0 =	simm.s32 @!p1 $0x5;
	[sflag:s18] =	ssyncadd.s32 $0xFFFFC000  }
0x1f: {  	_ =	swait.ge @!p1 [sflag:s0], $0x800  }
0x20: {  	s29 =	sshll.u32 s28, $0xB;
	[sflag:s0] =	ssyncset.done @!p1 $0x0  }
0x21: {  	s30 =	simm.s32 $0x0;
	s31 =	simm.s32 $0x2400;
	[sflag:s0] =	ssyncadd.s32 @!p1 $0xFFFFF800  }
.LBB2_3:
0x22: {  	v0 =	vld [tilespmem:s31+$0xFFFFFC00]  }
0x23: {  	v1 =	vld [tilespmem:s31+$0xFFFFFC10]  }
0x24: {  	v2 =	vld [tilespmem:s31+$0xFFFFFC20]  }
0x25: {  	v3 =	vld [tilespmem:s31+$0xFFFFFC30]  }
0x26: {  	v4 =	vld [tilespmem:s31+$0xFFFFFC40]  }
0x27: {  	v5 =	vld [tilespmem:s31+$0xFFFFFC50]  }
0x28: {  	v6 =	vld [tilespmem:s31+$0xFFFFFC60]  }
0x29: {  	v7 =	vld [tilespmem:s31+$0xFFFFFC70]  }
0x2a: {  	v8 =	vld [tilespmem:s31+$0xFFFFFC80]  }
0x2b: {  	v9 =	vld [tilespmem:s31+$0xFFFFFC90]  }
0x2c: {  	v10 =	vld [tilespmem:s31+$0xFFFFFCA0]  }
0x2d: {  	v11 =	vld [tilespmem:s31+$0xFFFFFCB0]  }
0x2e: {  	v12 =	vld [tilespmem:s31+$0xFFFFFCC0]  }
0x2f: {  	v13 =	vld [tilespmem:s31+$0xFFFFFCD0]  }
0x30: {  	v14 =	vld [tilespmem:s31+$0xFFFFFCE0]  }
0x31: {  	v15 =	vld [tilespmem:s31+$0xFFFFFCF0]  }
0x32: {  	v16 =	vld [tilespmem:s31+$0xFFFFFD00]  }
0x33: {  	v17 =	vld [tilespmem:s31+$0xFFFFFD10]  }
0x34: {  	v18 =	vld [tilespmem:s31+$0xFFFFFD20]  }
0x35: {  	v19 =	vld [tilespmem:s31+$0xFFFFFD30]  }
0x36: {  	v20 =	vld [tilespmem:s31+$0xFFFFFD40]  }
0x37: {  	v21 =	vld [tilespmem:s31+$0xFFFFFD50]  }
0x38: {  	v22 =	vld [tilespmem:s31+$0xFFFFFD60]  }
0x39: {  	v23 =	vld [tilespmem:s31+$0xFFFFFD70]  }
0x3a: {  	v24 =	vld [tilespmem:s31+$0xFFFFFD80]  }
0x3b: {  	v25 =	vld [tilespmem:s31+$0xFFFFFD90]  }
0x3c: {  	v26 =	vld [tilespmem:s31+$0xFFFFFDA0]  }
0x3d: {  	v27 =	vld [tilespmem:s31+$0xFFFFFDB0]  }
0x3e: {  	v28 =	vld [tilespmem:s31+$0xFFFFFDC0]  }
0x3f: {  	v29 =	vld [tilespmem:s31+$0xFFFFFDD0]  }
0x40: {  	v30 =	vld [tilespmem:s31+$0xFFFFFDE0]  }
0x41: {  	v31 =	vld [tilespmem:s31+$0xFFFFFDF0]  }
0x42: {  	v32 =	vld [tilespmem:s31+$0xFFFFFE00]  }
0x43: {  	v33 =	vld [tilespmem:s31+$0xFFFFFE10]  }
0x44: {  	v34 =	vld [tilespmem:s31+$0xFFFFFE20]  }
0x45: {  	v35 =	vld [tilespmem:s31+$0xFFFFFE30]  }
0x46: {  	v36 =	vld [tilespmem:s31+$0xFFFFFE40]  }
0x47: {  	v37 =	vld [tilespmem:s31+$0xFFFFFE50]  }
0x48: {  	v38 =	vld [tilespmem:s31+$0xFFFFFE60]  }
0x49: {  	v39 =	vld [tilespmem:s31+$0xFFFFFE70]  }
0x4a: {  	v40 =	vld [tilespmem:s31+$0xFFFFFE80];
	v0 =	vadd.f32 v8, v0;
	v1 =	vadd.f32 v9, v1  }
0x4b: {  	v58 =	vld [tilespmem:s31+$0xFFFFFE90];
	v2 =	vadd.f32 v10, v2;
	v3 =	vadd.f32 v11, v3  }
0x4c: {  	v59 =	vld [tilespmem:s31+$0xFFFFFEA0];
	v4 =	vadd.f32 v12, v4;
	v5 =	vadd.f32 v13, v5  }
0x4d: {  	v60 =	vld [tilespmem:s31+$0xFFFFFEB0];
	v6 =	vadd.f32 v14, v6;
	v7 =	vadd.f32 v15, v7  }
0x4e: {  	v61 =	vld [tilespmem:s31+$0xFFFFFEC0];
	v0 =	vadd.f32 v16, v0;
	v1 =	vadd.f32 v17, v1  }
0x4f: {  	v62 =	vld [tilespmem:s31+$0xFFFFFED0];
	v2 =	vadd.f32 v18, v2;
	v3 =	vadd.f32 v19, v3  }
0x50: {  	v63 =	vld [tilespmem:s31+$0xFFFFFEE0];
	v4 =	vadd.f32 v20, v4;
	v5 =	vadd.f32 v21, v5  }
0x51: {  	v41 =	vld [tilespmem:s31+$0xFFFFFEF0];
	v6 =	vadd.f32 v22, v6;
	v7 =	vadd.f32 v23, v7  }
0x52: {  	v42 =	vld [tilespmem:s31+$0xFFFFFF00];
	v0 =	vadd.f32 v24, v0;
	v1 =	vadd.f32 v25, v1  }
0x53: {  	v43 =	vld [tilespmem:s31+$0xFFFFFF10];
	v2 =	vadd.f32 v26, v2;
	v3 =	vadd.f32 v27, v3  }
0x54: {  	v44 =	vld [tilespmem:s31+$0xFFFFFF20];
	v4 =	vadd.f32 v28, v4;
	v5 =	vadd.f32 v29, v5  }
0x55: {  	v45 =	vld [tilespmem:s31+$0xFFFFFF30];
	v6 =	vadd.f32 v30, v6;
	v7 =	vadd.f32 v31, v7  }
0x56: {  	v46 =	vld [tilespmem:s31+$0xFFFFFF40];
	v0 =	vadd.f32 v32, v0;
	v1 =	vadd.f32 v33, v1  }
0x57: {  	v47 =	vld [tilespmem:s31+$0xFFFFFF50];
	v2 =	vadd.f32 v34, v2;
	v3 =	vadd.f32 v35, v3  }
0x58: {  	v48 =	vld [tilespmem:s31+$0xFFFFFF60];
	v4 =	vadd.f32 v36, v4;
	v5 =	vadd.f32 v37, v5  }
0x59: {  	v49 =	vld [tilespmem:s31+$0xFFFFFF70];
	v6 =	vadd.f32 v38, v6;
	v7 =	vadd.f32 v39, v7  }
0x5a: {  	v50 =	vld [tilespmem:s31+$0xFFFFFF80];
	v0 =	vadd.f32 v40, v0;
	v1 =	vadd.f32 v58, v1  }
0x5b: {  	v51 =	vld [tilespmem:s31+$0xFFFFFF90];
	v2 =	vadd.f32 v59, v2;
	v3 =	vadd.f32 v60, v3  }
0x5c: {  	v52 =	vld [tilespmem:s31+$0xFFFFFFA0];
	v4 =	vadd.f32 v61, v4;
	v5 =	vadd.f32 v62, v5  }
0x5d: {  	v53 =	vld [tilespmem:s31+$0xFFFFFFB0];
	v6 =	vadd.f32 v63, v6;
	v0 =	vadd.f32 v42, v0  }
0x5e: {  	v54 =	vld [tilespmem:s31+$0xFFFFFFC0];
	v7 =	vadd.f32 v41, v7;
	v1 =	vadd.f32 v43, v1  }
0x5f: {  	v55 =	vld [tilespmem:s31+$0xFFFFFFD0];
	v2 =	vadd.f32 v44, v2;
	v0 =	vadd.f32 v50, v0  }
0x60: {  	v56 =	vld [tilespmem:s31+$0xFFFFFFE0];
	s0 =	sshra.s32 s30, $0x2;
	v3 =	vadd.f32 v45, v3;
	v1 =	vadd.f32 v51, v1  }
0x61: {  	v57 =	vld [tilespmem:s31+$0xFFFFFFF0];
	v4 =	vadd.f32 v46, v4;
	v2 =	vadd.f32 v52, v2;
	[tilespmem:s0+$0x12000] =	vst v0  }
0x62: {  	v58 =	vadd.f32 v47, v5;
	v3 =	vadd.f32 v53, v3;
	[tilespmem:s0+$0x12010] =	vst v1  }
0x63: {  	v59 =	vadd.f32 v48, v6;
	v4 =	vadd.f32 v54, v4;
	[tilespmem:s0+$0x12020] =	vst v2  }
0x64: {  	v60 =	vadd.f32 v49, v7;
	v0 =	vadd.f32 v55, v58;
	[tilespmem:s0+$0x12030] =	vst v3  }
0x65: {  	v1 =	vadd.f32 v56, v59;
	[tilespmem:s0+$0x12040] =	vst v4  }
0x66: {  	v2 =	vadd.f32 v57, v60;
	[tilespmem:s0+$0x12050] =	vst v0  }
0x67: {  	[tilespmem:s0+$0x12060] =	vst v1  }
0x68: {  	[tilespmem:s0+$0x12070] =	vst v2  }
0x69: {  	v0 =	vld [tilespmem:s31+$0x0]  }
0x6a: {  	v1 =	vld [tilespmem:s31+$0x10]  }
0x6b: {  	v2 =	vld [tilespmem:s31+$0x20]  }
0x6c: {  	v3 =	vld [tilespmem:s31+$0x30]  }
0x6d: {  	v4 =	vld [tilespmem:s31+$0x40]  }
0x6e: {  	v5 =	vld [tilespmem:s31+$0x50]  }
0x6f: {  	v6 =	vld [tilespmem:s31+$0x60]  }
0x70: {  	v7 =	vld [tilespmem:s31+$0x70]  }
0x71: {  	v8 =	vld [tilespmem:s31+$0x80]  }
0x72: {  	v61 =	vld [tilespmem:s31+$0x90]  }
0x73: {  	v10 =	vld [tilespmem:s31+$0xA0]  }
0x74: {  	v62 =	vld [tilespmem:s31+$0xB0]  }
0x75: {  	v12 =	vld [tilespmem:s31+$0xC0]  }
0x76: {  	v63 =	vld [tilespmem:s31+$0xD0]  }
0x77: {  	v14 =	vld [tilespmem:s31+$0xE0]  }
0x78: {  	v15 =	vld [tilespmem:s31+$0xF0]  }
0x79: {  	v16 =	vld [tilespmem:s31+$0x100]  }
0x7a: {  	v17 =	vld [tilespmem:s31+$0x110]  }
0x7b: {  	v18 =	vld [tilespmem:s31+$0x120]  }
0x7c: {  	v19 =	vld [tilespmem:s31+$0x130]  }
0x7d: {  	v20 =	vld [tilespmem:s31+$0x140]  }
0x7e: {  	v44 =	vld [tilespmem:s31+$0x150]  }
0x7f: {  	v22 =	vld [tilespmem:s31+$0x160]  }
0x80: {  	v45 =	vld [tilespmem:s31+$0x170]  }
0x81: {  	v24 =	vld [tilespmem:s31+$0x180]  }
0x82: {  	v46 =	vld [tilespmem:s31+$0x190]  }
0x83: {  	v26 =	vld [tilespmem:s31+$0x1A0]  }
0x84: {  	v47 =	vld [tilespmem:s31+$0x1B0]  }
0x85: {  	v48 =	vld [tilespmem:s31+$0x1C0]  }
0x86: {  	v49 =	vld [tilespmem:s31+$0x1D0]  }
0x87: {  	v50 =	vld [tilespmem:s31+$0x1E0]  }
0x88: {  	v51 =	vld [tilespmem:s31+$0x1F0]  }
0x89: {  	v52 =	vld [tilespmem:s31+$0x200]  }
0x8a: {  	v53 =	vld [tilespmem:s31+$0x210]  }
0x8b: {  	v54 =	vld [tilespmem:s31+$0x220]  }
0x8c: {  	v55 =	vld [tilespmem:s31+$0x230]  }
0x8d: {  	v56 =	vld [tilespmem:s31+$0x240]  }
0x8e: {  	v57 =	vld [tilespmem:s31+$0x250]  }
0x8f: {  	v58 =	vld [tilespmem:s31+$0x260]  }
0x90: {  	v59 =	vld [tilespmem:s31+$0x270]  }
0x91: {  	v60 =	vld [tilespmem:s31+$0x280];
	v0 =	vadd.f32 v8, v0;
	v1 =	vadd.f32 v61, v1  }
0x92: {  	v41 =	vld [tilespmem:s31+$0x2C0];
	v2 =	vadd.f32 v10, v2;
	v3 =	vadd.f32 v62, v3  }
0x93: {  	v42 =	vld [tilespmem:s31+$0x2D0];
	v4 =	vadd.f32 v12, v4;
	v5 =	vadd.f32 v63, v5  }
0x94: {  	v43 =	vld [tilespmem:s31+$0x2E0];
	v6 =	vadd.f32 v14, v6;
	v7 =	vadd.f32 v15, v7  }
0x95: {  	v61 =	vld [tilespmem:s31+$0x290];
	v0 =	vadd.f32 v16, v0;
	v1 =	vadd.f32 v17, v1  }
0x96: {  	v62 =	vld [tilespmem:s31+$0x2A0];
	v2 =	vadd.f32 v18, v2;
	v3 =	vadd.f32 v19, v3  }
0x97: {  	v63 =	vld [tilespmem:s31+$0x2B0];
	v4 =	vadd.f32 v20, v4;
	v5 =	vadd.f32 v44, v5  }
0x98: {  	v44 =	vld [tilespmem:s31+$0x2F0];
	v6 =	vadd.f32 v22, v6;
	v7 =	vadd.f32 v45, v7  }
0x99: {  	v45 =	vld [tilespmem:s31+$0x300];
	v0 =	vadd.f32 v24, v0;
	v1 =	vadd.f32 v46, v1  }
0x9a: {  	v46 =	vld [tilespmem:s31+$0x310];
	v2 =	vadd.f32 v26, v2;
	v3 =	vadd.f32 v47, v3  }
0x9b: {  	v47 =	vld [tilespmem:s31+$0x320];
	v4 =	vadd.f32 v48, v4;
	v5 =	vadd.f32 v49, v5  }
0x9c: {  	v48 =	vld [tilespmem:s31+$0x330];
	v6 =	vadd.f32 v50, v6;
	v7 =	vadd.f32 v51, v7  }
0x9d: {  	v49 =	vld [tilespmem:s31+$0x340];
	v0 =	vadd.f32 v52, v0;
	v1 =	vadd.f32 v53, v1  }
0x9e: {  	v50 =	vld [tilespmem:s31+$0x350];
	v2 =	vadd.f32 v54, v2;
	v3 =	vadd.f32 v55, v3  }
0x9f: {  	v51 =	vld [tilespmem:s31+$0x360];
	v4 =	vadd.f32 v56, v4;
	v5 =	vadd.f32 v57, v5  }
0xa0: {  	v52 =	vld [tilespmem:s31+$0x370];
	v6 =	vadd.f32 v58, v6;
	v7 =	vadd.f32 v59, v7  }
0xa1: {  	v53 =	vld [tilespmem:s31+$0x380];
	v0 =	vadd.f32 v60, v0;
	v1 =	vadd.f32 v61, v1  }
0xa2: {  	v54 =	vld [tilespmem:s31+$0x390];
	v2 =	vadd.f32 v62, v2;
	v3 =	vadd.f32 v63, v3  }
0xa3: {  	v55 =	vld [tilespmem:s31+$0x3A0];
	v4 =	vadd.f32 v41, v4;
	v5 =	vadd.f32 v42, v5  }
0xa4: {  	v56 =	vld [tilespmem:s31+$0x3B0];
	v6 =	vadd.f32 v43, v6;
	v0 =	vadd.f32 v45, v0  }
0xa5: {  	v57 =	vld [tilespmem:s31+$0x3C0];
	v7 =	vadd.f32 v44, v7;
	v1 =	vadd.f32 v46, v1  }
0xa6: {  	v58 =	vld [tilespmem:s31+$0x3D0];
	v2 =	vadd.f32 v47, v2;
	v0 =	vadd.f32 v53, v0  }
0xa7: {  	v59 =	vld [tilespmem:s31+$0x3E0];
	v3 =	vadd.f32 v48, v3;
	v1 =	vadd.f32 v54, v1  }
0xa8: {  	v60 =	vld [tilespmem:s31+$0x3F0];
	v4 =	vadd.f32 v49, v4;
	v2 =	vadd.f32 v55, v2;
	[tilespmem:s0+$0x12080] =	vst v0  }
0xa9: {  	v61 =	vadd.f32 v50, v5;
	v3 =	vadd.f32 v56, v3;
	[tilespmem:s0+$0x12090] =	vst v1  }
0xaa: {  	p0 =	sne.s32 s30, $0x1C00;
	v62 =	vadd.f32 v51, v6;
	v4 =	vadd.f32 v57, v4;
	[tilespmem:s0+$0x120A0] =	vst v2  }
.Ltmp0:
0xab: {  	v63 =	vadd.f32 v52, v7;
	v0 =	vadd.f32 v58, v61;
	[tilespmem:s0+$0x120B0] =	vst v3;
	(pc) =	sbr.rel @p0 .LBB2_3-.Ltmp0, $4  }
0xac: {  	v1 =	vadd.f32 v59, v62;
	[tilespmem:s0+$0x120C0] =	vst v4  }
0xad: {  	v2 =	vadd.f32 v60, v63;
	[tilespmem:s0+$0x120D0] =	vst v0  }
0xae: {  	[tilespmem:s0+$0x120E0] =	vst v1  }
0xaf: {  	s30 =	sadd.s32 $0x400, s30;
	s31 =	sadd.s32 $0x800, s31;
	[tilespmem:s0+$0x120F0] =	vst v2  }
0xb0: {  	p0 =	seq.s32 s28, $0xF  }
0xb1: {  	s29 =	sshrl.u32 @!p0 s29, $0x2  }
0xb2: {  	s3 =	simm.s32 @!p0 $0x80;
	s30 =	simm.s32 @!p0 $0x2000;
	s0 =	sadd.s32 @!p0 $0x200, s29  }
0xb3: {  	[tilespmem:s30], [sflag:$0x1] =	stream.indirect.gather @!p0 [hbm4b:s1+s3], $0x80, s0, s3, $0xb8;
	[tilespmem:$0x13000] =	vst v63  }
0xb4: {  	s3 =	sshll.u32 s28, $0xA  }
0xb5: {  	s0 =	sadd.s32 s3, s7  }
0xb6: {  	[hbm4b:s0+s2] =	stream.linear.scatter [tilespmem:s19], [sflag:$0x5], $0x800, $0x38;
	[tilespmem:$0x13000] =	vst v63  }
0xb7: {  	_ =	swait.ge [sflag:s20], $0x4000  }
0xb8: {  	[sflag:s20] =	ssyncset.done $0x0  }
0xb9: {  	s0 =	simm.s32 @!p1 $0x6;
	[sflag:s20] =	ssyncadd.s32 $0xFFFFC000  }
0xba: {  	_ =	swait.ge @!p1 [sflag:s0], $0x800  }
0xbb: {  	[sflag:s0] =	ssyncset.done @!p1 $0x0  }
0xbc: {  	s31 =	simm.s32 $0x128F0;
	s30 =	simm.s32 $0x0;
	[sflag:s0] =	ssyncadd.s32 @!p1 $0xFFFFF800  }
.LBB2_5:
0xbd: {  	s0 =	sshra.s32 s30, $0x2  }
0xbe: {  	v0 =	vld [tilespmem:s0+$0x6000]  }
0xbf: {  	v1 =	vld [tilespmem:s0+$0x6010]  }
0xc0: {  	v2 =	vld [tilespmem:s0+$0x6020]  }
0xc1: {  	v3 =	vld [tilespmem:s0+$0x6030]  }
0xc2: {  	v4 =	vld [tilespmem:s0+$0x6040]  }
0xc3: {  	v5 =	vld [tilespmem:s0+$0x6050]  }
0xc4: {  	v6 =	vld [tilespmem:s0+$0x6060]  }
0xc5: {  	v7 =	vld [tilespmem:s0+$0x6070]  }
0xc6: {  	v8 =	vld [tilespmem:s0+$0x6080]  }
0xc7: {  	v9 =	vld [tilespmem:s0+$0x6090]  }
0xc8: {  	v10 =	vld [tilespmem:s0+$0x60A0]  }
0xc9: {  	v11 =	vld [tilespmem:s0+$0x60B0]  }
0xca: {  	v12 =	vld [tilespmem:s0+$0x60C0]  }
0xcb: {  	v13 =	vld [tilespmem:s0+$0x60D0]  }
0xcc: {  	v14 =	vld [tilespmem:s0+$0x60E0]  }
0xcd: {  	v15 =	vld [tilespmem:s0+$0x60F0]  }
0xce: {  	v16 =	vld [tilespmem:s0+$0x6100]  }
0xcf: {  	v17 =	vld [tilespmem:s0+$0x6110]  }
0xd0: {  	v18 =	vld [tilespmem:s0+$0x6120]  }
0xd1: {  	v19 =	vld [tilespmem:s0+$0x6130]  }
0xd2: {  	v20 =	vld [tilespmem:s0+$0x6140]  }
0xd3: {  	v21 =	vld [tilespmem:s0+$0x6150]  }
0xd4: {  	v22 =	vld [tilespmem:s0+$0x6160]  }
0xd5: {  	v23 =	vld [tilespmem:s0+$0x6170]  }
0xd6: {  	v24 =	vld [tilespmem:s0+$0x6180]  }
0xd7: {  	v25 =	vld [tilespmem:s0+$0x6190]  }
0xd8: {  	v26 =	vld [tilespmem:s0+$0x61A0]  }
0xd9: {  	v27 =	vld [tilespmem:s0+$0x61B0]  }
0xda: {  	v28 =	vld [tilespmem:s0+$0x61C0]  }
0xdb: {  	v29 =	vld [tilespmem:s0+$0x61D0]  }
0xdc: {  	v30 =	vld [tilespmem:s0+$0x61E0]  }
0xdd: {  	v31 =	vld [tilespmem:s0+$0x61F0]  }
0xde: {  	v32 =	vld [tilespmem:s0+$0x6200]  }
0xdf: {  	v33 =	vld [tilespmem:s0+$0x6210]  }
0xe0: {  	v34 =	vld [tilespmem:s0+$0x6220]  }
0xe1: {  	v35 =	vld [tilespmem:s0+$0x6230]  }
0xe2: {  	v36 =	vld [tilespmem:s0+$0x6240]  }
0xe3: {  	v37 =	vld [tilespmem:s0+$0x6250]  }
0xe4: {  	v38 =	vld [tilespmem:s0+$0x6260]  }
0xe5: {  	v39 =	vld [tilespmem:s0+$0x6270]  }
0xe6: {  	v40 =	vld [tilespmem:s0+$0x6280];
	v0 =	vadd.f32 v8, v0;
	v1 =	vadd.f32 v9, v1  }
0xe7: {  	v58 =	vld [tilespmem:s0+$0x6290];
	v2 =	vadd.f32 v10, v2;
	v3 =	vadd.f32 v11, v3  }
0xe8: {  	v59 =	vld [tilespmem:s0+$0x62A0];
	v4 =	vadd.f32 v12, v4;
	v5 =	vadd.f32 v13, v5  }
0xe9: {  	v60 =	vld [tilespmem:s0+$0x62B0];
	v6 =	vadd.f32 v14, v6;
	v7 =	vadd.f32 v15, v7  }
0xea: {  	v61 =	vld [tilespmem:s0+$0x62C0];
	v0 =	vadd.f32 v16, v0;
	v1 =	vadd.f32 v17, v1  }
0xeb: {  	v62 =	vld [tilespmem:s0+$0x62D0];
	v2 =	vadd.f32 v18, v2;
	v3 =	vadd.f32 v19, v3  }
0xec: {  	v63 =	vld [tilespmem:s0+$0x62E0];
	v4 =	vadd.f32 v20, v4;
	v5 =	vadd.f32 v21, v5  }
0xed: {  	v41 =	vld [tilespmem:s0+$0x62F0];
	v6 =	vadd.f32 v22, v6;
	v7 =	vadd.f32 v23, v7  }
0xee: {  	v42 =	vld [tilespmem:s0+$0x6300];
	v0 =	vadd.f32 v24, v0;
	v1 =	vadd.f32 v25, v1  }
0xef: {  	v43 =	vld [tilespmem:s0+$0x6310];
	v2 =	vadd.f32 v26, v2;
	v3 =	vadd.f32 v27, v3  }
0xf0: {  	v44 =	vld [tilespmem:s0+$0x6320];
	v4 =	vadd.f32 v28, v4;
	v5 =	vadd.f32 v29, v5  }
0xf1: {  	v45 =	vld [tilespmem:s0+$0x6330];
	v6 =	vadd.f32 v30, v6;
	v7 =	vadd.f32 v31, v7  }
0xf2: {  	v46 =	vld [tilespmem:s0+$0x6340];
	v0 =	vadd.f32 v32, v0;
	v1 =	vadd.f32 v33, v1  }
0xf3: {  	v47 =	vld [tilespmem:s0+$0x6350];
	v2 =	vadd.f32 v34, v2;
	v3 =	vadd.f32 v35, v3  }
0xf4: {  	v48 =	vld [tilespmem:s0+$0x6360];
	v4 =	vadd.f32 v36, v4;
	v5 =	vadd.f32 v37, v5  }
0xf5: {  	v49 =	vld [tilespmem:s0+$0x6370];
	v6 =	vadd.f32 v38, v6;
	v7 =	vadd.f32 v39, v7  }
0xf6: {  	v50 =	vld [tilespmem:s0+$0x6380];
	v0 =	vadd.f32 v40, v0;
	v1 =	vadd.f32 v58, v1  }
0xf7: {  	v51 =	vld [tilespmem:s0+$0x6390];
	v2 =	vadd.f32 v59, v2;
	v3 =	vadd.f32 v60, v3  }
0xf8: {  	v52 =	vld [tilespmem:s0+$0x63A0];
	v4 =	vadd.f32 v61, v4;
	v5 =	vadd.f32 v62, v5  }
0xf9: {  	v53 =	vld [tilespmem:s0+$0x63B0];
	v6 =	vadd.f32 v63, v6;
	v0 =	vadd.f32 v42, v0  }
0xfa: {  	v54 =	vld [tilespmem:s0+$0x63C0];
	v7 =	vadd.f32 v41, v7;
	v1 =	vadd.f32 v43, v1  }
0xfb: {  	v55 =	vld [tilespmem:s0+$0x63D0];
	v2 =	vadd.f32 v44, v2;
	v0 =	vadd.f32 v50, v0  }
0xfc: {  	v56 =	vld [tilespmem:s0+$0x63E0];
	v3 =	vadd.f32 v45, v3;
	v1 =	vadd.f32 v51, v1  }
0xfd: {  	v57 =	vld [tilespmem:s0+$0x63F0];
	v4 =	vadd.f32 v46, v4;
	v2 =	vadd.f32 v52, v2;
	[tilespmem:s31+$0xFFFFFF10] =	vst v0  }
0xfe: {  	v58 =	vadd.f32 v47, v5;
	v3 =	vadd.f32 v53, v3;
	[tilespmem:s31+$0xFFFFFF20] =	vst v1  }
0xff: {  	v59 =	vadd.f32 v48, v6;
	v4 =	vadd.f32 v54, v4;
	[tilespmem:s31+$0xFFFFFF30] =	vst v2  }
0x100: {  	v60 =	vadd.f32 v49, v7;
	v0 =	vadd.f32 v55, v58;
	[tilespmem:s31+$0xFFFFFF40] =	vst v3  }
0x101: {  	v1 =	vadd.f32 v56, v59;
	[tilespmem:s31+$0xFFFFFF50] =	vst v4  }
0x102: {  	v2 =	vadd.f32 v57, v60;
	[tilespmem:s31+$0xFFFFFF60] =	vst v0  }
0x103: {  	[tilespmem:s31+$0xFFFFFF70] =	vst v1  }
0x104: {  	[tilespmem:s31+$0xFFFFFF80] =	vst v2  }
0x105: {  	v0 =	vld [tilespmem:s0+$0x6400]  }
0x106: {  	v1 =	vld [tilespmem:s0+$0x6410]  }
0x107: {  	v2 =	vld [tilespmem:s0+$0x6420]  }
0x108: {  	v3 =	vld [tilespmem:s0+$0x6430]  }
0x109: {  	v4 =	vld [tilespmem:s0+$0x6440]  }
0x10a: {  	v5 =	vld [tilespmem:s0+$0x6450]  }
0x10b: {  	v6 =	vld [tilespmem:s0+$0x6460]  }
0x10c: {  	v7 =	vld [tilespmem:s0+$0x6470]  }
0x10d: {  	v8 =	vld [tilespmem:s0+$0x6480]  }
0x10e: {  	v61 =	vld [tilespmem:s0+$0x6490]  }
0x10f: {  	v10 =	vld [tilespmem:s0+$0x64A0]  }
0x110: {  	v62 =	vld [tilespmem:s0+$0x64B0]  }
0x111: {  	v12 =	vld [tilespmem:s0+$0x64C0]  }
0x112: {  	v63 =	vld [tilespmem:s0+$0x64D0]  }
0x113: {  	v14 =	vld [tilespmem:s0+$0x64E0]  }
0x114: {  	v15 =	vld [tilespmem:s0+$0x64F0]  }
0x115: {  	v16 =	vld [tilespmem:s0+$0x6500]  }
0x116: {  	v17 =	vld [tilespmem:s0+$0x6510]  }
0x117: {  	v18 =	vld [tilespmem:s0+$0x6520]  }
0x118: {  	v19 =	vld [tilespmem:s0+$0x6530]  }
0x119: {  	v20 =	vld [tilespmem:s0+$0x6540]  }
0x11a: {  	v44 =	vld [tilespmem:s0+$0x6550]  }
0x11b: {  	v22 =	vld [tilespmem:s0+$0x6560]  }
0x11c: {  	v45 =	vld [tilespmem:s0+$0x6570]  }
0x11d: {  	v24 =	vld [tilespmem:s0+$0x6580]  }
0x11e: {  	v46 =	vld [tilespmem:s0+$0x6590]  }
0x11f: {  	v26 =	vld [tilespmem:s0+$0x65A0]  }
0x120: {  	v47 =	vld [tilespmem:s0+$0x65B0]  }
0x121: {  	v48 =	vld [tilespmem:s0+$0x65C0]  }
0x122: {  	v49 =	vld [tilespmem:s0+$0x65D0]  }
0x123: {  	v50 =	vld [tilespmem:s0+$0x65E0]  }
0x124: {  	v51 =	vld [tilespmem:s0+$0x65F0]  }
0x125: {  	v52 =	vld [tilespmem:s0+$0x6600]  }
0x126: {  	v53 =	vld [tilespmem:s0+$0x6610]  }
0x127: {  	v54 =	vld [tilespmem:s0+$0x6620]  }
0x128: {  	v55 =	vld [tilespmem:s0+$0x6630]  }
0x129: {  	v56 =	vld [tilespmem:s0+$0x6640]  }
0x12a: {  	v57 =	vld [tilespmem:s0+$0x6650]  }
0x12b: {  	v58 =	vld [tilespmem:s0+$0x6660]  }
0x12c: {  	v59 =	vld [tilespmem:s0+$0x6670]  }
0x12d: {  	v60 =	vld [tilespmem:s0+$0x6680];
	v0 =	vadd.f32 v8, v0;
	v1 =	vadd.f32 v61, v1  }
0x12e: {  	v41 =	vld [tilespmem:s0+$0x66C0];
	v2 =	vadd.f32 v10, v2;
	v3 =	vadd.f32 v62, v3  }
0x12f: {  	v42 =	vld [tilespmem:s0+$0x66D0];
	v4 =	vadd.f32 v12, v4;
	v5 =	vadd.f32 v63, v5  }
0x130: {  	v43 =	vld [tilespmem:s0+$0x66E0];
	v6 =	vadd.f32 v14, v6;
	v7 =	vadd.f32 v15, v7  }
0x131: {  	v61 =	vld [tilespmem:s0+$0x6690];
	v0 =	vadd.f32 v16, v0;
	v1 =	vadd.f32 v17, v1  }
0x132: {  	v62 =	vld [tilespmem:s0+$0x66A0];
	v2 =	vadd.f32 v18, v2;
	v3 =	vadd.f32 v19, v3  }
0x133: {  	v63 =	vld [tilespmem:s0+$0x66B0];
	v4 =	vadd.f32 v20, v4;
	v5 =	vadd.f32 v44, v5  }
0x134: {  	v44 =	vld [tilespmem:s0+$0x66F0];
	v6 =	vadd.f32 v22, v6;
	v7 =	vadd.f32 v45, v7  }
0x135: {  	v45 =	vld [tilespmem:s0+$0x6700];
	v0 =	vadd.f32 v24, v0;
	v1 =	vadd.f32 v46, v1  }
0x136: {  	v46 =	vld [tilespmem:s0+$0x6710];
	v2 =	vadd.f32 v26, v2;
	v3 =	vadd.f32 v47, v3  }
0x137: {  	v47 =	vld [tilespmem:s0+$0x6720];
	v4 =	vadd.f32 v48, v4;
	v5 =	vadd.f32 v49, v5  }
0x138: {  	v48 =	vld [tilespmem:s0+$0x6730];
	v6 =	vadd.f32 v50, v6;
	v7 =	vadd.f32 v51, v7  }
0x139: {  	v49 =	vld [tilespmem:s0+$0x6740];
	v0 =	vadd.f32 v52, v0;
	v1 =	vadd.f32 v53, v1  }
0x13a: {  	v50 =	vld [tilespmem:s0+$0x6750];
	v2 =	vadd.f32 v54, v2;
	v3 =	vadd.f32 v55, v3  }
0x13b: {  	v51 =	vld [tilespmem:s0+$0x6760];
	v4 =	vadd.f32 v56, v4;
	v5 =	vadd.f32 v57, v5  }
0x13c: {  	v52 =	vld [tilespmem:s0+$0x6770];
	v6 =	vadd.f32 v58, v6;
	v7 =	vadd.f32 v59, v7  }
0x13d: {  	v53 =	vld [tilespmem:s0+$0x6780];
	v0 =	vadd.f32 v60, v0;
	v1 =	vadd.f32 v61, v1  }
0x13e: {  	v54 =	vld [tilespmem:s0+$0x6790];
	v2 =	vadd.f32 v62, v2;
	v3 =	vadd.f32 v63, v3  }
0x13f: {  	v55 =	vld [tilespmem:s0+$0x67A0];
	v4 =	vadd.f32 v41, v4;
	v5 =	vadd.f32 v42, v5  }
0x140: {  	v56 =	vld [tilespmem:s0+$0x67B0];
	v6 =	vadd.f32 v43, v6;
	v0 =	vadd.f32 v45, v0  }
0x141: {  	v57 =	vld [tilespmem:s0+$0x67C0];
	v7 =	vadd.f32 v44, v7;
	v1 =	vadd.f32 v46, v1  }
0x142: {  	v58 =	vld [tilespmem:s0+$0x67D0];
	v2 =	vadd.f32 v47, v2;
	v0 =	vadd.f32 v53, v0  }
0x143: {  	v59 =	vld [tilespmem:s0+$0x67E0];
	v3 =	vadd.f32 v48, v3;
	v1 =	vadd.f32 v54, v1  }
0x144: {  	v60 =	vld [tilespmem:s0+$0x67F0];
	v4 =	vadd.f32 v49, v4;
	v2 =	vadd.f32 v55, v2;
	[tilespmem:s31+$0xFFFFFF90] =	vst v0  }
0x145: {  	v61 =	vadd.f32 v50, v5;
	v3 =	vadd.f32 v56, v3;
	[tilespmem:s31+$0xFFFFFFA0] =	vst v1  }
0x146: {  	p1 =	sne.s32 s30, $0xE000;
	v62 =	vadd.f32 v51, v6;
	v4 =	vadd.f32 v57, v4;
	[tilespmem:s31+$0xFFFFFFB0] =	vst v2  }
.Ltmp1:
0x147: {  	v63 =	vadd.f32 v52, v7;
	v0 =	vadd.f32 v58, v61;
	[tilespmem:s31+$0xFFFFFFC0] =	vst v3;
	(pc) =	sbr.rel @p1 .LBB2_5-.Ltmp1, $4  }
0x148: {  	v1 =	vadd.f32 v59, v62;
	[tilespmem:s31+$0xFFFFFFD0] =	vst v4  }
0x149: {  	v2 =	vadd.f32 v60, v63;
	[tilespmem:s31+$0xFFFFFFE0] =	vst v0  }
0x14a: {  	[tilespmem:s31+$0xFFFFFFF0] =	vst v1  }
0x14b: {  	s30 =	sadd.s32 $0x2000, s30;
	[tilespmem:s31+$0x0] =	vst v2;
	s31 =	sadd.s32 $0x100, s31  }
0x14c: {  	s0 =	sadd.s32 @!p0 $0x280, s29;
	s3 =	simm.s32 @!p0 $0x80;
	s30 =	simm.s32 @!p0 $0x6000  }
0x14d: {  	[tilespmem:s30], [sflag:$0x2] =	stream.indirect.gather @!p0 [hbm4b:s1+s3], $0x80, s0, s3, $0xb8;
	[tilespmem:$0x13000] =	vst v63  }
0x14e: {  	s3 =	sshll.u32 s28, $0x6  }
0x14f: {  	s0 =	sadd.s32 s3, s5  }
0x150: {  	s0 =	sshll.u32 s0, $0x4  }
0x151: {  	s30 =	sadd.s32 s4, s0  }
0x152: {  	s31 =	simm.s32 $0x0;
	s0 =	sadd.s32 $0x100, s30  }
0x153: {  	[hbm4b:s0+s31] =	stream.linear.scatter [tilespmem:s21], [sflag:$0x6], $0x800, $0x38;
	[tilespmem:$0x13000] =	vst v63  }
0x154: {  	_ =	swait.ge [sflag:s22], $0x4000  }
0x155: {  	[sflag:s22] =	ssyncset.done $0x0  }
0x156: {  	[sflag:s22] =	ssyncadd.s32 $0xFFFFC000  }
0x157: {  	_ =	swait.ge [sflag:s23], $0x800  }
0x158: {  	[sflag:s23] =	ssyncset.done $0x0  }
0x159: {  	s0 =	simm.s32 $0x12080;
	[sflag:s23] =	ssyncadd.s32 $0xFFFFF800  }
.LBB2_7:
0x15a: {  	s3 =	sshra.s32 s31, $0x2  }
0x15b: {  	v0 =	vld [tilespmem:s3+$0xA000]  }
0x15c: {  	v1 =	vld [tilespmem:s3+$0xA010]  }
0x15d: {  	v2 =	vld [tilespmem:s3+$0xA020]  }
0x15e: {  	v3 =	vld [tilespmem:s3+$0xA030]  }
0x15f: {  	v4 =	vld [tilespmem:s3+$0xA040]  }
0x160: {  	v5 =	vld [tilespmem:s3+$0xA050]  }
0x161: {  	v6 =	vld [tilespmem:s3+$0xA060]  }
0x162: {  	v7 =	vld [tilespmem:s3+$0xA070]  }
0x163: {  	v8 =	vld [tilespmem:s3+$0xA080]  }
0x164: {  	v9 =	vld [tilespmem:s3+$0xA090]  }
0x165: {  	v10 =	vld [tilespmem:s3+$0xA0A0]  }
0x166: {  	v11 =	vld [tilespmem:s3+$0xA0B0]  }
0x167: {  	v12 =	vld [tilespmem:s3+$0xA0C0]  }
0x168: {  	v13 =	vld [tilespmem:s3+$0xA0D0]  }
0x169: {  	v14 =	vld [tilespmem:s3+$0xA0E0]  }
0x16a: {  	v15 =	vld [tilespmem:s3+$0xA0F0]  }
0x16b: {  	v16 =	vld [tilespmem:s3+$0xA100]  }
0x16c: {  	v17 =	vld [tilespmem:s3+$0xA110]  }
0x16d: {  	v18 =	vld [tilespmem:s3+$0xA120]  }
0x16e: {  	v19 =	vld [tilespmem:s3+$0xA130]  }
0x16f: {  	v20 =	vld [tilespmem:s3+$0xA140]  }
0x170: {  	v21 =	vld [tilespmem:s3+$0xA150]  }
0x171: {  	v22 =	vld [tilespmem:s3+$0xA160]  }
0x172: {  	v23 =	vld [tilespmem:s3+$0xA170]  }
0x173: {  	v24 =	vld [tilespmem:s3+$0xA180]  }
0x174: {  	v25 =	vld [tilespmem:s3+$0xA190]  }
0x175: {  	v26 =	vld [tilespmem:s3+$0xA1A0]  }
0x176: {  	v27 =	vld [tilespmem:s3+$0xA1B0]  }
0x177: {  	v28 =	vld [tilespmem:s3+$0xA1C0]  }
0x178: {  	v29 =	vld [tilespmem:s3+$0xA1D0]  }
0x179: {  	v30 =	vld [tilespmem:s3+$0xA1E0]  }
0x17a: {  	v31 =	vld [tilespmem:s3+$0xA1F0]  }
0x17b: {  	v32 =	vld [tilespmem:s3+$0xA200]  }
0x17c: {  	v33 =	vld [tilespmem:s3+$0xA210]  }
0x17d: {  	v34 =	vld [tilespmem:s3+$0xA220]  }
0x17e: {  	v35 =	vld [tilespmem:s3+$0xA230]  }
0x17f: {  	v36 =	vld [tilespmem:s3+$0xA240]  }
0x180: {  	v37 =	vld [tilespmem:s3+$0xA250]  }
0x181: {  	v38 =	vld [tilespmem:s3+$0xA260]  }
0x182: {  	v39 =	vld [tilespmem:s3+$0xA270]  }
0x183: {  	v40 =	vld [tilespmem:s3+$0xA280];
	v0 =	vadd.f32 v8, v0;
	v1 =	vadd.f32 v9, v1  }
0x184: {  	v58 =	vld [tilespmem:s3+$0xA290];
	v2 =	vadd.f32 v10, v2;
	v3 =	vadd.f32 v11, v3  }
0x185: {  	v59 =	vld [tilespmem:s3+$0xA2A0];
	v4 =	vadd.f32 v12, v4;
	v5 =	vadd.f32 v13, v5  }
0x186: {  	v60 =	vld [tilespmem:s3+$0xA2B0];
	v6 =	vadd.f32 v14, v6;
	v7 =	vadd.f32 v15, v7  }
0x187: {  	v61 =	vld [tilespmem:s3+$0xA2C0];
	v0 =	vadd.f32 v16, v0;
	v1 =	vadd.f32 v17, v1  }
0x188: {  	v62 =	vld [tilespmem:s3+$0xA2D0];
	v2 =	vadd.f32 v18, v2;
	v3 =	vadd.f32 v19, v3  }
0x189: {  	v63 =	vld [tilespmem:s3+$0xA2E0];
	v4 =	vadd.f32 v20, v4;
	v5 =	vadd.f32 v21, v5  }
0x18a: {  	v41 =	vld [tilespmem:s3+$0xA2F0];
	v6 =	vadd.f32 v22, v6;
	v7 =	vadd.f32 v23, v7  }
0x18b: {  	v42 =	vld [tilespmem:s3+$0xA300];
	v0 =	vadd.f32 v24, v0;
	v1 =	vadd.f32 v25, v1  }
0x18c: {  	v43 =	vld [tilespmem:s3+$0xA310];
	v2 =	vadd.f32 v26, v2;
	v3 =	vadd.f32 v27, v3  }
0x18d: {  	v44 =	vld [tilespmem:s3+$0xA320];
	v4 =	vadd.f32 v28, v4;
	v5 =	vadd.f32 v29, v5  }
0x18e: {  	v45 =	vld [tilespmem:s3+$0xA330];
	v6 =	vadd.f32 v30, v6;
	v7 =	vadd.f32 v31, v7  }
0x18f: {  	v46 =	vld [tilespmem:s3+$0xA340];
	v0 =	vadd.f32 v32, v0;
	v1 =	vadd.f32 v33, v1  }
0x190: {  	v47 =	vld [tilespmem:s3+$0xA350];
	v2 =	vadd.f32 v34, v2;
	v3 =	vadd.f32 v35, v3  }
0x191: {  	v48 =	vld [tilespmem:s3+$0xA360];
	v4 =	vadd.f32 v36, v4;
	v5 =	vadd.f32 v37, v5  }
0x192: {  	v49 =	vld [tilespmem:s3+$0xA370];
	v6 =	vadd.f32 v38, v6;
	v7 =	vadd.f32 v39, v7  }
0x193: {  	v50 =	vld [tilespmem:s3+$0xA380];
	v0 =	vadd.f32 v40, v0;
	v1 =	vadd.f32 v58, v1  }
0x194: {  	v51 =	vld [tilespmem:s3+$0xA390];
	v2 =	vadd.f32 v59, v2;
	v3 =	vadd.f32 v60, v3  }
0x195: {  	v52 =	vld [tilespmem:s3+$0xA3A0];
	v4 =	vadd.f32 v61, v4;
	v5 =	vadd.f32 v62, v5  }
0x196: {  	v53 =	vld [tilespmem:s3+$0xA3B0];
	v6 =	vadd.f32 v63, v6;
	v0 =	vadd.f32 v42, v0  }
0x197: {  	v54 =	vld [tilespmem:s3+$0xA3C0];
	v7 =	vadd.f32 v41, v7;
	v1 =	vadd.f32 v43, v1  }
0x198: {  	v55 =	vld [tilespmem:s3+$0xA3D0];
	v2 =	vadd.f32 v44, v2;
	v0 =	vadd.f32 v50, v0  }
0x199: {  	v56 =	vld [tilespmem:s3+$0xA3E0];
	v3 =	vadd.f32 v45, v3;
	v1 =	vadd.f32 v51, v1  }
0x19a: {  	v57 =	vld [tilespmem:s3+$0xA3F0];
	v4 =	vadd.f32 v46, v4;
	v2 =	vadd.f32 v52, v2;
	[tilespmem:s0+$0xFFFFFF80] =	vst v0  }
0x19b: {  	v58 =	vadd.f32 v47, v5;
	v3 =	vadd.f32 v53, v3;
	[tilespmem:s0+$0xFFFFFF90] =	vst v1  }
0x19c: {  	v59 =	vadd.f32 v48, v6;
	v4 =	vadd.f32 v54, v4;
	[tilespmem:s0+$0xFFFFFFA0] =	vst v2  }
0x19d: {  	v60 =	vadd.f32 v49, v7;
	v0 =	vadd.f32 v55, v58;
	[tilespmem:s0+$0xFFFFFFB0] =	vst v3  }
0x19e: {  	v1 =	vadd.f32 v56, v59;
	[tilespmem:s0+$0xFFFFFFC0] =	vst v4  }
0x19f: {  	v2 =	vadd.f32 v57, v60;
	[tilespmem:s0+$0xFFFFFFD0] =	vst v0  }
0x1a0: {  	[tilespmem:s0+$0xFFFFFFE0] =	vst v1  }
0x1a1: {  	[tilespmem:s0+$0xFFFFFFF0] =	vst v2  }
0x1a2: {  	v0 =	vld [tilespmem:s3+$0xA400]  }
0x1a3: {  	v1 =	vld [tilespmem:s3+$0xA410]  }
0x1a4: {  	v2 =	vld [tilespmem:s3+$0xA420]  }
0x1a5: {  	v3 =	vld [tilespmem:s3+$0xA430]  }
0x1a6: {  	v4 =	vld [tilespmem:s3+$0xA440]  }
0x1a7: {  	v5 =	vld [tilespmem:s3+$0xA450]  }
0x1a8: {  	v6 =	vld [tilespmem:s3+$0xA460]  }
0x1a9: {  	v7 =	vld [tilespmem:s3+$0xA470]  }
0x1aa: {  	v8 =	vld [tilespmem:s3+$0xA480]  }
0x1ab: {  	v61 =	vld [tilespmem:s3+$0xA490]  }
0x1ac: {  	v10 =	vld [tilespmem:s3+$0xA4A0]  }
0x1ad: {  	v62 =	vld [tilespmem:s3+$0xA4B0]  }
0x1ae: {  	v12 =	vld [tilespmem:s3+$0xA4C0]  }
0x1af: {  	v63 =	vld [tilespmem:s3+$0xA4D0]  }
0x1b0: {  	v14 =	vld [tilespmem:s3+$0xA4E0]  }
0x1b1: {  	v15 =	vld [tilespmem:s3+$0xA4F0]  }
0x1b2: {  	v16 =	vld [tilespmem:s3+$0xA500]  }
0x1b3: {  	v17 =	vld [tilespmem:s3+$0xA510]  }
0x1b4: {  	v18 =	vld [tilespmem:s3+$0xA520]  }
0x1b5: {  	v19 =	vld [tilespmem:s3+$0xA530]  }
0x1b6: {  	v20 =	vld [tilespmem:s3+$0xA540]  }
0x1b7: {  	v44 =	vld [tilespmem:s3+$0xA550]  }
0x1b8: {  	v22 =	vld [tilespmem:s3+$0xA560]  }
0x1b9: {  	v45 =	vld [tilespmem:s3+$0xA570]  }
0x1ba: {  	v24 =	vld [tilespmem:s3+$0xA580]  }
0x1bb: {  	v46 =	vld [tilespmem:s3+$0xA590]  }
0x1bc: {  	v26 =	vld [tilespmem:s3+$0xA5A0]  }
0x1bd: {  	v47 =	vld [tilespmem:s3+$0xA5B0]  }
0x1be: {  	v48 =	vld [tilespmem:s3+$0xA5C0]  }
0x1bf: {  	v49 =	vld [tilespmem:s3+$0xA5D0]  }
0x1c0: {  	v50 =	vld [tilespmem:s3+$0xA5E0]  }
0x1c1: {  	v51 =	vld [tilespmem:s3+$0xA5F0]  }
0x1c2: {  	v52 =	vld [tilespmem:s3+$0xA600]  }
0x1c3: {  	v53 =	vld [tilespmem:s3+$0xA610]  }
0x1c4: {  	v54 =	vld [tilespmem:s3+$0xA620]  }
0x1c5: {  	v55 =	vld [tilespmem:s3+$0xA630]  }
0x1c6: {  	v56 =	vld [tilespmem:s3+$0xA640]  }
0x1c7: {  	v57 =	vld [tilespmem:s3+$0xA650]  }
0x1c8: {  	v58 =	vld [tilespmem:s3+$0xA660]  }
0x1c9: {  	v59 =	vld [tilespmem:s3+$0xA670]  }
0x1ca: {  	v60 =	vld [tilespmem:s3+$0xA680];
	v0 =	vadd.f32 v8, v0;
	v1 =	vadd.f32 v61, v1  }
0x1cb: {  	v41 =	vld [tilespmem:s3+$0xA6C0];
	v2 =	vadd.f32 v10, v2;
	v3 =	vadd.f32 v62, v3  }
0x1cc: {  	v42 =	vld [tilespmem:s3+$0xA6D0];
	v4 =	vadd.f32 v12, v4;
	v5 =	vadd.f32 v63, v5  }
0x1cd: {  	v43 =	vld [tilespmem:s3+$0xA6E0];
	v6 =	vadd.f32 v14, v6;
	v7 =	vadd.f32 v15, v7  }
0x1ce: {  	v61 =	vld [tilespmem:s3+$0xA690];
	v0 =	vadd.f32 v16, v0;
	v1 =	vadd.f32 v17, v1  }
0x1cf: {  	v62 =	vld [tilespmem:s3+$0xA6A0];
	v2 =	vadd.f32 v18, v2;
	v3 =	vadd.f32 v19, v3  }
0x1d0: {  	v63 =	vld [tilespmem:s3+$0xA6B0];
	v4 =	vadd.f32 v20, v4;
	v5 =	vadd.f32 v44, v5  }
0x1d1: {  	v44 =	vld [tilespmem:s3+$0xA6F0];
	v6 =	vadd.f32 v22, v6;
	v7 =	vadd.f32 v45, v7  }
0x1d2: {  	v45 =	vld [tilespmem:s3+$0xA700];
	v0 =	vadd.f32 v24, v0;
	v1 =	vadd.f32 v46, v1  }
0x1d3: {  	v46 =	vld [tilespmem:s3+$0xA710];
	v2 =	vadd.f32 v26, v2;
	v3 =	vadd.f32 v47, v3  }
0x1d4: {  	v47 =	vld [tilespmem:s3+$0xA720];
	v4 =	vadd.f32 v48, v4;
	v5 =	vadd.f32 v49, v5  }
0x1d5: {  	v48 =	vld [tilespmem:s3+$0xA730];
	v6 =	vadd.f32 v50, v6;
	v7 =	vadd.f32 v51, v7  }
0x1d6: {  	v49 =	vld [tilespmem:s3+$0xA740];
	v0 =	vadd.f32 v52, v0;
	v1 =	vadd.f32 v53, v1  }
0x1d7: {  	v50 =	vld [tilespmem:s3+$0xA750];
	v2 =	vadd.f32 v54, v2;
	v3 =	vadd.f32 v55, v3  }
0x1d8: {  	v51 =	vld [tilespmem:s3+$0xA760];
	v4 =	vadd.f32 v56, v4;
	v5 =	vadd.f32 v57, v5  }
0x1d9: {  	v52 =	vld [tilespmem:s3+$0xA770];
	v6 =	vadd.f32 v58, v6;
	v7 =	vadd.f32 v59, v7  }
0x1da: {  	v53 =	vld [tilespmem:s3+$0xA780];
	v0 =	vadd.f32 v60, v0;
	v1 =	vadd.f32 v61, v1  }
0x1db: {  	v54 =	vld [tilespmem:s3+$0xA790];
	v2 =	vadd.f32 v62, v2;
	v3 =	vadd.f32 v63, v3  }
0x1dc: {  	v55 =	vld [tilespmem:s3+$0xA7A0];
	v4 =	vadd.f32 v41, v4;
	v5 =	vadd.f32 v42, v5  }
0x1dd: {  	v56 =	vld [tilespmem:s3+$0xA7B0];
	v6 =	vadd.f32 v43, v6;
	v0 =	vadd.f32 v45, v0  }
0x1de: {  	v57 =	vld [tilespmem:s3+$0xA7C0];
	v7 =	vadd.f32 v44, v7;
	v1 =	vadd.f32 v46, v1  }
0x1df: {  	v58 =	vld [tilespmem:s3+$0xA7D0];
	v2 =	vadd.f32 v47, v2;
	v0 =	vadd.f32 v53, v0  }
0x1e0: {  	v59 =	vld [tilespmem:s3+$0xA7E0];
	v3 =	vadd.f32 v48, v3;
	v1 =	vadd.f32 v54, v1  }
0x1e1: {  	v60 =	vld [tilespmem:s3+$0xA7F0];
	v4 =	vadd.f32 v49, v4;
	v2 =	vadd.f32 v55, v2;
	[tilespmem:s0+$0x0] =	vst v0  }
0x1e2: {  	v61 =	vadd.f32 v50, v5;
	v3 =	vadd.f32 v56, v3;
	[tilespmem:s0+$0x10] =	vst v1  }
0x1e3: {  	p1 =	sne.s32 s31, $0xE000;
	v62 =	vadd.f32 v51, v6;
	v4 =	vadd.f32 v57, v4;
	[tilespmem:s0+$0x20] =	vst v2  }
.Ltmp2:
0x1e4: {  	v63 =	vadd.f32 v52, v7;
	v0 =	vadd.f32 v58, v61;
	[tilespmem:s0+$0x30] =	vst v3;
	(pc) =	sbr.rel @p1 .LBB2_7-.Ltmp2, $4  }
0x1e5: {  	v1 =	vadd.f32 v59, v62;
	[tilespmem:s0+$0x40] =	vst v4  }
0x1e6: {  	v2 =	vadd.f32 v60, v63;
	[tilespmem:s0+$0x50] =	vst v0  }
0x1e7: {  	[tilespmem:s0+$0x60] =	vst v1  }
0x1e8: {  	s31 =	sadd.s32 $0x2000, s31;
	[tilespmem:s0+$0x70] =	vst v2;
	s0 =	sadd.s32 $0x100, s0  }
0x1e9: {  	s0 =	sadd.s32 @!p0 $0x300, s29;
	s3 =	simm.s32 @!p0 $0x80;
	s31 =	simm.s32 @!p0 $0xA000  }
0x1ea: {  	[tilespmem:s31], [sflag:$0x3] =	stream.indirect.gather @!p0 [hbm4b:s1+s3], $0x80, s0, s3, $0xb8;
	[tilespmem:$0x13000] =	vst v63  }
0x1eb: {  	s3 =	sadd.s32 $0x200, s30;
	s31 =	simm.s32 $0x0  }
0x1ec: {  	[hbm4b:s3+s31] =	stream.linear.scatter [tilespmem:s19], [sflag:$0x5], $0x800, $0x38;
	[tilespmem:$0x13000] =	vst v63  }
0x1ed: {  	_ =	swait.ge [sflag:s24], $0x4000  }
0x1ee: {  	[sflag:s24] =	ssyncset.done $0x0  }
0x1ef: {  	[sflag:s24] =	ssyncadd.s32 $0xFFFFC000  }
0x1f0: {  	_ =	swait.ge [sflag:s25], $0x800  }
0x1f1: {  	[sflag:s25] =	ssyncset.done $0x0  }
0x1f2: {  	s0 =	simm.s32 $0x128F0;
	[sflag:s25] =	ssyncadd.s32 $0xFFFFF800  }
.LBB2_9:
0x1f3: {  	s3 =	sshra.s32 s31, $0x2  }
0x1f4: {  	v0 =	vld [tilespmem:s3+$0xE000]  }
0x1f5: {  	v1 =	vld [tilespmem:s3+$0xE010]  }
0x1f6: {  	v2 =	vld [tilespmem:s3+$0xE020]  }
0x1f7: {  	v3 =	vld [tilespmem:s3+$0xE030]  }
0x1f8: {  	v4 =	vld [tilespmem:s3+$0xE040]  }
0x1f9: {  	v5 =	vld [tilespmem:s3+$0xE050]  }
0x1fa: {  	v6 =	vld [tilespmem:s3+$0xE060]  }
0x1fb: {  	v7 =	vld [tilespmem:s3+$0xE070]  }
0x1fc: {  	v8 =	vld [tilespmem:s3+$0xE080]  }
0x1fd: {  	v9 =	vld [tilespmem:s3+$0xE090]  }
0x1fe: {  	v10 =	vld [tilespmem:s3+$0xE0A0]  }
0x1ff: {  	v11 =	vld [tilespmem:s3+$0xE0B0]  }
0x200: {  	v12 =	vld [tilespmem:s3+$0xE0C0]  }
0x201: {  	v13 =	vld [tilespmem:s3+$0xE0D0]  }
0x202: {  	v14 =	vld [tilespmem:s3+$0xE0E0]  }
0x203: {  	v15 =	vld [tilespmem:s3+$0xE0F0]  }
0x204: {  	v16 =	vld [tilespmem:s3+$0xE100]  }
0x205: {  	v17 =	vld [tilespmem:s3+$0xE110]  }
0x206: {  	v18 =	vld [tilespmem:s3+$0xE120]  }
0x207: {  	v19 =	vld [tilespmem:s3+$0xE130]  }
0x208: {  	v20 =	vld [tilespmem:s3+$0xE140]  }
0x209: {  	v21 =	vld [tilespmem:s3+$0xE150]  }
0x20a: {  	v22 =	vld [tilespmem:s3+$0xE160]  }
0x20b: {  	v23 =	vld [tilespmem:s3+$0xE170]  }
0x20c: {  	v24 =	vld [tilespmem:s3+$0xE180]  }
0x20d: {  	v25 =	vld [tilespmem:s3+$0xE190]  }
0x20e: {  	v26 =	vld [tilespmem:s3+$0xE1A0]  }
0x20f: {  	v27 =	vld [tilespmem:s3+$0xE1B0]  }
0x210: {  	v28 =	vld [tilespmem:s3+$0xE1C0]  }
0x211: {  	v29 =	vld [tilespmem:s3+$0xE1D0]  }
0x212: {  	v30 =	vld [tilespmem:s3+$0xE1E0]  }
0x213: {  	v31 =	vld [tilespmem:s3+$0xE1F0]  }
0x214: {  	v32 =	vld [tilespmem:s3+$0xE200]  }
0x215: {  	v33 =	vld [tilespmem:s3+$0xE210]  }
0x216: {  	v34 =	vld [tilespmem:s3+$0xE220]  }
0x217: {  	v35 =	vld [tilespmem:s3+$0xE230]  }
0x218: {  	v36 =	vld [tilespmem:s3+$0xE240]  }
0x219: {  	v37 =	vld [tilespmem:s3+$0xE250]  }
0x21a: {  	v38 =	vld [tilespmem:s3+$0xE260]  }
0x21b: {  	v39 =	vld [tilespmem:s3+$0xE270]  }
0x21c: {  	v40 =	vld [tilespmem:s3+$0xE280];
	v0 =	vadd.f32 v8, v0;
	v1 =	vadd.f32 v9, v1  }
0x21d: {  	v58 =	vld [tilespmem:s3+$0xE290];
	v2 =	vadd.f32 v10, v2;
	v3 =	vadd.f32 v11, v3  }
0x21e: {  	v59 =	vld [tilespmem:s3+$0xE2A0];
	v4 =	vadd.f32 v12, v4;
	v5 =	vadd.f32 v13, v5  }
0x21f: {  	v60 =	vld [tilespmem:s3+$0xE2B0];
	v6 =	vadd.f32 v14, v6;
	v7 =	vadd.f32 v15, v7  }
0x220: {  	v61 =	vld [tilespmem:s3+$0xE2C0];
	v0 =	vadd.f32 v16, v0;
	v1 =	vadd.f32 v17, v1  }
0x221: {  	v62 =	vld [tilespmem:s3+$0xE2D0];
	v2 =	vadd.f32 v18, v2;
	v3 =	vadd.f32 v19, v3  }
0x222: {  	v63 =	vld [tilespmem:s3+$0xE2E0];
	v4 =	vadd.f32 v20, v4;
	v5 =	vadd.f32 v21, v5  }
0x223: {  	v41 =	vld [tilespmem:s3+$0xE2F0];
	v6 =	vadd.f32 v22, v6;
	v7 =	vadd.f32 v23, v7  }
0x224: {  	v42 =	vld [tilespmem:s3+$0xE300];
	v0 =	vadd.f32 v24, v0;
	v1 =	vadd.f32 v25, v1  }
0x225: {  	v43 =	vld [tilespmem:s3+$0xE310];
	v2 =	vadd.f32 v26, v2;
	v3 =	vadd.f32 v27, v3  }
0x226: {  	v44 =	vld [tilespmem:s3+$0xE320];
	v4 =	vadd.f32 v28, v4;
	v5 =	vadd.f32 v29, v5  }
0x227: {  	v45 =	vld [tilespmem:s3+$0xE330];
	v6 =	vadd.f32 v30, v6;
	v7 =	vadd.f32 v31, v7  }
0x228: {  	v46 =	vld [tilespmem:s3+$0xE340];
	v0 =	vadd.f32 v32, v0;
	v1 =	vadd.f32 v33, v1  }
0x229: {  	v47 =	vld [tilespmem:s3+$0xE350];
	v2 =	vadd.f32 v34, v2;
	v3 =	vadd.f32 v35, v3  }
0x22a: {  	v48 =	vld [tilespmem:s3+$0xE360];
	v4 =	vadd.f32 v36, v4;
	v5 =	vadd.f32 v37, v5  }
0x22b: {  	v49 =	vld [tilespmem:s3+$0xE370];
	v6 =	vadd.f32 v38, v6;
	v7 =	vadd.f32 v39, v7  }
0x22c: {  	v50 =	vld [tilespmem:s3+$0xE380];
	v0 =	vadd.f32 v40, v0;
	v1 =	vadd.f32 v58, v1  }
0x22d: {  	v51 =	vld [tilespmem:s3+$0xE390];
	v2 =	vadd.f32 v59, v2;
	v3 =	vadd.f32 v60, v3  }
0x22e: {  	v52 =	vld [tilespmem:s3+$0xE3A0];
	v4 =	vadd.f32 v61, v4;
	v5 =	vadd.f32 v62, v5  }
0x22f: {  	v53 =	vld [tilespmem:s3+$0xE3B0];
	v6 =	vadd.f32 v63, v6;
	v0 =	vadd.f32 v42, v0  }
0x230: {  	v54 =	vld [tilespmem:s3+$0xE3C0];
	v7 =	vadd.f32 v41, v7;
	v1 =	vadd.f32 v43, v1  }
0x231: {  	v55 =	vld [tilespmem:s3+$0xE3D0];
	v2 =	vadd.f32 v44, v2;
	v0 =	vadd.f32 v50, v0  }
0x232: {  	v56 =	vld [tilespmem:s3+$0xE3E0];
	v3 =	vadd.f32 v45, v3;
	v1 =	vadd.f32 v51, v1  }
0x233: {  	v57 =	vld [tilespmem:s3+$0xE3F0];
	v4 =	vadd.f32 v46, v4;
	v2 =	vadd.f32 v52, v2;
	[tilespmem:s0+$0xFFFFFF10] =	vst v0  }
0x234: {  	v58 =	vadd.f32 v47, v5;
	v3 =	vadd.f32 v53, v3;
	[tilespmem:s0+$0xFFFFFF20] =	vst v1  }
0x235: {  	v59 =	vadd.f32 v48, v6;
	v4 =	vadd.f32 v54, v4;
	[tilespmem:s0+$0xFFFFFF30] =	vst v2  }
0x236: {  	v60 =	vadd.f32 v49, v7;
	v0 =	vadd.f32 v55, v58;
	[tilespmem:s0+$0xFFFFFF40] =	vst v3  }
0x237: {  	v1 =	vadd.f32 v56, v59;
	[tilespmem:s0+$0xFFFFFF50] =	vst v4  }
0x238: {  	v2 =	vadd.f32 v57, v60;
	[tilespmem:s0+$0xFFFFFF60] =	vst v0  }
0x239: {  	[tilespmem:s0+$0xFFFFFF70] =	vst v1  }
0x23a: {  	[tilespmem:s0+$0xFFFFFF80] =	vst v2  }
0x23b: {  	v0 =	vld [tilespmem:s3+$0xE400]  }
0x23c: {  	v1 =	vld [tilespmem:s3+$0xE410]  }
0x23d: {  	v2 =	vld [tilespmem:s3+$0xE420]  }
0x23e: {  	v3 =	vld [tilespmem:s3+$0xE430]  }
0x23f: {  	v4 =	vld [tilespmem:s3+$0xE440]  }
0x240: {  	v5 =	vld [tilespmem:s3+$0xE450]  }
0x241: {  	v6 =	vld [tilespmem:s3+$0xE460]  }
0x242: {  	v7 =	vld [tilespmem:s3+$0xE470]  }
0x243: {  	v8 =	vld [tilespmem:s3+$0xE480]  }
0x244: {  	v61 =	vld [tilespmem:s3+$0xE490]  }
0x245: {  	v10 =	vld [tilespmem:s3+$0xE4A0]  }
0x246: {  	v62 =	vld [tilespmem:s3+$0xE4B0]  }
0x247: {  	v12 =	vld [tilespmem:s3+$0xE4C0]  }
0x248: {  	v63 =	vld [tilespmem:s3+$0xE4D0]  }
0x249: {  	v14 =	vld [tilespmem:s3+$0xE4E0]  }
0x24a: {  	v15 =	vld [tilespmem:s3+$0xE4F0]  }
0x24b: {  	v16 =	vld [tilespmem:s3+$0xE500]  }
0x24c: {  	v17 =	vld [tilespmem:s3+$0xE510]  }
0x24d: {  	v18 =	vld [tilespmem:s3+$0xE520]  }
0x24e: {  	v19 =	vld [tilespmem:s3+$0xE530]  }
0x24f: {  	v20 =	vld [tilespmem:s3+$0xE540]  }
0x250: {  	v44 =	vld [tilespmem:s3+$0xE550]  }
0x251: {  	v22 =	vld [tilespmem:s3+$0xE560]  }
0x252: {  	v45 =	vld [tilespmem:s3+$0xE570]  }
0x253: {  	v24 =	vld [tilespmem:s3+$0xE580]  }
0x254: {  	v46 =	vld [tilespmem:s3+$0xE590]  }
0x255: {  	v26 =	vld [tilespmem:s3+$0xE5A0]  }
0x256: {  	v47 =	vld [tilespmem:s3+$0xE5B0]  }
0x257: {  	v48 =	vld [tilespmem:s3+$0xE5C0]  }
0x258: {  	v49 =	vld [tilespmem:s3+$0xE5D0]  }
0x259: {  	v50 =	vld [tilespmem:s3+$0xE5E0]  }
0x25a: {  	v51 =	vld [tilespmem:s3+$0xE5F0]  }
0x25b: {  	v52 =	vld [tilespmem:s3+$0xE600]  }
0x25c: {  	v53 =	vld [tilespmem:s3+$0xE610]  }
0x25d: {  	v54 =	vld [tilespmem:s3+$0xE620]  }
0x25e: {  	v55 =	vld [tilespmem:s3+$0xE630]  }
0x25f: {  	v56 =	vld [tilespmem:s3+$0xE640]  }
0x260: {  	v57 =	vld [tilespmem:s3+$0xE650]  }
0x261: {  	v58 =	vld [tilespmem:s3+$0xE660]  }
0x262: {  	v59 =	vld [tilespmem:s3+$0xE670]  }
0x263: {  	v60 =	vld [tilespmem:s3+$0xE680];
	v0 =	vadd.f32 v8, v0;
	v1 =	vadd.f32 v61, v1  }
0x264: {  	v41 =	vld [tilespmem:s3+$0xE6C0];
	v2 =	vadd.f32 v10, v2;
	v3 =	vadd.f32 v62, v3  }
0x265: {  	v42 =	vld [tilespmem:s3+$0xE6D0];
	v4 =	vadd.f32 v12, v4;
	v5 =	vadd.f32 v63, v5  }
0x266: {  	v43 =	vld [tilespmem:s3+$0xE6E0];
	v6 =	vadd.f32 v14, v6;
	v7 =	vadd.f32 v15, v7  }
0x267: {  	v61 =	vld [tilespmem:s3+$0xE690];
	v0 =	vadd.f32 v16, v0;
	v1 =	vadd.f32 v17, v1  }
0x268: {  	v62 =	vld [tilespmem:s3+$0xE6A0];
	v2 =	vadd.f32 v18, v2;
	v3 =	vadd.f32 v19, v3  }
0x269: {  	v63 =	vld [tilespmem:s3+$0xE6B0];
	v4 =	vadd.f32 v20, v4;
	v5 =	vadd.f32 v44, v5  }
0x26a: {  	v44 =	vld [tilespmem:s3+$0xE6F0];
	v6 =	vadd.f32 v22, v6;
	v7 =	vadd.f32 v45, v7  }
0x26b: {  	v45 =	vld [tilespmem:s3+$0xE700];
	v0 =	vadd.f32 v24, v0;
	v1 =	vadd.f32 v46, v1  }
0x26c: {  	v46 =	vld [tilespmem:s3+$0xE710];
	v2 =	vadd.f32 v26, v2;
	v3 =	vadd.f32 v47, v3  }
0x26d: {  	v47 =	vld [tilespmem:s3+$0xE720];
	v4 =	vadd.f32 v48, v4;
	v5 =	vadd.f32 v49, v5  }
0x26e: {  	v48 =	vld [tilespmem:s3+$0xE730];
	v6 =	vadd.f32 v50, v6;
	v7 =	vadd.f32 v51, v7  }
0x26f: {  	v49 =	vld [tilespmem:s3+$0xE740];
	v0 =	vadd.f32 v52, v0;
	v1 =	vadd.f32 v53, v1  }
0x270: {  	v50 =	vld [tilespmem:s3+$0xE750];
	v2 =	vadd.f32 v54, v2;
	v3 =	vadd.f32 v55, v3  }
0x271: {  	v51 =	vld [tilespmem:s3+$0xE760];
	v4 =	vadd.f32 v56, v4;
	v5 =	vadd.f32 v57, v5  }
0x272: {  	v52 =	vld [tilespmem:s3+$0xE770];
	v6 =	vadd.f32 v58, v6;
	v7 =	vadd.f32 v59, v7  }
0x273: {  	v53 =	vld [tilespmem:s3+$0xE780];
	v0 =	vadd.f32 v60, v0;
	v1 =	vadd.f32 v61, v1  }
0x274: {  	v54 =	vld [tilespmem:s3+$0xE790];
	v2 =	vadd.f32 v62, v2;
	v3 =	vadd.f32 v63, v3  }
0x275: {  	v55 =	vld [tilespmem:s3+$0xE7A0];
	v4 =	vadd.f32 v41, v4;
	v5 =	vadd.f32 v42, v5  }
0x276: {  	v56 =	vld [tilespmem:s3+$0xE7B0];
	v6 =	vadd.f32 v43, v6;
	v0 =	vadd.f32 v45, v0  }
0x277: {  	v57 =	vld [tilespmem:s3+$0xE7C0];
	v7 =	vadd.f32 v44, v7;
	v1 =	vadd.f32 v46, v1  }
0x278: {  	v58 =	vld [tilespmem:s3+$0xE7D0];
	v2 =	vadd.f32 v47, v2;
	v0 =	vadd.f32 v53, v0  }
0x279: {  	v59 =	vld [tilespmem:s3+$0xE7E0];
	v3 =	vadd.f32 v48, v3;
	v1 =	vadd.f32 v54, v1  }
0x27a: {  	v60 =	vld [tilespmem:s3+$0xE7F0];
	v4 =	vadd.f32 v49, v4;
	v2 =	vadd.f32 v55, v2;
	[tilespmem:s0+$0xFFFFFF90] =	vst v0  }
0x27b: {  	v61 =	vadd.f32 v50, v5;
	v3 =	vadd.f32 v56, v3;
	[tilespmem:s0+$0xFFFFFFA0] =	vst v1  }
0x27c: {  	p1 =	sne.s32 s31, $0xE000;
	v62 =	vadd.f32 v51, v6;
	v4 =	vadd.f32 v57, v4;
	[tilespmem:s0+$0xFFFFFFB0] =	vst v2  }
.Ltmp3:
0x27d: {  	v63 =	vadd.f32 v52, v7;
	v0 =	vadd.f32 v58, v61;
	[tilespmem:s0+$0xFFFFFFC0] =	vst v3;
	(pc) =	sbr.rel @p1 .LBB2_9-.Ltmp3, $4  }
0x27e: {  	v1 =	vadd.f32 v59, v62;
	[tilespmem:s0+$0xFFFFFFD0] =	vst v4  }
0x27f: {  	v2 =	vadd.f32 v60, v63;
	[tilespmem:s0+$0xFFFFFFE0] =	vst v0  }
0x280: {  	[tilespmem:s0+$0xFFFFFFF0] =	vst v1  }
0x281: {  	s31 =	sadd.s32 $0x2000, s31;
	[tilespmem:s0+$0x0] =	vst v2;
	s0 =	sadd.s32 $0x100, s0  }
0x282: {  	s0 =	sadd.s32 @!p0 $0x380, s29  }
0x283: {  	s3 =	simm.s32 @!p0 $0x80;
	s29 =	simm.s32 @!p0 $0xE000;
	s28 =	sadd.s32 $0x1, s28  }
0x284: {  	[tilespmem:s29], [sflag:$0x4] =	stream.indirect.gather @!p0 [hbm4b:s1+s3], $0x80, s0, s3, $0xb8;
	[tilespmem:$0x13000] =	vst v63  }
0x285: {  	p0 =	sne.s32 s28, $0x10  }
.Ltmp4:
0x286: {  	_ = 	snop;
	(pc) =	sbr.rel @p0 .LBB2_2-.Ltmp4, $3  }
0x287: {  	_ =	sdelay $0x1  }
0x288: {  	s31 =	sadd.s32 $0x300, s30  }
0x289: {  	[hbm4b:s31+s2] =	stream.linear.scatter [tilespmem:s21], [sflag:$0x6], $0x800, $0x38;
	[tilespmem:$0x13000] =	vst v63  }
0x28a: {  	s26 =	sadd.s32 $0x1, s26  }
0x28b: {  	_ =	swait.ge [sflag:s23], $0x800;
	p0 =	sne.s32 s26, s8  }
.Ltmp5:
0x28c: {  	[sflag:s23] =	ssyncset.done $0x0;
	(pc) =	sbr.rel @p0 .LBB2_1-.Ltmp5, $4  }
0x28d: {  	[sflag:s23] =	ssyncadd.s32 $0xFFFFF800  }
0x28e: {  	_ =	swait.ge [sflag:s25], $0x800  }
0x28f: {  	[sflag:s25] =	ssyncset.done $0x0  }
0x290: {  	[sflag:s25] =	ssyncadd.s32 $0xFFFFF800  }
0x291: {  	_ =	sfence.sel $0x180000  }
0x292: {  	[bflag:$0x0] =	sbarrier.arrive $0xFFFF  }
0x293: {  	_ =	strace $0x90000047  }
0x294: {  	s0 =	stileid.u32;
	[bflag:$0x2] =	sbarrier.arrive $0xFFFF  }
0x295: {  	p0 =	sne.s32 s0, $0x0;
	s0 =	rddreg [dreg:$0x3]  }
0x296: {  	s0 =	sadd.s32 @!p0 $0x100000, s0  }
0x297: {  	[sflag:s0] =	ssyncadd.tile.s32 @!p0 $0x1;
	_ =	shalt  }
.Lfunc_end2:
_tile_overlayer_lowered:
.L_overlay_start_2:
0x298: {  	(tag) =	ssettag $0x2  }
0x299: {  	s0 =	rddreg [dreg:$0x0];
	s2 =	stileid.u32  }
0x29a: {  	s1 =	rddreg [dreg:$0x1];
	p0 =	sne.s32 s2, $0x0  }
0x29b: {  	s3 =	rddreg [dreg:$0x2];
	[bflag:$0x3] =	sbarrier.arrive $0xFFFF;
	s2 =	simm.s32 @!p0 $0x1C07  }
0x29c: {  	[timem:s3], [sflag:s2] =	dma.local @!p0 [hbm:s0], s1  }
0x29d: {  	s0 =	simm.s32 @!p0 $0x7  }
0x29e: {  	_ =	swait.ge @!p0 [sflag:s0], s1  }
0x29f: {  	s1 =	ssub.s32 @!p0 $0x0, s1;
	[sflag:s0] =	ssyncset.done @!p0 $0x0  }
0x2a0: {  	[sflag:s0] =	ssyncadd.s32 @!p0 s1  }
0x2a1: {  	[bflag:$0x3] =	sbarrier.arrive $0xFFFF  }
0x2a2: {  	_ =	shalt  }

</sc_bundles>
